<compile_context>
chip_gen: v7x
topology: tpu7x:2x2x1
jax: 0.10.2.dev20260603
libtpu: 0.0.44.dev20260713+nightly
codegen_flags: <defaults>
</compile_context>

<pallas_src>
import functools

import jax
import jax.numpy as jnp
from jax import lax
from jax.experimental import pallas as pl
from jax.experimental.pallas import tpu as pltpu
from jax.experimental.pallas import tpu_sc as plsc

_B, _S = 16384, 200
_DT, _DW, _DS = 8, 4, 6
_D = _DT + _DW + _DS
_NT, _NW_TBL, _NS_TBL = 6, 2, 4
_NFUSED = _NT * _NW_TBL * _NS_TBL
_L = 16
_NWORKERS = 32
_W = 256
_ST = _S // 8
_BC = _B // _W
_NCHUNK = _ST * _BC
_CPW = _NCHUNK // _NWORKERS
_GROUPS = 8 * _W // _L


def _tec_body(ctx_hbm, fused_hbm, out_hbm, ctx_v, o_v, fused_v,
              sem_in0, sem_in1, sem_out0, sem_out1):
    wid = lax.axis_index("s") * 2 + lax.axis_index("c")
    sem_in = (sem_in0, sem_in1)
    sem_out = (sem_out0, sem_out1)

    pltpu.sync_copy(fused_hbm, fused_v)

    def in_copies(q, b):
        s0 = (q // _BC) * 8
        b0 = (q % _BC) * _W
        return [pltpu.make_async_copy(
                    ctx_hbm.at[k, pl.ds(s0, 8), pl.ds(b0, _W)],
                    ctx_v.at[b, k], sem_in[b])
                for k in range(3)]

    def out_copies(q, b):
        s0 = (q // _BC) * 8
        b0 = (q % _BC) * _W
        return [pltpu.make_async_copy(
                    o_v.at[b, f],
                    out_hbm.at[f, pl.ds(s0, 8), pl.ds(b0, _W)], sem_out[b])
                for f in range(_D)]

    def compute(b):
        def group_body(g, c):
            r = g >> 4
            cc = (g & 15) * _L
            i0 = ctx_v[b, 0, r, pl.ds(cc, _L)]
            i1 = ctx_v[b, 1, r, pl.ds(cc, _L)]
            i2 = ctx_v[b, 2, r, pl.ds(cc, _L)]
            i0 = jnp.clip(i0, 0, _NT - 1)
            i1 = jnp.clip(i1, 0, _NW_TBL - 1)
            i2 = jnp.clip(i2, 0, _NS_TBL - 1)
            c18 = i0 * _D + i1 * (_NT * _D) + i2 * (_NT * _NW_TBL * _D)
            vals = [plsc.load_gather(fused_v, [c18 + f]) for f in range(_D)]
            for f in range(_D):
                o_v[b, f, r, pl.ds(cc, _L)] = vals[f]
            return c
        lax.fori_loop(0, _GROUPS, group_body, 0)

    q0 = wid * _CPW
    for d in in_copies(q0, 0):
        d.start()

    def outer_body(j, carry):
        for s in (0, 1):
            q = q0 + j * 2 + s
            if s == 0:
                for d in in_copies(q + 1, 1):
                    d.start()
            else:
                @pl.when(j < (_CPW // 2) - 1)
                def _():
                    for d in in_copies(q + 1, 0):
                        d.start()
            @pl.when(j >= 1)
            def _():
                for d in out_copies(q - 2, s):
                    d.wait()
            for d in in_copies(q, s):
                d.wait()
            compute(s)
            for d in out_copies(q, s):
                d.start()
        return carry

    lax.fori_loop(0, _CPW // 2, outer_body, 0)
    for d in out_copies(q0 + _CPW - 2, 0):
        d.wait()
    for d in out_copies(q0 + _CPW - 1, 1):
        d.wait()


@functools.cache
def _sc_lookup():
    return functools.partial(
        pl.kernel,
        mesh=plsc.VectorSubcoreMesh(core_axis_name="c", subcore_axis_name="s"),
        compiler_params=pltpu.CompilerParams(needs_layout_passes=False),
        out_type=jax.ShapeDtypeStruct((_D, _S, _B), jnp.float32),
        scratch_types=[
            pltpu.VMEM((2, 3, 8, _W), jnp.int32),
            pltpu.VMEM((2, _D, 8, _W), jnp.float32),
            pltpu.VMEM((_NFUSED * _D,), jnp.float32),
            pltpu.SemaphoreType.DMA,
            pltpu.SemaphoreType.DMA,
            pltpu.SemaphoreType.DMA,
            pltpu.SemaphoreType.DMA,
        ],
    )(_tec_body)


def kernel(context, time_table, week_table, season_table):
    ctx_t = jnp.transpose(context.astype(jnp.int32), (2, 1, 0))
    t = jnp.broadcast_to(time_table[None, None], (_NS_TBL, _NW_TBL, _NT, _DT))
    w = jnp.broadcast_to(week_table[None, :, None], (_NS_TBL, _NW_TBL, _NT, _DW))
    s = jnp.broadcast_to(season_table[:, None, None], (_NS_TBL, _NW_TBL, _NT, _DS))
    fused = jnp.concatenate((t, w, s), axis=-1).reshape(-1)
    out_t = _sc_lookup()(ctx_t, fused)
    return jnp.transpose(out_t, (2, 1, 0))

# --- scband reference (transcript-rebuilt; emitter-appended) ---
"""Pipeline reference for scband-temporal-context-embedding-29137058136725 (READ-ONLY COPY).

The authoritative reference and input builder live on the scoring server;
editing this copy changes nothing except your own understanding.
"""

import jax, jax.numpy as jnp
import numpy as np

def setup_inputs(seed: int = 0) -> dict:
    key = jax.random.key(seed)
    k1, k2, k3, k4 = jax.random.split(key, 4)
    context = jax.random.randint(k1, (16384, 200, 3), 0, 2, dtype=jnp.int64)
    time_table = jax.random.normal(k2, (6, 8), dtype=jnp.float32)
    week_table = jax.random.normal(k3, (2, 4), dtype=jnp.float32)
    season_table = jax.random.normal(k4, (4, 6), dtype=jnp.float32)
    return {"context": context, "time_table": time_table, "week_table": week_table, "season_table": season_table}

def reference(context, time_table, week_table, season_table):
    time_of_day = jnp.take(time_table, context[..., 0], axis=0)
    day_of_week = jnp.take(week_table, context[..., 1], axis=0)
    season = jnp.take(season_table, context[..., 2], axis=0)
    return jnp.concatenate((time_of_day, day_of_week, season), axis=-1)

if __name__ == "__main__":
    import jax
    _d = setup_inputs()
    print(jax.jit(kernel)(*tuple(_d.values())))

</pallas_src>

<mosaic_0001>
#map = affine_map<(d0, d1) -> (0, 0, 0)>
#map1 = affine_map<(d0, d1) -> (0)>
module attributes {stable_mosaic.version = 14 : i64} {
  func.func @_tec_body(%arg0: i32, %arg1: i32, %arg2: memref<3x200x16384xi32, #tpu.memory_space<hbm>>, %arg3: memref<864xf32, #tpu.memory_space<hbm>>, %arg4: memref<18x200x16384xf32, #tpu.memory_space<hbm>>, %arg5: memref<2x3x8x256xi32, #tpu.memory_space<vmem>>, %arg6: memref<2x18x8x256xf32, #tpu.memory_space<vmem>>, %arg7: memref<864xf32, #tpu.memory_space<vmem>>, %arg8: memref<!tpu.dma_semaphore, #tpu.memory_space<semaphore_mem>>, %arg9: memref<!tpu.dma_semaphore, #tpu.memory_space<semaphore_mem>>, %arg10: memref<!tpu.dma_semaphore, #tpu.memory_space<semaphore_mem>>, %arg11: memref<!tpu.dma_semaphore, #tpu.memory_space<semaphore_mem>>) attributes {dimension_semantics = [#tpu.dimension_semantics<core_parallel>, #tpu.dimension_semantics<subcore_parallel>], iteration_bounds = array<i64: 2, 16>, scalar_prefetch = 0 : i64, scratch_operands = 7 : i64, tpu.core_type = #tpu.core_type<sc_vector_subcore>, window_params = [{transform_indices = #map}, {transform_indices = #map1}, {transform_indices = #map}]} {
    %mul3A = arith.constant 2 : i32
    %mul3A_0 = arith.muli %arg1, %mul3A : i32
    %add3A = arith.addi %mul3A_0, %arg0 : i32
    "tpu.region"() ({
      %run_scoped3A = tpu.sem_alloc : memref<!tpu.dma_semaphore, #tpu.memory_space<semaphore_mem>>
      tpu.enqueue_dma source(%arg3 : memref<864xf32, #tpu.memory_space<hbm>>) target(%arg7 : memref<864xf32, #tpu.memory_space<vmem>>) target_semaphore(%run_scoped3A : memref<!tpu.dma_semaphore, #tpu.memory_space<semaphore_mem>>)
      tpu.wait_dma2 semaphore(%run_scoped3A : memref<!tpu.dma_semaphore, #tpu.memory_space<semaphore_mem>>) src(%arg3 : memref<864xf32, #tpu.memory_space<hbm>>) dst(%arg7 : memref<864xf32, #tpu.memory_space<vmem>>)
      tpu.yield
    }) : () -> ()
    %mul3A_1 = arith.constant 50 : i32
    %mul3A_2 = arith.muli %add3A, %mul3A_1 : i32
    %jit3A = arith.constant 64 : i32
    %div3A = arith.divsi %mul3A_2, %jit3A : i32
    %sign3A = arith.constant 0 : i32
    %sign3A_3 = arith.cmpi sgt, %mul3A_2, %sign3A : i32
    %sign3A_4 = arith.extui %sign3A_3 : i1 to i32
    %sign3A_5 = arith.constant 0 : i32
    %sign3A_6 = arith.cmpi slt, %mul3A_2, %sign3A_5 : i32
    %sign3A_7 = arith.extui %sign3A_6 : i1 to i32
    %sign3A_8 = arith.subi %sign3A_4, %sign3A_7 : i32
    %sign3A_9 = arith.constant 0 : i32
    %sign3A_10 = arith.cmpi sgt, %jit3A, %sign3A_9 : i32
    %sign3A_11 = arith.extui %sign3A_10 : i1 to i32
    %sign3A_12 = arith.constant 0 : i32
    %sign3A_13 = arith.cmpi slt, %jit3A, %sign3A_12 : i32
    %sign3A_14 = arith.extui %sign3A_13 : i1 to i32
    %sign3A_15 = arith.subi %sign3A_11, %sign3A_14 : i32
    %ne3A = arith.cmpi ne, %sign3A_8, %sign3A_15 : i32
    %rem3A = arith.remsi %mul3A_2, %jit3A : i32
    %ne3A_16 = arith.constant 0 : i32
    %ne3A_17 = arith.cmpi ne, %rem3A, %ne3A_16 : i32
    %and3A = arith.andi %ne3A, %ne3A_17 : i1
    %sub3A = arith.constant 1 : i32
    %sub3A_18 = arith.subi %div3A, %sub3A : i32
    %select_n3A = arith.select %and3A, %sub3A_18, %div3A : i32
    %mul3A_19 = arith.constant 8 : i32
    %mul3A_20 = arith.muli %select_n3A, %mul3A_19 : i32
    %jit3A_21 = arith.constant 64 : i32
    %eq3A = arith.constant 0 : i32
    %eq3A_22 = arith.cmpi eq, %jit3A_21, %eq3A : i32
    %jit3A_23 = arith.constant 1 : i32
    %select_n3A_24 = arith.select %eq3A_22, %jit3A_23, %jit3A_21 : i32
    %rem3A_25 = arith.remsi %mul3A_2, %select_n3A_24 : i32
    %ne3A_26 = arith.constant 0 : i32
    %ne3A_27 = arith.cmpi ne, %rem3A_25, %ne3A_26 : i32
    %lt3A = arith.constant 0 : i32
    %lt3A_28 = arith.cmpi slt, %rem3A_25, %lt3A : i32
    %lt3A_29 = arith.constant 0 : i32
    %lt3A_30 = arith.cmpi slt, %select_n3A_24, %lt3A_29 : i32
    %ne3A_31 = arith.xori %lt3A_28, %lt3A_30 : i1
    %and3A_32 = arith.andi %ne3A_31, %ne3A_27 : i1
    %add3A_33 = arith.addi %rem3A_25, %select_n3A_24 : i32
    %select_n3A_34 = arith.select %and3A_32, %add3A_33, %rem3A_25 : i32
    %mul3A_35 = arith.constant 256 : i32
    %mul3A_36 = arith.muli %select_n3A_34, %mul3A_35 : i32
    %dma_start3A = arith.constant 0 : i32
    %dma_start3A_37 = arith.constant 0 : i32
    %dma_start3A_38 = arith.constant 0 : i32
    %dma_start3A_39 = arith.constant 0 : i32
    %dma_start3A_40 = arith.constant 0 : i32
    %dma_start3A_41 = tpu.memref_slice %arg5[%dma_start3A_37, %dma_start3A_38, %dma_start3A_39, %dma_start3A_40] : memref<2x3x8x256xi32, #tpu.memory_space<vmem>> -> memref<1x1x8x256xi32, #tpu.memory_space<vmem>>
    %dma_start3A_42 = tpu.memref_squeeze %dma_start3A_41 : memref<1x1x8x256xi32, #tpu.memory_space<vmem>> -> memref<8x256xi32, #tpu.memory_space<vmem>>
    %dma_start3A_43 = tpu.memref_slice %arg2[%dma_start3A, %mul3A_20, %mul3A_36] : memref<3x200x16384xi32, #tpu.memory_space<hbm>> -> memref<1x8x256xi32, #tpu.memory_space<hbm>>
    %dma_start3A_44 = tpu.memref_squeeze %dma_start3A_43 : memref<1x8x256xi32, #tpu.memory_space<hbm>> -> memref<8x256xi32, #tpu.memory_space<hbm>>
    %dma_start3A_45 = arith.constant 0 : i32
    %dma_start3A_46 = arith.constant 0 : i32
    %dma_start3A_47 = tpu.memref_slice %arg5[%dma_start3A_37, %dma_start3A_38, %dma_start3A_45, %dma_start3A_46] : memref<2x3x8x256xi32, #tpu.memory_space<vmem>> -> memref<1x1x8x256xi32, #tpu.memory_space<vmem>>
    %dma_start3A_48 = tpu.memref_squeeze %dma_start3A_47 : memref<1x1x8x256xi32, #tpu.memory_space<vmem>> -> memref<8x256xi32, #tpu.memory_space<vmem>>
    %dma_start3A_49 = tpu.memref_slice %arg2[%dma_start3A, %mul3A_20, %mul3A_36] : memref<3x200x16384xi32, #tpu.memory_space<hbm>> -> memref<1x8x256xi32, #tpu.memory_space<hbm>>
    %dma_start3A_50 = tpu.memref_squeeze %dma_start3A_49 : memref<1x8x256xi32, #tpu.memory_space<hbm>> -> memref<8x256xi32, #tpu.memory_space<hbm>>
    tpu.enqueue_dma source(%dma_start3A_50 : memref<8x256xi32, #tpu.memory_space<hbm>>) target(%dma_start3A_48 : memref<8x256xi32, #tpu.memory_space<vmem>>) target_semaphore(%arg8 : memref<!tpu.dma_semaphore, #tpu.memory_space<semaphore_mem>>)
    %dma_start3A_51 = arith.constant 1 : i32
    %dma_start3A_52 = arith.constant 0 : i32
    %dma_start3A_53 = arith.constant 1 : i32
    %dma_start3A_54 = arith.constant 0 : i32
    %dma_start3A_55 = arith.constant 0 : i32
    %dma_start3A_56 = tpu.memref_slice %arg5[%dma_start3A_52, %dma_start3A_53, %dma_start3A_54, %dma_start3A_55] : memref<2x3x8x256xi32, #tpu.memory_space<vmem>> -> memref<1x1x8x256xi32, #tpu.memory_space<vmem>>
    %dma_start3A_57 = tpu.memref_squeeze %dma_start3A_56 : memref<1x1x8x256xi32, #tpu.memory_space<vmem>> -> memref<8x256xi32, #tpu.memory_space<vmem>>
    %dma_start3A_58 = tpu.memref_slice %arg2[%dma_start3A_51, %mul3A_20, %mul3A_36] : memref<3x200x16384xi32, #tpu.memory_space<hbm>> -> memref<1x8x256xi32, #tpu.memory_space<hbm>>
    %dma_start3A_59 = tpu.memref_squeeze %dma_start3A_58 : memref<1x8x256xi32, #tpu.memory_space<hbm>> -> memref<8x256xi32, #tpu.memory_space<hbm>>
    %dma_start3A_60 = arith.constant 0 : i32
    %dma_start3A_61 = arith.constant 0 : i32
    %dma_start3A_62 = tpu.memref_slice %arg5[%dma_start3A_52, %dma_start3A_53, %dma_start3A_60, %dma_start3A_61] : memref<2x3x8x256xi32, #tpu.memory_space<vmem>> -> memref<1x1x8x256xi32, #tpu.memory_space<vmem>>
    %dma_start3A_63 = tpu.memref_squeeze %dma_start3A_62 : memref<1x1x8x256xi32, #tpu.memory_space<vmem>> -> memref<8x256xi32, #tpu.memory_space<vmem>>
    %dma_start3A_64 = tpu.memref_slice %arg2[%dma_start3A_51, %mul3A_20, %mul3A_36] : memref<3x200x16384xi32, #tpu.memory_space<hbm>> -> memref<1x8x256xi32, #tpu.memory_space<hbm>>
    %dma_start3A_65 = tpu.memref_squeeze %dma_start3A_64 : memref<1x8x256xi32, #tpu.memory_space<hbm>> -> memref<8x256xi32, #tpu.memory_space<hbm>>
    tpu.enqueue_dma source(%dma_start3A_65 : memref<8x256xi32, #tpu.memory_space<hbm>>) target(%dma_start3A_63 : memref<8x256xi32, #tpu.memory_space<vmem>>) target_semaphore(%arg8 : memref<!tpu.dma_semaphore, #tpu.memory_space<semaphore_mem>>)
    %dma_start3A_66 = arith.constant 2 : i32
    %dma_start3A_67 = arith.constant 0 : i32
    %dma_start3A_68 = arith.constant 2 : i32
    %dma_start3A_69 = arith.constant 0 : i32
    %dma_start3A_70 = arith.constant 0 : i32
    %dma_start3A_71 = tpu.memref_slice %arg5[%dma_start3A_67, %dma_start3A_68, %dma_start3A_69, %dma_start3A_70] : memref<2x3x8x256xi32, #tpu.memory_space<vmem>> -> memref<1x1x8x256xi32, #tpu.memory_space<vmem>>
    %dma_start3A_72 = tpu.memref_squeeze %dma_start3A_71 : memref<1x1x8x256xi32, #tpu.memory_space<vmem>> -> memref<8x256xi32, #tpu.memory_space<vmem>>
    %dma_start3A_73 = tpu.memref_slice %arg2[%dma_start3A_66, %mul3A_20, %mul3A_36] : memref<3x200x16384xi32, #tpu.memory_space<hbm>> -> memref<1x8x256xi32, #tpu.memory_space<hbm>>
    %dma_start3A_74 = tpu.memref_squeeze %dma_start3A_73 : memref<1x8x256xi32, #tpu.memory_space<hbm>> -> memref<8x256xi32, #tpu.memory_space<hbm>>
    %dma_start3A_75 = arith.constant 0 : i32
    %dma_start3A_76 = arith.constant 0 : i32
    %dma_start3A_77 = tpu.memref_slice %arg5[%dma_start3A_67, %dma_start3A_68, %dma_start3A_75, %dma_start3A_76] : memref<2x3x8x256xi32, #tpu.memory_space<vmem>> -> memref<1x1x8x256xi32, #tpu.memory_space<vmem>>
    %dma_start3A_78 = tpu.memref_squeeze %dma_start3A_77 : memref<1x1x8x256xi32, #tpu.memory_space<vmem>> -> memref<8x256xi32, #tpu.memory_space<vmem>>
    %dma_start3A_79 = tpu.memref_slice %arg2[%dma_start3A_66, %mul3A_20, %mul3A_36] : memref<3x200x16384xi32, #tpu.memory_space<hbm>> -> memref<1x8x256xi32, #tpu.memory_space<hbm>>
    %dma_start3A_80 = tpu.memref_squeeze %dma_start3A_79 : memref<1x8x256xi32, #tpu.memory_space<hbm>> -> memref<8x256xi32, #tpu.memory_space<hbm>>
    tpu.enqueue_dma source(%dma_start3A_80 : memref<8x256xi32, #tpu.memory_space<hbm>>) target(%dma_start3A_78 : memref<8x256xi32, #tpu.memory_space<vmem>>) target_semaphore(%arg8 : memref<!tpu.dma_semaphore, #tpu.memory_space<semaphore_mem>>)
    %scan3A = arith.constant 0 : i32
    %scan3A_81 = arith.constant 0 : i32
    %scan3A_82 = arith.constant 25 : i32
    %scan3A_83 = arith.addi %scan3A_81, %scan3A_82 : i32
    %scan3A_84 = arith.constant 1 : i32
    scf.for %scan3A_721 = %scan3A_81 to %scan3A_83 step %scan3A_84  : i32 {
      %mul3A_722 = arith.constant 2 : i32
      %mul3A_723 = arith.muli %scan3A_721, %mul3A_722 : i32
      %add3A_724 = arith.addi %mul3A_2, %mul3A_723 : i32
      %add3A_725 = arith.constant 0 : i32
      %add3A_726 = arith.addi %add3A_724, %add3A_725 : i32
      %add3A_727 = arith.constant 1 : i32
      %add3A_728 = arith.addi %add3A_726, %add3A_727 : i32
      %jit3A_729 = arith.constant 64 : i32
      %div3A_730 = arith.divsi %add3A_728, %jit3A_729 : i32
      %sign3A_731 = arith.constant 0 : i32
      %sign3A_732 = arith.cmpi sgt, %add3A_728, %sign3A_731 : i32
      %sign3A_733 = arith.extui %sign3A_732 : i1 to i32
      %sign3A_734 = arith.constant 0 : i32
      %sign3A_735 = arith.cmpi slt, %add3A_728, %sign3A_734 : i32
      %sign3A_736 = arith.extui %sign3A_735 : i1 to i32
      %sign3A_737 = arith.subi %sign3A_733, %sign3A_736 : i32
      %sign3A_738 = arith.constant 0 : i32
      %sign3A_739 = arith.cmpi sgt, %jit3A_729, %sign3A_738 : i32
      %sign3A_740 = arith.extui %sign3A_739 : i1 to i32
      %sign3A_741 = arith.constant 0 : i32
      %sign3A_742 = arith.cmpi slt, %jit3A_729, %sign3A_741 : i32
      %sign3A_743 = arith.extui %sign3A_742 : i1 to i32
      %sign3A_744 = arith.subi %sign3A_740, %sign3A_743 : i32
      %ne3A_745 = arith.cmpi ne, %sign3A_737, %sign3A_744 : i32
      %rem3A_746 = arith.remsi %add3A_728, %jit3A_729 : i32
      %ne3A_747 = arith.constant 0 : i32
      %ne3A_748 = arith.cmpi ne, %rem3A_746, %ne3A_747 : i32
      %and3A_749 = arith.andi %ne3A_745, %ne3A_748 : i1
      %sub3A_750 = arith.constant 1 : i32
      %sub3A_751 = arith.subi %div3A_730, %sub3A_750 : i32
      %select_n3A_752 = arith.select %and3A_749, %sub3A_751, %div3A_730 : i32
      %mul3A_753 = arith.constant 8 : i32
      %mul3A_754 = arith.muli %select_n3A_752, %mul3A_753 : i32
      %jit3A_755 = arith.constant 64 : i32
      %eq3A_756 = arith.constant 0 : i32
      %eq3A_757 = arith.cmpi eq, %jit3A_755, %eq3A_756 : i32
      %jit3A_758 = arith.constant 1 : i32
      %select_n3A_759 = arith.select %eq3A_757, %jit3A_758, %jit3A_755 : i32
      %rem3A_760 = arith.remsi %add3A_728, %select_n3A_759 : i32
      %ne3A_761 = arith.constant 0 : i32
      %ne3A_762 = arith.cmpi ne, %rem3A_760, %ne3A_761 : i32
      %lt3A_763 = arith.constant 0 : i32
      %lt3A_764 = arith.cmpi slt, %rem3A_760, %lt3A_763 : i32
      %lt3A_765 = arith.constant 0 : i32
      %lt3A_766 = arith.cmpi slt, %select_n3A_759, %lt3A_765 : i32
      %ne3A_767 = arith.xori %lt3A_764, %lt3A_766 : i1
      %and3A_768 = arith.andi %ne3A_767, %ne3A_762 : i1
      %add3A_769 = arith.addi %rem3A_760, %select_n3A_759 : i32
      %select_n3A_770 = arith.select %and3A_768, %add3A_769, %rem3A_760 : i32
      %mul3A_771 = arith.constant 256 : i32
      %mul3A_772 = arith.muli %select_n3A_770, %mul3A_771 : i32
      %dma_start3A_773 = arith.constant 0 : i32
      %dma_start3A_774 = arith.constant 1 : i32
      %dma_start3A_775 = arith.constant 0 : i32
      %dma_start3A_776 = arith.constant 0 : i32
      %dma_start3A_777 = arith.constant 0 : i32
      %dma_start3A_778 = tpu.memref_slice %arg5[%dma_start3A_774, %dma_start3A_775, %dma_start3A_776, %dma_start3A_777] : memref<2x3x8x256xi32, #tpu.memory_space<vmem>> -> memref<1x1x8x256xi32, #tpu.memory_space<vmem>>
      %dma_start3A_779 = tpu.memref_squeeze %dma_start3A_778 : memref<1x1x8x256xi32, #tpu.memory_space<vmem>> -> memref<8x256xi32, #tpu.memory_space<vmem>>
      %dma_start3A_780 = tpu.memref_slice %arg2[%dma_start3A_773, %mul3A_754, %mul3A_772] : memref<3x200x16384xi32, #tpu.memory_space<hbm>> -> memref<1x8x256xi32, #tpu.memory_space<hbm>>
      %dma_start3A_781 = tpu.memref_squeeze %dma_start3A_780 : memref<1x8x256xi32, #tpu.memory_space<hbm>> -> memref<8x256xi32, #tpu.memory_space<hbm>>
      %dma_start3A_782 = arith.constant 0 : i32
      %dma_start3A_783 = arith.constant 0 : i32
      %dma_start3A_784 = tpu.memref_slice %arg5[%dma_start3A_774, %dma_start3A_775, %dma_start3A_782, %dma_start3A_783] : memref<2x3x8x256xi32, #tpu.memory_space<vmem>> -> memref<1x1x8x256xi32, #tpu.memory_space<vmem>>
      %dma_start3A_785 = tpu.memref_squeeze %dma_start3A_784 : memref<1x1x8x256xi32, #tpu.memory_space<vmem>> -> memref<8x256xi32, #tpu.memory_space<vmem>>
      %dma_start3A_786 = tpu.memref_slice %arg2[%dma_start3A_773, %mul3A_754, %mul3A_772] : memref<3x200x16384xi32, #tpu.memory_space<hbm>> -> memref<1x8x256xi32, #tpu.memory_space<hbm>>
      %dma_start3A_787 = tpu.memref_squeeze %dma_start3A_786 : memref<1x8x256xi32, #tpu.memory_space<hbm>> -> memref<8x256xi32, #tpu.memory_space<hbm>>
      tpu.enqueue_dma source(%dma_start3A_787 : memref<8x256xi32, #tpu.memory_space<hbm>>) target(%dma_start3A_785 : memref<8x256xi32, #tpu.memory_space<vmem>>) target_semaphore(%arg9 : memref<!tpu.dma_semaphore, #tpu.memory_space<semaphore_mem>>)
      %dma_start3A_788 = arith.constant 1 : i32
      %dma_start3A_789 = arith.constant 1 : i32
      %dma_start3A_790 = arith.constant 1 : i32
      %dma_start3A_791 = arith.constant 0 : i32
      %dma_start3A_792 = arith.constant 0 : i32
      %dma_start3A_793 = tpu.memref_slice %arg5[%dma_start3A_789, %dma_start3A_790, %dma_start3A_791, %dma_start3A_792] : memref<2x3x8x256xi32, #tpu.memory_space<vmem>> -> memref<1x1x8x256xi32, #tpu.memory_space<vmem>>
      %dma_start3A_794 = tpu.memref_squeeze %dma_start3A_793 : memref<1x1x8x256xi32, #tpu.memory_space<vmem>> -> memref<8x256xi32, #tpu.memory_space<vmem>>
      %dma_start3A_795 = tpu.memref_slice %arg2[%dma_start3A_788, %mul3A_754, %mul3A_772] : memref<3x200x16384xi32, #tpu.memory_space<hbm>> -> memref<1x8x256xi32, #tpu.memory_space<hbm>>
      %dma_start3A_796 = tpu.memref_squeeze %dma_start3A_795 : memref<1x8x256xi32, #tpu.memory_space<hbm>> -> memref<8x256xi32, #tpu.memory_space<hbm>>
      %dma_start3A_797 = arith.constant 0 : i32
      %dma_start3A_798 = arith.constant 0 : i32
      %dma_start3A_799 = tpu.memref_slice %arg5[%dma_start3A_789, %dma_start3A_790, %dma_start3A_797, %dma_start3A_798] : memref<2x3x8x256xi32, #tpu.memory_space<vmem>> -> memref<1x1x8x256xi32, #tpu.memory_space<vmem>>
      %dma_start3A_800 = tpu.memref_squeeze %dma_start3A_799 : memref<1x1x8x256xi32, #tpu.memory_space<vmem>> -> memref<8x256xi32, #tpu.memory_space<vmem>>
      %dma_start3A_801 = tpu.memref_slice %arg2[%dma_start3A_788, %mul3A_754, %mul3A_772] : memref<3x200x16384xi32, #tpu.memory_space<hbm>> -> memref<1x8x256xi32, #tpu.memory_space<hbm>>
      %dma_start3A_802 = tpu.memref_squeeze %dma_start3A_801 : memref<1x8x256xi32, #tpu.memory_space<hbm>> -> memref<8x256xi32, #tpu.memory_space<hbm>>
      tpu.enqueue_dma source(%dma_start3A_802 : memref<8x256xi32, #tpu.memory_space<hbm>>) target(%dma_start3A_800 : memref<8x256xi32, #tpu.memory_space<vmem>>) target_semaphore(%arg9 : memref<!tpu.dma_semaphore, #tpu.memory_space<semaphore_mem>>)
      %dma_start3A_803 = arith.constant 2 : i32
      %dma_start3A_804 = arith.constant 1 : i32
      %dma_start3A_805 = arith.constant 2 : i32
      %dma_start3A_806 = arith.constant 0 : i32
      %dma_start3A_807 = arith.constant 0 : i32
      %dma_start3A_808 = tpu.memref_slice %arg5[%dma_start3A_804, %dma_start3A_805, %dma_start3A_806, %dma_start3A_807] : memref<2x3x8x256xi32, #tpu.memory_space<vmem>> -> memref<1x1x8x256xi32, #tpu.memory_space<vmem>>
      %dma_start3A_809 = tpu.memref_squeeze %dma_start3A_808 : memref<1x1x8x256xi32, #tpu.memory_space<vmem>> -> memref<8x256xi32, #tpu.memory_space<vmem>>
      %dma_start3A_810 = tpu.memref_slice %arg2[%dma_start3A_803, %mul3A_754, %mul3A_772] : memref<3x200x16384xi32, #tpu.memory_space<hbm>> -> memref<1x8x256xi32, #tpu.memory_space<hbm>>
      %dma_start3A_811 = tpu.memref_squeeze %dma_start3A_810 : memref<1x8x256xi32, #tpu.memory_space<hbm>> -> memref<8x256xi32, #tpu.memory_space<hbm>>
      %dma_start3A_812 = arith.constant 0 : i32
      %dma_start3A_813 = arith.constant 0 : i32
      %dma_start3A_814 = tpu.memref_slice %arg5[%dma_start3A_804, %dma_start3A_805, %dma_start3A_812, %dma_start3A_813] : memref<2x3x8x256xi32, #tpu.memory_space<vmem>> -> memref<1x1x8x256xi32, #tpu.memory_space<vmem>>
      %dma_start3A_815 = tpu.memref_squeeze %dma_start3A_814 : memref<1x1x8x256xi32, #tpu.memory_space<vmem>> -> memref<8x256xi32, #tpu.memory_space<vmem>>
      %dma_start3A_816 = tpu.memref_slice %arg2[%dma_start3A_803, %mul3A_754, %mul3A_772] : memref<3x200x16384xi32, #tpu.memory_space<hbm>> -> memref<1x8x256xi32, #tpu.memory_space<hbm>>
      %dma_start3A_817 = tpu.memref_squeeze %dma_start3A_816 : memref<1x8x256xi32, #tpu.memory_space<hbm>> -> memref<8x256xi32, #tpu.memory_space<hbm>>
      tpu.enqueue_dma source(%dma_start3A_817 : memref<8x256xi32, #tpu.memory_space<hbm>>) target(%dma_start3A_815 : memref<8x256xi32, #tpu.memory_space<vmem>>) target_semaphore(%arg9 : memref<!tpu.dma_semaphore, #tpu.memory_space<semaphore_mem>>)
      %ge3A = arith.constant 1 : i32
      %ge3A_818 = arith.cmpi sge, %scan3A_721, %ge3A : i32
      %convert_element_type3A = arith.extui %ge3A_818 : i1 to i32
      %cond3A = arith.constant 0 : i32
      %cond3A_819 = arith.cmpi ne, %convert_element_type3A, %cond3A : i32
      scf.if %cond3A_819 {
        %sub3A_1653 = arith.constant 2 : i32
        %sub3A_1654 = arith.subi %add3A_726, %sub3A_1653 : i32
        %jit3A_1655 = arith.constant 64 : i32
        %div3A_1656 = arith.divsi %sub3A_1654, %jit3A_1655 : i32
        %sign3A_1657 = arith.constant 0 : i32
        %sign3A_1658 = arith.cmpi sgt, %sub3A_1654, %sign3A_1657 : i32
        %sign3A_1659 = arith.extui %sign3A_1658 : i1 to i32
        %sign3A_1660 = arith.constant 0 : i32
        %sign3A_1661 = arith.cmpi slt, %sub3A_1654, %sign3A_1660 : i32
        %sign3A_1662 = arith.extui %sign3A_1661 : i1 to i32
        %sign3A_1663 = arith.subi %sign3A_1659, %sign3A_1662 : i32
        %sign3A_1664 = arith.constant 0 : i32
        %sign3A_1665 = arith.cmpi sgt, %jit3A_1655, %sign3A_1664 : i32
        %sign3A_1666 = arith.extui %sign3A_1665 : i1 to i32
        %sign3A_1667 = arith.constant 0 : i32
        %sign3A_1668 = arith.cmpi slt, %jit3A_1655, %sign3A_1667 : i32
        %sign3A_1669 = arith.extui %sign3A_1668 : i1 to i32
        %sign3A_1670 = arith.subi %sign3A_1666, %sign3A_1669 : i32
        %ne3A_1671 = arith.cmpi ne, %sign3A_1663, %sign3A_1670 : i32
        %rem3A_1672 = arith.remsi %sub3A_1654, %jit3A_1655 : i32
        %ne3A_1673 = arith.constant 0 : i32
        %ne3A_1674 = arith.cmpi ne, %rem3A_1672, %ne3A_1673 : i32
        %and3A_1675 = arith.andi %ne3A_1671, %ne3A_1674 : i1
        %sub3A_1676 = arith.constant 1 : i32
        %sub3A_1677 = arith.subi %div3A_1656, %sub3A_1676 : i32
        %select_n3A_1678 = arith.select %and3A_1675, %sub3A_1677, %div3A_1656 : i32
        %mul3A_1679 = arith.constant 8 : i32
        %mul3A_1680 = arith.muli %select_n3A_1678, %mul3A_1679 : i32
        %jit3A_1681 = arith.constant 64 : i32
        %eq3A_1682 = arith.constant 0 : i32
        %eq3A_1683 = arith.cmpi eq, %jit3A_1681, %eq3A_1682 : i32
        %jit3A_1684 = arith.constant 1 : i32
        %select_n3A_1685 = arith.select %eq3A_1683, %jit3A_1684, %jit3A_1681 : i32
        %rem3A_1686 = arith.remsi %sub3A_1654, %select_n3A_1685 : i32
        %ne3A_1687 = arith.constant 0 : i32
        %ne3A_1688 = arith.cmpi ne, %rem3A_1686, %ne3A_1687 : i32
        %lt3A_1689 = arith.constant 0 : i32
        %lt3A_1690 = arith.cmpi slt, %rem3A_1686, %lt3A_1689 : i32
        %lt3A_1691 = arith.constant 0 : i32
        %lt3A_1692 = arith.cmpi slt, %select_n3A_1685, %lt3A_1691 : i32
        %ne3A_1693 = arith.xori %lt3A_1690, %lt3A_1692 : i1
        %and3A_1694 = arith.andi %ne3A_1693, %ne3A_1688 : i1
        %add3A_1695 = arith.addi %rem3A_1686, %select_n3A_1685 : i32
        %select_n3A_1696 = arith.select %and3A_1694, %add3A_1695, %rem3A_1686 : i32
        %mul3A_1697 = arith.constant 256 : i32
        %mul3A_1698 = arith.muli %select_n3A_1696, %mul3A_1697 : i32
        %dma_wait3A_1699 = arith.constant 0 : i32
        %dma_wait3A_1700 = arith.constant 0 : i32
        %dma_wait3A_1701 = arith.constant 0 : i32
        %dma_wait3A_1702 = arith.constant 0 : i32
        %dma_wait3A_1703 = arith.constant 0 : i32
        %dma_wait3A_1704 = tpu.memref_slice %arg6[%dma_wait3A_1699, %dma_wait3A_1700, %dma_wait3A_1702, %dma_wait3A_1703] : memref<2x18x8x256xf32, #tpu.memory_space<vmem>> -> memref<1x1x8x256xf32, #tpu.memory_space<vmem>>
        %dma_wait3A_1705 = tpu.memref_squeeze %dma_wait3A_1704 : memref<1x1x8x256xf32, #tpu.memory_space<vmem>> -> memref<8x256xf32, #tpu.memory_space<vmem>>
        %dma_wait3A_1706 = tpu.memref_slice %arg4[%dma_wait3A_1701, %mul3A_1680, %mul3A_1698] : memref<18x200x16384xf32, #tpu.memory_space<hbm>> -> memref<1x8x256xf32, #tpu.memory_space<hbm>>
        %dma_wait3A_1707 = tpu.memref_squeeze %dma_wait3A_1706 : memref<1x8x256xf32, #tpu.memory_space<hbm>> -> memref<8x256xf32, #tpu.memory_space<hbm>>
        %dma_wait3A_1708 = tpu.memref_slice %arg4[%dma_wait3A_1701, %mul3A_1680, %mul3A_1698] : memref<18x200x16384xf32, #tpu.memory_space<hbm>> -> memref<1x8x256xf32, #tpu.memory_space<hbm>>
        %dma_wait3A_1709 = tpu.memref_squeeze %dma_wait3A_1708 : memref<1x8x256xf32, #tpu.memory_space<hbm>> -> memref<8x256xf32, #tpu.memory_space<hbm>>
        %dma_wait3A_1710 = arith.constant 0 : i32
        %dma_wait3A_1711 = arith.constant 0 : i32
        %dma_wait3A_1712 = tpu.memref_slice %arg6[%dma_wait3A_1699, %dma_wait3A_1700, %dma_wait3A_1710, %dma_wait3A_1711] : memref<2x18x8x256xf32, #tpu.memory_space<vmem>> -> memref<1x1x8x256xf32, #tpu.memory_space<vmem>>
        %dma_wait3A_1713 = tpu.memref_squeeze %dma_wait3A_1712 : memref<1x1x8x256xf32, #tpu.memory_space<vmem>> -> memref<8x256xf32, #tpu.memory_space<vmem>>
        tpu.wait_dma2 semaphore(%arg10 : memref<!tpu.dma_semaphore, #tpu.memory_space<semaphore_mem>>) src(%dma_wait3A_1713 : memref<8x256xf32, #tpu.memory_space<vmem>>) dst(%dma_wait3A_1709 : memref<8x256xf32, #tpu.memory_space<hbm>>)
        %dma_wait3A_1714 = arith.constant 0 : i32
        %dma_wait3A_1715 = arith.constant 1 : i32
        %dma_wait3A_1716 = arith.constant 1 : i32
        %dma_wait3A_1717 = arith.constant 0 : i32
        %dma_wait3A_1718 = arith.constant 0 : i32
        %dma_wait3A_1719 = tpu.memref_slice %arg6[%dma_wait3A_1714, %dma_wait3A_1715, %dma_wait3A_1717, %dma_wait3A_1718] : memref<2x18x8x256xf32, #tpu.memory_space<vmem>> -> memref<1x1x8x256xf32, #tpu.memory_space<vmem>>
        %dma_wait3A_1720 = tpu.memref_squeeze %dma_wait3A_1719 : memref<1x1x8x256xf32, #tpu.memory_space<vmem>> -> memref<8x256xf32, #tpu.memory_space<vmem>>
        %dma_wait3A_1721 = tpu.memref_slice %arg4[%dma_wait3A_1716, %mul3A_1680, %mul3A_1698] : memref<18x200x16384xf32, #tpu.memory_space<hbm>> -> memref<1x8x256xf32, #tpu.memory_space<hbm>>
        %dma_wait3A_1722 = tpu.memref_squeeze %dma_wait3A_1721 : memref<1x8x256xf32, #tpu.memory_space<hbm>> -> memref<8x256xf32, #tpu.memory_space<hbm>>
        %dma_wait3A_1723 = tpu.memref_slice %arg4[%dma_wait3A_1716, %mul3A_1680, %mul3A_1698] : memref<18x200x16384xf32, #tpu.memory_space<hbm>> -> memref<1x8x256xf32, #tpu.memory_space<hbm>>
        %dma_wait3A_1724 = tpu.memref_squeeze %dma_wait3A_1723 : memref<1x8x256xf32, #tpu.memory_space<hbm>> -> memref<8x256xf32, #tpu.memory_space<hbm>>
        %dma_wait3A_1725 = arith.constant 0 : i32
        %dma_wait3A_1726 = arith.constant 0 : i32
        %dma_wait3A_1727 = tpu.memref_slice %arg6[%dma_wait3A_1714, %dma_wait3A_1715, %dma_wait3A_1725, %dma_wait3A_1726] : memref<2x18x8x256xf32, #tpu.memory_space<vmem>> -> memref<1x1x8x256xf32, #tpu.memory_space<vmem>>
        %dma_wait3A_1728 = tpu.memref_squeeze %dma_wait3A_1727 : memref<1x1x8x256xf32, #tpu.memory_space<vmem>> -> memref<8x256xf32, #tpu.memory_space<vmem>>
        tpu.wait_dma2 semaphore(%arg10 : memref<!tpu.dma_semaphore, #tpu.memory_space<semaphore_mem>>) src(%dma_wait3A_1728 : memref<8x256xf32, #tpu.memory_space<vmem>>) dst(%dma_wait3A_1724 : memref<8x256xf32, #tpu.memory_space<hbm>>)
        %dma_wait3A_1729 = arith.constant 0 : i32
        %dma_wait3A_1730 = arith.constant 2 : i32
        %dma_wait3A_1731 = arith.constant 2 : i32
        %dma_wait3A_1732 = arith.constant 0 : i32
        %dma_wait3A_1733 = arith.constant 0 : i32
        %dma_wait3A_1734 = tpu.memref_slice %arg6[%dma_wait3A_1729, %dma_wait3A_1730, %dma_wait3A_1732, %dma_wait3A_1733] : memref<2x18x8x256xf32, #tpu.memory_space<vmem>> -> memref<1x1x8x256xf32, #tpu.memory_space<vmem>>
        %dma_wait3A_1735 = tpu.memref_squeeze %dma_wait3A_1734 : memref<1x1x8x256xf32, #tpu.memory_space<vmem>> -> memref<8x256xf32, #tpu.memory_space<vmem>>
        %dma_wait3A_1736 = tpu.memref_slice %arg4[%dma_wait3A_1731, %mul3A_1680, %mul3A_1698] : memref<18x200x16384xf32, #tpu.memory_space<hbm>> -> memref<1x8x256xf32, #tpu.memory_space<hbm>>
        %dma_wait3A_1737 = tpu.memref_squeeze %dma_wait3A_1736 : memref<1x8x256xf32, #tpu.memory_space<hbm>> -> memref<8x256xf32, #tpu.memory_space<hbm>>
        %dma_wait3A_1738 = tpu.memref_slice %arg4[%dma_wait3A_1731, %mul3A_1680, %mul3A_1698] : memref<18x200x16384xf32, #tpu.memory_space<hbm>> -> memref<1x8x256xf32, #tpu.memory_space<hbm>>
        %dma_wait3A_1739 = tpu.memref_squeeze %dma_wait3A_1738 : memref<1x8x256xf32, #tpu.memory_space<hbm>> -> memref<8x256xf32, #tpu.memory_space<hbm>>
        %dma_wait3A_1740 = arith.constant 0 : i32
        %dma_wait3A_1741 = arith.constant 0 : i32
        %dma_wait3A_1742 = tpu.memref_slice %arg6[%dma_wait3A_1729, %dma_wait3A_1730, %dma_wait3A_1740, %dma_wait3A_1741] : memref<2x18x8x256xf32, #tpu.memory_space<vmem>> -> memref<1x1x8x256xf32, #tpu.memory_space<vmem>>
        %dma_wait3A_1743 = tpu.memref_squeeze %dma_wait3A_1742 : memref<1x1x8x256xf32, #tpu.memory_space<vmem>> -> memref<8x256xf32, #tpu.memory_space<vmem>>
        tpu.wait_dma2 semaphore(%arg10 : memref<!tpu.dma_semaphore, #tpu.memory_space<semaphore_mem>>) src(%dma_wait3A_1743 : memref<8x256xf32, #tpu.memory_space<vmem>>) dst(%dma_wait3A_1739 : memref<8x256xf32, #tpu.memory_space<hbm>>)
        %dma_wait3A_1744 = arith.constant 0 : i32
        %dma_wait3A_1745 = arith.constant 3 : i32
        %dma_wait3A_1746 = arith.constant 3 : i32
        %dma_wait3A_1747 = arith.constant 0 : i32
        %dma_wait3A_1748 = arith.constant 0 : i32
        %dma_wait3A_1749 = tpu.memref_slice %arg6[%dma_wait3A_1744, %dma_wait3A_1745, %dma_wait3A_1747, %dma_wait3A_1748] : memref<2x18x8x256xf32, #tpu.memory_space<vmem>> -> memref<1x1x8x256xf32, #tpu.memory_space<vmem>>
        %dma_wait3A_1750 = tpu.memref_squeeze %dma_wait3A_1749 : memref<1x1x8x256xf32, #tpu.memory_space<vmem>> -> memref<8x256xf32, #tpu.memory_space<vmem>>
        %dma_wait3A_1751 = tpu.memref_slice %arg4[%dma_wait3A_1746, %mul3A_1680, %mul3A_1698] : memref<18x200x16384xf32, #tpu.memory_space<hbm>> -> memref<1x8x256xf32, #tpu.memory_space<hbm>>
        %dma_wait3A_1752 = tpu.memref_squeeze %dma_wait3A_1751 : memref<1x8x256xf32, #tpu.memory_space<hbm>> -> memref<8x256xf32, #tpu.memory_space<hbm>>
        %dma_wait3A_1753 = tpu.memref_slice %arg4[%dma_wait3A_1746, %mul3A_1680, %mul3A_1698] : memref<18x200x16384xf32, #tpu.memory_space<hbm>> -> memref<1x8x256xf32, #tpu.memory_space<hbm>>
        %dma_wait3A_1754 = tpu.memref_squeeze %dma_wait3A_1753 : memref<1x8x256xf32, #tpu.memory_space<hbm>> -> memref<8x256xf32, #tpu.memory_space<hbm>>
        %dma_wait3A_1755 = arith.constant 0 : i32
        %dma_wait3A_1756 = arith.constant 0 : i32
        %dma_wait3A_1757 = tpu.memref_slice %arg6[%dma_wait3A_1744, %dma_wait3A_1745, %dma_wait3A_1755, %dma_wait3A_1756] : memref<2x18x8x256xf32, #tpu.memory_space<vmem>> -> memref<1x1x8x256xf32, #tpu.memory_space<vmem>>
        %dma_wait3A_1758 = tpu.memref_squeeze %dma_wait3A_1757 : memref<1x1x8x256xf32, #tpu.memory_space<vmem>> -> memref<8x256xf32, #tpu.memory_space<vmem>>
        tpu.wait_dma2 semaphore(%arg10 : memref<!tpu.dma_semaphore, #tpu.memory_space<semaphore_mem>>) src(%dma_wait3A_1758 : memref<8x256xf32, #tpu.memory_space<vmem>>) dst(%dma_wait3A_1754 : memref<8x256xf32, #tpu.memory_space<hbm>>)
        %dma_wait3A_1759 = arith.constant 0 : i32
        %dma_wait3A_1760 = arith.constant 4 : i32
        %dma_wait3A_1761 = arith.constant 4 : i32
        %dma_wait3A_1762 = arith.constant 0 : i32
        %dma_wait3A_1763 = arith.constant 0 : i32
        %dma_wait3A_1764 = tpu.memref_slice %arg6[%dma_wait3A_1759, %dma_wait3A_1760, %dma_wait3A_1762, %dma_wait3A_1763] : memref<2x18x8x256xf32, #tpu.memory_space<vmem>> -> memref<1x1x8x256xf32, #tpu.memory_space<vmem>>
        %dma_wait3A_1765 = tpu.memref_squeeze %dma_wait3A_1764 : memref<1x1x8x256xf32, #tpu.memory_space<vmem>> -> memref<8x256xf32, #tpu.memory_space<vmem>>
        %dma_wait3A_1766 = tpu.memref_slice %arg4[%dma_wait3A_1761, %mul3A_1680, %mul3A_1698] : memref<18x200x16384xf32, #tpu.memory_space<hbm>> -> memref<1x8x256xf32, #tpu.memory_space<hbm>>
        %dma_wait3A_1767 = tpu.memref_squeeze %dma_wait3A_1766 : memref<1x8x256xf32, #tpu.memory_space<hbm>> -> memref<8x256xf32, #tpu.memory_space<hbm>>
        %dma_wait3A_1768 = tpu.memref_slice %arg4[%dma_wait3A_1761, %mul3A_1680, %mul3A_1698] : memref<18x200x16384xf32, #tpu.memory_space<hbm>> -> memref<1x8x256xf32, #tpu.memory_space<hbm>>
        %dma_wait3A_1769 = tpu.memref_squeeze %dma_wait3A_1768 : memref<1x8x256xf32, #tpu.memory_space<hbm>> -> memref<8x256xf32, #tpu.memory_space<hbm>>
        %dma_wait3A_1770 = arith.constant 0 : i32
        %dma_wait3A_1771 = arith.constant 0 : i32
        %dma_wait3A_1772 = tpu.memref_slice %arg6[%dma_wait3A_1759, %dma_wait3A_1760, %dma_wait3A_1770, %dma_wait3A_1771] : memref<2x18x8x256xf32, #tpu.memory_space<vmem>> -> memref<1x1x8x256xf32, #tpu.memory_space<vmem>>
        %dma_wait3A_1773 = tpu.memref_squeeze %dma_wait3A_1772 : memref<1x1x8x256xf32, #tpu.memory_space<vmem>> -> memref<8x256xf32, #tpu.memory_space<vmem>>
        tpu.wait_dma2 semaphore(%arg10 : memref<!tpu.dma_semaphore, #tpu.memory_space<semaphore_mem>>) src(%dma_wait3A_1773 : memref<8x256xf32, #tpu.memory_space<vmem>>) dst(%dma_wait3A_1769 : memref<8x256xf32, #tpu.memory_space<hbm>>)
        %dma_wait3A_1774 = arith.constant 0 : i32
        %dma_wait3A_1775 = arith.constant 5 : i32
        %dma_wait3A_1776 = arith.constant 5 : i32
        %dma_wait3A_1777 = arith.constant 0 : i32
        %dma_wait3A_1778 = arith.constant 0 : i32
        %dma_wait3A_1779 = tpu.memref_slice %arg6[%dma_wait3A_1774, %dma_wait3A_1775, %dma_wait3A_1777, %dma_wait3A_1778] : memref<2x18x8x256xf32, #tpu.memory_space<vmem>> -> memref<1x1x8x256xf32, #tpu.memory_space<vmem>>
        %dma_wait3A_1780 = tpu.memref_squeeze %dma_wait3A_1779 : memref<1x1x8x256xf32, #tpu.memory_space<vmem>> -> memref<8x256xf32, #tpu.memory_space<vmem>>
        %dma_wait3A_1781 = tpu.memref_slice %arg4[%dma_wait3A_1776, %mul3A_1680, %mul3A_1698] : memref<18x200x16384xf32, #tpu.memory_space<hbm>> -> memref<1x8x256xf32, #tpu.memory_space<hbm>>
        %dma_wait3A_1782 = tpu.memref_squeeze %dma_wait3A_1781 : memref<1x8x256xf32, #tpu.memory_space<hbm>> -> memref<8x256xf32, #tpu.memory_space<hbm>>
        %dma_wait3A_1783 = tpu.memref_slice %arg4[%dma_wait3A_1776, %mul3A_1680, %mul3A_1698] : memref<18x200x16384xf32, #tpu.memory_space<hbm>> -> memref<1x8x256xf32, #tpu.memory_space<hbm>>
        %dma_wait3A_1784 = tpu.memref_squeeze %dma_wait3A_1783 : memref<1x8x256xf32, #tpu.memory_space<hbm>> -> memref<8x256xf32, #tpu.memory_space<hbm>>
        %dma_wait3A_1785 = arith.constant 0 : i32
        %dma_wait3A_1786 = arith.constant 0 : i32
        %dma_wait3A_1787 = tpu.memref_slice %arg6[%dma_wait3A_1774, %dma_wait3A_1775, %dma_wait3A_1785, %dma_wait3A_1786] : memref<2x18x8x256xf32, #tpu.memory_space<vmem>> -> memref<1x1x8x256xf32, #tpu.memory_space<vmem>>
        %dma_wait3A_1788 = tpu.memref_squeeze %dma_wait3A_1787 : memref<1x1x8x256xf32, #tpu.memory_space<vmem>> -> memref<8x256xf32, #tpu.memory_space<vmem>>
        tpu.wait_dma2 semaphore(%arg10 : memref<!tpu.dma_semaphore, #tpu.memory_space<semaphore_mem>>) src(%dma_wait3A_1788 : memref<8x256xf32, #tpu.memory_space<vmem>>) dst(%dma_wait3A_1784 : memref<8x256xf32, #tpu.memory_space<hbm>>)
        %dma_wait3A_1789 = arith.constant 0 : i32
        %dma_wait3A_1790 = arith.constant 6 : i32
        %dma_wait3A_1791 = arith.constant 6 : i32
        %dma_wait3A_1792 = arith.constant 0 : i32
        %dma_wait3A_1793 = arith.constant 0 : i32
        %dma_wait3A_1794 = tpu.memref_slice %arg6[%dma_wait3A_1789, %dma_wait3A_1790, %dma_wait3A_1792, %dma_wait3A_1793] : memref<2x18x8x256xf32, #tpu.memory_space<vmem>> -> memref<1x1x8x256xf32, #tpu.memory_space<vmem>>
        %dma_wait3A_1795 = tpu.memref_squeeze %dma_wait3A_1794 : memref<1x1x8x256xf32, #tpu.memory_space<vmem>> -> memref<8x256xf32, #tpu.memory_space<vmem>>
        %dma_wait3A_1796 = tpu.memref_slice %arg4[%dma_wait3A_1791, %mul3A_1680, %mul3A_1698] : memref<18x200x16384xf32, #tpu.memory_space<hbm>> -> memref<1x8x256xf32, #tpu.memory_space<hbm>>
        %dma_wait3A_1797 = tpu.memref_squeeze %dma_wait3A_1796 : memref<1x8x256xf32, #tpu.memory_space<hbm>> -> memref<8x256xf32, #tpu.memory_space<hbm>>
        %dma_wait3A_1798 = tpu.memref_slice %arg4[%dma_wait3A_1791, %mul3A_1680, %mul3A_1698] : memref<18x200x16384xf32, #tpu.memory_space<hbm>> -> memref<1x8x256xf32, #tpu.memory_space<hbm>>
        %dma_wait3A_1799 = tpu.memref_squeeze %dma_wait3A_1798 : memref<1x8x256xf32, #tpu.memory_space<hbm>> -> memref<8x256xf32, #tpu.memory_space<hbm>>
        %dma_wait3A_1800 = arith.constant 0 : i32
        %dma_wait3A_1801 = arith.constant 0 : i32
        %dma_wait3A_1802 = tpu.memref_slice %arg6[%dma_wait3A_1789, %dma_wait3A_1790, %dma_wait3A_1800, %dma_wait3A_1801] : memref<2x18x8x256xf32, #tpu.memory_space<vmem>> -> memref<1x1x8x256xf32, #tpu.memory_space<vmem>>
        %dma_wait3A_1803 = tpu.memref_squeeze %dma_wait3A_1802 : memref<1x1x8x256xf32, #tpu.memory_space<vmem>> -> memref<8x256xf32, #tpu.memory_space<vmem>>
        tpu.wait_dma2 semaphore(%arg10 : memref<!tpu.dma_semaphore, #tpu.memory_space<semaphore_mem>>) src(%dma_wait3A_1803 : memref<8x256xf32, #tpu.memory_space<vmem>>) dst(%dma_wait3A_1799 : memref<8x256xf32, #tpu.memory_space<hbm>>)
        %dma_wait3A_1804 = arith.constant 0 : i32
        %dma_wait3A_1805 = arith.constant 7 : i32
        %dma_wait3A_1806 = arith.constant 7 : i32
        %dma_wait3A_1807 = arith.constant 0 : i32
        %dma_wait3A_1808 = arith.constant 0 : i32
        %dma_wait3A_1809 = tpu.memref_slice %arg6[%dma_wait3A_1804, %dma_wait3A_1805, %dma_wait3A_1807, %dma_wait3A_1808] : memref<2x18x8x256xf32, #tpu.memory_space<vmem>> -> memref<1x1x8x256xf32, #tpu.memory_space<vmem>>
        %dma_wait3A_1810 = tpu.memref_squeeze %dma_wait3A_1809 : memref<1x1x8x256xf32, #tpu.memory_space<vmem>> -> memref<8x256xf32, #tpu.memory_space<vmem>>
        %dma_wait3A_1811 = tpu.memref_slice %arg4[%dma_wait3A_1806, %mul3A_1680, %mul3A_1698] : memref<18x200x16384xf32, #tpu.memory_space<hbm>> -> memref<1x8x256xf32, #tpu.memory_space<hbm>>
        %dma_wait3A_1812 = tpu.memref_squeeze %dma_wait3A_1811 : memref<1x8x256xf32, #tpu.memory_space<hbm>> -> memref<8x256xf32, #tpu.memory_space<hbm>>
        %dma_wait3A_1813 = tpu.memref_slice %arg4[%dma_wait3A_1806, %mul3A_1680, %mul3A_1698] : memref<18x200x16384xf32, #tpu.memory_space<hbm>> -> memref<1x8x256xf32, #tpu.memory_space<hbm>>
        %dma_wait3A_1814 = tpu.memref_squeeze %dma_wait3A_1813 : memref<1x8x256xf32, #tpu.memory_space<hbm>> -> memref<8x256xf32, #tpu.memory_space<hbm>>
        %dma_wait3A_1815 = arith.constant 0 : i32
        %dma_wait3A_1816 = arith.constant 0 : i32
        %dma_wait3A_1817 = tpu.memref_slice %arg6[%dma_wait3A_1804, %dma_wait3A_1805, %dma_wait3A_1815, %dma_wait3A_1816] : memref<2x18x8x256xf32, #tpu.memory_space<vmem>> -> memref<1x1x8x256xf32, #tpu.memory_space<vmem>>
        %dma_wait3A_1818 = tpu.memref_squeeze %dma_wait3A_1817 : memref<1x1x8x256xf32, #tpu.memory_space<vmem>> -> memref<8x256xf32, #tpu.memory_space<vmem>>
        tpu.wait_dma2 semaphore(%arg10 : memref<!tpu.dma_semaphore, #tpu.memory_space<semaphore_mem>>) src(%dma_wait3A_1818 : memref<8x256xf32, #tpu.memory_space<vmem>>) dst(%dma_wait3A_1814 : memref<8x256xf32, #tpu.memory_space<hbm>>)
        %dma_wait3A_1819 = arith.constant 0 : i32
        %dma_wait3A_1820 = arith.constant 8 : i32
        %dma_wait3A_1821 = arith.constant 8 : i32
        %dma_wait3A_1822 = arith.constant 0 : i32
        %dma_wait3A_1823 = arith.constant 0 : i32
        %dma_wait3A_1824 = tpu.memref_slice %arg6[%dma_wait3A_1819, %dma_wait3A_1820, %dma_wait3A_1822, %dma_wait3A_1823] : memref<2x18x8x256xf32, #tpu.memory_space<vmem>> -> memref<1x1x8x256xf32, #tpu.memory_space<vmem>>
        %dma_wait3A_1825 = tpu.memref_squeeze %dma_wait3A_1824 : memref<1x1x8x256xf32, #tpu.memory_space<vmem>> -> memref<8x256xf32, #tpu.memory_space<vmem>>
        %dma_wait3A_1826 = tpu.memref_slice %arg4[%dma_wait3A_1821, %mul3A_1680, %mul3A_1698] : memref<18x200x16384xf32, #tpu.memory_space<hbm>> -> memref<1x8x256xf32, #tpu.memory_space<hbm>>
        %dma_wait3A_1827 = tpu.memref_squeeze %dma_wait3A_1826 : memref<1x8x256xf32, #tpu.memory_space<hbm>> -> memref<8x256xf32, #tpu.memory_space<hbm>>
        %dma_wait3A_1828 = tpu.memref_slice %arg4[%dma_wait3A_1821, %mul3A_1680, %mul3A_1698] : memref<18x200x16384xf32, #tpu.memory_space<hbm>> -> memref<1x8x256xf32, #tpu.memory_space<hbm>>
        %dma_wait3A_1829 = tpu.memref_squeeze %dma_wait3A_1828 : memref<1x8x256xf32, #tpu.memory_space<hbm>> -> memref<8x256xf32, #tpu.memory_space<hbm>>
        %dma_wait3A_1830 = arith.constant 0 : i32
        %dma_wait3A_1831 = arith.constant 0 : i32
        %dma_wait3A_1832 = tpu.memref_slice %arg6[%dma_wait3A_1819, %dma_wait3A_1820, %dma_wait3A_1830, %dma_wait3A_1831] : memref<2x18x8x256xf32, #tpu.memory_space<vmem>> -> memref<1x1x8x256xf32, #tpu.memory_space<vmem>>
        %dma_wait3A_1833 = tpu.memref_squeeze %dma_wait3A_1832 : memref<1x1x8x256xf32, #tpu.memory_space<vmem>> -> memref<8x256xf32, #tpu.memory_space<vmem>>
        tpu.wait_dma2 semaphore(%arg10 : memref<!tpu.dma_semaphore, #tpu.memory_space<semaphore_mem>>) src(%dma_wait3A_1833 : memref<8x256xf32, #tpu.memory_space<vmem>>) dst(%dma_wait3A_1829 : memref<8x256xf32, #tpu.memory_space<hbm>>)
        %dma_wait3A_1834 = arith.constant 0 : i32
        %dma_wait3A_1835 = arith.constant 9 : i32
        %dma_wait3A_1836 = arith.constant 9 : i32
        %dma_wait3A_1837 = arith.constant 0 : i32
        %dma_wait3A_1838 = arith.constant 0 : i32
        %dma_wait3A_1839 = tpu.memref_slice %arg6[%dma_wait3A_1834, %dma_wait3A_1835, %dma_wait3A_1837, %dma_wait3A_1838] : memref<2x18x8x256xf32, #tpu.memory_space<vmem>> -> memref<1x1x8x256xf32, #tpu.memory_space<vmem>>
        %dma_wait3A_1840 = tpu.memref_squeeze %dma_wait3A_1839 : memref<1x1x8x256xf32, #tpu.memory_space<vmem>> -> memref<8x256xf32, #tpu.memory_space<vmem>>
        %dma_wait3A_1841 = tpu.memref_slice %arg4[%dma_wait3A_1836, %mul3A_1680, %mul3A_1698] : memref<18x200x16384xf32, #tpu.memory_space<hbm>> -> memref<1x8x256xf32, #tpu.memory_space<hbm>>
        %dma_wait3A_1842 = tpu.memref_squeeze %dma_wait3A_1841 : memref<1x8x256xf32, #tpu.memory_space<hbm>> -> memref<8x256xf32, #tpu.memory_space<hbm>>
        %dma_wait3A_1843 = tpu.memref_slice %arg4[%dma_wait3A_1836, %mul3A_1680, %mul3A_1698] : memref<18x200x16384xf32, #tpu.memory_space<hbm>> -> memref<1x8x256xf32, #tpu.memory_space<hbm>>
        %dma_wait3A_1844 = tpu.memref_squeeze %dma_wait3A_1843 : memref<1x8x256xf32, #tpu.memory_space<hbm>> -> memref<8x256xf32, #tpu.memory_space<hbm>>
        %dma_wait3A_1845 = arith.constant 0 : i32
        %dma_wait3A_1846 = arith.constant 0 : i32
        %dma_wait3A_1847 = tpu.memref_slice %arg6[%dma_wait3A_1834, %dma_wait3A_1835, %dma_wait3A_1845, %dma_wait3A_1846] : memref<2x18x8x256xf32, #tpu.memory_space<vmem>> -> memref<1x1x8x256xf32, #tpu.memory_space<vmem>>
        %dma_wait3A_1848 = tpu.memref_squeeze %dma_wait3A_1847 : memref<1x1x8x256xf32, #tpu.memory_space<vmem>> -> memref<8x256xf32, #tpu.memory_space<vmem>>
        tpu.wait_dma2 semaphore(%arg10 : memref<!tpu.dma_semaphore, #tpu.memory_space<semaphore_mem>>) src(%dma_wait3A_1848 : memref<8x256xf32, #tpu.memory_space<vmem>>) dst(%dma_wait3A_1844 : memref<8x256xf32, #tpu.memory_space<hbm>>)
        %dma_wait3A_1849 = arith.constant 0 : i32
        %dma_wait3A_1850 = arith.constant 10 : i32
        %dma_wait3A_1851 = arith.constant 10 : i32
        %dma_wait3A_1852 = arith.constant 0 : i32
        %dma_wait3A_1853 = arith.constant 0 : i32
        %dma_wait3A_1854 = tpu.memref_slice %arg6[%dma_wait3A_1849, %dma_wait3A_1850, %dma_wait3A_1852, %dma_wait3A_1853] : memref<2x18x8x256xf32, #tpu.memory_space<vmem>> -> memref<1x1x8x256xf32, #tpu.memory_space<vmem>>
        %dma_wait3A_1855 = tpu.memref_squeeze %dma_wait3A_1854 : memref<1x1x8x256xf32, #tpu.memory_space<vmem>> -> memref<8x256xf32, #tpu.memory_space<vmem>>
        %dma_wait3A_1856 = tpu.memref_slice %arg4[%dma_wait3A_1851, %mul3A_1680, %mul3A_1698] : memref<18x200x16384xf32, #tpu.memory_space<hbm>> -> memref<1x8x256xf32, #tpu.memory_space<hbm>>
        %dma_wait3A_1857 = tpu.memref_squeeze %dma_wait3A_1856 : memref<1x8x256xf32, #tpu.memory_space<hbm>> -> memref<8x256xf32, #tpu.memory_space<hbm>>
        %dma_wait3A_1858 = tpu.memref_slice %arg4[%dma_wait3A_1851, %mul3A_1680, %mul3A_1698] : memref<18x200x16384xf32, #tpu.memory_space<hbm>> -> memref<1x8x256xf32, #tpu.memory_space<hbm>>
        %dma_wait3A_1859 = tpu.memref_squeeze %dma_wait3A_1858 : memref<1x8x256xf32, #tpu.memory_space<hbm>> -> memref<8x256xf32, #tpu.memory_space<hbm>>
        %dma_wait3A_1860 = arith.constant 0 : i32
        %dma_wait3A_1861 = arith.constant 0 : i32
        %dma_wait3A_1862 = tpu.memref_slice %arg6[%dma_wait3A_1849, %dma_wait3A_1850, %dma_wait3A_1860, %dma_wait3A_1861] : memref<2x18x8x256xf32, #tpu.memory_space<vmem>> -> memref<1x1x8x256xf32, #tpu.memory_space<vmem>>
        %dma_wait3A_1863 = tpu.memref_squeeze %dma_wait3A_1862 : memref<1x1x8x256xf32, #tpu.memory_space<vmem>> -> memref<8x256xf32, #tpu.memory_space<vmem>>
        tpu.wait_dma2 semaphore(%arg10 : memref<!tpu.dma_semaphore, #tpu.memory_space<semaphore_mem>>) src(%dma_wait3A_1863 : memref<8x256xf32, #tpu.memory_space<vmem>>) dst(%dma_wait3A_1859 : memref<8x256xf32, #tpu.memory_space<hbm>>)
        %dma_wait3A_1864 = arith.constant 0 : i32
        %dma_wait3A_1865 = arith.constant 11 : i32
        %dma_wait3A_1866 = arith.constant 11 : i32
        %dma_wait3A_1867 = arith.constant 0 : i32
        %dma_wait3A_1868 = arith.constant 0 : i32
        %dma_wait3A_1869 = tpu.memref_slice %arg6[%dma_wait3A_1864, %dma_wait3A_1865, %dma_wait3A_1867, %dma_wait3A_1868] : memref<2x18x8x256xf32, #tpu.memory_space<vmem>> -> memref<1x1x8x256xf32, #tpu.memory_space<vmem>>
        %dma_wait3A_1870 = tpu.memref_squeeze %dma_wait3A_1869 : memref<1x1x8x256xf32, #tpu.memory_space<vmem>> -> memref<8x256xf32, #tpu.memory_space<vmem>>
        %dma_wait3A_1871 = tpu.memref_slice %arg4[%dma_wait3A_1866, %mul3A_1680, %mul3A_1698] : memref<18x200x16384xf32, #tpu.memory_space<hbm>> -> memref<1x8x256xf32, #tpu.memory_space<hbm>>
        %dma_wait3A_1872 = tpu.memref_squeeze %dma_wait3A_1871 : memref<1x8x256xf32, #tpu.memory_space<hbm>> -> memref<8x256xf32, #tpu.memory_space<hbm>>
        %dma_wait3A_1873 = tpu.memref_slice %arg4[%dma_wait3A_1866, %mul3A_1680, %mul3A_1698] : memref<18x200x16384xf32, #tpu.memory_space<hbm>> -> memref<1x8x256xf32, #tpu.memory_space<hbm>>
        %dma_wait3A_1874 = tpu.memref_squeeze %dma_wait3A_1873 : memref<1x8x256xf32, #tpu.memory_space<hbm>> -> memref<8x256xf32, #tpu.memory_space<hbm>>
        %dma_wait3A_1875 = arith.constant 0 : i32
        %dma_wait3A_1876 = arith.constant 0 : i32
        %dma_wait3A_1877 = tpu.memref_slice %arg6[%dma_wait3A_1864, %dma_wait3A_1865, %dma_wait3A_1875, %dma_wait3A_1876] : memref<2x18x8x256xf32, #tpu.memory_space<vmem>> -> memref<1x1x8x256xf32, #tpu.memory_space<vmem>>
        %dma_wait3A_1878 = tpu.memref_squeeze %dma_wait3A_1877 : memref<1x1x8x256xf32, #tpu.memory_space<vmem>> -> memref<8x256xf32, #tpu.memory_space<vmem>>
        tpu.wait_dma2 semaphore(%arg10 : memref<!tpu.dma_semaphore, #tpu.memory_space<semaphore_mem>>) src(%dma_wait3A_1878 : memref<8x256xf32, #tpu.memory_space<vmem>>) dst(%dma_wait3A_1874 : memref<8x256xf32, #tpu.memory_space<hbm>>)
        %dma_wait3A_1879 = arith.constant 0 : i32
        %dma_wait3A_1880 = arith.constant 12 : i32
        %dma_wait3A_1881 = arith.constant 12 : i32
        %dma_wait3A_1882 = arith.constant 0 : i32
        %dma_wait3A_1883 = arith.constant 0 : i32
        %dma_wait3A_1884 = tpu.memref_slice %arg6[%dma_wait3A_1879, %dma_wait3A_1880, %dma_wait3A_1882, %dma_wait3A_1883] : memref<2x18x8x256xf32, #tpu.memory_space<vmem>> -> memref<1x1x8x256xf32, #tpu.memory_space<vmem>>
        %dma_wait3A_1885 = tpu.memref_squeeze %dma_wait3A_1884 : memref<1x1x8x256xf32, #tpu.memory_space<vmem>> -> memref<8x256xf32, #tpu.memory_space<vmem>>
        %dma_wait3A_1886 = tpu.memref_slice %arg4[%dma_wait3A_1881, %mul3A_1680, %mul3A_1698] : memref<18x200x16384xf32, #tpu.memory_space<hbm>> -> memref<1x8x256xf32, #tpu.memory_space<hbm>>
        %dma_wait3A_1887 = tpu.memref_squeeze %dma_wait3A_1886 : memref<1x8x256xf32, #tpu.memory_space<hbm>> -> memref<8x256xf32, #tpu.memory_space<hbm>>
        %dma_wait3A_1888 = tpu.memref_slice %arg4[%dma_wait3A_1881, %mul3A_1680, %mul3A_1698] : memref<18x200x16384xf32, #tpu.memory_space<hbm>> -> memref<1x8x256xf32, #tpu.memory_space<hbm>>
        %dma_wait3A_1889 = tpu.memref_squeeze %dma_wait3A_1888 : memref<1x8x256xf32, #tpu.memory_space<hbm>> -> memref<8x256xf32, #tpu.memory_space<hbm>>
        %dma_wait3A_1890 = arith.constant 0 : i32
        %dma_wait3A_1891 = arith.constant 0 : i32
        %dma_wait3A_1892 = tpu.memref_slice %arg6[%dma_wait3A_1879, %dma_wait3A_1880, %dma_wait3A_1890, %dma_wait3A_1891] : memref<2x18x8x256xf32, #tpu.memory_space<vmem>> -> memref<1x1x8x256xf32, #tpu.memory_space<vmem>>
        %dma_wait3A_1893 = tpu.memref_squeeze %dma_wait3A_1892 : memref<1x1x8x256xf32, #tpu.memory_space<vmem>> -> memref<8x256xf32, #tpu.memory_space<vmem>>
        tpu.wait_dma2 semaphore(%arg10 : memref<!tpu.dma_semaphore, #tpu.memory_space<semaphore_mem>>) src(%dma_wait3A_1893 : memref<8x256xf32, #tpu.memory_space<vmem>>) dst(%dma_wait3A_1889 : memref<8x256xf32, #tpu.memory_space<hbm>>)
        %dma_wait3A_1894 = arith.constant 0 : i32
        %dma_wait3A_1895 = arith.constant 13 : i32
        %dma_wait3A_1896 = arith.constant 13 : i32
        %dma_wait3A_1897 = arith.constant 0 : i32
        %dma_wait3A_1898 = arith.constant 0 : i32
        %dma_wait3A_1899 = tpu.memref_slice %arg6[%dma_wait3A_1894, %dma_wait3A_1895, %dma_wait3A_1897, %dma_wait3A_1898] : memref<2x18x8x256xf32, #tpu.memory_space<vmem>> -> memref<1x1x8x256xf32, #tpu.memory_space<vmem>>
        %dma_wait3A_1900 = tpu.memref_squeeze %dma_wait3A_1899 : memref<1x1x8x256xf32, #tpu.memory_space<vmem>> -> memref<8x256xf32, #tpu.memory_space<vmem>>
        %dma_wait3A_1901 = tpu.memref_slice %arg4[%dma_wait3A_1896, %mul3A_1680, %mul3A_1698] : memref<18x200x16384xf32, #tpu.memory_space<hbm>> -> memref<1x8x256xf32, #tpu.memory_space<hbm>>
        %dma_wait3A_1902 = tpu.memref_squeeze %dma_wait3A_1901 : memref<1x8x256xf32, #tpu.memory_space<hbm>> -> memref<8x256xf32, #tpu.memory_space<hbm>>
        %dma_wait3A_1903 = tpu.memref_slice %arg4[%dma_wait3A_1896, %mul3A_1680, %mul3A_1698] : memref<18x200x16384xf32, #tpu.memory_space<hbm>> -> memref<1x8x256xf32, #tpu.memory_space<hbm>>
        %dma_wait3A_1904 = tpu.memref_squeeze %dma_wait3A_1903 : memref<1x8x256xf32, #tpu.memory_space<hbm>> -> memref<8x256xf32, #tpu.memory_space<hbm>>
        %dma_wait3A_1905 = arith.constant 0 : i32
        %dma_wait3A_1906 = arith.constant 0 : i32
        %dma_wait3A_1907 = tpu.memref_slice %arg6[%dma_wait3A_1894, %dma_wait3A_1895, %dma_wait3A_1905, %dma_wait3A_1906] : memref<2x18x8x256xf32, #tpu.memory_space<vmem>> -> memref<1x1x8x256xf32, #tpu.memory_space<vmem>>
        %dma_wait3A_1908 = tpu.memref_squeeze %dma_wait3A_1907 : memref<1x1x8x256xf32, #tpu.memory_space<vmem>> -> memref<8x256xf32, #tpu.memory_space<vmem>>
        tpu.wait_dma2 semaphore(%arg10 : memref<!tpu.dma_semaphore, #tpu.memory_space<semaphore_mem>>) src(%dma_wait3A_1908 : memref<8x256xf32, #tpu.memory_space<vmem>>) dst(%dma_wait3A_1904 : memref<8x256xf32, #tpu.memory_space<hbm>>)
        %dma_wait3A_1909 = arith.constant 0 : i32
        %dma_wait3A_1910 = arith.constant 14 : i32
        %dma_wait3A_1911 = arith.constant 14 : i32
        %dma_wait3A_1912 = arith.constant 0 : i32
        %dma_wait3A_1913 = arith.constant 0 : i32
        %dma_wait3A_1914 = tpu.memref_slice %arg6[%dma_wait3A_1909, %dma_wait3A_1910, %dma_wait3A_1912, %dma_wait3A_1913] : memref<2x18x8x256xf32, #tpu.memory_space<vmem>> -> memref<1x1x8x256xf32, #tpu.memory_space<vmem>>
        %dma_wait3A_1915 = tpu.memref_squeeze %dma_wait3A_1914 : memref<1x1x8x256xf32, #tpu.memory_space<vmem>> -> memref<8x256xf32, #tpu.memory_space<vmem>>
        %dma_wait3A_1916 = tpu.memref_slice %arg4[%dma_wait3A_1911, %mul3A_1680, %mul3A_1698] : memref<18x200x16384xf32, #tpu.memory_space<hbm>> -> memref<1x8x256xf32, #tpu.memory_space<hbm>>
        %dma_wait3A_1917 = tpu.memref_squeeze %dma_wait3A_1916 : memref<1x8x256xf32, #tpu.memory_space<hbm>> -> memref<8x256xf32, #tpu.memory_space<hbm>>
        %dma_wait3A_1918 = tpu.memref_slice %arg4[%dma_wait3A_1911, %mul3A_1680, %mul3A_1698] : memref<18x200x16384xf32, #tpu.memory_space<hbm>> -> memref<1x8x256xf32, #tpu.memory_space<hbm>>
        %dma_wait3A_1919 = tpu.memref_squeeze %dma_wait3A_1918 : memref<1x8x256xf32, #tpu.memory_space<hbm>> -> memref<8x256xf32, #tpu.memory_space<hbm>>
        %dma_wait3A_1920 = arith.constant 0 : i32
        %dma_wait3A_1921 = arith.constant 0 : i32
        %dma_wait3A_1922 = tpu.memref_slice %arg6[%dma_wait3A_1909, %dma_wait3A_1910, %dma_wait3A_1920, %dma_wait3A_1921] : memref<2x18x8x256xf32, #tpu.memory_space<vmem>> -> memref<1x1x8x256xf32, #tpu.memory_space<vmem>>
        %dma_wait3A_1923 = tpu.memref_squeeze %dma_wait3A_1922 : memref<1x1x8x256xf32, #tpu.memory_space<vmem>> -> memref<8x256xf32, #tpu.memory_space<vmem>>
        tpu.wait_dma2 semaphore(%arg10 : memref<!tpu.dma_semaphore, #tpu.memory_space<semaphore_mem>>) src(%dma_wait3A_1923 : memref<8x256xf32, #tpu.memory_space<vmem>>) dst(%dma_wait3A_1919 : memref<8x256xf32, #tpu.memory_space<hbm>>)
        %dma_wait3A_1924 = arith.constant 0 : i32
        %dma_wait3A_1925 = arith.constant 15 : i32
        %dma_wait3A_1926 = arith.constant 15 : i32
        %dma_wait3A_1927 = arith.constant 0 : i32
        %dma_wait3A_1928 = arith.constant 0 : i32
        %dma_wait3A_1929 = tpu.memref_slice %arg6[%dma_wait3A_1924, %dma_wait3A_1925, %dma_wait3A_1927, %dma_wait3A_1928] : memref<2x18x8x256xf32, #tpu.memory_space<vmem>> -> memref<1x1x8x256xf32, #tpu.memory_space<vmem>>
        %dma_wait3A_1930 = tpu.memref_squeeze %dma_wait3A_1929 : memref<1x1x8x256xf32, #tpu.memory_space<vmem>> -> memref<8x256xf32, #tpu.memory_space<vmem>>
        %dma_wait3A_1931 = tpu.memref_slice %arg4[%dma_wait3A_1926, %mul3A_1680, %mul3A_1698] : memref<18x200x16384xf32, #tpu.memory_space<hbm>> -> memref<1x8x256xf32, #tpu.memory_space<hbm>>
        %dma_wait3A_1932 = tpu.memref_squeeze %dma_wait3A_1931 : memref<1x8x256xf32, #tpu.memory_space<hbm>> -> memref<8x256xf32, #tpu.memory_space<hbm>>
        %dma_wait3A_1933 = tpu.memref_slice %arg4[%dma_wait3A_1926, %mul3A_1680, %mul3A_1698] : memref<18x200x16384xf32, #tpu.memory_space<hbm>> -> memref<1x8x256xf32, #tpu.memory_space<hbm>>
        %dma_wait3A_1934 = tpu.memref_squeeze %dma_wait3A_1933 : memref<1x8x256xf32, #tpu.memory_space<hbm>> -> memref<8x256xf32, #tpu.memory_space<hbm>>
        %dma_wait3A_1935 = arith.constant 0 : i32
        %dma_wait3A_1936 = arith.constant 0 : i32
        %dma_wait3A_1937 = tpu.memref_slice %arg6[%dma_wait3A_1924, %dma_wait3A_1925, %dma_wait3A_1935, %dma_wait3A_1936] : memref<2x18x8x256xf32, #tpu.memory_space<vmem>> -> memref<1x1x8x256xf32, #tpu.memory_space<vmem>>
        %dma_wait3A_1938 = tpu.memref_squeeze %dma_wait3A_1937 : memref<1x1x8x256xf32, #tpu.memory_space<vmem>> -> memref<8x256xf32, #tpu.memory_space<vmem>>
        tpu.wait_dma2 semaphore(%arg10 : memref<!tpu.dma_semaphore, #tpu.memory_space<semaphore_mem>>) src(%dma_wait3A_1938 : memref<8x256xf32, #tpu.memory_space<vmem>>) dst(%dma_wait3A_1934 : memref<8x256xf32, #tpu.memory_space<hbm>>)
        %dma_wait3A_1939 = arith.constant 0 : i32
        %dma_wait3A_1940 = arith.constant 16 : i32
        %dma_wait3A_1941 = arith.constant 16 : i32
        %dma_wait3A_1942 = arith.constant 0 : i32
        %dma_wait3A_1943 = arith.constant 0 : i32
        %dma_wait3A_1944 = tpu.memref_slice %arg6[%dma_wait3A_1939, %dma_wait3A_1940, %dma_wait3A_1942, %dma_wait3A_1943] : memref<2x18x8x256xf32, #tpu.memory_space<vmem>> -> memref<1x1x8x256xf32, #tpu.memory_space<vmem>>
        %dma_wait3A_1945 = tpu.memref_squeeze %dma_wait3A_1944 : memref<1x1x8x256xf32, #tpu.memory_space<vmem>> -> memref<8x256xf32, #tpu.memory_space<vmem>>
        %dma_wait3A_1946 = tpu.memref_slice %arg4[%dma_wait3A_1941, %mul3A_1680, %mul3A_1698] : memref<18x200x16384xf32, #tpu.memory_space<hbm>> -> memref<1x8x256xf32, #tpu.memory_space<hbm>>
        %dma_wait3A_1947 = tpu.memref_squeeze %dma_wait3A_1946 : memref<1x8x256xf32, #tpu.memory_space<hbm>> -> memref<8x256xf32, #tpu.memory_space<hbm>>
        %dma_wait3A_1948 = tpu.memref_slice %arg4[%dma_wait3A_1941, %mul3A_1680, %mul3A_1698] : memref<18x200x16384xf32, #tpu.memory_space<hbm>> -> memref<1x8x256xf32, #tpu.memory_space<hbm>>
        %dma_wait3A_1949 = tpu.memref_squeeze %dma_wait3A_1948 : memref<1x8x256xf32, #tpu.memory_space<hbm>> -> memref<8x256xf32, #tpu.memory_space<hbm>>
        %dma_wait3A_1950 = arith.constant 0 : i32
        %dma_wait3A_1951 = arith.constant 0 : i32
        %dma_wait3A_1952 = tpu.memref_slice %arg6[%dma_wait3A_1939, %dma_wait3A_1940, %dma_wait3A_1950, %dma_wait3A_1951] : memref<2x18x8x256xf32, #tpu.memory_space<vmem>> -> memref<1x1x8x256xf32, #tpu.memory_space<vmem>>
        %dma_wait3A_1953 = tpu.memref_squeeze %dma_wait3A_1952 : memref<1x1x8x256xf32, #tpu.memory_space<vmem>> -> memref<8x256xf32, #tpu.memory_space<vmem>>
        tpu.wait_dma2 semaphore(%arg10 : memref<!tpu.dma_semaphore, #tpu.memory_space<semaphore_mem>>) src(%dma_wait3A_1953 : memref<8x256xf32, #tpu.memory_space<vmem>>) dst(%dma_wait3A_1949 : memref<8x256xf32, #tpu.memory_space<hbm>>)
        %dma_wait3A_1954 = arith.constant 0 : i32
        %dma_wait3A_1955 = arith.constant 17 : i32
        %dma_wait3A_1956 = arith.constant 17 : i32
        %dma_wait3A_1957 = arith.constant 0 : i32
        %dma_wait3A_1958 = arith.constant 0 : i32
        %dma_wait3A_1959 = tpu.memref_slice %arg6[%dma_wait3A_1954, %dma_wait3A_1955, %dma_wait3A_1957, %dma_wait3A_1958] : memref<2x18x8x256xf32, #tpu.memory_space<vmem>> -> memref<1x1x8x256xf32, #tpu.memory_space<vmem>>
        %dma_wait3A_1960 = tpu.memref_squeeze %dma_wait3A_1959 : memref<1x1x8x256xf32, #tpu.memory_space<vmem>> -> memref<8x256xf32, #tpu.memory_space<vmem>>
        %dma_wait3A_1961 = tpu.memref_slice %arg4[%dma_wait3A_1956, %mul3A_1680, %mul3A_1698] : memref<18x200x16384xf32, #tpu.memory_space<hbm>> -> memref<1x8x256xf32, #tpu.memory_space<hbm>>
        %dma_wait3A_1962 = tpu.memref_squeeze %dma_wait3A_1961 : memref<1x8x256xf32, #tpu.memory_space<hbm>> -> memref<8x256xf32, #tpu.memory_space<hbm>>
        %dma_wait3A_1963 = tpu.memref_slice %arg4[%dma_wait3A_1956, %mul3A_1680, %mul3A_1698] : memref<18x200x16384xf32, #tpu.memory_space<hbm>> -> memref<1x8x256xf32, #tpu.memory_space<hbm>>
        %dma_wait3A_1964 = tpu.memref_squeeze %dma_wait3A_1963 : memref<1x8x256xf32, #tpu.memory_space<hbm>> -> memref<8x256xf32, #tpu.memory_space<hbm>>
        %dma_wait3A_1965 = arith.constant 0 : i32
        %dma_wait3A_1966 = arith.constant 0 : i32
        %dma_wait3A_1967 = tpu.memref_slice %arg6[%dma_wait3A_1954, %dma_wait3A_1955, %dma_wait3A_1965, %dma_wait3A_1966] : memref<2x18x8x256xf32, #tpu.memory_space<vmem>> -> memref<1x1x8x256xf32, #tpu.memory_space<vmem>>
        %dma_wait3A_1968 = tpu.memref_squeeze %dma_wait3A_1967 : memref<1x1x8x256xf32, #tpu.memory_space<vmem>> -> memref<8x256xf32, #tpu.memory_space<vmem>>
        tpu.wait_dma2 semaphore(%arg10 : memref<!tpu.dma_semaphore, #tpu.memory_space<semaphore_mem>>) src(%dma_wait3A_1968 : memref<8x256xf32, #tpu.memory_space<vmem>>) dst(%dma_wait3A_1964 : memref<8x256xf32, #tpu.memory_space<hbm>>)
      } else {
      }
      %jit3A_820 = arith.constant 64 : i32
      %div3A_821 = arith.divsi %add3A_726, %jit3A_820 : i32
      %sign3A_822 = arith.constant 0 : i32
      %sign3A_823 = arith.cmpi sgt, %add3A_726, %sign3A_822 : i32
      %sign3A_824 = arith.extui %sign3A_823 : i1 to i32
      %sign3A_825 = arith.constant 0 : i32
      %sign3A_826 = arith.cmpi slt, %add3A_726, %sign3A_825 : i32
      %sign3A_827 = arith.extui %sign3A_826 : i1 to i32
      %sign3A_828 = arith.subi %sign3A_824, %sign3A_827 : i32
      %sign3A_829 = arith.constant 0 : i32
      %sign3A_830 = arith.cmpi sgt, %jit3A_820, %sign3A_829 : i32
      %sign3A_831 = arith.extui %sign3A_830 : i1 to i32
      %sign3A_832 = arith.constant 0 : i32
      %sign3A_833 = arith.cmpi slt, %jit3A_820, %sign3A_832 : i32
      %sign3A_834 = arith.extui %sign3A_833 : i1 to i32
      %sign3A_835 = arith.subi %sign3A_831, %sign3A_834 : i32
      %ne3A_836 = arith.cmpi ne, %sign3A_828, %sign3A_835 : i32
      %rem3A_837 = arith.remsi %add3A_726, %jit3A_820 : i32
      %ne3A_838 = arith.constant 0 : i32
      %ne3A_839 = arith.cmpi ne, %rem3A_837, %ne3A_838 : i32
      %and3A_840 = arith.andi %ne3A_836, %ne3A_839 : i1
      %sub3A_841 = arith.constant 1 : i32
      %sub3A_842 = arith.subi %div3A_821, %sub3A_841 : i32
      %select_n3A_843 = arith.select %and3A_840, %sub3A_842, %div3A_821 : i32
      %mul3A_844 = arith.constant 8 : i32
      %mul3A_845 = arith.muli %select_n3A_843, %mul3A_844 : i32
      %jit3A_846 = arith.constant 64 : i32
      %eq3A_847 = arith.constant 0 : i32
      %eq3A_848 = arith.cmpi eq, %jit3A_846, %eq3A_847 : i32
      %jit3A_849 = arith.constant 1 : i32
      %select_n3A_850 = arith.select %eq3A_848, %jit3A_849, %jit3A_846 : i32
      %rem3A_851 = arith.remsi %add3A_726, %select_n3A_850 : i32
      %ne3A_852 = arith.constant 0 : i32
      %ne3A_853 = arith.cmpi ne, %rem3A_851, %ne3A_852 : i32
      %lt3A_854 = arith.constant 0 : i32
      %lt3A_855 = arith.cmpi slt, %rem3A_851, %lt3A_854 : i32
      %lt3A_856 = arith.constant 0 : i32
      %lt3A_857 = arith.cmpi slt, %select_n3A_850, %lt3A_856 : i32
      %ne3A_858 = arith.xori %lt3A_855, %lt3A_857 : i1
      %and3A_859 = arith.andi %ne3A_858, %ne3A_853 : i1
      %add3A_860 = arith.addi %rem3A_851, %select_n3A_850 : i32
      %select_n3A_861 = arith.select %and3A_859, %add3A_860, %rem3A_851 : i32
      %mul3A_862 = arith.constant 256 : i32
      %mul3A_863 = arith.muli %select_n3A_861, %mul3A_862 : i32
      %dma_wait3A_864 = arith.constant 0 : i32
      %dma_wait3A_865 = arith.constant 0 : i32
      %dma_wait3A_866 = arith.constant 0 : i32
      %dma_wait3A_867 = arith.constant 0 : i32
      %dma_wait3A_868 = arith.constant 0 : i32
      %dma_wait3A_869 = tpu.memref_slice %arg5[%dma_wait3A_865, %dma_wait3A_866, %dma_wait3A_867, %dma_wait3A_868] : memref<2x3x8x256xi32, #tpu.memory_space<vmem>> -> memref<1x1x8x256xi32, #tpu.memory_space<vmem>>
      %dma_wait3A_870 = tpu.memref_squeeze %dma_wait3A_869 : memref<1x1x8x256xi32, #tpu.memory_space<vmem>> -> memref<8x256xi32, #tpu.memory_space<vmem>>
      %dma_wait3A_871 = tpu.memref_slice %arg2[%dma_wait3A_864, %mul3A_845, %mul3A_863] : memref<3x200x16384xi32, #tpu.memory_space<hbm>> -> memref<1x8x256xi32, #tpu.memory_space<hbm>>
      %dma_wait3A_872 = tpu.memref_squeeze %dma_wait3A_871 : memref<1x8x256xi32, #tpu.memory_space<hbm>> -> memref<8x256xi32, #tpu.memory_space<hbm>>
      %dma_wait3A_873 = arith.constant 0 : i32
      %dma_wait3A_874 = arith.constant 0 : i32
      %dma_wait3A_875 = tpu.memref_slice %arg5[%dma_wait3A_865, %dma_wait3A_866, %dma_wait3A_873, %dma_wait3A_874] : memref<2x3x8x256xi32, #tpu.memory_space<vmem>> -> memref<1x1x8x256xi32, #tpu.memory_space<vmem>>
      %dma_wait3A_876 = tpu.memref_squeeze %dma_wait3A_875 : memref<1x1x8x256xi32, #tpu.memory_space<vmem>> -> memref<8x256xi32, #tpu.memory_space<vmem>>
      %dma_wait3A_877 = tpu.memref_slice %arg2[%dma_wait3A_864, %mul3A_845, %mul3A_863] : memref<3x200x16384xi32, #tpu.memory_space<hbm>> -> memref<1x8x256xi32, #tpu.memory_space<hbm>>
      %dma_wait3A_878 = tpu.memref_squeeze %dma_wait3A_877 : memref<1x8x256xi32, #tpu.memory_space<hbm>> -> memref<8x256xi32, #tpu.memory_space<hbm>>
      tpu.wait_dma2 semaphore(%arg8 : memref<!tpu.dma_semaphore, #tpu.memory_space<semaphore_mem>>) src(%dma_wait3A_878 : memref<8x256xi32, #tpu.memory_space<hbm>>) dst(%dma_wait3A_876 : memref<8x256xi32, #tpu.memory_space<vmem>>)
      %dma_wait3A_879 = arith.constant 1 : i32
      %dma_wait3A_880 = arith.constant 0 : i32
      %dma_wait3A_881 = arith.constant 1 : i32
      %dma_wait3A_882 = arith.constant 0 : i32
      %dma_wait3A_883 = arith.constant 0 : i32
      %dma_wait3A_884 = tpu.memref_slice %arg5[%dma_wait3A_880, %dma_wait3A_881, %dma_wait3A_882, %dma_wait3A_883] : memref<2x3x8x256xi32, #tpu.memory_space<vmem>> -> memref<1x1x8x256xi32, #tpu.memory_space<vmem>>
      %dma_wait3A_885 = tpu.memref_squeeze %dma_wait3A_884 : memref<1x1x8x256xi32, #tpu.memory_space<vmem>> -> memref<8x256xi32, #tpu.memory_space<vmem>>
      %dma_wait3A_886 = tpu.memref_slice %arg2[%dma_wait3A_879, %mul3A_845, %mul3A_863] : memref<3x200x16384xi32, #tpu.memory_space<hbm>> -> memref<1x8x256xi32, #tpu.memory_space<hbm>>
      %dma_wait3A_887 = tpu.memref_squeeze %dma_wait3A_886 : memref<1x8x256xi32, #tpu.memory_space<hbm>> -> memref<8x256xi32, #tpu.memory_space<hbm>>
      %dma_wait3A_888 = arith.constant 0 : i32
      %dma_wait3A_889 = arith.constant 0 : i32
      %dma_wait3A_890 = tpu.memref_slice %arg5[%dma_wait3A_880, %dma_wait3A_881, %dma_wait3A_888, %dma_wait3A_889] : memref<2x3x8x256xi32, #tpu.memory_space<vmem>> -> memref<1x1x8x256xi32, #tpu.memory_space<vmem>>
      %dma_wait3A_891 = tpu.memref_squeeze %dma_wait3A_890 : memref<1x1x8x256xi32, #tpu.memory_space<vmem>> -> memref<8x256xi32, #tpu.memory_space<vmem>>
      %dma_wait3A_892 = tpu.memref_slice %arg2[%dma_wait3A_879, %mul3A_845, %mul3A_863] : memref<3x200x16384xi32, #tpu.memory_space<hbm>> -> memref<1x8x256xi32, #tpu.memory_space<hbm>>
      %dma_wait3A_893 = tpu.memref_squeeze %dma_wait3A_892 : memref<1x8x256xi32, #tpu.memory_space<hbm>> -> memref<8x256xi32, #tpu.memory_space<hbm>>
      tpu.wait_dma2 semaphore(%arg8 : memref<!tpu.dma_semaphore, #tpu.memory_space<semaphore_mem>>) src(%dma_wait3A_893 : memref<8x256xi32, #tpu.memory_space<hbm>>) dst(%dma_wait3A_891 : memref<8x256xi32, #tpu.memory_space<vmem>>)
      %dma_wait3A_894 = arith.constant 2 : i32
      %dma_wait3A_895 = arith.constant 0 : i32
      %dma_wait3A_896 = arith.constant 2 : i32
      %dma_wait3A_897 = arith.constant 0 : i32
      %dma_wait3A_898 = arith.constant 0 : i32
      %dma_wait3A_899 = tpu.memref_slice %arg5[%dma_wait3A_895, %dma_wait3A_896, %dma_wait3A_897, %dma_wait3A_898] : memref<2x3x8x256xi32, #tpu.memory_space<vmem>> -> memref<1x1x8x256xi32, #tpu.memory_space<vmem>>
      %dma_wait3A_900 = tpu.memref_squeeze %dma_wait3A_899 : memref<1x1x8x256xi32, #tpu.memory_space<vmem>> -> memref<8x256xi32, #tpu.memory_space<vmem>>
      %dma_wait3A_901 = tpu.memref_slice %arg2[%dma_wait3A_894, %mul3A_845, %mul3A_863] : memref<3x200x16384xi32, #tpu.memory_space<hbm>> -> memref<1x8x256xi32, #tpu.memory_space<hbm>>
      %dma_wait3A_902 = tpu.memref_squeeze %dma_wait3A_901 : memref<1x8x256xi32, #tpu.memory_space<hbm>> -> memref<8x256xi32, #tpu.memory_space<hbm>>
      %dma_wait3A_903 = arith.constant 0 : i32
      %dma_wait3A_904 = arith.constant 0 : i32
      %dma_wait3A_905 = tpu.memref_slice %arg5[%dma_wait3A_895, %dma_wait3A_896, %dma_wait3A_903, %dma_wait3A_904] : memref<2x3x8x256xi32, #tpu.memory_space<vmem>> -> memref<1x1x8x256xi32, #tpu.memory_space<vmem>>
      %dma_wait3A_906 = tpu.memref_squeeze %dma_wait3A_905 : memref<1x1x8x256xi32, #tpu.memory_space<vmem>> -> memref<8x256xi32, #tpu.memory_space<vmem>>
      %dma_wait3A_907 = tpu.memref_slice %arg2[%dma_wait3A_894, %mul3A_845, %mul3A_863] : memref<3x200x16384xi32, #tpu.memory_space<hbm>> -> memref<1x8x256xi32, #tpu.memory_space<hbm>>
      %dma_wait3A_908 = tpu.memref_squeeze %dma_wait3A_907 : memref<1x8x256xi32, #tpu.memory_space<hbm>> -> memref<8x256xi32, #tpu.memory_space<hbm>>
      tpu.wait_dma2 semaphore(%arg8 : memref<!tpu.dma_semaphore, #tpu.memory_space<semaphore_mem>>) src(%dma_wait3A_908 : memref<8x256xi32, #tpu.memory_space<hbm>>) dst(%dma_wait3A_906 : memref<8x256xi32, #tpu.memory_space<vmem>>)
      %scan3A_909 = arith.constant 0 : i32
      %scan3A_910 = arith.constant 0 : i32
      %scan3A_911 = arith.constant 128 : i32
      %scan3A_912 = arith.addi %scan3A_910, %scan3A_911 : i32
      %scan3A_913 = arith.constant 1 : i32
      scf.for %scan3A_1653 = %scan3A_910 to %scan3A_912 step %scan3A_913  : i32 {
        %shift_right_arithmetic3A = arith.constant 4 : i32
        %shift_right_arithmetic3A_1654 = arith.shrsi %scan3A_1653, %shift_right_arithmetic3A : i32
        %and3A_1655 = arith.constant 15 : i32
        %and3A_1656 = arith.andi %scan3A_1653, %and3A_1655 : i32
        %mul3A_1657 = arith.constant 16 : i32
        %mul3A_1658 = arith.muli %and3A_1656, %mul3A_1657 : i32
        %get3A = arith.constant 0 : i32
        %get3A_1659 = arith.constant 0 : i32
        %get3A_1660 = arith.index_cast %get3A : i32 to index
        %get3A_1661 = arith.index_cast %get3A_1659 : i32 to index
        %get3A_1662 = arith.index_cast %shift_right_arithmetic3A_1654 : i32 to index
        %get3A_1663 = arith.index_cast %mul3A_1658 : i32 to index
        %get3A_1664 = tpu.vector_load %arg5[%get3A_1660, %get3A_1661, %get3A_1662, %get3A_1663] {strides = array<i32>} : memref<2x3x8x256xi32, #tpu.memory_space<vmem>>, vector<16xi32>,
        %get3A_1665 = arith.constant 0 : i32
        %get3A_1666 = arith.constant 1 : i32
        %get3A_1667 = arith.index_cast %get3A_1665 : i32 to index
        %get3A_1668 = arith.index_cast %get3A_1666 : i32 to index
        %get3A_1669 = arith.index_cast %shift_right_arithmetic3A_1654 : i32 to index
        %get3A_1670 = arith.index_cast %mul3A_1658 : i32 to index
        %get3A_1671 = tpu.vector_load %arg5[%get3A_1667, %get3A_1668, %get3A_1669, %get3A_1670] {strides = array<i32>} : memref<2x3x8x256xi32, #tpu.memory_space<vmem>>, vector<16xi32>,
        %get3A_1672 = arith.constant 0 : i32
        %get3A_1673 = arith.constant 2 : i32
        %get3A_1674 = arith.index_cast %get3A_1672 : i32 to index
        %get3A_1675 = arith.index_cast %get3A_1673 : i32 to index
        %get3A_1676 = arith.index_cast %shift_right_arithmetic3A_1654 : i32 to index
        %get3A_1677 = arith.index_cast %mul3A_1658 : i32 to index
        %get3A_1678 = tpu.vector_load %arg5[%get3A_1674, %get3A_1675, %get3A_1676, %get3A_1677] {strides = array<i32>} : memref<2x3x8x256xi32, #tpu.memory_space<vmem>>, vector<16xi32>,
        %jit3A_1679 = arith.constant 0 : i32
        %jit3A_1680 = arith.constant 5 : i32
        %max3A = vector.broadcast %jit3A_1679 : i32 to vector<16xi32>
        %max3A_1681 = arith.maxsi %max3A, %get3A_1664 : vector<16xi32>
        %min3A = vector.broadcast %jit3A_1680 : i32 to vector<16xi32>
        %min3A_1682 = arith.minsi %min3A, %max3A_1681 : vector<16xi32>
        %jit3A_1683 = arith.constant 0 : i32
        %jit3A_1684 = arith.constant 1 : i32
        %max3A_1685 = vector.broadcast %jit3A_1683 : i32 to vector<16xi32>
        %max3A_1686 = arith.maxsi %max3A_1685, %get3A_1671 : vector<16xi32>
        %min3A_1687 = vector.broadcast %jit3A_1684 : i32 to vector<16xi32>
        %min3A_1688 = arith.minsi %min3A_1687, %max3A_1686 : vector<16xi32>
        %jit3A_1689 = arith.constant 0 : i32
        %jit3A_1690 = arith.constant 3 : i32
        %max3A_1691 = vector.broadcast %jit3A_1689 : i32 to vector<16xi32>
        %max3A_1692 = arith.maxsi %max3A_1691, %get3A_1678 : vector<16xi32>
        %min3A_1693 = vector.broadcast %jit3A_1690 : i32 to vector<16xi32>
        %min3A_1694 = arith.minsi %min3A_1693, %max3A_1692 : vector<16xi32>
        %mul3A_1695 = arith.constant 18 : i32
        %mul3A_1696 = vector.broadcast %mul3A_1695 : i32 to vector<16xi32>
        %mul3A_1697 = arith.muli %min3A_1682, %mul3A_1696 : vector<16xi32>
        %mul3A_1698 = arith.constant 108 : i32
        %mul3A_1699 = vector.broadcast %mul3A_1698 : i32 to vector<16xi32>
        %mul3A_1700 = arith.muli %min3A_1688, %mul3A_1699 : vector<16xi32>
        %add3A_1701 = arith.addi %mul3A_1697, %mul3A_1700 : vector<16xi32>
        %mul3A_1702 = arith.constant 216 : i32
        %mul3A_1703 = vector.broadcast %mul3A_1702 : i32 to vector<16xi32>
        %mul3A_1704 = arith.muli %min3A_1694, %mul3A_1703 : vector<16xi32>
        %add3A_1705 = arith.addi %add3A_1701, %mul3A_1704 : vector<16xi32>
        %add3A_1706 = arith.constant 0 : i32
        %add3A_1707 = vector.broadcast %add3A_1706 : i32 to vector<16xi32>
        %add3A_1708 = arith.addi %add3A_1705, %add3A_1707 : vector<16xi32>
        %gather3A = tpu.vector_load_idx %arg7[%add3A_1708] : memref<864xf32, #tpu.memory_space<vmem>>[vector<16xi32>], vector<16xf32>,
        %add3A_1709 = arith.constant 1 : i32
        %add3A_1710 = vector.broadcast %add3A_1709 : i32 to vector<16xi32>
        %add3A_1711 = arith.addi %add3A_1705, %add3A_1710 : vector<16xi32>
        %gather3A_1712 = tpu.vector_load_idx %arg7[%add3A_1711] : memref<864xf32, #tpu.memory_space<vmem>>[vector<16xi32>], vector<16xf32>,
        %add3A_1713 = arith.constant 2 : i32
        %add3A_1714 = vector.broadcast %add3A_1713 : i32 to vector<16xi32>
        %add3A_1715 = arith.addi %add3A_1705, %add3A_1714 : vector<16xi32>
        %gather3A_1716 = tpu.vector_load_idx %arg7[%add3A_1715] : memref<864xf32, #tpu.memory_space<vmem>>[vector<16xi32>], vector<16xf32>,
        %add3A_1717 = arith.constant 3 : i32
        %add3A_1718 = vector.broadcast %add3A_1717 : i32 to vector<16xi32>
        %add3A_1719 = arith.addi %add3A_1705, %add3A_1718 : vector<16xi32>
        %gather3A_1720 = tpu.vector_load_idx %arg7[%add3A_1719] : memref<864xf32, #tpu.memory_space<vmem>>[vector<16xi32>], vector<16xf32>,
        %add3A_1721 = arith.constant 4 : i32
        %add3A_1722 = vector.broadcast %add3A_1721 : i32 to vector<16xi32>
        %add3A_1723 = arith.addi %add3A_1705, %add3A_1722 : vector<16xi32>
        %gather3A_1724 = tpu.vector_load_idx %arg7[%add3A_1723] : memref<864xf32, #tpu.memory_space<vmem>>[vector<16xi32>], vector<16xf32>,
        %add3A_1725 = arith.constant 5 : i32
        %add3A_1726 = vector.broadcast %add3A_1725 : i32 to vector<16xi32>
        %add3A_1727 = arith.addi %add3A_1705, %add3A_1726 : vector<16xi32>
        %gather3A_1728 = tpu.vector_load_idx %arg7[%add3A_1727] : memref<864xf32, #tpu.memory_space<vmem>>[vector<16xi32>], vector<16xf32>,
        %add3A_1729 = arith.constant 6 : i32
        %add3A_1730 = vector.broadcast %add3A_1729 : i32 to vector<16xi32>
        %add3A_1731 = arith.addi %add3A_1705, %add3A_1730 : vector<16xi32>
        %gather3A_1732 = tpu.vector_load_idx %arg7[%add3A_1731] : memref<864xf32, #tpu.memory_space<vmem>>[vector<16xi32>], vector<16xf32>,
        %add3A_1733 = arith.constant 7 : i32
        %add3A_1734 = vector.broadcast %add3A_1733 : i32 to vector<16xi32>
        %add3A_1735 = arith.addi %add3A_1705, %add3A_1734 : vector<16xi32>
        %gather3A_1736 = tpu.vector_load_idx %arg7[%add3A_1735] : memref<864xf32, #tpu.memory_space<vmem>>[vector<16xi32>], vector<16xf32>,
        %add3A_1737 = arith.constant 8 : i32
        %add3A_1738 = vector.broadcast %add3A_1737 : i32 to vector<16xi32>
        %add3A_1739 = arith.addi %add3A_1705, %add3A_1738 : vector<16xi32>
        %gather3A_1740 = tpu.vector_load_idx %arg7[%add3A_1739] : memref<864xf32, #tpu.memory_space<vmem>>[vector<16xi32>], vector<16xf32>,
        %add3A_1741 = arith.constant 9 : i32
        %add3A_1742 = vector.broadcast %add3A_1741 : i32 to vector<16xi32>
        %add3A_1743 = arith.addi %add3A_1705, %add3A_1742 : vector<16xi32>
        %gather3A_1744 = tpu.vector_load_idx %arg7[%add3A_1743] : memref<864xf32, #tpu.memory_space<vmem>>[vector<16xi32>], vector<16xf32>,
        %add3A_1745 = arith.constant 10 : i32
        %add3A_1746 = vector.broadcast %add3A_1745 : i32 to vector<16xi32>
        %add3A_1747 = arith.addi %add3A_1705, %add3A_1746 : vector<16xi32>
        %gather3A_1748 = tpu.vector_load_idx %arg7[%add3A_1747] : memref<864xf32, #tpu.memory_space<vmem>>[vector<16xi32>], vector<16xf32>,
        %add3A_1749 = arith.constant 11 : i32
        %add3A_1750 = vector.broadcast %add3A_1749 : i32 to vector<16xi32>
        %add3A_1751 = arith.addi %add3A_1705, %add3A_1750 : vector<16xi32>
        %gather3A_1752 = tpu.vector_load_idx %arg7[%add3A_1751] : memref<864xf32, #tpu.memory_space<vmem>>[vector<16xi32>], vector<16xf32>,
        %add3A_1753 = arith.constant 12 : i32
        %add3A_1754 = vector.broadcast %add3A_1753 : i32 to vector<16xi32>
        %add3A_1755 = arith.addi %add3A_1705, %add3A_1754 : vector<16xi32>
        %gather3A_1756 = tpu.vector_load_idx %arg7[%add3A_1755] : memref<864xf32, #tpu.memory_space<vmem>>[vector<16xi32>], vector<16xf32>,
        %add3A_1757 = arith.constant 13 : i32
        %add3A_1758 = vector.broadcast %add3A_1757 : i32 to vector<16xi32>
        %add3A_1759 = arith.addi %add3A_1705, %add3A_1758 : vector<16xi32>
        %gather3A_1760 = tpu.vector_load_idx %arg7[%add3A_1759] : memref<864xf32, #tpu.memory_space<vmem>>[vector<16xi32>], vector<16xf32>,
        %add3A_1761 = arith.constant 14 : i32
        %add3A_1762 = vector.broadcast %add3A_1761 : i32 to vector<16xi32>
        %add3A_1763 = arith.addi %add3A_1705, %add3A_1762 : vector<16xi32>
        %gather3A_1764 = tpu.vector_load_idx %arg7[%add3A_1763] : memref<864xf32, #tpu.memory_space<vmem>>[vector<16xi32>], vector<16xf32>,
        %add3A_1765 = arith.constant 15 : i32
        %add3A_1766 = vector.broadcast %add3A_1765 : i32 to vector<16xi32>
        %add3A_1767 = arith.addi %add3A_1705, %add3A_1766 : vector<16xi32>
        %gather3A_1768 = tpu.vector_load_idx %arg7[%add3A_1767] : memref<864xf32, #tpu.memory_space<vmem>>[vector<16xi32>], vector<16xf32>,
        %add3A_1769 = arith.constant 16 : i32
        %add3A_1770 = vector.broadcast %add3A_1769 : i32 to vector<16xi32>
        %add3A_1771 = arith.addi %add3A_1705, %add3A_1770 : vector<16xi32>
        %gather3A_1772 = tpu.vector_load_idx %arg7[%add3A_1771] : memref<864xf32, #tpu.memory_space<vmem>>[vector<16xi32>], vector<16xf32>,
        %add3A_1773 = arith.constant 17 : i32
        %add3A_1774 = vector.broadcast %add3A_1773 : i32 to vector<16xi32>
        %add3A_1775 = arith.addi %add3A_1705, %add3A_1774 : vector<16xi32>
        %gather3A_1776 = tpu.vector_load_idx %arg7[%add3A_1775] : memref<864xf32, #tpu.memory_space<vmem>>[vector<16xi32>], vector<16xf32>,
        %swap3A = arith.constant 0 : i32
        %swap3A_1777 = arith.constant 0 : i32
        %swap3A_1778 = arith.index_cast %swap3A : i32 to index
        %swap3A_1779 = arith.index_cast %swap3A_1777 : i32 to index
        %swap3A_1780 = arith.index_cast %shift_right_arithmetic3A_1654 : i32 to index
        %swap3A_1781 = arith.index_cast %mul3A_1658 : i32 to index
        %swap3A_1782 = tpu.vector_load %arg6[%swap3A_1778, %swap3A_1779, %swap3A_1780, %swap3A_1781] {strides = array<i32>} : memref<2x18x8x256xf32, #tpu.memory_space<vmem>>, vector<16xf32>,
        tpu.vector_store %arg6[%swap3A_1778, %swap3A_1779, %swap3A_1780, %swap3A_1781], %gather3A {strides = array<i32>} : memref<2x18x8x256xf32, #tpu.memory_space<vmem>>, vector<16xf32>,
        %swap3A_1783 = arith.constant 0 : i32
        %swap3A_1784 = arith.constant 1 : i32
        %swap3A_1785 = arith.index_cast %swap3A_1783 : i32 to index
        %swap3A_1786 = arith.index_cast %swap3A_1784 : i32 to index
        %swap3A_1787 = arith.index_cast %shift_right_arithmetic3A_1654 : i32 to index
        %swap3A_1788 = arith.index_cast %mul3A_1658 : i32 to index
        %swap3A_1789 = tpu.vector_load %arg6[%swap3A_1785, %swap3A_1786, %swap3A_1787, %swap3A_1788] {strides = array<i32>} : memref<2x18x8x256xf32, #tpu.memory_space<vmem>>, vector<16xf32>,
        tpu.vector_store %arg6[%swap3A_1785, %swap3A_1786, %swap3A_1787, %swap3A_1788], %gather3A_1712 {strides = array<i32>} : memref<2x18x8x256xf32, #tpu.memory_space<vmem>>, vector<16xf32>,
        %swap3A_1790 = arith.constant 0 : i32
        %swap3A_1791 = arith.constant 2 : i32
        %swap3A_1792 = arith.index_cast %swap3A_1790 : i32 to index
        %swap3A_1793 = arith.index_cast %swap3A_1791 : i32 to index
        %swap3A_1794 = arith.index_cast %shift_right_arithmetic3A_1654 : i32 to index
        %swap3A_1795 = arith.index_cast %mul3A_1658 : i32 to index
        %swap3A_1796 = tpu.vector_load %arg6[%swap3A_1792, %swap3A_1793, %swap3A_1794, %swap3A_1795] {strides = array<i32>} : memref<2x18x8x256xf32, #tpu.memory_space<vmem>>, vector<16xf32>,
        tpu.vector_store %arg6[%swap3A_1792, %swap3A_1793, %swap3A_1794, %swap3A_1795], %gather3A_1716 {strides = array<i32>} : memref<2x18x8x256xf32, #tpu.memory_space<vmem>>, vector<16xf32>,
        %swap3A_1797 = arith.constant 0 : i32
        %swap3A_1798 = arith.constant 3 : i32
        %swap3A_1799 = arith.index_cast %swap3A_1797 : i32 to index
        %swap3A_1800 = arith.index_cast %swap3A_1798 : i32 to index
        %swap3A_1801 = arith.index_cast %shift_right_arithmetic3A_1654 : i32 to index
        %swap3A_1802 = arith.index_cast %mul3A_1658 : i32 to index
        %swap3A_1803 = tpu.vector_load %arg6[%swap3A_1799, %swap3A_1800, %swap3A_1801, %swap3A_1802] {strides = array<i32>} : memref<2x18x8x256xf32, #tpu.memory_space<vmem>>, vector<16xf32>,
        tpu.vector_store %arg6[%swap3A_1799, %swap3A_1800, %swap3A_1801, %swap3A_1802], %gather3A_1720 {strides = array<i32>} : memref<2x18x8x256xf32, #tpu.memory_space<vmem>>, vector<16xf32>,
        %swap3A_1804 = arith.constant 0 : i32
        %swap3A_1805 = arith.constant 4 : i32
        %swap3A_1806 = arith.index_cast %swap3A_1804 : i32 to index
        %swap3A_1807 = arith.index_cast %swap3A_1805 : i32 to index
        %swap3A_1808 = arith.index_cast %shift_right_arithmetic3A_1654 : i32 to index
        %swap3A_1809 = arith.index_cast %mul3A_1658 : i32 to index
        %swap3A_1810 = tpu.vector_load %arg6[%swap3A_1806, %swap3A_1807, %swap3A_1808, %swap3A_1809] {strides = array<i32>} : memref<2x18x8x256xf32, #tpu.memory_space<vmem>>, vector<16xf32>,
        tpu.vector_store %arg6[%swap3A_1806, %swap3A_1807, %swap3A_1808, %swap3A_1809], %gather3A_1724 {strides = array<i32>} : memref<2x18x8x256xf32, #tpu.memory_space<vmem>>, vector<16xf32>,
        %swap3A_1811 = arith.constant 0 : i32
        %swap3A_1812 = arith.constant 5 : i32
        %swap3A_1813 = arith.index_cast %swap3A_1811 : i32 to index
        %swap3A_1814 = arith.index_cast %swap3A_1812 : i32 to index
        %swap3A_1815 = arith.index_cast %shift_right_arithmetic3A_1654 : i32 to index
        %swap3A_1816 = arith.index_cast %mul3A_1658 : i32 to index
        %swap3A_1817 = tpu.vector_load %arg6[%swap3A_1813, %swap3A_1814, %swap3A_1815, %swap3A_1816] {strides = array<i32>} : memref<2x18x8x256xf32, #tpu.memory_space<vmem>>, vector<16xf32>,
        tpu.vector_store %arg6[%swap3A_1813, %swap3A_1814, %swap3A_1815, %swap3A_1816], %gather3A_1728 {strides = array<i32>} : memref<2x18x8x256xf32, #tpu.memory_space<vmem>>, vector<16xf32>,
        %swap3A_1818 = arith.constant 0 : i32
        %swap3A_1819 = arith.constant 6 : i32
        %swap3A_1820 = arith.index_cast %swap3A_1818 : i32 to index
        %swap3A_1821 = arith.index_cast %swap3A_1819 : i32 to index
        %swap3A_1822 = arith.index_cast %shift_right_arithmetic3A_1654 : i32 to index
        %swap3A_1823 = arith.index_cast %mul3A_1658 : i32 to index
        %swap3A_1824 = tpu.vector_load %arg6[%swap3A_1820, %swap3A_1821, %swap3A_1822, %swap3A_1823] {strides = array<i32>} : memref<2x18x8x256xf32, #tpu.memory_space<vmem>>, vector<16xf32>,
        tpu.vector_store %arg6[%swap3A_1820, %swap3A_1821, %swap3A_1822, %swap3A_1823], %gather3A_1732 {strides = array<i32>} : memref<2x18x8x256xf32, #tpu.memory_space<vmem>>, vector<16xf32>,
        %swap3A_1825 = arith.constant 0 : i32
        %swap3A_1826 = arith.constant 7 : i32
        %swap3A_1827 = arith.index_cast %swap3A_1825 : i32 to index
        %swap3A_1828 = arith.index_cast %swap3A_1826 : i32 to index
        %swap3A_1829 = arith.index_cast %shift_right_arithmetic3A_1654 : i32 to index
        %swap3A_1830 = arith.index_cast %mul3A_1658 : i32 to index
        %swap3A_1831 = tpu.vector_load %arg6[%swap3A_1827, %swap3A_1828, %swap3A_1829, %swap3A_1830] {strides = array<i32>} : memref<2x18x8x256xf32, #tpu.memory_space<vmem>>, vector<16xf32>,
        tpu.vector_store %arg6[%swap3A_1827, %swap3A_1828, %swap3A_1829, %swap3A_1830], %gather3A_1736 {strides = array<i32>} : memref<2x18x8x256xf32, #tpu.memory_space<vmem>>, vector<16xf32>,
        %swap3A_1832 = arith.constant 0 : i32
        %swap3A_1833 = arith.constant 8 : i32
        %swap3A_1834 = arith.index_cast %swap3A_1832 : i32 to index
        %swap3A_1835 = arith.index_cast %swap3A_1833 : i32 to index
        %swap3A_1836 = arith.index_cast %shift_right_arithmetic3A_1654 : i32 to index
        %swap3A_1837 = arith.index_cast %mul3A_1658 : i32 to index
        %swap3A_1838 = tpu.vector_load %arg6[%swap3A_1834, %swap3A_1835, %swap3A_1836, %swap3A_1837] {strides = array<i32>} : memref<2x18x8x256xf32, #tpu.memory_space<vmem>>, vector<16xf32>,
        tpu.vector_store %arg6[%swap3A_1834, %swap3A_1835, %swap3A_1836, %swap3A_1837], %gather3A_1740 {strides = array<i32>} : memref<2x18x8x256xf32, #tpu.memory_space<vmem>>, vector<16xf32>,
        %swap3A_1839 = arith.constant 0 : i32
        %swap3A_1840 = arith.constant 9 : i32
        %swap3A_1841 = arith.index_cast %swap3A_1839 : i32 to index
        %swap3A_1842 = arith.index_cast %swap3A_1840 : i32 to index
        %swap3A_1843 = arith.index_cast %shift_right_arithmetic3A_1654 : i32 to index
        %swap3A_1844 = arith.index_cast %mul3A_1658 : i32 to index
        %swap3A_1845 = tpu.vector_load %arg6[%swap3A_1841, %swap3A_1842, %swap3A_1843, %swap3A_1844] {strides = array<i32>} : memref<2x18x8x256xf32, #tpu.memory_space<vmem>>, vector<16xf32>,
        tpu.vector_store %arg6[%swap3A_1841, %swap3A_1842, %swap3A_1843, %swap3A_1844], %gather3A_1744 {strides = array<i32>} : memref<2x18x8x256xf32, #tpu.memory_space<vmem>>, vector<16xf32>,
        %swap3A_1846 = arith.constant 0 : i32
        %swap3A_1847 = arith.constant 10 : i32
        %swap3A_1848 = arith.index_cast %swap3A_1846 : i32 to index
        %swap3A_1849 = arith.index_cast %swap3A_1847 : i32 to index
        %swap3A_1850 = arith.index_cast %shift_right_arithmetic3A_1654 : i32 to index
        %swap3A_1851 = arith.index_cast %mul3A_1658 : i32 to index
        %swap3A_1852 = tpu.vector_load %arg6[%swap3A_1848, %swap3A_1849, %swap3A_1850, %swap3A_1851] {strides = array<i32>} : memref<2x18x8x256xf32, #tpu.memory_space<vmem>>, vector<16xf32>,
        tpu.vector_store %arg6[%swap3A_1848, %swap3A_1849, %swap3A_1850, %swap3A_1851], %gather3A_1748 {strides = array<i32>} : memref<2x18x8x256xf32, #tpu.memory_space<vmem>>, vector<16xf32>,
        %swap3A_1853 = arith.constant 0 : i32
        %swap3A_1854 = arith.constant 11 : i32
        %swap3A_1855 = arith.index_cast %swap3A_1853 : i32 to index
        %swap3A_1856 = arith.index_cast %swap3A_1854 : i32 to index
        %swap3A_1857 = arith.index_cast %shift_right_arithmetic3A_1654 : i32 to index
        %swap3A_1858 = arith.index_cast %mul3A_1658 : i32 to index
        %swap3A_1859 = tpu.vector_load %arg6[%swap3A_1855, %swap3A_1856, %swap3A_1857, %swap3A_1858] {strides = array<i32>} : memref<2x18x8x256xf32, #tpu.memory_space<vmem>>, vector<16xf32>,
        tpu.vector_store %arg6[%swap3A_1855, %swap3A_1856, %swap3A_1857, %swap3A_1858], %gather3A_1752 {strides = array<i32>} : memref<2x18x8x256xf32, #tpu.memory_space<vmem>>, vector<16xf32>,
        %swap3A_1860 = arith.constant 0 : i32
        %swap3A_1861 = arith.constant 12 : i32
        %swap3A_1862 = arith.index_cast %swap3A_1860 : i32 to index
        %swap3A_1863 = arith.index_cast %swap3A_1861 : i32 to index
        %swap3A_1864 = arith.index_cast %shift_right_arithmetic3A_1654 : i32 to index
        %swap3A_1865 = arith.index_cast %mul3A_1658 : i32 to index
        %swap3A_1866 = tpu.vector_load %arg6[%swap3A_1862, %swap3A_1863, %swap3A_1864, %swap3A_1865] {strides = array<i32>} : memref<2x18x8x256xf32, #tpu.memory_space<vmem>>, vector<16xf32>,
        tpu.vector_store %arg6[%swap3A_1862, %swap3A_1863, %swap3A_1864, %swap3A_1865], %gather3A_1756 {strides = array<i32>} : memref<2x18x8x256xf32, #tpu.memory_space<vmem>>, vector<16xf32>,
        %swap3A_1867 = arith.constant 0 : i32
        %swap3A_1868 = arith.constant 13 : i32
        %swap3A_1869 = arith.index_cast %swap3A_1867 : i32 to index
        %swap3A_1870 = arith.index_cast %swap3A_1868 : i32 to index
        %swap3A_1871 = arith.index_cast %shift_right_arithmetic3A_1654 : i32 to index
        %swap3A_1872 = arith.index_cast %mul3A_1658 : i32 to index
        %swap3A_1873 = tpu.vector_load %arg6[%swap3A_1869, %swap3A_1870, %swap3A_1871, %swap3A_1872] {strides = array<i32>} : memref<2x18x8x256xf32, #tpu.memory_space<vmem>>, vector<16xf32>,
        tpu.vector_store %arg6[%swap3A_1869, %swap3A_1870, %swap3A_1871, %swap3A_1872], %gather3A_1760 {strides = array<i32>} : memref<2x18x8x256xf32, #tpu.memory_space<vmem>>, vector<16xf32>,
        %swap3A_1874 = arith.constant 0 : i32
        %swap3A_1875 = arith.constant 14 : i32
        %swap3A_1876 = arith.index_cast %swap3A_1874 : i32 to index
        %swap3A_1877 = arith.index_cast %swap3A_1875 : i32 to index
        %swap3A_1878 = arith.index_cast %shift_right_arithmetic3A_1654 : i32 to index
        %swap3A_1879 = arith.index_cast %mul3A_1658 : i32 to index
        %swap3A_1880 = tpu.vector_load %arg6[%swap3A_1876, %swap3A_1877, %swap3A_1878, %swap3A_1879] {strides = array<i32>} : memref<2x18x8x256xf32, #tpu.memory_space<vmem>>, vector<16xf32>,
        tpu.vector_store %arg6[%swap3A_1876, %swap3A_1877, %swap3A_1878, %swap3A_1879], %gather3A_1764 {strides = array<i32>} : memref<2x18x8x256xf32, #tpu.memory_space<vmem>>, vector<16xf32>,
        %swap3A_1881 = arith.constant 0 : i32
        %swap3A_1882 = arith.constant 15 : i32
        %swap3A_1883 = arith.index_cast %swap3A_1881 : i32 to index
        %swap3A_1884 = arith.index_cast %swap3A_1882 : i32 to index
        %swap3A_1885 = arith.index_cast %shift_right_arithmetic3A_1654 : i32 to index
        %swap3A_1886 = arith.index_cast %mul3A_1658 : i32 to index
        %swap3A_1887 = tpu.vector_load %arg6[%swap3A_1883, %swap3A_1884, %swap3A_1885, %swap3A_1886] {strides = array<i32>} : memref<2x18x8x256xf32, #tpu.memory_space<vmem>>, vector<16xf32>,
        tpu.vector_store %arg6[%swap3A_1883, %swap3A_1884, %swap3A_1885, %swap3A_1886], %gather3A_1768 {strides = array<i32>} : memref<2x18x8x256xf32, #tpu.memory_space<vmem>>, vector<16xf32>,
        %swap3A_1888 = arith.constant 0 : i32
        %swap3A_1889 = arith.constant 16 : i32
        %swap3A_1890 = arith.index_cast %swap3A_1888 : i32 to index
        %swap3A_1891 = arith.index_cast %swap3A_1889 : i32 to index
        %swap3A_1892 = arith.index_cast %shift_right_arithmetic3A_1654 : i32 to index
        %swap3A_1893 = arith.index_cast %mul3A_1658 : i32 to index
        %swap3A_1894 = tpu.vector_load %arg6[%swap3A_1890, %swap3A_1891, %swap3A_1892, %swap3A_1893] {strides = array<i32>} : memref<2x18x8x256xf32, #tpu.memory_space<vmem>>, vector<16xf32>,
        tpu.vector_store %arg6[%swap3A_1890, %swap3A_1891, %swap3A_1892, %swap3A_1893], %gather3A_1772 {strides = array<i32>} : memref<2x18x8x256xf32, #tpu.memory_space<vmem>>, vector<16xf32>,
        %swap3A_1895 = arith.constant 0 : i32
        %swap3A_1896 = arith.constant 17 : i32
        %swap3A_1897 = arith.index_cast %swap3A_1895 : i32 to index
        %swap3A_1898 = arith.index_cast %swap3A_1896 : i32 to index
        %swap3A_1899 = arith.index_cast %shift_right_arithmetic3A_1654 : i32 to index
        %swap3A_1900 = arith.index_cast %mul3A_1658 : i32 to index
        %swap3A_1901 = tpu.vector_load %arg6[%swap3A_1897, %swap3A_1898, %swap3A_1899, %swap3A_1900] {strides = array<i32>} : memref<2x18x8x256xf32, #tpu.memory_space<vmem>>, vector<16xf32>,
        tpu.vector_store %arg6[%swap3A_1897, %swap3A_1898, %swap3A_1899, %swap3A_1900], %gather3A_1776 {strides = array<i32>} : memref<2x18x8x256xf32, #tpu.memory_space<vmem>>, vector<16xf32>,
      }
      %scan3A_914 = arith.constant 128 : i32
      %jit3A_915 = arith.constant 64 : i32
      %div3A_916 = arith.divsi %add3A_726, %jit3A_915 : i32
      %sign3A_917 = arith.constant 0 : i32
      %sign3A_918 = arith.cmpi sgt, %add3A_726, %sign3A_917 : i32
      %sign3A_919 = arith.extui %sign3A_918 : i1 to i32
      %sign3A_920 = arith.constant 0 : i32
      %sign3A_921 = arith.cmpi slt, %add3A_726, %sign3A_920 : i32
      %sign3A_922 = arith.extui %sign3A_921 : i1 to i32
      %sign3A_923 = arith.subi %sign3A_919, %sign3A_922 : i32
      %sign3A_924 = arith.constant 0 : i32
      %sign3A_925 = arith.cmpi sgt, %jit3A_915, %sign3A_924 : i32
      %sign3A_926 = arith.extui %sign3A_925 : i1 to i32
      %sign3A_927 = arith.constant 0 : i32
      %sign3A_928 = arith.cmpi slt, %jit3A_915, %sign3A_927 : i32
      %sign3A_929 = arith.extui %sign3A_928 : i1 to i32
      %sign3A_930 = arith.subi %sign3A_926, %sign3A_929 : i32
      %ne3A_931 = arith.cmpi ne, %sign3A_923, %sign3A_930 : i32
      %rem3A_932 = arith.remsi %add3A_726, %jit3A_915 : i32
      %ne3A_933 = arith.constant 0 : i32
      %ne3A_934 = arith.cmpi ne, %rem3A_932, %ne3A_933 : i32
      %and3A_935 = arith.andi %ne3A_931, %ne3A_934 : i1
      %sub3A_936 = arith.constant 1 : i32
      %sub3A_937 = arith.subi %div3A_916, %sub3A_936 : i32
      %select_n3A_938 = arith.select %and3A_935, %sub3A_937, %div3A_916 : i32
      %mul3A_939 = arith.constant 8 : i32
      %mul3A_940 = arith.muli %select_n3A_938, %mul3A_939 : i32
      %jit3A_941 = arith.constant 64 : i32
      %eq3A_942 = arith.constant 0 : i32
      %eq3A_943 = arith.cmpi eq, %jit3A_941, %eq3A_942 : i32
      %jit3A_944 = arith.constant 1 : i32
      %select_n3A_945 = arith.select %eq3A_943, %jit3A_944, %jit3A_941 : i32
      %rem3A_946 = arith.remsi %add3A_726, %select_n3A_945 : i32
      %ne3A_947 = arith.constant 0 : i32
      %ne3A_948 = arith.cmpi ne, %rem3A_946, %ne3A_947 : i32
      %lt3A_949 = arith.constant 0 : i32
      %lt3A_950 = arith.cmpi slt, %rem3A_946, %lt3A_949 : i32
      %lt3A_951 = arith.constant 0 : i32
      %lt3A_952 = arith.cmpi slt, %select_n3A_945, %lt3A_951 : i32
      %ne3A_953 = arith.xori %lt3A_950, %lt3A_952 : i1
      %and3A_954 = arith.andi %ne3A_953, %ne3A_948 : i1
      %add3A_955 = arith.addi %rem3A_946, %select_n3A_945 : i32
      %select_n3A_956 = arith.select %and3A_954, %add3A_955, %rem3A_946 : i32
      %mul3A_957 = arith.constant 256 : i32
      %mul3A_958 = arith.muli %select_n3A_956, %mul3A_957 : i32
      %dma_start3A_959 = arith.constant 0 : i32
      %dma_start3A_960 = arith.constant 0 : i32
      %dma_start3A_961 = arith.constant 0 : i32
      %dma_start3A_962 = arith.constant 0 : i32
      %dma_start3A_963 = arith.constant 0 : i32
      %dma_start3A_964 = tpu.memref_slice %arg6[%dma_start3A_959, %dma_start3A_960, %dma_start3A_962, %dma_start3A_963] : memref<2x18x8x256xf32, #tpu.memory_space<vmem>> -> memref<1x1x8x256xf32, #tpu.memory_space<vmem>>
      %dma_start3A_965 = tpu.memref_squeeze %dma_start3A_964 : memref<1x1x8x256xf32, #tpu.memory_space<vmem>> -> memref<8x256xf32, #tpu.memory_space<vmem>>
      %dma_start3A_966 = tpu.memref_slice %arg4[%dma_start3A_961, %mul3A_940, %mul3A_958] : memref<18x200x16384xf32, #tpu.memory_space<hbm>> -> memref<1x8x256xf32, #tpu.memory_space<hbm>>
      %dma_start3A_967 = tpu.memref_squeeze %dma_start3A_966 : memref<1x8x256xf32, #tpu.memory_space<hbm>> -> memref<8x256xf32, #tpu.memory_space<hbm>>
      %dma_start3A_968 = tpu.memref_slice %arg4[%dma_start3A_961, %mul3A_940, %mul3A_958] : memref<18x200x16384xf32, #tpu.memory_space<hbm>> -> memref<1x8x256xf32, #tpu.memory_space<hbm>>
      %dma_start3A_969 = tpu.memref_squeeze %dma_start3A_968 : memref<1x8x256xf32, #tpu.memory_space<hbm>> -> memref<8x256xf32, #tpu.memory_space<hbm>>
      %dma_start3A_970 = arith.constant 0 : i32
      %dma_start3A_971 = arith.constant 0 : i32
      %dma_start3A_972 = tpu.memref_slice %arg6[%dma_start3A_959, %dma_start3A_960, %dma_start3A_970, %dma_start3A_971] : memref<2x18x8x256xf32, #tpu.memory_space<vmem>> -> memref<1x1x8x256xf32, #tpu.memory_space<vmem>>
      %dma_start3A_973 = tpu.memref_squeeze %dma_start3A_972 : memref<1x1x8x256xf32, #tpu.memory_space<vmem>> -> memref<8x256xf32, #tpu.memory_space<vmem>>
      tpu.enqueue_dma source(%dma_start3A_973 : memref<8x256xf32, #tpu.memory_space<vmem>>) target(%dma_start3A_969 : memref<8x256xf32, #tpu.memory_space<hbm>>) target_semaphore(%arg10 : memref<!tpu.dma_semaphore, #tpu.memory_space<semaphore_mem>>)
      %dma_start3A_974 = arith.constant 0 : i32
      %dma_start3A_975 = arith.constant 1 : i32
      %dma_start3A_976 = arith.constant 1 : i32
      %dma_start3A_977 = arith.constant 0 : i32
      %dma_start3A_978 = arith.constant 0 : i32
      %dma_start3A_979 = tpu.memref_slice %arg6[%dma_start3A_974, %dma_start3A_975, %dma_start3A_977, %dma_start3A_978] : memref<2x18x8x256xf32, #tpu.memory_space<vmem>> -> memref<1x1x8x256xf32, #tpu.memory_space<vmem>>
      %dma_start3A_980 = tpu.memref_squeeze %dma_start3A_979 : memref<1x1x8x256xf32, #tpu.memory_space<vmem>> -> memref<8x256xf32, #tpu.memory_space<vmem>>
      %dma_start3A_981 = tpu.memref_slice %arg4[%dma_start3A_976, %mul3A_940, %mul3A_958] : memref<18x200x16384xf32, #tpu.memory_space<hbm>> -> memref<1x8x256xf32, #tpu.memory_space<hbm>>
      %dma_start3A_982 = tpu.memref_squeeze %dma_start3A_981 : memref<1x8x256xf32, #tpu.memory_space<hbm>> -> memref<8x256xf32, #tpu.memory_space<hbm>>
      %dma_start3A_983 = tpu.memref_slice %arg4[%dma_start3A_976, %mul3A_940, %mul3A_958] : memref<18x200x16384xf32, #tpu.memory_space<hbm>> -> memref<1x8x256xf32, #tpu.memory_space<hbm>>
      %dma_start3A_984 = tpu.memref_squeeze %dma_start3A_983 : memref<1x8x256xf32, #tpu.memory_space<hbm>> -> memref<8x256xf32, #tpu.memory_space<hbm>>
      %dma_start3A_985 = arith.constant 0 : i32
      %dma_start3A_986 = arith.constant 0 : i32
      %dma_start3A_987 = tpu.memref_slice %arg6[%dma_start3A_974, %dma_start3A_975, %dma_start3A_985, %dma_start3A_986] : memref<2x18x8x256xf32, #tpu.memory_space<vmem>> -> memref<1x1x8x256xf32, #tpu.memory_space<vmem>>
      %dma_start3A_988 = tpu.memref_squeeze %dma_start3A_987 : memref<1x1x8x256xf32, #tpu.memory_space<vmem>> -> memref<8x256xf32, #tpu.memory_space<vmem>>
      tpu.enqueue_dma source(%dma_start3A_988 : memref<8x256xf32, #tpu.memory_space<vmem>>) target(%dma_start3A_984 : memref<8x256xf32, #tpu.memory_space<hbm>>) target_semaphore(%arg10 : memref<!tpu.dma_semaphore, #tpu.memory_space<semaphore_mem>>)
      %dma_start3A_989 = arith.constant 0 : i32
      %dma_start3A_990 = arith.constant 2 : i32
      %dma_start3A_991 = arith.constant 2 : i32
      %dma_start3A_992 = arith.constant 0 : i32
      %dma_start3A_993 = arith.constant 0 : i32
      %dma_start3A_994 = tpu.memref_slice %arg6[%dma_start3A_989, %dma_start3A_990, %dma_start3A_992, %dma_start3A_993] : memref<2x18x8x256xf32, #tpu.memory_space<vmem>> -> memref<1x1x8x256xf32, #tpu.memory_space<vmem>>
      %dma_start3A_995 = tpu.memref_squeeze %dma_start3A_994 : memref<1x1x8x256xf32, #tpu.memory_space<vmem>> -> memref<8x256xf32, #tpu.memory_space<vmem>>
      %dma_start3A_996 = tpu.memref_slice %arg4[%dma_start3A_991, %mul3A_940, %mul3A_958] : memref<18x200x16384xf32, #tpu.memory_space<hbm>> -> memref<1x8x256xf32, #tpu.memory_space<hbm>>
      %dma_start3A_997 = tpu.memref_squeeze %dma_start3A_996 : memref<1x8x256xf32, #tpu.memory_space<hbm>> -> memref<8x256xf32, #tpu.memory_space<hbm>>
      %dma_start3A_998 = tpu.memref_slice %arg4[%dma_start3A_991, %mul3A_940, %mul3A_958] : memref<18x200x16384xf32, #tpu.memory_space<hbm>> -> memref<1x8x256xf32, #tpu.memory_space<hbm>>
      %dma_start3A_999 = tpu.memref_squeeze %dma_start3A_998 : memref<1x8x256xf32, #tpu.memory_space<hbm>> -> memref<8x256xf32, #tpu.memory_space<hbm>>
      %dma_start3A_1000 = arith.constant 0 : i32
      %dma_start3A_1001 = arith.constant 0 : i32
      %dma_start3A_1002 = tpu.memref_slice %arg6[%dma_start3A_989, %dma_start3A_990, %dma_start3A_1000, %dma_start3A_1001] : memref<2x18x8x256xf32, #tpu.memory_space<vmem>> -> memref<1x1x8x256xf32, #tpu.memory_space<vmem>>
      %dma_start3A_1003 = tpu.memref_squeeze %dma_start3A_1002 : memref<1x1x8x256xf32, #tpu.memory_space<vmem>> -> memref<8x256xf32, #tpu.memory_space<vmem>>
      tpu.enqueue_dma source(%dma_start3A_1003 : memref<8x256xf32, #tpu.memory_space<vmem>>) target(%dma_start3A_999 : memref<8x256xf32, #tpu.memory_space<hbm>>) target_semaphore(%arg10 : memref<!tpu.dma_semaphore, #tpu.memory_space<semaphore_mem>>)
      %dma_start3A_1004 = arith.constant 0 : i32
      %dma_start3A_1005 = arith.constant 3 : i32
      %dma_start3A_1006 = arith.constant 3 : i32
      %dma_start3A_1007 = arith.constant 0 : i32
      %dma_start3A_1008 = arith.constant 0 : i32
      %dma_start3A_1009 = tpu.memref_slice %arg6[%dma_start3A_1004, %dma_start3A_1005, %dma_start3A_1007, %dma_start3A_1008] : memref<2x18x8x256xf32, #tpu.memory_space<vmem>> -> memref<1x1x8x256xf32, #tpu.memory_space<vmem>>
      %dma_start3A_1010 = tpu.memref_squeeze %dma_start3A_1009 : memref<1x1x8x256xf32, #tpu.memory_space<vmem>> -> memref<8x256xf32, #tpu.memory_space<vmem>>
      %dma_start3A_1011 = tpu.memref_slice %arg4[%dma_start3A_1006, %mul3A_940, %mul3A_958] : memref<18x200x16384xf32, #tpu.memory_space<hbm>> -> memref<1x8x256xf32, #tpu.memory_space<hbm>>
      %dma_start3A_1012 = tpu.memref_squeeze %dma_start3A_1011 : memref<1x8x256xf32, #tpu.memory_space<hbm>> -> memref<8x256xf32, #tpu.memory_space<hbm>>
      %dma_start3A_1013 = tpu.memref_slice %arg4[%dma_start3A_1006, %mul3A_940, %mul3A_958] : memref<18x200x16384xf32, #tpu.memory_space<hbm>> -> memref<1x8x256xf32, #tpu.memory_space<hbm>>
      %dma_start3A_1014 = tpu.memref_squeeze %dma_start3A_1013 : memref<1x8x256xf32, #tpu.memory_space<hbm>> -> memref<8x256xf32, #tpu.memory_space<hbm>>
      %dma_start3A_1015 = arith.constant 0 : i32
      %dma_start3A_1016 = arith.constant 0 : i32
      %dma_start3A_1017 = tpu.memref_slice %arg6[%dma_start3A_1004, %dma_start3A_1005, %dma_start3A_1015, %dma_start3A_1016] : memref<2x18x8x256xf32, #tpu.memory_space<vmem>> -> memref<1x1x8x256xf32, #tpu.memory_space<vmem>>
      %dma_start3A_1018 = tpu.memref_squeeze %dma_start3A_1017 : memref<1x1x8x256xf32, #tpu.memory_space<vmem>> -> memref<8x256xf32, #tpu.memory_space<vmem>>
      tpu.enqueue_dma source(%dma_start3A_1018 : memref<8x256xf32, #tpu.memory_space<vmem>>) target(%dma_start3A_1014 : memref<8x256xf32, #tpu.memory_space<hbm>>) target_semaphore(%arg10 : memref<!tpu.dma_semaphore, #tpu.memory_space<semaphore_mem>>)
      %dma_start3A_1019 = arith.constant 0 : i32
      %dma_start3A_1020 = arith.constant 4 : i32
      %dma_start3A_1021 = arith.constant 4 : i32
      %dma_start3A_1022 = arith.constant 0 : i32
      %dma_start3A_1023 = arith.constant 0 : i32
      %dma_start3A_1024 = tpu.memref_slice %arg6[%dma_start3A_1019, %dma_start3A_1020, %dma_start3A_1022, %dma_start3A_1023] : memref<2x18x8x256xf32, #tpu.memory_space<vmem>> -> memref<1x1x8x256xf32, #tpu.memory_space<vmem>>
      %dma_start3A_1025 = tpu.memref_squeeze %dma_start3A_1024 : memref<1x1x8x256xf32, #tpu.memory_space<vmem>> -> memref<8x256xf32, #tpu.memory_space<vmem>>
      %dma_start3A_1026 = tpu.memref_slice %arg4[%dma_start3A_1021, %mul3A_940, %mul3A_958] : memref<18x200x16384xf32, #tpu.memory_space<hbm>> -> memref<1x8x256xf32, #tpu.memory_space<hbm>>
      %dma_start3A_1027 = tpu.memref_squeeze %dma_start3A_1026 : memref<1x8x256xf32, #tpu.memory_space<hbm>> -> memref<8x256xf32, #tpu.memory_space<hbm>>
      %dma_start3A_1028 = tpu.memref_slice %arg4[%dma_start3A_1021, %mul3A_940, %mul3A_958] : memref<18x200x16384xf32, #tpu.memory_space<hbm>> -> memref<1x8x256xf32, #tpu.memory_space<hbm>>
      %dma_start3A_1029 = tpu.memref_squeeze %dma_start3A_1028 : memref<1x8x256xf32, #tpu.memory_space<hbm>> -> memref<8x256xf32, #tpu.memory_space<hbm>>
      %dma_start3A_1030 = arith.constant 0 : i32
      %dma_start3A_1031 = arith.constant 0 : i32
      %dma_start3A_1032 = tpu.memref_slice %arg6[%dma_start3A_1019, %dma_start3A_1020, %dma_start3A_1030, %dma_start3A_1031] : memref<2x18x8x256xf32, #tpu.memory_space<vmem>> -> memref<1x1x8x256xf32, #tpu.memory_space<vmem>>
      %dma_start3A_1033 = tpu.memref_squeeze %dma_start3A_1032 : memref<1x1x8x256xf32, #tpu.memory_space<vmem>> -> memref<8x256xf32, #tpu.memory_space<vmem>>
      tpu.enqueue_dma source(%dma_start3A_1033 : memref<8x256xf32, #tpu.memory_space<vmem>>) target(%dma_start3A_1029 : memref<8x256xf32, #tpu.memory_space<hbm>>) target_semaphore(%arg10 : memref<!tpu.dma_semaphore, #tpu.memory_space<semaphore_mem>>)
      %dma_start3A_1034 = arith.constant 0 : i32
      %dma_start3A_1035 = arith.constant 5 : i32
      %dma_start3A_1036 = arith.constant 5 : i32
      %dma_start3A_1037 = arith.constant 0 : i32
      %dma_start3A_1038 = arith.constant 0 : i32
      %dma_start3A_1039 = tpu.memref_slice %arg6[%dma_start3A_1034, %dma_start3A_1035, %dma_start3A_1037, %dma_start3A_1038] : memref<2x18x8x256xf32, #tpu.memory_space<vmem>> -> memref<1x1x8x256xf32, #tpu.memory_space<vmem>>
      %dma_start3A_1040 = tpu.memref_squeeze %dma_start3A_1039 : memref<1x1x8x256xf32, #tpu.memory_space<vmem>> -> memref<8x256xf32, #tpu.memory_space<vmem>>
      %dma_start3A_1041 = tpu.memref_slice %arg4[%dma_start3A_1036, %mul3A_940, %mul3A_958] : memref<18x200x16384xf32, #tpu.memory_space<hbm>> -> memref<1x8x256xf32, #tpu.memory_space<hbm>>
      %dma_start3A_1042 = tpu.memref_squeeze %dma_start3A_1041 : memref<1x8x256xf32, #tpu.memory_space<hbm>> -> memref<8x256xf32, #tpu.memory_space<hbm>>
      %dma_start3A_1043 = tpu.memref_slice %arg4[%dma_start3A_1036, %mul3A_940, %mul3A_958] : memref<18x200x16384xf32, #tpu.memory_space<hbm>> -> memref<1x8x256xf32, #tpu.memory_space<hbm>>
      %dma_start3A_1044 = tpu.memref_squeeze %dma_start3A_1043 : memref<1x8x256xf32, #tpu.memory_space<hbm>> -> memref<8x256xf32, #tpu.memory_space<hbm>>
      %dma_start3A_1045 = arith.constant 0 : i32
      %dma_start3A_1046 = arith.constant 0 : i32
      %dma_start3A_1047 = tpu.memref_slice %arg6[%dma_start3A_1034, %dma_start3A_1035, %dma_start3A_1045, %dma_start3A_1046] : memref<2x18x8x256xf32, #tpu.memory_space<vmem>> -> memref<1x1x8x256xf32, #tpu.memory_space<vmem>>
      %dma_start3A_1048 = tpu.memref_squeeze %dma_start3A_1047 : memref<1x1x8x256xf32, #tpu.memory_space<vmem>> -> memref<8x256xf32, #tpu.memory_space<vmem>>
      tpu.enqueue_dma source(%dma_start3A_1048 : memref<8x256xf32, #tpu.memory_space<vmem>>) target(%dma_start3A_1044 : memref<8x256xf32, #tpu.memory_space<hbm>>) target_semaphore(%arg10 : memref<!tpu.dma_semaphore, #tpu.memory_space<semaphore_mem>>)
      %dma_start3A_1049 = arith.constant 0 : i32
      %dma_start3A_1050 = arith.constant 6 : i32
      %dma_start3A_1051 = arith.constant 6 : i32
      %dma_start3A_1052 = arith.constant 0 : i32
      %dma_start3A_1053 = arith.constant 0 : i32
      %dma_start3A_1054 = tpu.memref_slice %arg6[%dma_start3A_1049, %dma_start3A_1050, %dma_start3A_1052, %dma_start3A_1053] : memref<2x18x8x256xf32, #tpu.memory_space<vmem>> -> memref<1x1x8x256xf32, #tpu.memory_space<vmem>>
      %dma_start3A_1055 = tpu.memref_squeeze %dma_start3A_1054 : memref<1x1x8x256xf32, #tpu.memory_space<vmem>> -> memref<8x256xf32, #tpu.memory_space<vmem>>
      %dma_start3A_1056 = tpu.memref_slice %arg4[%dma_start3A_1051, %mul3A_940, %mul3A_958] : memref<18x200x16384xf32, #tpu.memory_space<hbm>> -> memref<1x8x256xf32, #tpu.memory_space<hbm>>
      %dma_start3A_1057 = tpu.memref_squeeze %dma_start3A_1056 : memref<1x8x256xf32, #tpu.memory_space<hbm>> -> memref<8x256xf32, #tpu.memory_space<hbm>>
      %dma_start3A_1058 = tpu.memref_slice %arg4[%dma_start3A_1051, %mul3A_940, %mul3A_958] : memref<18x200x16384xf32, #tpu.memory_space<hbm>> -> memref<1x8x256xf32, #tpu.memory_space<hbm>>
      %dma_start3A_1059 = tpu.memref_squeeze %dma_start3A_1058 : memref<1x8x256xf32, #tpu.memory_space<hbm>> -> memref<8x256xf32, #tpu.memory_space<hbm>>
      %dma_start3A_1060 = arith.constant 0 : i32
      %dma_start3A_1061 = arith.constant 0 : i32
      %dma_start3A_1062 = tpu.memref_slice %arg6[%dma_start3A_1049, %dma_start3A_1050, %dma_start3A_1060, %dma_start3A_1061] : memref<2x18x8x256xf32, #tpu.memory_space<vmem>> -> memref<1x1x8x256xf32, #tpu.memory_space<vmem>>
      %dma_start3A_1063 = tpu.memref_squeeze %dma_start3A_1062 : memref<1x1x8x256xf32, #tpu.memory_space<vmem>> -> memref<8x256xf32, #tpu.memory_space<vmem>>
      tpu.enqueue_dma source(%dma_start3A_1063 : memref<8x256xf32, #tpu.memory_space<vmem>>) target(%dma_start3A_1059 : memref<8x256xf32, #tpu.memory_space<hbm>>) target_semaphore(%arg10 : memref<!tpu.dma_semaphore, #tpu.memory_space<semaphore_mem>>)
      %dma_start3A_1064 = arith.constant 0 : i32
      %dma_start3A_1065 = arith.constant 7 : i32
      %dma_start3A_1066 = arith.constant 7 : i32
      %dma_start3A_1067 = arith.constant 0 : i32
      %dma_start3A_1068 = arith.constant 0 : i32
      %dma_start3A_1069 = tpu.memref_slice %arg6[%dma_start3A_1064, %dma_start3A_1065, %dma_start3A_1067, %dma_start3A_1068] : memref<2x18x8x256xf32, #tpu.memory_space<vmem>> -> memref<1x1x8x256xf32, #tpu.memory_space<vmem>>
      %dma_start3A_1070 = tpu.memref_squeeze %dma_start3A_1069 : memref<1x1x8x256xf32, #tpu.memory_space<vmem>> -> memref<8x256xf32, #tpu.memory_space<vmem>>
      %dma_start3A_1071 = tpu.memref_slice %arg4[%dma_start3A_1066, %mul3A_940, %mul3A_958] : memref<18x200x16384xf32, #tpu.memory_space<hbm>> -> memref<1x8x256xf32, #tpu.memory_space<hbm>>
      %dma_start3A_1072 = tpu.memref_squeeze %dma_start3A_1071 : memref<1x8x256xf32, #tpu.memory_space<hbm>> -> memref<8x256xf32, #tpu.memory_space<hbm>>
      %dma_start3A_1073 = tpu.memref_slice %arg4[%dma_start3A_1066, %mul3A_940, %mul3A_958] : memref<18x200x16384xf32, #tpu.memory_space<hbm>> -> memref<1x8x256xf32, #tpu.memory_space<hbm>>
      %dma_start3A_1074 = tpu.memref_squeeze %dma_start3A_1073 : memref<1x8x256xf32, #tpu.memory_space<hbm>> -> memref<8x256xf32, #tpu.memory_space<hbm>>
      %dma_start3A_1075 = arith.constant 0 : i32
      %dma_start3A_1076 = arith.constant 0 : i32
      %dma_start3A_1077 = tpu.memref_slice %arg6[%dma_start3A_1064, %dma_start3A_1065, %dma_start3A_1075, %dma_start3A_1076] : memref<2x18x8x256xf32, #tpu.memory_space<vmem>> -> memref<1x1x8x256xf32, #tpu.memory_space<vmem>>
      %dma_start3A_1078 = tpu.memref_squeeze %dma_start3A_1077 : memref<1x1x8x256xf32, #tpu.memory_space<vmem>> -> memref<8x256xf32, #tpu.memory_space<vmem>>
      tpu.enqueue_dma source(%dma_start3A_1078 : memref<8x256xf32, #tpu.memory_space<vmem>>) target(%dma_start3A_1074 : memref<8x256xf32, #tpu.memory_space<hbm>>) target_semaphore(%arg10 : memref<!tpu.dma_semaphore, #tpu.memory_space<semaphore_mem>>)
      %dma_start3A_1079 = arith.constant 0 : i32
      %dma_start3A_1080 = arith.constant 8 : i32
      %dma_start3A_1081 = arith.constant 8 : i32
      %dma_start3A_1082 = arith.constant 0 : i32
      %dma_start3A_1083 = arith.constant 0 : i32
      %dma_start3A_1084 = tpu.memref_slice %arg6[%dma_start3A_1079, %dma_start3A_1080, %dma_start3A_1082, %dma_start3A_1083] : memref<2x18x8x256xf32, #tpu.memory_space<vmem>> -> memref<1x1x8x256xf32, #tpu.memory_space<vmem>>
      %dma_start3A_1085 = tpu.memref_squeeze %dma_start3A_1084 : memref<1x1x8x256xf32, #tpu.memory_space<vmem>> -> memref<8x256xf32, #tpu.memory_space<vmem>>
      %dma_start3A_1086 = tpu.memref_slice %arg4[%dma_start3A_1081, %mul3A_940, %mul3A_958] : memref<18x200x16384xf32, #tpu.memory_space<hbm>> -> memref<1x8x256xf32, #tpu.memory_space<hbm>>
      %dma_start3A_1087 = tpu.memref_squeeze %dma_start3A_1086 : memref<1x8x256xf32, #tpu.memory_space<hbm>> -> memref<8x256xf32, #tpu.memory_space<hbm>>
      %dma_start3A_1088 = tpu.memref_slice %arg4[%dma_start3A_1081, %mul3A_940, %mul3A_958] : memref<18x200x16384xf32, #tpu.memory_space<hbm>> -> memref<1x8x256xf32, #tpu.memory_space<hbm>>
      %dma_start3A_1089 = tpu.memref_squeeze %dma_start3A_1088 : memref<1x8x256xf32, #tpu.memory_space<hbm>> -> memref<8x256xf32, #tpu.memory_space<hbm>>
      %dma_start3A_1090 = arith.constant 0 : i32
      %dma_start3A_1091 = arith.constant 0 : i32
      %dma_start3A_1092 = tpu.memref_slice %arg6[%dma_start3A_1079, %dma_start3A_1080, %dma_start3A_1090, %dma_start3A_1091] : memref<2x18x8x256xf32, #tpu.memory_space<vmem>> -> memref<1x1x8x256xf32, #tpu.memory_space<vmem>>
      %dma_start3A_1093 = tpu.memref_squeeze %dma_start3A_1092 : memref<1x1x8x256xf32, #tpu.memory_space<vmem>> -> memref<8x256xf32, #tpu.memory_space<vmem>>
      tpu.enqueue_dma source(%dma_start3A_1093 : memref<8x256xf32, #tpu.memory_space<vmem>>) target(%dma_start3A_1089 : memref<8x256xf32, #tpu.memory_space<hbm>>) target_semaphore(%arg10 : memref<!tpu.dma_semaphore, #tpu.memory_space<semaphore_mem>>)
      %dma_start3A_1094 = arith.constant 0 : i32
      %dma_start3A_1095 = arith.constant 9 : i32
      %dma_start3A_1096 = arith.constant 9 : i32
      %dma_start3A_1097 = arith.constant 0 : i32
      %dma_start3A_1098 = arith.constant 0 : i32
      %dma_start3A_1099 = tpu.memref_slice %arg6[%dma_start3A_1094, %dma_start3A_1095, %dma_start3A_1097, %dma_start3A_1098] : memref<2x18x8x256xf32, #tpu.memory_space<vmem>> -> memref<1x1x8x256xf32, #tpu.memory_space<vmem>>
      %dma_start3A_1100 = tpu.memref_squeeze %dma_start3A_1099 : memref<1x1x8x256xf32, #tpu.memory_space<vmem>> -> memref<8x256xf32, #tpu.memory_space<vmem>>
      %dma_start3A_1101 = tpu.memref_slice %arg4[%dma_start3A_1096, %mul3A_940, %mul3A_958] : memref<18x200x16384xf32, #tpu.memory_space<hbm>> -> memref<1x8x256xf32, #tpu.memory_space<hbm>>
      %dma_start3A_1102 = tpu.memref_squeeze %dma_start3A_1101 : memref<1x8x256xf32, #tpu.memory_space<hbm>> -> memref<8x256xf32, #tpu.memory_space<hbm>>
      %dma_start3A_1103 = tpu.memref_slice %arg4[%dma_start3A_1096, %mul3A_940, %mul3A_958] : memref<18x200x16384xf32, #tpu.memory_space<hbm>> -> memref<1x8x256xf32, #tpu.memory_space<hbm>>
      %dma_start3A_1104 = tpu.memref_squeeze %dma_start3A_1103 : memref<1x8x256xf32, #tpu.memory_space<hbm>> -> memref<8x256xf32, #tpu.memory_space<hbm>>
      %dma_start3A_1105 = arith.constant 0 : i32
      %dma_start3A_1106 = arith.constant 0 : i32
      %dma_start3A_1107 = tpu.memref_slice %arg6[%dma_start3A_1094, %dma_start3A_1095, %dma_start3A_1105, %dma_start3A_1106] : memref<2x18x8x256xf32, #tpu.memory_space<vmem>> -> memref<1x1x8x256xf32, #tpu.memory_space<vmem>>
      %dma_start3A_1108 = tpu.memref_squeeze %dma_start3A_1107 : memref<1x1x8x256xf32, #tpu.memory_space<vmem>> -> memref<8x256xf32, #tpu.memory_space<vmem>>
      tpu.enqueue_dma source(%dma_start3A_1108 : memref<8x256xf32, #tpu.memory_space<vmem>>) target(%dma_start3A_1104 : memref<8x256xf32, #tpu.memory_space<hbm>>) target_semaphore(%arg10 : memref<!tpu.dma_semaphore, #tpu.memory_space<semaphore_mem>>)
      %dma_start3A_1109 = arith.constant 0 : i32
      %dma_start3A_1110 = arith.constant 10 : i32
      %dma_start3A_1111 = arith.constant 10 : i32
      %dma_start3A_1112 = arith.constant 0 : i32
      %dma_start3A_1113 = arith.constant 0 : i32
      %dma_start3A_1114 = tpu.memref_slice %arg6[%dma_start3A_1109, %dma_start3A_1110, %dma_start3A_1112, %dma_start3A_1113] : memref<2x18x8x256xf32, #tpu.memory_space<vmem>> -> memref<1x1x8x256xf32, #tpu.memory_space<vmem>>
      %dma_start3A_1115 = tpu.memref_squeeze %dma_start3A_1114 : memref<1x1x8x256xf32, #tpu.memory_space<vmem>> -> memref<8x256xf32, #tpu.memory_space<vmem>>
      %dma_start3A_1116 = tpu.memref_slice %arg4[%dma_start3A_1111, %mul3A_940, %mul3A_958] : memref<18x200x16384xf32, #tpu.memory_space<hbm>> -> memref<1x8x256xf32, #tpu.memory_space<hbm>>
      %dma_start3A_1117 = tpu.memref_squeeze %dma_start3A_1116 : memref<1x8x256xf32, #tpu.memory_space<hbm>> -> memref<8x256xf32, #tpu.memory_space<hbm>>
      %dma_start3A_1118 = tpu.memref_slice %arg4[%dma_start3A_1111, %mul3A_940, %mul3A_958] : memref<18x200x16384xf32, #tpu.memory_space<hbm>> -> memref<1x8x256xf32, #tpu.memory_space<hbm>>
      %dma_start3A_1119 = tpu.memref_squeeze %dma_start3A_1118 : memref<1x8x256xf32, #tpu.memory_space<hbm>> -> memref<8x256xf32, #tpu.memory_space<hbm>>
      %dma_start3A_1120 = arith.constant 0 : i32
      %dma_start3A_1121 = arith.constant 0 : i32
      %dma_start3A_1122 = tpu.memref_slice %arg6[%dma_start3A_1109, %dma_start3A_1110, %dma_start3A_1120, %dma_start3A_1121] : memref<2x18x8x256xf32, #tpu.memory_space<vmem>> -> memref<1x1x8x256xf32, #tpu.memory_space<vmem>>
      %dma_start3A_1123 = tpu.memref_squeeze %dma_start3A_1122 : memref<1x1x8x256xf32, #tpu.memory_space<vmem>> -> memref<8x256xf32, #tpu.memory_space<vmem>>
      tpu.enqueue_dma source(%dma_start3A_1123 : memref<8x256xf32, #tpu.memory_space<vmem>>) target(%dma_start3A_1119 : memref<8x256xf32, #tpu.memory_space<hbm>>) target_semaphore(%arg10 : memref<!tpu.dma_semaphore, #tpu.memory_space<semaphore_mem>>)
      %dma_start3A_1124 = arith.constant 0 : i32
      %dma_start3A_1125 = arith.constant 11 : i32
      %dma_start3A_1126 = arith.constant 11 : i32
      %dma_start3A_1127 = arith.constant 0 : i32
      %dma_start3A_1128 = arith.constant 0 : i32
      %dma_start3A_1129 = tpu.memref_slice %arg6[%dma_start3A_1124, %dma_start3A_1125, %dma_start3A_1127, %dma_start3A_1128] : memref<2x18x8x256xf32, #tpu.memory_space<vmem>> -> memref<1x1x8x256xf32, #tpu.memory_space<vmem>>
      %dma_start3A_1130 = tpu.memref_squeeze %dma_start3A_1129 : memref<1x1x8x256xf32, #tpu.memory_space<vmem>> -> memref<8x256xf32, #tpu.memory_space<vmem>>
      %dma_start3A_1131 = tpu.memref_slice %arg4[%dma_start3A_1126, %mul3A_940, %mul3A_958] : memref<18x200x16384xf32, #tpu.memory_space<hbm>> -> memref<1x8x256xf32, #tpu.memory_space<hbm>>
      %dma_start3A_1132 = tpu.memref_squeeze %dma_start3A_1131 : memref<1x8x256xf32, #tpu.memory_space<hbm>> -> memref<8x256xf32, #tpu.memory_space<hbm>>
      %dma_start3A_1133 = tpu.memref_slice %arg4[%dma_start3A_1126, %mul3A_940, %mul3A_958] : memref<18x200x16384xf32, #tpu.memory_space<hbm>> -> memref<1x8x256xf32, #tpu.memory_space<hbm>>
      %dma_start3A_1134 = tpu.memref_squeeze %dma_start3A_1133 : memref<1x8x256xf32, #tpu.memory_space<hbm>> -> memref<8x256xf32, #tpu.memory_space<hbm>>
      %dma_start3A_1135 = arith.constant 0 : i32
      %dma_start3A_1136 = arith.constant 0 : i32
      %dma_start3A_1137 = tpu.memref_slice %arg6[%dma_start3A_1124, %dma_start3A_1125, %dma_start3A_1135, %dma_start3A_1136] : memref<2x18x8x256xf32, #tpu.memory_space<vmem>> -> memref<1x1x8x256xf32, #tpu.memory_space<vmem>>
      %dma_start3A_1138 = tpu.memref_squeeze %dma_start3A_1137 : memref<1x1x8x256xf32, #tpu.memory_space<vmem>> -> memref<8x256xf32, #tpu.memory_space<vmem>>
      tpu.enqueue_dma source(%dma_start3A_1138 : memref<8x256xf32, #tpu.memory_space<vmem>>) target(%dma_start3A_1134 : memref<8x256xf32, #tpu.memory_space<hbm>>) target_semaphore(%arg10 : memref<!tpu.dma_semaphore, #tpu.memory_space<semaphore_mem>>)
      %dma_start3A_1139 = arith.constant 0 : i32
      %dma_start3A_1140 = arith.constant 12 : i32
      %dma_start3A_1141 = arith.constant 12 : i32
      %dma_start3A_1142 = arith.constant 0 : i32
      %dma_start3A_1143 = arith.constant 0 : i32
      %dma_start3A_1144 = tpu.memref_slice %arg6[%dma_start3A_1139, %dma_start3A_1140, %dma_start3A_1142, %dma_start3A_1143] : memref<2x18x8x256xf32, #tpu.memory_space<vmem>> -> memref<1x1x8x256xf32, #tpu.memory_space<vmem>>
      %dma_start3A_1145 = tpu.memref_squeeze %dma_start3A_1144 : memref<1x1x8x256xf32, #tpu.memory_space<vmem>> -> memref<8x256xf32, #tpu.memory_space<vmem>>
      %dma_start3A_1146 = tpu.memref_slice %arg4[%dma_start3A_1141, %mul3A_940, %mul3A_958] : memref<18x200x16384xf32, #tpu.memory_space<hbm>> -> memref<1x8x256xf32, #tpu.memory_space<hbm>>
      %dma_start3A_1147 = tpu.memref_squeeze %dma_start3A_1146 : memref<1x8x256xf32, #tpu.memory_space<hbm>> -> memref<8x256xf32, #tpu.memory_space<hbm>>
      %dma_start3A_1148 = tpu.memref_slice %arg4[%dma_start3A_1141, %mul3A_940, %mul3A_958] : memref<18x200x16384xf32, #tpu.memory_space<hbm>> -> memref<1x8x256xf32, #tpu.memory_space<hbm>>
      %dma_start3A_1149 = tpu.memref_squeeze %dma_start3A_1148 : memref<1x8x256xf32, #tpu.memory_space<hbm>> -> memref<8x256xf32, #tpu.memory_space<hbm>>
      %dma_start3A_1150 = arith.constant 0 : i32
      %dma_start3A_1151 = arith.constant 0 : i32
      %dma_start3A_1152 = tpu.memref_slice %arg6[%dma_start3A_1139, %dma_start3A_1140, %dma_start3A_1150, %dma_start3A_1151] : memref<2x18x8x256xf32, #tpu.memory_space<vmem>> -> memref<1x1x8x256xf32, #tpu.memory_space<vmem>>
      %dma_start3A_1153 = tpu.memref_squeeze %dma_start3A_1152 : memref<1x1x8x256xf32, #tpu.memory_space<vmem>> -> memref<8x256xf32, #tpu.memory_space<vmem>>
      tpu.enqueue_dma source(%dma_start3A_1153 : memref<8x256xf32, #tpu.memory_space<vmem>>) target(%dma_start3A_1149 : memref<8x256xf32, #tpu.memory_space<hbm>>) target_semaphore(%arg10 : memref<!tpu.dma_semaphore, #tpu.memory_space<semaphore_mem>>)
      %dma_start3A_1154 = arith.constant 0 : i32
      %dma_start3A_1155 = arith.constant 13 : i32
      %dma_start3A_1156 = arith.constant 13 : i32
      %dma_start3A_1157 = arith.constant 0 : i32
      %dma_start3A_1158 = arith.constant 0 : i32
      %dma_start3A_1159 = tpu.memref_slice %arg6[%dma_start3A_1154, %dma_start3A_1155, %dma_start3A_1157, %dma_start3A_1158] : memref<2x18x8x256xf32, #tpu.memory_space<vmem>> -> memref<1x1x8x256xf32, #tpu.memory_space<vmem>>
      %dma_start3A_1160 = tpu.memref_squeeze %dma_start3A_1159 : memref<1x1x8x256xf32, #tpu.memory_space<vmem>> -> memref<8x256xf32, #tpu.memory_space<vmem>>
      %dma_start3A_1161 = tpu.memref_slice %arg4[%dma_start3A_1156, %mul3A_940, %mul3A_958] : memref<18x200x16384xf32, #tpu.memory_space<hbm>> -> memref<1x8x256xf32, #tpu.memory_space<hbm>>
      %dma_start3A_1162 = tpu.memref_squeeze %dma_start3A_1161 : memref<1x8x256xf32, #tpu.memory_space<hbm>> -> memref<8x256xf32, #tpu.memory_space<hbm>>
      %dma_start3A_1163 = tpu.memref_slice %arg4[%dma_start3A_1156, %mul3A_940, %mul3A_958] : memref<18x200x16384xf32, #tpu.memory_space<hbm>> -> memref<1x8x256xf32, #tpu.memory_space<hbm>>
      %dma_start3A_1164 = tpu.memref_squeeze %dma_start3A_1163 : memref<1x8x256xf32, #tpu.memory_space<hbm>> -> memref<8x256xf32, #tpu.memory_space<hbm>>
      %dma_start3A_1165 = arith.constant 0 : i32
      %dma_start3A_1166 = arith.constant 0 : i32
      %dma_start3A_1167 = tpu.memref_slice %arg6[%dma_start3A_1154, %dma_start3A_1155, %dma_start3A_1165, %dma_start3A_1166] : memref<2x18x8x256xf32, #tpu.memory_space<vmem>> -> memref<1x1x8x256xf32, #tpu.memory_space<vmem>>
      %dma_start3A_1168 = tpu.memref_squeeze %dma_start3A_1167 : memref<1x1x8x256xf32, #tpu.memory_space<vmem>> -> memref<8x256xf32, #tpu.memory_space<vmem>>
      tpu.enqueue_dma source(%dma_start3A_1168 : memref<8x256xf32, #tpu.memory_space<vmem>>) target(%dma_start3A_1164 : memref<8x256xf32, #tpu.memory_space<hbm>>) target_semaphore(%arg10 : memref<!tpu.dma_semaphore, #tpu.memory_space<semaphore_mem>>)
      %dma_start3A_1169 = arith.constant 0 : i32
      %dma_start3A_1170 = arith.constant 14 : i32
      %dma_start3A_1171 = arith.constant 14 : i32
      %dma_start3A_1172 = arith.constant 0 : i32
      %dma_start3A_1173 = arith.constant 0 : i32
      %dma_start3A_1174 = tpu.memref_slice %arg6[%dma_start3A_1169, %dma_start3A_1170, %dma_start3A_1172, %dma_start3A_1173] : memref<2x18x8x256xf32, #tpu.memory_space<vmem>> -> memref<1x1x8x256xf32, #tpu.memory_space<vmem>>
      %dma_start3A_1175 = tpu.memref_squeeze %dma_start3A_1174 : memref<1x1x8x256xf32, #tpu.memory_space<vmem>> -> memref<8x256xf32, #tpu.memory_space<vmem>>
      %dma_start3A_1176 = tpu.memref_slice %arg4[%dma_start3A_1171, %mul3A_940, %mul3A_958] : memref<18x200x16384xf32, #tpu.memory_space<hbm>> -> memref<1x8x256xf32, #tpu.memory_space<hbm>>
      %dma_start3A_1177 = tpu.memref_squeeze %dma_start3A_1176 : memref<1x8x256xf32, #tpu.memory_space<hbm>> -> memref<8x256xf32, #tpu.memory_space<hbm>>
      %dma_start3A_1178 = tpu.memref_slice %arg4[%dma_start3A_1171, %mul3A_940, %mul3A_958] : memref<18x200x16384xf32, #tpu.memory_space<hbm>> -> memref<1x8x256xf32, #tpu.memory_space<hbm>>
      %dma_start3A_1179 = tpu.memref_squeeze %dma_start3A_1178 : memref<1x8x256xf32, #tpu.memory_space<hbm>> -> memref<8x256xf32, #tpu.memory_space<hbm>>
      %dma_start3A_1180 = arith.constant 0 : i32
      %dma_start3A_1181 = arith.constant 0 : i32
      %dma_start3A_1182 = tpu.memref_slice %arg6[%dma_start3A_1169, %dma_start3A_1170, %dma_start3A_1180, %dma_start3A_1181] : memref<2x18x8x256xf32, #tpu.memory_space<vmem>> -> memref<1x1x8x256xf32, #tpu.memory_space<vmem>>
      %dma_start3A_1183 = tpu.memref_squeeze %dma_start3A_1182 : memref<1x1x8x256xf32, #tpu.memory_space<vmem>> -> memref<8x256xf32, #tpu.memory_space<vmem>>
      tpu.enqueue_dma source(%dma_start3A_1183 : memref<8x256xf32, #tpu.memory_space<vmem>>) target(%dma_start3A_1179 : memref<8x256xf32, #tpu.memory_space<hbm>>) target_semaphore(%arg10 : memref<!tpu.dma_semaphore, #tpu.memory_space<semaphore_mem>>)
      %dma_start3A_1184 = arith.constant 0 : i32
      %dma_start3A_1185 = arith.constant 15 : i32
      %dma_start3A_1186 = arith.constant 15 : i32
      %dma_start3A_1187 = arith.constant 0 : i32
      %dma_start3A_1188 = arith.constant 0 : i32
      %dma_start3A_1189 = tpu.memref_slice %arg6[%dma_start3A_1184, %dma_start3A_1185, %dma_start3A_1187, %dma_start3A_1188] : memref<2x18x8x256xf32, #tpu.memory_space<vmem>> -> memref<1x1x8x256xf32, #tpu.memory_space<vmem>>
      %dma_start3A_1190 = tpu.memref_squeeze %dma_start3A_1189 : memref<1x1x8x256xf32, #tpu.memory_space<vmem>> -> memref<8x256xf32, #tpu.memory_space<vmem>>
      %dma_start3A_1191 = tpu.memref_slice %arg4[%dma_start3A_1186, %mul3A_940, %mul3A_958] : memref<18x200x16384xf32, #tpu.memory_space<hbm>> -> memref<1x8x256xf32, #tpu.memory_space<hbm>>
      %dma_start3A_1192 = tpu.memref_squeeze %dma_start3A_1191 : memref<1x8x256xf32, #tpu.memory_space<hbm>> -> memref<8x256xf32, #tpu.memory_space<hbm>>
      %dma_start3A_1193 = tpu.memref_slice %arg4[%dma_start3A_1186, %mul3A_940, %mul3A_958] : memref<18x200x16384xf32, #tpu.memory_space<hbm>> -> memref<1x8x256xf32, #tpu.memory_space<hbm>>
      %dma_start3A_1194 = tpu.memref_squeeze %dma_start3A_1193 : memref<1x8x256xf32, #tpu.memory_space<hbm>> -> memref<8x256xf32, #tpu.memory_space<hbm>>
      %dma_start3A_1195 = arith.constant 0 : i32
      %dma_start3A_1196 = arith.constant 0 : i32
      %dma_start3A_1197 = tpu.memref_slice %arg6[%dma_start3A_1184, %dma_start3A_1185, %dma_start3A_1195, %dma_start3A_1196] : memref<2x18x8x256xf32, #tpu.memory_space<vmem>> -> memref<1x1x8x256xf32, #tpu.memory_space<vmem>>
      %dma_start3A_1198 = tpu.memref_squeeze %dma_start3A_1197 : memref<1x1x8x256xf32, #tpu.memory_space<vmem>> -> memref<8x256xf32, #tpu.memory_space<vmem>>
      tpu.enqueue_dma source(%dma_start3A_1198 : memref<8x256xf32, #tpu.memory_space<vmem>>) target(%dma_start3A_1194 : memref<8x256xf32, #tpu.memory_space<hbm>>) target_semaphore(%arg10 : memref<!tpu.dma_semaphore, #tpu.memory_space<semaphore_mem>>)
      %dma_start3A_1199 = arith.constant 0 : i32
      %dma_start3A_1200 = arith.constant 16 : i32
      %dma_start3A_1201 = arith.constant 16 : i32
      %dma_start3A_1202 = arith.constant 0 : i32
      %dma_start3A_1203 = arith.constant 0 : i32
      %dma_start3A_1204 = tpu.memref_slice %arg6[%dma_start3A_1199, %dma_start3A_1200, %dma_start3A_1202, %dma_start3A_1203] : memref<2x18x8x256xf32, #tpu.memory_space<vmem>> -> memref<1x1x8x256xf32, #tpu.memory_space<vmem>>
      %dma_start3A_1205 = tpu.memref_squeeze %dma_start3A_1204 : memref<1x1x8x256xf32, #tpu.memory_space<vmem>> -> memref<8x256xf32, #tpu.memory_space<vmem>>
      %dma_start3A_1206 = tpu.memref_slice %arg4[%dma_start3A_1201, %mul3A_940, %mul3A_958] : memref<18x200x16384xf32, #tpu.memory_space<hbm>> -> memref<1x8x256xf32, #tpu.memory_space<hbm>>
      %dma_start3A_1207 = tpu.memref_squeeze %dma_start3A_1206 : memref<1x8x256xf32, #tpu.memory_space<hbm>> -> memref<8x256xf32, #tpu.memory_space<hbm>>
      %dma_start3A_1208 = tpu.memref_slice %arg4[%dma_start3A_1201, %mul3A_940, %mul3A_958] : memref<18x200x16384xf32, #tpu.memory_space<hbm>> -> memref<1x8x256xf32, #tpu.memory_space<hbm>>
      %dma_start3A_1209 = tpu.memref_squeeze %dma_start3A_1208 : memref<1x8x256xf32, #tpu.memory_space<hbm>> -> memref<8x256xf32, #tpu.memory_space<hbm>>
      %dma_start3A_1210 = arith.constant 0 : i32
      %dma_start3A_1211 = arith.constant 0 : i32
      %dma_start3A_1212 = tpu.memref_slice %arg6[%dma_start3A_1199, %dma_start3A_1200, %dma_start3A_1210, %dma_start3A_1211] : memref<2x18x8x256xf32, #tpu.memory_space<vmem>> -> memref<1x1x8x256xf32, #tpu.memory_space<vmem>>
      %dma_start3A_1213 = tpu.memref_squeeze %dma_start3A_1212 : memref<1x1x8x256xf32, #tpu.memory_space<vmem>> -> memref<8x256xf32, #tpu.memory_space<vmem>>
      tpu.enqueue_dma source(%dma_start3A_1213 : memref<8x256xf32, #tpu.memory_space<vmem>>) target(%dma_start3A_1209 : memref<8x256xf32, #tpu.memory_space<hbm>>) target_semaphore(%arg10 : memref<!tpu.dma_semaphore, #tpu.memory_space<semaphore_mem>>)
      %dma_start3A_1214 = arith.constant 0 : i32
      %dma_start3A_1215 = arith.constant 17 : i32
      %dma_start3A_1216 = arith.constant 17 : i32
      %dma_start3A_1217 = arith.constant 0 : i32
      %dma_start3A_1218 = arith.constant 0 : i32
      %dma_start3A_1219 = tpu.memref_slice %arg6[%dma_start3A_1214, %dma_start3A_1215, %dma_start3A_1217, %dma_start3A_1218] : memref<2x18x8x256xf32, #tpu.memory_space<vmem>> -> memref<1x1x8x256xf32, #tpu.memory_space<vmem>>
      %dma_start3A_1220 = tpu.memref_squeeze %dma_start3A_1219 : memref<1x1x8x256xf32, #tpu.memory_space<vmem>> -> memref<8x256xf32, #tpu.memory_space<vmem>>
      %dma_start3A_1221 = tpu.memref_slice %arg4[%dma_start3A_1216, %mul3A_940, %mul3A_958] : memref<18x200x16384xf32, #tpu.memory_space<hbm>> -> memref<1x8x256xf32, #tpu.memory_space<hbm>>
      %dma_start3A_1222 = tpu.memref_squeeze %dma_start3A_1221 : memref<1x8x256xf32, #tpu.memory_space<hbm>> -> memref<8x256xf32, #tpu.memory_space<hbm>>
      %dma_start3A_1223 = tpu.memref_slice %arg4[%dma_start3A_1216, %mul3A_940, %mul3A_958] : memref<18x200x16384xf32, #tpu.memory_space<hbm>> -> memref<1x8x256xf32, #tpu.memory_space<hbm>>
      %dma_start3A_1224 = tpu.memref_squeeze %dma_start3A_1223 : memref<1x8x256xf32, #tpu.memory_space<hbm>> -> memref<8x256xf32, #tpu.memory_space<hbm>>
      %dma_start3A_1225 = arith.constant 0 : i32
      %dma_start3A_1226 = arith.constant 0 : i32
      %dma_start3A_1227 = tpu.memref_slice %arg6[%dma_start3A_1214, %dma_start3A_1215, %dma_start3A_1225, %dma_start3A_1226] : memref<2x18x8x256xf32, #tpu.memory_space<vmem>> -> memref<1x1x8x256xf32, #tpu.memory_space<vmem>>
      %dma_start3A_1228 = tpu.memref_squeeze %dma_start3A_1227 : memref<1x1x8x256xf32, #tpu.memory_space<vmem>> -> memref<8x256xf32, #tpu.memory_space<vmem>>
      tpu.enqueue_dma source(%dma_start3A_1228 : memref<8x256xf32, #tpu.memory_space<vmem>>) target(%dma_start3A_1224 : memref<8x256xf32, #tpu.memory_space<hbm>>) target_semaphore(%arg10 : memref<!tpu.dma_semaphore, #tpu.memory_space<semaphore_mem>>)
      %mul3A_1229 = arith.constant 2 : i32
      %mul3A_1230 = arith.muli %scan3A_721, %mul3A_1229 : i32
      %add3A_1231 = arith.addi %mul3A_2, %mul3A_1230 : i32
      %add3A_1232 = arith.constant 1 : i32
      %add3A_1233 = arith.addi %add3A_1231, %add3A_1232 : i32
      %lt3A_1234 = arith.constant 24 : i32
      %lt3A_1235 = arith.cmpi slt, %scan3A_721, %lt3A_1234 : i32
      %convert_element_type3A_1236 = arith.extui %lt3A_1235 : i1 to i32
      %cond3A_1237 = arith.constant 0 : i32
      %cond3A_1238 = arith.cmpi ne, %convert_element_type3A_1236, %cond3A_1237 : i32
      scf.if %cond3A_1238 {
        %add3A_1653 = arith.constant 1 : i32
        %add3A_1654 = arith.addi %add3A_1233, %add3A_1653 : i32
        %jit3A_1655 = arith.constant 64 : i32
        %div3A_1656 = arith.divsi %add3A_1654, %jit3A_1655 : i32
        %sign3A_1657 = arith.constant 0 : i32
        %sign3A_1658 = arith.cmpi sgt, %add3A_1654, %sign3A_1657 : i32
        %sign3A_1659 = arith.extui %sign3A_1658 : i1 to i32
        %sign3A_1660 = arith.constant 0 : i32
        %sign3A_1661 = arith.cmpi slt, %add3A_1654, %sign3A_1660 : i32
        %sign3A_1662 = arith.extui %sign3A_1661 : i1 to i32
        %sign3A_1663 = arith.subi %sign3A_1659, %sign3A_1662 : i32
        %sign3A_1664 = arith.constant 0 : i32
        %sign3A_1665 = arith.cmpi sgt, %jit3A_1655, %sign3A_1664 : i32
        %sign3A_1666 = arith.extui %sign3A_1665 : i1 to i32
        %sign3A_1667 = arith.constant 0 : i32
        %sign3A_1668 = arith.cmpi slt, %jit3A_1655, %sign3A_1667 : i32
        %sign3A_1669 = arith.extui %sign3A_1668 : i1 to i32
        %sign3A_1670 = arith.subi %sign3A_1666, %sign3A_1669 : i32
        %ne3A_1671 = arith.cmpi ne, %sign3A_1663, %sign3A_1670 : i32
        %rem3A_1672 = arith.remsi %add3A_1654, %jit3A_1655 : i32
        %ne3A_1673 = arith.constant 0 : i32
        %ne3A_1674 = arith.cmpi ne, %rem3A_1672, %ne3A_1673 : i32
        %and3A_1675 = arith.andi %ne3A_1671, %ne3A_1674 : i1
        %sub3A_1676 = arith.constant 1 : i32
        %sub3A_1677 = arith.subi %div3A_1656, %sub3A_1676 : i32
        %select_n3A_1678 = arith.select %and3A_1675, %sub3A_1677, %div3A_1656 : i32
        %mul3A_1679 = arith.constant 8 : i32
        %mul3A_1680 = arith.muli %select_n3A_1678, %mul3A_1679 : i32
        %jit3A_1681 = arith.constant 64 : i32
        %eq3A_1682 = arith.constant 0 : i32
        %eq3A_1683 = arith.cmpi eq, %jit3A_1681, %eq3A_1682 : i32
        %jit3A_1684 = arith.constant 1 : i32
        %select_n3A_1685 = arith.select %eq3A_1683, %jit3A_1684, %jit3A_1681 : i32
        %rem3A_1686 = arith.remsi %add3A_1654, %select_n3A_1685 : i32
        %ne3A_1687 = arith.constant 0 : i32
        %ne3A_1688 = arith.cmpi ne, %rem3A_1686, %ne3A_1687 : i32
        %lt3A_1689 = arith.constant 0 : i32
        %lt3A_1690 = arith.cmpi slt, %rem3A_1686, %lt3A_1689 : i32
        %lt3A_1691 = arith.constant 0 : i32
        %lt3A_1692 = arith.cmpi slt, %select_n3A_1685, %lt3A_1691 : i32
        %ne3A_1693 = arith.xori %lt3A_1690, %lt3A_1692 : i1
        %and3A_1694 = arith.andi %ne3A_1693, %ne3A_1688 : i1
        %add3A_1695 = arith.addi %rem3A_1686, %select_n3A_1685 : i32
        %select_n3A_1696 = arith.select %and3A_1694, %add3A_1695, %rem3A_1686 : i32
        %mul3A_1697 = arith.constant 256 : i32
        %mul3A_1698 = arith.muli %select_n3A_1696, %mul3A_1697 : i32
        %dma_start3A_1699 = arith.constant 0 : i32
        %dma_start3A_1700 = arith.constant 0 : i32
        %dma_start3A_1701 = arith.constant 0 : i32
        %dma_start3A_1702 = arith.constant 0 : i32
        %dma_start3A_1703 = arith.constant 0 : i32
        %dma_start3A_1704 = tpu.memref_slice %arg5[%dma_start3A_1700, %dma_start3A_1701, %dma_start3A_1702, %dma_start3A_1703] : memref<2x3x8x256xi32, #tpu.memory_space<vmem>> -> memref<1x1x8x256xi32, #tpu.memory_space<vmem>>
        %dma_start3A_1705 = tpu.memref_squeeze %dma_start3A_1704 : memref<1x1x8x256xi32, #tpu.memory_space<vmem>> -> memref<8x256xi32, #tpu.memory_space<vmem>>
        %dma_start3A_1706 = tpu.memref_slice %arg2[%dma_start3A_1699, %mul3A_1680, %mul3A_1698] : memref<3x200x16384xi32, #tpu.memory_space<hbm>> -> memref<1x8x256xi32, #tpu.memory_space<hbm>>
        %dma_start3A_1707 = tpu.memref_squeeze %dma_start3A_1706 : memref<1x8x256xi32, #tpu.memory_space<hbm>> -> memref<8x256xi32, #tpu.memory_space<hbm>>
        %dma_start3A_1708 = arith.constant 0 : i32
        %dma_start3A_1709 = arith.constant 0 : i32
        %dma_start3A_1710 = tpu.memref_slice %arg5[%dma_start3A_1700, %dma_start3A_1701, %dma_start3A_1708, %dma_start3A_1709] : memref<2x3x8x256xi32, #tpu.memory_space<vmem>> -> memref<1x1x8x256xi32, #tpu.memory_space<vmem>>
        %dma_start3A_1711 = tpu.memref_squeeze %dma_start3A_1710 : memref<1x1x8x256xi32, #tpu.memory_space<vmem>> -> memref<8x256xi32, #tpu.memory_space<vmem>>
        %dma_start3A_1712 = tpu.memref_slice %arg2[%dma_start3A_1699, %mul3A_1680, %mul3A_1698] : memref<3x200x16384xi32, #tpu.memory_space<hbm>> -> memref<1x8x256xi32, #tpu.memory_space<hbm>>
        %dma_start3A_1713 = tpu.memref_squeeze %dma_start3A_1712 : memref<1x8x256xi32, #tpu.memory_space<hbm>> -> memref<8x256xi32, #tpu.memory_space<hbm>>
        tpu.enqueue_dma source(%dma_start3A_1713 : memref<8x256xi32, #tpu.memory_space<hbm>>) target(%dma_start3A_1711 : memref<8x256xi32, #tpu.memory_space<vmem>>) target_semaphore(%arg8 : memref<!tpu.dma_semaphore, #tpu.memory_space<semaphore_mem>>)
        %dma_start3A_1714 = arith.constant 1 : i32
        %dma_start3A_1715 = arith.constant 0 : i32
        %dma_start3A_1716 = arith.constant 1 : i32
        %dma_start3A_1717 = arith.constant 0 : i32
        %dma_start3A_1718 = arith.constant 0 : i32
        %dma_start3A_1719 = tpu.memref_slice %arg5[%dma_start3A_1715, %dma_start3A_1716, %dma_start3A_1717, %dma_start3A_1718] : memref<2x3x8x256xi32, #tpu.memory_space<vmem>> -> memref<1x1x8x256xi32, #tpu.memory_space<vmem>>
        %dma_start3A_1720 = tpu.memref_squeeze %dma_start3A_1719 : memref<1x1x8x256xi32, #tpu.memory_space<vmem>> -> memref<8x256xi32, #tpu.memory_space<vmem>>
        %dma_start3A_1721 = tpu.memref_slice %arg2[%dma_start3A_1714, %mul3A_1680, %mul3A_1698] : memref<3x200x16384xi32, #tpu.memory_space<hbm>> -> memref<1x8x256xi32, #tpu.memory_space<hbm>>
        %dma_start3A_1722 = tpu.memref_squeeze %dma_start3A_1721 : memref<1x8x256xi32, #tpu.memory_space<hbm>> -> memref<8x256xi32, #tpu.memory_space<hbm>>
        %dma_start3A_1723 = arith.constant 0 : i32
        %dma_start3A_1724 = arith.constant 0 : i32
        %dma_start3A_1725 = tpu.memref_slice %arg5[%dma_start3A_1715, %dma_start3A_1716, %dma_start3A_1723, %dma_start3A_1724] : memref<2x3x8x256xi32, #tpu.memory_space<vmem>> -> memref<1x1x8x256xi32, #tpu.memory_space<vmem>>
        %dma_start3A_1726 = tpu.memref_squeeze %dma_start3A_1725 : memref<1x1x8x256xi32, #tpu.memory_space<vmem>> -> memref<8x256xi32, #tpu.memory_space<vmem>>
        %dma_start3A_1727 = tpu.memref_slice %arg2[%dma_start3A_1714, %mul3A_1680, %mul3A_1698] : memref<3x200x16384xi32, #tpu.memory_space<hbm>> -> memref<1x8x256xi32, #tpu.memory_space<hbm>>
        %dma_start3A_1728 = tpu.memref_squeeze %dma_start3A_1727 : memref<1x8x256xi32, #tpu.memory_space<hbm>> -> memref<8x256xi32, #tpu.memory_space<hbm>>
        tpu.enqueue_dma source(%dma_start3A_1728 : memref<8x256xi32, #tpu.memory_space<hbm>>) target(%dma_start3A_1726 : memref<8x256xi32, #tpu.memory_space<vmem>>) target_semaphore(%arg8 : memref<!tpu.dma_semaphore, #tpu.memory_space<semaphore_mem>>)
        %dma_start3A_1729 = arith.constant 2 : i32
        %dma_start3A_1730 = arith.constant 0 : i32
        %dma_start3A_1731 = arith.constant 2 : i32
        %dma_start3A_1732 = arith.constant 0 : i32
        %dma_start3A_1733 = arith.constant 0 : i32
        %dma_start3A_1734 = tpu.memref_slice %arg5[%dma_start3A_1730, %dma_start3A_1731, %dma_start3A_1732, %dma_start3A_1733] : memref<2x3x8x256xi32, #tpu.memory_space<vmem>> -> memref<1x1x8x256xi32, #tpu.memory_space<vmem>>
        %dma_start3A_1735 = tpu.memref_squeeze %dma_start3A_1734 : memref<1x1x8x256xi32, #tpu.memory_space<vmem>> -> memref<8x256xi32, #tpu.memory_space<vmem>>
        %dma_start3A_1736 = tpu.memref_slice %arg2[%dma_start3A_1729, %mul3A_1680, %mul3A_1698] : memref<3x200x16384xi32, #tpu.memory_space<hbm>> -> memref<1x8x256xi32, #tpu.memory_space<hbm>>
        %dma_start3A_1737 = tpu.memref_squeeze %dma_start3A_1736 : memref<1x8x256xi32, #tpu.memory_space<hbm>> -> memref<8x256xi32, #tpu.memory_space<hbm>>
        %dma_start3A_1738 = arith.constant 0 : i32
        %dma_start3A_1739 = arith.constant 0 : i32
        %dma_start3A_1740 = tpu.memref_slice %arg5[%dma_start3A_1730, %dma_start3A_1731, %dma_start3A_1738, %dma_start3A_1739] : memref<2x3x8x256xi32, #tpu.memory_space<vmem>> -> memref<1x1x8x256xi32, #tpu.memory_space<vmem>>
        %dma_start3A_1741 = tpu.memref_squeeze %dma_start3A_1740 : memref<1x1x8x256xi32, #tpu.memory_space<vmem>> -> memref<8x256xi32, #tpu.memory_space<vmem>>
        %dma_start3A_1742 = tpu.memref_slice %arg2[%dma_start3A_1729, %mul3A_1680, %mul3A_1698] : memref<3x200x16384xi32, #tpu.memory_space<hbm>> -> memref<1x8x256xi32, #tpu.memory_space<hbm>>
        %dma_start3A_1743 = tpu.memref_squeeze %dma_start3A_1742 : memref<1x8x256xi32, #tpu.memory_space<hbm>> -> memref<8x256xi32, #tpu.memory_space<hbm>>
        tpu.enqueue_dma source(%dma_start3A_1743 : memref<8x256xi32, #tpu.memory_space<hbm>>) target(%dma_start3A_1741 : memref<8x256xi32, #tpu.memory_space<vmem>>) target_semaphore(%arg8 : memref<!tpu.dma_semaphore, #tpu.memory_space<semaphore_mem>>)
      } else {
      }
      %ge3A_1239 = arith.constant 1 : i32
      %ge3A_1240 = arith.cmpi sge, %scan3A_721, %ge3A_1239 : i32
      %convert_element_type3A_1241 = arith.extui %ge3A_1240 : i1 to i32
      %cond3A_1242 = arith.constant 0 : i32
      %cond3A_1243 = arith.cmpi ne, %convert_element_type3A_1241, %cond3A_1242 : i32
      scf.if %cond3A_1243 {
        %sub3A_1653 = arith.constant 2 : i32
        %sub3A_1654 = arith.subi %add3A_1233, %sub3A_1653 : i32
        %jit3A_1655 = arith.constant 64 : i32
        %div3A_1656 = arith.divsi %sub3A_1654, %jit3A_1655 : i32
        %sign3A_1657 = arith.constant 0 : i32
        %sign3A_1658 = arith.cmpi sgt, %sub3A_1654, %sign3A_1657 : i32
        %sign3A_1659 = arith.extui %sign3A_1658 : i1 to i32
        %sign3A_1660 = arith.constant 0 : i32
        %sign3A_1661 = arith.cmpi slt, %sub3A_1654, %sign3A_1660 : i32
        %sign3A_1662 = arith.extui %sign3A_1661 : i1 to i32
        %sign3A_1663 = arith.subi %sign3A_1659, %sign3A_1662 : i32
        %sign3A_1664 = arith.constant 0 : i32
        %sign3A_1665 = arith.cmpi sgt, %jit3A_1655, %sign3A_1664 : i32
        %sign3A_1666 = arith.extui %sign3A_1665 : i1 to i32
        %sign3A_1667 = arith.constant 0 : i32
        %sign3A_1668 = arith.cmpi slt, %jit3A_1655, %sign3A_1667 : i32
        %sign3A_1669 = arith.extui %sign3A_1668 : i1 to i32
        %sign3A_1670 = arith.subi %sign3A_1666, %sign3A_1669 : i32
        %ne3A_1671 = arith.cmpi ne, %sign3A_1663, %sign3A_1670 : i32
        %rem3A_1672 = arith.remsi %sub3A_1654, %jit3A_1655 : i32
        %ne3A_1673 = arith.constant 0 : i32
        %ne3A_1674 = arith.cmpi ne, %rem3A_1672, %ne3A_1673 : i32
        %and3A_1675 = arith.andi %ne3A_1671, %ne3A_1674 : i1
        %sub3A_1676 = arith.constant 1 : i32
        %sub3A_1677 = arith.subi %div3A_1656, %sub3A_1676 : i32
        %select_n3A_1678 = arith.select %and3A_1675, %sub3A_1677, %div3A_1656 : i32
        %mul3A_1679 = arith.constant 8 : i32
        %mul3A_1680 = arith.muli %select_n3A_1678, %mul3A_1679 : i32
        %jit3A_1681 = arith.constant 64 : i32
        %eq3A_1682 = arith.constant 0 : i32
        %eq3A_1683 = arith.cmpi eq, %jit3A_1681, %eq3A_1682 : i32
        %jit3A_1684 = arith.constant 1 : i32
        %select_n3A_1685 = arith.select %eq3A_1683, %jit3A_1684, %jit3A_1681 : i32
        %rem3A_1686 = arith.remsi %sub3A_1654, %select_n3A_1685 : i32
        %ne3A_1687 = arith.constant 0 : i32
        %ne3A_1688 = arith.cmpi ne, %rem3A_1686, %ne3A_1687 : i32
        %lt3A_1689 = arith.constant 0 : i32
        %lt3A_1690 = arith.cmpi slt, %rem3A_1686, %lt3A_1689 : i32
        %lt3A_1691 = arith.constant 0 : i32
        %lt3A_1692 = arith.cmpi slt, %select_n3A_1685, %lt3A_1691 : i32
        %ne3A_1693 = arith.xori %lt3A_1690, %lt3A_1692 : i1
        %and3A_1694 = arith.andi %ne3A_1693, %ne3A_1688 : i1
        %add3A_1695 = arith.addi %rem3A_1686, %select_n3A_1685 : i32
        %select_n3A_1696 = arith.select %and3A_1694, %add3A_1695, %rem3A_1686 : i32
        %mul3A_1697 = arith.constant 256 : i32
        %mul3A_1698 = arith.muli %select_n3A_1696, %mul3A_1697 : i32
        %dma_wait3A_1699 = arith.constant 1 : i32
        %dma_wait3A_1700 = arith.constant 0 : i32
        %dma_wait3A_1701 = arith.constant 0 : i32
        %dma_wait3A_1702 = arith.constant 0 : i32
        %dma_wait3A_1703 = arith.constant 0 : i32
        %dma_wait3A_1704 = tpu.memref_slice %arg6[%dma_wait3A_1699, %dma_wait3A_1700, %dma_wait3A_1702, %dma_wait3A_1703] : memref<2x18x8x256xf32, #tpu.memory_space<vmem>> -> memref<1x1x8x256xf32, #tpu.memory_space<vmem>>
        %dma_wait3A_1705 = tpu.memref_squeeze %dma_wait3A_1704 : memref<1x1x8x256xf32, #tpu.memory_space<vmem>> -> memref<8x256xf32, #tpu.memory_space<vmem>>
        %dma_wait3A_1706 = tpu.memref_slice %arg4[%dma_wait3A_1701, %mul3A_1680, %mul3A_1698] : memref<18x200x16384xf32, #tpu.memory_space<hbm>> -> memref<1x8x256xf32, #tpu.memory_space<hbm>>
        %dma_wait3A_1707 = tpu.memref_squeeze %dma_wait3A_1706 : memref<1x8x256xf32, #tpu.memory_space<hbm>> -> memref<8x256xf32, #tpu.memory_space<hbm>>
        %dma_wait3A_1708 = tpu.memref_slice %arg4[%dma_wait3A_1701, %mul3A_1680, %mul3A_1698] : memref<18x200x16384xf32, #tpu.memory_space<hbm>> -> memref<1x8x256xf32, #tpu.memory_space<hbm>>
        %dma_wait3A_1709 = tpu.memref_squeeze %dma_wait3A_1708 : memref<1x8x256xf32, #tpu.memory_space<hbm>> -> memref<8x256xf32, #tpu.memory_space<hbm>>
        %dma_wait3A_1710 = arith.constant 0 : i32
        %dma_wait3A_1711 = arith.constant 0 : i32
        %dma_wait3A_1712 = tpu.memref_slice %arg6[%dma_wait3A_1699, %dma_wait3A_1700, %dma_wait3A_1710, %dma_wait3A_1711] : memref<2x18x8x256xf32, #tpu.memory_space<vmem>> -> memref<1x1x8x256xf32, #tpu.memory_space<vmem>>
        %dma_wait3A_1713 = tpu.memref_squeeze %dma_wait3A_1712 : memref<1x1x8x256xf32, #tpu.memory_space<vmem>> -> memref<8x256xf32, #tpu.memory_space<vmem>>
        tpu.wait_dma2 semaphore(%arg11 : memref<!tpu.dma_semaphore, #tpu.memory_space<semaphore_mem>>) src(%dma_wait3A_1713 : memref<8x256xf32, #tpu.memory_space<vmem>>) dst(%dma_wait3A_1709 : memref<8x256xf32, #tpu.memory_space<hbm>>)
        %dma_wait3A_1714 = arith.constant 1 : i32
        %dma_wait3A_1715 = arith.constant 1 : i32
        %dma_wait3A_1716 = arith.constant 1 : i32
        %dma_wait3A_1717 = arith.constant 0 : i32
        %dma_wait3A_1718 = arith.constant 0 : i32
        %dma_wait3A_1719 = tpu.memref_slice %arg6[%dma_wait3A_1714, %dma_wait3A_1715, %dma_wait3A_1717, %dma_wait3A_1718] : memref<2x18x8x256xf32, #tpu.memory_space<vmem>> -> memref<1x1x8x256xf32, #tpu.memory_space<vmem>>
        %dma_wait3A_1720 = tpu.memref_squeeze %dma_wait3A_1719 : memref<1x1x8x256xf32, #tpu.memory_space<vmem>> -> memref<8x256xf32, #tpu.memory_space<vmem>>
        %dma_wait3A_1721 = tpu.memref_slice %arg4[%dma_wait3A_1716, %mul3A_1680, %mul3A_1698] : memref<18x200x16384xf32, #tpu.memory_space<hbm>> -> memref<1x8x256xf32, #tpu.memory_space<hbm>>
        %dma_wait3A_1722 = tpu.memref_squeeze %dma_wait3A_1721 : memref<1x8x256xf32, #tpu.memory_space<hbm>> -> memref<8x256xf32, #tpu.memory_space<hbm>>
        %dma_wait3A_1723 = tpu.memref_slice %arg4[%dma_wait3A_1716, %mul3A_1680, %mul3A_1698] : memref<18x200x16384xf32, #tpu.memory_space<hbm>> -> memref<1x8x256xf32, #tpu.memory_space<hbm>>
        %dma_wait3A_1724 = tpu.memref_squeeze %dma_wait3A_1723 : memref<1x8x256xf32, #tpu.memory_space<hbm>> -> memref<8x256xf32, #tpu.memory_space<hbm>>
        %dma_wait3A_1725 = arith.constant 0 : i32
        %dma_wait3A_1726 = arith.constant 0 : i32
        %dma_wait3A_1727 = tpu.memref_slice %arg6[%dma_wait3A_1714, %dma_wait3A_1715, %dma_wait3A_1725, %dma_wait3A_1726] : memref<2x18x8x256xf32, #tpu.memory_space<vmem>> -> memref<1x1x8x256xf32, #tpu.memory_space<vmem>>
        %dma_wait3A_1728 = tpu.memref_squeeze %dma_wait3A_1727 : memref<1x1x8x256xf32, #tpu.memory_space<vmem>> -> memref<8x256xf32, #tpu.memory_space<vmem>>
        tpu.wait_dma2 semaphore(%arg11 : memref<!tpu.dma_semaphore, #tpu.memory_space<semaphore_mem>>) src(%dma_wait3A_1728 : memref<8x256xf32, #tpu.memory_space<vmem>>) dst(%dma_wait3A_1724 : memref<8x256xf32, #tpu.memory_space<hbm>>)
        %dma_wait3A_1729 = arith.constant 1 : i32
        %dma_wait3A_1730 = arith.constant 2 : i32
        %dma_wait3A_1731 = arith.constant 2 : i32
        %dma_wait3A_1732 = arith.constant 0 : i32
        %dma_wait3A_1733 = arith.constant 0 : i32
        %dma_wait3A_1734 = tpu.memref_slice %arg6[%dma_wait3A_1729, %dma_wait3A_1730, %dma_wait3A_1732, %dma_wait3A_1733] : memref<2x18x8x256xf32, #tpu.memory_space<vmem>> -> memref<1x1x8x256xf32, #tpu.memory_space<vmem>>
        %dma_wait3A_1735 = tpu.memref_squeeze %dma_wait3A_1734 : memref<1x1x8x256xf32, #tpu.memory_space<vmem>> -> memref<8x256xf32, #tpu.memory_space<vmem>>
        %dma_wait3A_1736 = tpu.memref_slice %arg4[%dma_wait3A_1731, %mul3A_1680, %mul3A_1698] : memref<18x200x16384xf32, #tpu.memory_space<hbm>> -> memref<1x8x256xf32, #tpu.memory_space<hbm>>
        %dma_wait3A_1737 = tpu.memref_squeeze %dma_wait3A_1736 : memref<1x8x256xf32, #tpu.memory_space<hbm>> -> memref<8x256xf32, #tpu.memory_space<hbm>>
        %dma_wait3A_1738 = tpu.memref_slice %arg4[%dma_wait3A_1731, %mul3A_1680, %mul3A_1698] : memref<18x200x16384xf32, #tpu.memory_space<hbm>> -> memref<1x8x256xf32, #tpu.memory_space<hbm>>
        %dma_wait3A_1739 = tpu.memref_squeeze %dma_wait3A_1738 : memref<1x8x256xf32, #tpu.memory_space<hbm>> -> memref<8x256xf32, #tpu.memory_space<hbm>>
        %dma_wait3A_1740 = arith.constant 0 : i32
        %dma_wait3A_1741 = arith.constant 0 : i32
        %dma_wait3A_1742 = tpu.memref_slice %arg6[%dma_wait3A_1729, %dma_wait3A_1730, %dma_wait3A_1740, %dma_wait3A_1741] : memref<2x18x8x256xf32, #tpu.memory_space<vmem>> -> memref<1x1x8x256xf32, #tpu.memory_space<vmem>>
        %dma_wait3A_1743 = tpu.memref_squeeze %dma_wait3A_1742 : memref<1x1x8x256xf32, #tpu.memory_space<vmem>> -> memref<8x256xf32, #tpu.memory_space<vmem>>
        tpu.wait_dma2 semaphore(%arg11 : memref<!tpu.dma_semaphore, #tpu.memory_space<semaphore_mem>>) src(%dma_wait3A_1743 : memref<8x256xf32, #tpu.memory_space<vmem>>) dst(%dma_wait3A_1739 : memref<8x256xf32, #tpu.memory_space<hbm>>)
        %dma_wait3A_1744 = arith.constant 1 : i32
        %dma_wait3A_1745 = arith.constant 3 : i32
        %dma_wait3A_1746 = arith.constant 3 : i32
        %dma_wait3A_1747 = arith.constant 0 : i32
        %dma_wait3A_1748 = arith.constant 0 : i32
        %dma_wait3A_1749 = tpu.memref_slice %arg6[%dma_wait3A_1744, %dma_wait3A_1745, %dma_wait3A_1747, %dma_wait3A_1748] : memref<2x18x8x256xf32, #tpu.memory_space<vmem>> -> memref<1x1x8x256xf32, #tpu.memory_space<vmem>>
        %dma_wait3A_1750 = tpu.memref_squeeze %dma_wait3A_1749 : memref<1x1x8x256xf32, #tpu.memory_space<vmem>> -> memref<8x256xf32, #tpu.memory_space<vmem>>
        %dma_wait3A_1751 = tpu.memref_slice %arg4[%dma_wait3A_1746, %mul3A_1680, %mul3A_1698] : memref<18x200x16384xf32, #tpu.memory_space<hbm>> -> memref<1x8x256xf32, #tpu.memory_space<hbm>>
        %dma_wait3A_1752 = tpu.memref_squeeze %dma_wait3A_1751 : memref<1x8x256xf32, #tpu.memory_space<hbm>> -> memref<8x256xf32, #tpu.memory_space<hbm>>
        %dma_wait3A_1753 = tpu.memref_slice %arg4[%dma_wait3A_1746, %mul3A_1680, %mul3A_1698] : memref<18x200x16384xf32, #tpu.memory_space<hbm>> -> memref<1x8x256xf32, #tpu.memory_space<hbm>>
        %dma_wait3A_1754 = tpu.memref_squeeze %dma_wait3A_1753 : memref<1x8x256xf32, #tpu.memory_space<hbm>> -> memref<8x256xf32, #tpu.memory_space<hbm>>
        %dma_wait3A_1755 = arith.constant 0 : i32
        %dma_wait3A_1756 = arith.constant 0 : i32
        %dma_wait3A_1757 = tpu.memref_slice %arg6[%dma_wait3A_1744, %dma_wait3A_1745, %dma_wait3A_1755, %dma_wait3A_1756] : memref<2x18x8x256xf32, #tpu.memory_space<vmem>> -> memref<1x1x8x256xf32, #tpu.memory_space<vmem>>
        %dma_wait3A_1758 = tpu.memref_squeeze %dma_wait3A_1757 : memref<1x1x8x256xf32, #tpu.memory_space<vmem>> -> memref<8x256xf32, #tpu.memory_space<vmem>>
        tpu.wait_dma2 semaphore(%arg11 : memref<!tpu.dma_semaphore, #tpu.memory_space<semaphore_mem>>) src(%dma_wait3A_1758 : memref<8x256xf32, #tpu.memory_space<vmem>>) dst(%dma_wait3A_1754 : memref<8x256xf32, #tpu.memory_space<hbm>>)
        %dma_wait3A_1759 = arith.constant 1 : i32
        %dma_wait3A_1760 = arith.constant 4 : i32
        %dma_wait3A_1761 = arith.constant 4 : i32
        %dma_wait3A_1762 = arith.constant 0 : i32
        %dma_wait3A_1763 = arith.constant 0 : i32
        %dma_wait3A_1764 = tpu.memref_slice %arg6[%dma_wait3A_1759, %dma_wait3A_1760, %dma_wait3A_1762, %dma_wait3A_1763] : memref<2x18x8x256xf32, #tpu.memory_space<vmem>> -> memref<1x1x8x256xf32, #tpu.memory_space<vmem>>
        %dma_wait3A_1765 = tpu.memref_squeeze %dma_wait3A_1764 : memref<1x1x8x256xf32, #tpu.memory_space<vmem>> -> memref<8x256xf32, #tpu.memory_space<vmem>>
        %dma_wait3A_1766 = tpu.memref_slice %arg4[%dma_wait3A_1761, %mul3A_1680, %mul3A_1698] : memref<18x200x16384xf32, #tpu.memory_space<hbm>> -> memref<1x8x256xf32, #tpu.memory_space<hbm>>
        %dma_wait3A_1767 = tpu.memref_squeeze %dma_wait3A_1766 : memref<1x8x256xf32, #tpu.memory_space<hbm>> -> memref<8x256xf32, #tpu.memory_space<hbm>>
        %dma_wait3A_1768 = tpu.memref_slice %arg4[%dma_wait3A_1761, %mul3A_1680, %mul3A_1698] : memref<18x200x16384xf32, #tpu.memory_space<hbm>> -> memref<1x8x256xf32, #tpu.memory_space<hbm>>
        %dma_wait3A_1769 = tpu.memref_squeeze %dma_wait3A_1768 : memref<1x8x256xf32, #tpu.memory_space<hbm>> -> memref<8x256xf32, #tpu.memory_space<hbm>>
        %dma_wait3A_1770 = arith.constant 0 : i32
        %dma_wait3A_1771 = arith.constant 0 : i32
        %dma_wait3A_1772 = tpu.memref_slice %arg6[%dma_wait3A_1759, %dma_wait3A_1760, %dma_wait3A_1770, %dma_wait3A_1771] : memref<2x18x8x256xf32, #tpu.memory_space<vmem>> -> memref<1x1x8x256xf32, #tpu.memory_space<vmem>>
        %dma_wait3A_1773 = tpu.memref_squeeze %dma_wait3A_1772 : memref<1x1x8x256xf32, #tpu.memory_space<vmem>> -> memref<8x256xf32, #tpu.memory_space<vmem>>
        tpu.wait_dma2 semaphore(%arg11 : memref<!tpu.dma_semaphore, #tpu.memory_space<semaphore_mem>>) src(%dma_wait3A_1773 : memref<8x256xf32, #tpu.memory_space<vmem>>) dst(%dma_wait3A_1769 : memref<8x256xf32, #tpu.memory_space<hbm>>)
        %dma_wait3A_1774 = arith.constant 1 : i32
        %dma_wait3A_1775 = arith.constant 5 : i32
        %dma_wait3A_1776 = arith.constant 5 : i32
        %dma_wait3A_1777 = arith.constant 0 : i32
        %dma_wait3A_1778 = arith.constant 0 : i32
        %dma_wait3A_1779 = tpu.memref_slice %arg6[%dma_wait3A_1774, %dma_wait3A_1775, %dma_wait3A_1777, %dma_wait3A_1778] : memref<2x18x8x256xf32, #tpu.memory_space<vmem>> -> memref<1x1x8x256xf32, #tpu.memory_space<vmem>>
        %dma_wait3A_1780 = tpu.memref_squeeze %dma_wait3A_1779 : memref<1x1x8x256xf32, #tpu.memory_space<vmem>> -> memref<8x256xf32, #tpu.memory_space<vmem>>
        %dma_wait3A_1781 = tpu.memref_slice %arg4[%dma_wait3A_1776, %mul3A_1680, %mul3A_1698] : memref<18x200x16384xf32, #tpu.memory_space<hbm>> -> memref<1x8x256xf32, #tpu.memory_space<hbm>>
        %dma_wait3A_1782 = tpu.memref_squeeze %dma_wait3A_1781 : memref<1x8x256xf32, #tpu.memory_space<hbm>> -> memref<8x256xf32, #tpu.memory_space<hbm>>
        %dma_wait3A_1783 = tpu.memref_slice %arg4[%dma_wait3A_1776, %mul3A_1680, %mul3A_1698] : memref<18x200x16384xf32, #tpu.memory_space<hbm>> -> memref<1x8x256xf32, #tpu.memory_space<hbm>>
        %dma_wait3A_1784 = tpu.memref_squeeze %dma_wait3A_1783 : memref<1x8x256xf32, #tpu.memory_space<hbm>> -> memref<8x256xf32, #tpu.memory_space<hbm>>
        %dma_wait3A_1785 = arith.constant 0 : i32
        %dma_wait3A_1786 = arith.constant 0 : i32
        %dma_wait3A_1787 = tpu.memref_slice %arg6[%dma_wait3A_1774, %dma_wait3A_1775, %dma_wait3A_1785, %dma_wait3A_1786] : memref<2x18x8x256xf32, #tpu.memory_space<vmem>> -> memref<1x1x8x256xf32, #tpu.memory_space<vmem>>
        %dma_wait3A_1788 = tpu.memref_squeeze %dma_wait3A_1787 : memref<1x1x8x256xf32, #tpu.memory_space<vmem>> -> memref<8x256xf32, #tpu.memory_space<vmem>>
        tpu.wait_dma2 semaphore(%arg11 : memref<!tpu.dma_semaphore, #tpu.memory_space<semaphore_mem>>) src(%dma_wait3A_1788 : memref<8x256xf32, #tpu.memory_space<vmem>>) dst(%dma_wait3A_1784 : memref<8x256xf32, #tpu.memory_space<hbm>>)
        %dma_wait3A_1789 = arith.constant 1 : i32
        %dma_wait3A_1790 = arith.constant 6 : i32
        %dma_wait3A_1791 = arith.constant 6 : i32
        %dma_wait3A_1792 = arith.constant 0 : i32
        %dma_wait3A_1793 = arith.constant 0 : i32
        %dma_wait3A_1794 = tpu.memref_slice %arg6[%dma_wait3A_1789, %dma_wait3A_1790, %dma_wait3A_1792, %dma_wait3A_1793] : memref<2x18x8x256xf32, #tpu.memory_space<vmem>> -> memref<1x1x8x256xf32, #tpu.memory_space<vmem>>
        %dma_wait3A_1795 = tpu.memref_squeeze %dma_wait3A_1794 : memref<1x1x8x256xf32, #tpu.memory_space<vmem>> -> memref<8x256xf32, #tpu.memory_space<vmem>>
        %dma_wait3A_1796 = tpu.memref_slice %arg4[%dma_wait3A_1791, %mul3A_1680, %mul3A_1698] : memref<18x200x16384xf32, #tpu.memory_space<hbm>> -> memref<1x8x256xf32, #tpu.memory_space<hbm>>
        %dma_wait3A_1797 = tpu.memref_squeeze %dma_wait3A_1796 : memref<1x8x256xf32, #tpu.memory_space<hbm>> -> memref<8x256xf32, #tpu.memory_space<hbm>>
        %dma_wait3A_1798 = tpu.memref_slice %arg4[%dma_wait3A_1791, %mul3A_1680, %mul3A_1698] : memref<18x200x16384xf32, #tpu.memory_space<hbm>> -> memref<1x8x256xf32, #tpu.memory_space<hbm>>
        %dma_wait3A_1799 = tpu.memref_squeeze %dma_wait3A_1798 : memref<1x8x256xf32, #tpu.memory_space<hbm>> -> memref<8x256xf32, #tpu.memory_space<hbm>>
        %dma_wait3A_1800 = arith.constant 0 : i32
        %dma_wait3A_1801 = arith.constant 0 : i32
        %dma_wait3A_1802 = tpu.memref_slice %arg6[%dma_wait3A_1789, %dma_wait3A_1790, %dma_wait3A_1800, %dma_wait3A_1801] : memref<2x18x8x256xf32, #tpu.memory_space<vmem>> -> memref<1x1x8x256xf32, #tpu.memory_space<vmem>>
        %dma_wait3A_1803 = tpu.memref_squeeze %dma_wait3A_1802 : memref<1x1x8x256xf32, #tpu.memory_space<vmem>> -> memref<8x256xf32, #tpu.memory_space<vmem>>
        tpu.wait_dma2 semaphore(%arg11 : memref<!tpu.dma_semaphore, #tpu.memory_space<semaphore_mem>>) src(%dma_wait3A_1803 : memref<8x256xf32, #tpu.memory_space<vmem>>) dst(%dma_wait3A_1799 : memref<8x256xf32, #tpu.memory_space<hbm>>)
        %dma_wait3A_1804 = arith.constant 1 : i32
        %dma_wait3A_1805 = arith.constant 7 : i32
        %dma_wait3A_1806 = arith.constant 7 : i32
        %dma_wait3A_1807 = arith.constant 0 : i32
        %dma_wait3A_1808 = arith.constant 0 : i32
        %dma_wait3A_1809 = tpu.memref_slice %arg6[%dma_wait3A_1804, %dma_wait3A_1805, %dma_wait3A_1807, %dma_wait3A_1808] : memref<2x18x8x256xf32, #tpu.memory_space<vmem>> -> memref<1x1x8x256xf32, #tpu.memory_space<vmem>>
        %dma_wait3A_1810 = tpu.memref_squeeze %dma_wait3A_1809 : memref<1x1x8x256xf32, #tpu.memory_space<vmem>> -> memref<8x256xf32, #tpu.memory_space<vmem>>
        %dma_wait3A_1811 = tpu.memref_slice %arg4[%dma_wait3A_1806, %mul3A_1680, %mul3A_1698] : memref<18x200x16384xf32, #tpu.memory_space<hbm>> -> memref<1x8x256xf32, #tpu.memory_space<hbm>>
        %dma_wait3A_1812 = tpu.memref_squeeze %dma_wait3A_1811 : memref<1x8x256xf32, #tpu.memory_space<hbm>> -> memref<8x256xf32, #tpu.memory_space<hbm>>
        %dma_wait3A_1813 = tpu.memref_slice %arg4[%dma_wait3A_1806, %mul3A_1680, %mul3A_1698] : memref<18x200x16384xf32, #tpu.memory_space<hbm>> -> memref<1x8x256xf32, #tpu.memory_space<hbm>>
        %dma_wait3A_1814 = tpu.memref_squeeze %dma_wait3A_1813 : memref<1x8x256xf32, #tpu.memory_space<hbm>> -> memref<8x256xf32, #tpu.memory_space<hbm>>
        %dma_wait3A_1815 = arith.constant 0 : i32
        %dma_wait3A_1816 = arith.constant 0 : i32
        %dma_wait3A_1817 = tpu.memref_slice %arg6[%dma_wait3A_1804, %dma_wait3A_1805, %dma_wait3A_1815, %dma_wait3A_1816] : memref<2x18x8x256xf32, #tpu.memory_space<vmem>> -> memref<1x1x8x256xf32, #tpu.memory_space<vmem>>
        %dma_wait3A_1818 = tpu.memref_squeeze %dma_wait3A_1817 : memref<1x1x8x256xf32, #tpu.memory_space<vmem>> -> memref<8x256xf32, #tpu.memory_space<vmem>>
        tpu.wait_dma2 semaphore(%arg11 : memref<!tpu.dma_semaphore, #tpu.memory_space<semaphore_mem>>) src(%dma_wait3A_1818 : memref<8x256xf32, #tpu.memory_space<vmem>>) dst(%dma_wait3A_1814 : memref<8x256xf32, #tpu.memory_space<hbm>>)
        %dma_wait3A_1819 = arith.constant 1 : i32
        %dma_wait3A_1820 = arith.constant 8 : i32
        %dma_wait3A_1821 = arith.constant 8 : i32
        %dma_wait3A_1822 = arith.constant 0 : i32
        %dma_wait3A_1823 = arith.constant 0 : i32
        %dma_wait3A_1824 = tpu.memref_slice %arg6[%dma_wait3A_1819, %dma_wait3A_1820, %dma_wait3A_1822, %dma_wait3A_1823] : memref<2x18x8x256xf32, #tpu.memory_space<vmem>> -> memref<1x1x8x256xf32, #tpu.memory_space<vmem>>
        %dma_wait3A_1825 = tpu.memref_squeeze %dma_wait3A_1824 : memref<1x1x8x256xf32, #tpu.memory_space<vmem>> -> memref<8x256xf32, #tpu.memory_space<vmem>>
        %dma_wait3A_1826 = tpu.memref_slice %arg4[%dma_wait3A_1821, %mul3A_1680, %mul3A_1698] : memref<18x200x16384xf32, #tpu.memory_space<hbm>> -> memref<1x8x256xf32, #tpu.memory_space<hbm>>
        %dma_wait3A_1827 = tpu.memref_squeeze %dma_wait3A_1826 : memref<1x8x256xf32, #tpu.memory_space<hbm>> -> memref<8x256xf32, #tpu.memory_space<hbm>>
        %dma_wait3A_1828 = tpu.memref_slice %arg4[%dma_wait3A_1821, %mul3A_1680, %mul3A_1698] : memref<18x200x16384xf32, #tpu.memory_space<hbm>> -> memref<1x8x256xf32, #tpu.memory_space<hbm>>
        %dma_wait3A_1829 = tpu.memref_squeeze %dma_wait3A_1828 : memref<1x8x256xf32, #tpu.memory_space<hbm>> -> memref<8x256xf32, #tpu.memory_space<hbm>>
        %dma_wait3A_1830 = arith.constant 0 : i32
        %dma_wait3A_1831 = arith.constant 0 : i32
        %dma_wait3A_1832 = tpu.memref_slice %arg6[%dma_wait3A_1819, %dma_wait3A_1820, %dma_wait3A_1830, %dma_wait3A_1831] : memref<2x18x8x256xf32, #tpu.memory_space<vmem>> -> memref<1x1x8x256xf32, #tpu.memory_space<vmem>>
        %dma_wait3A_1833 = tpu.memref_squeeze %dma_wait3A_1832 : memref<1x1x8x256xf32, #tpu.memory_space<vmem>> -> memref<8x256xf32, #tpu.memory_space<vmem>>
        tpu.wait_dma2 semaphore(%arg11 : memref<!tpu.dma_semaphore, #tpu.memory_space<semaphore_mem>>) src(%dma_wait3A_1833 : memref<8x256xf32, #tpu.memory_space<vmem>>) dst(%dma_wait3A_1829 : memref<8x256xf32, #tpu.memory_space<hbm>>)
        %dma_wait3A_1834 = arith.constant 1 : i32
        %dma_wait3A_1835 = arith.constant 9 : i32
        %dma_wait3A_1836 = arith.constant 9 : i32
        %dma_wait3A_1837 = arith.constant 0 : i32
        %dma_wait3A_1838 = arith.constant 0 : i32
        %dma_wait3A_1839 = tpu.memref_slice %arg6[%dma_wait3A_1834, %dma_wait3A_1835, %dma_wait3A_1837, %dma_wait3A_1838] : memref<2x18x8x256xf32, #tpu.memory_space<vmem>> -> memref<1x1x8x256xf32, #tpu.memory_space<vmem>>
        %dma_wait3A_1840 = tpu.memref_squeeze %dma_wait3A_1839 : memref<1x1x8x256xf32, #tpu.memory_space<vmem>> -> memref<8x256xf32, #tpu.memory_space<vmem>>
        %dma_wait3A_1841 = tpu.memref_slice %arg4[%dma_wait3A_1836, %mul3A_1680, %mul3A_1698] : memref<18x200x16384xf32, #tpu.memory_space<hbm>> -> memref<1x8x256xf32, #tpu.memory_space<hbm>>
        %dma_wait3A_1842 = tpu.memref_squeeze %dma_wait3A_1841 : memref<1x8x256xf32, #tpu.memory_space<hbm>> -> memref<8x256xf32, #tpu.memory_space<hbm>>
        %dma_wait3A_1843 = tpu.memref_slice %arg4[%dma_wait3A_1836, %mul3A_1680, %mul3A_1698] : memref<18x200x16384xf32, #tpu.memory_space<hbm>> -> memref<1x8x256xf32, #tpu.memory_space<hbm>>
        %dma_wait3A_1844 = tpu.memref_squeeze %dma_wait3A_1843 : memref<1x8x256xf32, #tpu.memory_space<hbm>> -> memref<8x256xf32, #tpu.memory_space<hbm>>
        %dma_wait3A_1845 = arith.constant 0 : i32
        %dma_wait3A_1846 = arith.constant 0 : i32
        %dma_wait3A_1847 = tpu.memref_slice %arg6[%dma_wait3A_1834, %dma_wait3A_1835, %dma_wait3A_1845, %dma_wait3A_1846] : memref<2x18x8x256xf32, #tpu.memory_space<vmem>> -> memref<1x1x8x256xf32, #tpu.memory_space<vmem>>
        %dma_wait3A_1848 = tpu.memref_squeeze %dma_wait3A_1847 : memref<1x1x8x256xf32, #tpu.memory_space<vmem>> -> memref<8x256xf32, #tpu.memory_space<vmem>>
        tpu.wait_dma2 semaphore(%arg11 : memref<!tpu.dma_semaphore, #tpu.memory_space<semaphore_mem>>) src(%dma_wait3A_1848 : memref<8x256xf32, #tpu.memory_space<vmem>>) dst(%dma_wait3A_1844 : memref<8x256xf32, #tpu.memory_space<hbm>>)
        %dma_wait3A_1849 = arith.constant 1 : i32
        %dma_wait3A_1850 = arith.constant 10 : i32
        %dma_wait3A_1851 = arith.constant 10 : i32
        %dma_wait3A_1852 = arith.constant 0 : i32
        %dma_wait3A_1853 = arith.constant 0 : i32
        %dma_wait3A_1854 = tpu.memref_slice %arg6[%dma_wait3A_1849, %dma_wait3A_1850, %dma_wait3A_1852, %dma_wait3A_1853] : memref<2x18x8x256xf32, #tpu.memory_space<vmem>> -> memref<1x1x8x256xf32, #tpu.memory_space<vmem>>
        %dma_wait3A_1855 = tpu.memref_squeeze %dma_wait3A_1854 : memref<1x1x8x256xf32, #tpu.memory_space<vmem>> -> memref<8x256xf32, #tpu.memory_space<vmem>>
        %dma_wait3A_1856 = tpu.memref_slice %arg4[%dma_wait3A_1851, %mul3A_1680, %mul3A_1698] : memref<18x200x16384xf32, #tpu.memory_space<hbm>> -> memref<1x8x256xf32, #tpu.memory_space<hbm>>
        %dma_wait3A_1857 = tpu.memref_squeeze %dma_wait3A_1856 : memref<1x8x256xf32, #tpu.memory_space<hbm>> -> memref<8x256xf32, #tpu.memory_space<hbm>>
        %dma_wait3A_1858 = tpu.memref_slice %arg4[%dma_wait3A_1851, %mul3A_1680, %mul3A_1698] : memref<18x200x16384xf32, #tpu.memory_space<hbm>> -> memref<1x8x256xf32, #tpu.memory_space<hbm>>
        %dma_wait3A_1859 = tpu.memref_squeeze %dma_wait3A_1858 : memref<1x8x256xf32, #tpu.memory_space<hbm>> -> memref<8x256xf32, #tpu.memory_space<hbm>>
        %dma_wait3A_1860 = arith.constant 0 : i32
        %dma_wait3A_1861 = arith.constant 0 : i32
        %dma_wait3A_1862 = tpu.memref_slice %arg6[%dma_wait3A_1849, %dma_wait3A_1850, %dma_wait3A_1860, %dma_wait3A_1861] : memref<2x18x8x256xf32, #tpu.memory_space<vmem>> -> memref<1x1x8x256xf32, #tpu.memory_space<vmem>>
        %dma_wait3A_1863 = tpu.memref_squeeze %dma_wait3A_1862 : memref<1x1x8x256xf32, #tpu.memory_space<vmem>> -> memref<8x256xf32, #tpu.memory_space<vmem>>
        tpu.wait_dma2 semaphore(%arg11 : memref<!tpu.dma_semaphore, #tpu.memory_space<semaphore_mem>>) src(%dma_wait3A_1863 : memref<8x256xf32, #tpu.memory_space<vmem>>) dst(%dma_wait3A_1859 : memref<8x256xf32, #tpu.memory_space<hbm>>)
        %dma_wait3A_1864 = arith.constant 1 : i32
        %dma_wait3A_1865 = arith.constant 11 : i32
        %dma_wait3A_1866 = arith.constant 11 : i32
        %dma_wait3A_1867 = arith.constant 0 : i32
        %dma_wait3A_1868 = arith.constant 0 : i32
        %dma_wait3A_1869 = tpu.memref_slice %arg6[%dma_wait3A_1864, %dma_wait3A_1865, %dma_wait3A_1867, %dma_wait3A_1868] : memref<2x18x8x256xf32, #tpu.memory_space<vmem>> -> memref<1x1x8x256xf32, #tpu.memory_space<vmem>>
        %dma_wait3A_1870 = tpu.memref_squeeze %dma_wait3A_1869 : memref<1x1x8x256xf32, #tpu.memory_space<vmem>> -> memref<8x256xf32, #tpu.memory_space<vmem>>
        %dma_wait3A_1871 = tpu.memref_slice %arg4[%dma_wait3A_1866, %mul3A_1680, %mul3A_1698] : memref<18x200x16384xf32, #tpu.memory_space<hbm>> -> memref<1x8x256xf32, #tpu.memory_space<hbm>>
        %dma_wait3A_1872 = tpu.memref_squeeze %dma_wait3A_1871 : memref<1x8x256xf32, #tpu.memory_space<hbm>> -> memref<8x256xf32, #tpu.memory_space<hbm>>
        %dma_wait3A_1873 = tpu.memref_slice %arg4[%dma_wait3A_1866, %mul3A_1680, %mul3A_1698] : memref<18x200x16384xf32, #tpu.memory_space<hbm>> -> memref<1x8x256xf32, #tpu.memory_space<hbm>>
        %dma_wait3A_1874 = tpu.memref_squeeze %dma_wait3A_1873 : memref<1x8x256xf32, #tpu.memory_space<hbm>> -> memref<8x256xf32, #tpu.memory_space<hbm>>
        %dma_wait3A_1875 = arith.constant 0 : i32
        %dma_wait3A_1876 = arith.constant 0 : i32
        %dma_wait3A_1877 = tpu.memref_slice %arg6[%dma_wait3A_1864, %dma_wait3A_1865, %dma_wait3A_1875, %dma_wait3A_1876] : memref<2x18x8x256xf32, #tpu.memory_space<vmem>> -> memref<1x1x8x256xf32, #tpu.memory_space<vmem>>
        %dma_wait3A_1878 = tpu.memref_squeeze %dma_wait3A_1877 : memref<1x1x8x256xf32, #tpu.memory_space<vmem>> -> memref<8x256xf32, #tpu.memory_space<vmem>>
        tpu.wait_dma2 semaphore(%arg11 : memref<!tpu.dma_semaphore, #tpu.memory_space<semaphore_mem>>) src(%dma_wait3A_1878 : memref<8x256xf32, #tpu.memory_space<vmem>>) dst(%dma_wait3A_1874 : memref<8x256xf32, #tpu.memory_space<hbm>>)
        %dma_wait3A_1879 = arith.constant 1 : i32
        %dma_wait3A_1880 = arith.constant 12 : i32
        %dma_wait3A_1881 = arith.constant 12 : i32
        %dma_wait3A_1882 = arith.constant 0 : i32
        %dma_wait3A_1883 = arith.constant 0 : i32
        %dma_wait3A_1884 = tpu.memref_slice %arg6[%dma_wait3A_1879, %dma_wait3A_1880, %dma_wait3A_1882, %dma_wait3A_1883] : memref<2x18x8x256xf32, #tpu.memory_space<vmem>> -> memref<1x1x8x256xf32, #tpu.memory_space<vmem>>
        %dma_wait3A_1885 = tpu.memref_squeeze %dma_wait3A_1884 : memref<1x1x8x256xf32, #tpu.memory_space<vmem>> -> memref<8x256xf32, #tpu.memory_space<vmem>>
        %dma_wait3A_1886 = tpu.memref_slice %arg4[%dma_wait3A_1881, %mul3A_1680, %mul3A_1698] : memref<18x200x16384xf32, #tpu.memory_space<hbm>> -> memref<1x8x256xf32, #tpu.memory_space<hbm>>
        %dma_wait3A_1887 = tpu.memref_squeeze %dma_wait3A_1886 : memref<1x8x256xf32, #tpu.memory_space<hbm>> -> memref<8x256xf32, #tpu.memory_space<hbm>>
        %dma_wait3A_1888 = tpu.memref_slice %arg4[%dma_wait3A_1881, %mul3A_1680, %mul3A_1698] : memref<18x200x16384xf32, #tpu.memory_space<hbm>> -> memref<1x8x256xf32, #tpu.memory_space<hbm>>
        %dma_wait3A_1889 = tpu.memref_squeeze %dma_wait3A_1888 : memref<1x8x256xf32, #tpu.memory_space<hbm>> -> memref<8x256xf32, #tpu.memory_space<hbm>>
        %dma_wait3A_1890 = arith.constant 0 : i32
        %dma_wait3A_1891 = arith.constant 0 : i32
        %dma_wait3A_1892 = tpu.memref_slice %arg6[%dma_wait3A_1879, %dma_wait3A_1880, %dma_wait3A_1890, %dma_wait3A_1891] : memref<2x18x8x256xf32, #tpu.memory_space<vmem>> -> memref<1x1x8x256xf32, #tpu.memory_space<vmem>>
        %dma_wait3A_1893 = tpu.memref_squeeze %dma_wait3A_1892 : memref<1x1x8x256xf32, #tpu.memory_space<vmem>> -> memref<8x256xf32, #tpu.memory_space<vmem>>
        tpu.wait_dma2 semaphore(%arg11 : memref<!tpu.dma_semaphore, #tpu.memory_space<semaphore_mem>>) src(%dma_wait3A_1893 : memref<8x256xf32, #tpu.memory_space<vmem>>) dst(%dma_wait3A_1889 : memref<8x256xf32, #tpu.memory_space<hbm>>)
        %dma_wait3A_1894 = arith.constant 1 : i32
        %dma_wait3A_1895 = arith.constant 13 : i32
        %dma_wait3A_1896 = arith.constant 13 : i32
        %dma_wait3A_1897 = arith.constant 0 : i32
        %dma_wait3A_1898 = arith.constant 0 : i32
        %dma_wait3A_1899 = tpu.memref_slice %arg6[%dma_wait3A_1894, %dma_wait3A_1895, %dma_wait3A_1897, %dma_wait3A_1898] : memref<2x18x8x256xf32, #tpu.memory_space<vmem>> -> memref<1x1x8x256xf32, #tpu.memory_space<vmem>>
        %dma_wait3A_1900 = tpu.memref_squeeze %dma_wait3A_1899 : memref<1x1x8x256xf32, #tpu.memory_space<vmem>> -> memref<8x256xf32, #tpu.memory_space<vmem>>
        %dma_wait3A_1901 = tpu.memref_slice %arg4[%dma_wait3A_1896, %mul3A_1680, %mul3A_1698] : memref<18x200x16384xf32, #tpu.memory_space<hbm>> -> memref<1x8x256xf32, #tpu.memory_space<hbm>>
        %dma_wait3A_1902 = tpu.memref_squeeze %dma_wait3A_1901 : memref<1x8x256xf32, #tpu.memory_space<hbm>> -> memref<8x256xf32, #tpu.memory_space<hbm>>
        %dma_wait3A_1903 = tpu.memref_slice %arg4[%dma_wait3A_1896, %mul3A_1680, %mul3A_1698] : memref<18x200x16384xf32, #tpu.memory_space<hbm>> -> memref<1x8x256xf32, #tpu.memory_space<hbm>>
        %dma_wait3A_1904 = tpu.memref_squeeze %dma_wait3A_1903 : memref<1x8x256xf32, #tpu.memory_space<hbm>> -> memref<8x256xf32, #tpu.memory_space<hbm>>
        %dma_wait3A_1905 = arith.constant 0 : i32
        %dma_wait3A_1906 = arith.constant 0 : i32
        %dma_wait3A_1907 = tpu.memref_slice %arg6[%dma_wait3A_1894, %dma_wait3A_1895, %dma_wait3A_1905, %dma_wait3A_1906] : memref<2x18x8x256xf32, #tpu.memory_space<vmem>> -> memref<1x1x8x256xf32, #tpu.memory_space<vmem>>
        %dma_wait3A_1908 = tpu.memref_squeeze %dma_wait3A_1907 : memref<1x1x8x256xf32, #tpu.memory_space<vmem>> -> memref<8x256xf32, #tpu.memory_space<vmem>>
        tpu.wait_dma2 semaphore(%arg11 : memref<!tpu.dma_semaphore, #tpu.memory_space<semaphore_mem>>) src(%dma_wait3A_1908 : memref<8x256xf32, #tpu.memory_space<vmem>>) dst(%dma_wait3A_1904 : memref<8x256xf32, #tpu.memory_space<hbm>>)
        %dma_wait3A_1909 = arith.constant 1 : i32
        %dma_wait3A_1910 = arith.constant 14 : i32
        %dma_wait3A_1911 = arith.constant 14 : i32
        %dma_wait3A_1912 = arith.constant 0 : i32
        %dma_wait3A_1913 = arith.constant 0 : i32
        %dma_wait3A_1914 = tpu.memref_slice %arg6[%dma_wait3A_1909, %dma_wait3A_1910, %dma_wait3A_1912, %dma_wait3A_1913] : memref<2x18x8x256xf32, #tpu.memory_space<vmem>> -> memref<1x1x8x256xf32, #tpu.memory_space<vmem>>
        %dma_wait3A_1915 = tpu.memref_squeeze %dma_wait3A_1914 : memref<1x1x8x256xf32, #tpu.memory_space<vmem>> -> memref<8x256xf32, #tpu.memory_space<vmem>>
        %dma_wait3A_1916 = tpu.memref_slice %arg4[%dma_wait3A_1911, %mul3A_1680, %mul3A_1698] : memref<18x200x16384xf32, #tpu.memory_space<hbm>> -> memref<1x8x256xf32, #tpu.memory_space<hbm>>
        %dma_wait3A_1917 = tpu.memref_squeeze %dma_wait3A_1916 : memref<1x8x256xf32, #tpu.memory_space<hbm>> -> memref<8x256xf32, #tpu.memory_space<hbm>>
        %dma_wait3A_1918 = tpu.memref_slice %arg4[%dma_wait3A_1911, %mul3A_1680, %mul3A_1698] : memref<18x200x16384xf32, #tpu.memory_space<hbm>> -> memref<1x8x256xf32, #tpu.memory_space<hbm>>
        %dma_wait3A_1919 = tpu.memref_squeeze %dma_wait3A_1918 : memref<1x8x256xf32, #tpu.memory_space<hbm>> -> memref<8x256xf32, #tpu.memory_space<hbm>>
        %dma_wait3A_1920 = arith.constant 0 : i32
        %dma_wait3A_1921 = arith.constant 0 : i32
        %dma_wait3A_1922 = tpu.memref_slice %arg6[%dma_wait3A_1909, %dma_wait3A_1910, %dma_wait3A_1920, %dma_wait3A_1921] : memref<2x18x8x256xf32, #tpu.memory_space<vmem>> -> memref<1x1x8x256xf32, #tpu.memory_space<vmem>>
        %dma_wait3A_1923 = tpu.memref_squeeze %dma_wait3A_1922 : memref<1x1x8x256xf32, #tpu.memory_space<vmem>> -> memref<8x256xf32, #tpu.memory_space<vmem>>
        tpu.wait_dma2 semaphore(%arg11 : memref<!tpu.dma_semaphore, #tpu.memory_space<semaphore_mem>>) src(%dma_wait3A_1923 : memref<8x256xf32, #tpu.memory_space<vmem>>) dst(%dma_wait3A_1919 : memref<8x256xf32, #tpu.memory_space<hbm>>)
        %dma_wait3A_1924 = arith.constant 1 : i32
        %dma_wait3A_1925 = arith.constant 15 : i32
        %dma_wait3A_1926 = arith.constant 15 : i32
        %dma_wait3A_1927 = arith.constant 0 : i32
        %dma_wait3A_1928 = arith.constant 0 : i32
        %dma_wait3A_1929 = tpu.memref_slice %arg6[%dma_wait3A_1924, %dma_wait3A_1925, %dma_wait3A_1927, %dma_wait3A_1928] : memref<2x18x8x256xf32, #tpu.memory_space<vmem>> -> memref<1x1x8x256xf32, #tpu.memory_space<vmem>>
        %dma_wait3A_1930 = tpu.memref_squeeze %dma_wait3A_1929 : memref<1x1x8x256xf32, #tpu.memory_space<vmem>> -> memref<8x256xf32, #tpu.memory_space<vmem>>
        %dma_wait3A_1931 = tpu.memref_slice %arg4[%dma_wait3A_1926, %mul3A_1680, %mul3A_1698] : memref<18x200x16384xf32, #tpu.memory_space<hbm>> -> memref<1x8x256xf32, #tpu.memory_space<hbm>>
        %dma_wait3A_1932 = tpu.memref_squeeze %dma_wait3A_1931 : memref<1x8x256xf32, #tpu.memory_space<hbm>> -> memref<8x256xf32, #tpu.memory_space<hbm>>
        %dma_wait3A_1933 = tpu.memref_slice %arg4[%dma_wait3A_1926, %mul3A_1680, %mul3A_1698] : memref<18x200x16384xf32, #tpu.memory_space<hbm>> -> memref<1x8x256xf32, #tpu.memory_space<hbm>>
        %dma_wait3A_1934 = tpu.memref_squeeze %dma_wait3A_1933 : memref<1x8x256xf32, #tpu.memory_space<hbm>> -> memref<8x256xf32, #tpu.memory_space<hbm>>
        %dma_wait3A_1935 = arith.constant 0 : i32
        %dma_wait3A_1936 = arith.constant 0 : i32
        %dma_wait3A_1937 = tpu.memref_slice %arg6[%dma_wait3A_1924, %dma_wait3A_1925, %dma_wait3A_1935, %dma_wait3A_1936] : memref<2x18x8x256xf32, #tpu.memory_space<vmem>> -> memref<1x1x8x256xf32, #tpu.memory_space<vmem>>
        %dma_wait3A_1938 = tpu.memref_squeeze %dma_wait3A_1937 : memref<1x1x8x256xf32, #tpu.memory_space<vmem>> -> memref<8x256xf32, #tpu.memory_space<vmem>>
        tpu.wait_dma2 semaphore(%arg11 : memref<!tpu.dma_semaphore, #tpu.memory_space<semaphore_mem>>) src(%dma_wait3A_1938 : memref<8x256xf32, #tpu.memory_space<vmem>>) dst(%dma_wait3A_1934 : memref<8x256xf32, #tpu.memory_space<hbm>>)
        %dma_wait3A_1939 = arith.constant 1 : i32
        %dma_wait3A_1940 = arith.constant 16 : i32
        %dma_wait3A_1941 = arith.constant 16 : i32
        %dma_wait3A_1942 = arith.constant 0 : i32
        %dma_wait3A_1943 = arith.constant 0 : i32
        %dma_wait3A_1944 = tpu.memref_slice %arg6[%dma_wait3A_1939, %dma_wait3A_1940, %dma_wait3A_1942, %dma_wait3A_1943] : memref<2x18x8x256xf32, #tpu.memory_space<vmem>> -> memref<1x1x8x256xf32, #tpu.memory_space<vmem>>
        %dma_wait3A_1945 = tpu.memref_squeeze %dma_wait3A_1944 : memref<1x1x8x256xf32, #tpu.memory_space<vmem>> -> memref<8x256xf32, #tpu.memory_space<vmem>>
        %dma_wait3A_1946 = tpu.memref_slice %arg4[%dma_wait3A_1941, %mul3A_1680, %mul3A_1698] : memref<18x200x16384xf32, #tpu.memory_space<hbm>> -> memref<1x8x256xf32, #tpu.memory_space<hbm>>
        %dma_wait3A_1947 = tpu.memref_squeeze %dma_wait3A_1946 : memref<1x8x256xf32, #tpu.memory_space<hbm>> -> memref<8x256xf32, #tpu.memory_space<hbm>>
        %dma_wait3A_1948 = tpu.memref_slice %arg4[%dma_wait3A_1941, %mul3A_1680, %mul3A_1698] : memref<18x200x16384xf32, #tpu.memory_space<hbm>> -> memref<1x8x256xf32, #tpu.memory_space<hbm>>
        %dma_wait3A_1949 = tpu.memref_squeeze %dma_wait3A_1948 : memref<1x8x256xf32, #tpu.memory_space<hbm>> -> memref<8x256xf32, #tpu.memory_space<hbm>>
        %dma_wait3A_1950 = arith.constant 0 : i32
        %dma_wait3A_1951 = arith.constant 0 : i32
        %dma_wait3A_1952 = tpu.memref_slice %arg6[%dma_wait3A_1939, %dma_wait3A_1940, %dma_wait3A_1950, %dma_wait3A_1951] : memref<2x18x8x256xf32, #tpu.memory_space<vmem>> -> memref<1x1x8x256xf32, #tpu.memory_space<vmem>>
        %dma_wait3A_1953 = tpu.memref_squeeze %dma_wait3A_1952 : memref<1x1x8x256xf32, #tpu.memory_space<vmem>> -> memref<8x256xf32, #tpu.memory_space<vmem>>
        tpu.wait_dma2 semaphore(%arg11 : memref<!tpu.dma_semaphore, #tpu.memory_space<semaphore_mem>>) src(%dma_wait3A_1953 : memref<8x256xf32, #tpu.memory_space<vmem>>) dst(%dma_wait3A_1949 : memref<8x256xf32, #tpu.memory_space<hbm>>)
        %dma_wait3A_1954 = arith.constant 1 : i32
        %dma_wait3A_1955 = arith.constant 17 : i32
        %dma_wait3A_1956 = arith.constant 17 : i32
        %dma_wait3A_1957 = arith.constant 0 : i32
        %dma_wait3A_1958 = arith.constant 0 : i32
        %dma_wait3A_1959 = tpu.memref_slice %arg6[%dma_wait3A_1954, %dma_wait3A_1955, %dma_wait3A_1957, %dma_wait3A_1958] : memref<2x18x8x256xf32, #tpu.memory_space<vmem>> -> memref<1x1x8x256xf32, #tpu.memory_space<vmem>>
        %dma_wait3A_1960 = tpu.memref_squeeze %dma_wait3A_1959 : memref<1x1x8x256xf32, #tpu.memory_space<vmem>> -> memref<8x256xf32, #tpu.memory_space<vmem>>
        %dma_wait3A_1961 = tpu.memref_slice %arg4[%dma_wait3A_1956, %mul3A_1680, %mul3A_1698] : memref<18x200x16384xf32, #tpu.memory_space<hbm>> -> memref<1x8x256xf32, #tpu.memory_space<hbm>>
        %dma_wait3A_1962 = tpu.memref_squeeze %dma_wait3A_1961 : memref<1x8x256xf32, #tpu.memory_space<hbm>> -> memref<8x256xf32, #tpu.memory_space<hbm>>
        %dma_wait3A_1963 = tpu.memref_slice %arg4[%dma_wait3A_1956, %mul3A_1680, %mul3A_1698] : memref<18x200x16384xf32, #tpu.memory_space<hbm>> -> memref<1x8x256xf32, #tpu.memory_space<hbm>>
        %dma_wait3A_1964 = tpu.memref_squeeze %dma_wait3A_1963 : memref<1x8x256xf32, #tpu.memory_space<hbm>> -> memref<8x256xf32, #tpu.memory_space<hbm>>
        %dma_wait3A_1965 = arith.constant 0 : i32
        %dma_wait3A_1966 = arith.constant 0 : i32
        %dma_wait3A_1967 = tpu.memref_slice %arg6[%dma_wait3A_1954, %dma_wait3A_1955, %dma_wait3A_1965, %dma_wait3A_1966] : memref<2x18x8x256xf32, #tpu.memory_space<vmem>> -> memref<1x1x8x256xf32, #tpu.memory_space<vmem>>
        %dma_wait3A_1968 = tpu.memref_squeeze %dma_wait3A_1967 : memref<1x1x8x256xf32, #tpu.memory_space<vmem>> -> memref<8x256xf32, #tpu.memory_space<vmem>>
        tpu.wait_dma2 semaphore(%arg11 : memref<!tpu.dma_semaphore, #tpu.memory_space<semaphore_mem>>) src(%dma_wait3A_1968 : memref<8x256xf32, #tpu.memory_space<vmem>>) dst(%dma_wait3A_1964 : memref<8x256xf32, #tpu.memory_space<hbm>>)
      } else {
      }
      %jit3A_1244 = arith.constant 64 : i32
      %div3A_1245 = arith.divsi %add3A_1233, %jit3A_1244 : i32
      %sign3A_1246 = arith.constant 0 : i32
      %sign3A_1247 = arith.cmpi sgt, %add3A_1233, %sign3A_1246 : i32
      %sign3A_1248 = arith.extui %sign3A_1247 : i1 to i32
      %sign3A_1249 = arith.constant 0 : i32
      %sign3A_1250 = arith.cmpi slt, %add3A_1233, %sign3A_1249 : i32
      %sign3A_1251 = arith.extui %sign3A_1250 : i1 to i32
      %sign3A_1252 = arith.subi %sign3A_1248, %sign3A_1251 : i32
      %sign3A_1253 = arith.constant 0 : i32
      %sign3A_1254 = arith.cmpi sgt, %jit3A_1244, %sign3A_1253 : i32
      %sign3A_1255 = arith.extui %sign3A_1254 : i1 to i32
      %sign3A_1256 = arith.constant 0 : i32
      %sign3A_1257 = arith.cmpi slt, %jit3A_1244, %sign3A_1256 : i32
      %sign3A_1258 = arith.extui %sign3A_1257 : i1 to i32
      %sign3A_1259 = arith.subi %sign3A_1255, %sign3A_1258 : i32
      %ne3A_1260 = arith.cmpi ne, %sign3A_1252, %sign3A_1259 : i32
      %rem3A_1261 = arith.remsi %add3A_1233, %jit3A_1244 : i32
      %ne3A_1262 = arith.constant 0 : i32
      %ne3A_1263 = arith.cmpi ne, %rem3A_1261, %ne3A_1262 : i32
      %and3A_1264 = arith.andi %ne3A_1260, %ne3A_1263 : i1
      %sub3A_1265 = arith.constant 1 : i32
      %sub3A_1266 = arith.subi %div3A_1245, %sub3A_1265 : i32
      %select_n3A_1267 = arith.select %and3A_1264, %sub3A_1266, %div3A_1245 : i32
      %mul3A_1268 = arith.constant 8 : i32
      %mul3A_1269 = arith.muli %select_n3A_1267, %mul3A_1268 : i32
      %jit3A_1270 = arith.constant 64 : i32
      %eq3A_1271 = arith.constant 0 : i32
      %eq3A_1272 = arith.cmpi eq, %jit3A_1270, %eq3A_1271 : i32
      %jit3A_1273 = arith.constant 1 : i32
      %select_n3A_1274 = arith.select %eq3A_1272, %jit3A_1273, %jit3A_1270 : i32
      %rem3A_1275 = arith.remsi %add3A_1233, %select_n3A_1274 : i32
      %ne3A_1276 = arith.constant 0 : i32
      %ne3A_1277 = arith.cmpi ne, %rem3A_1275, %ne3A_1276 : i32
      %lt3A_1278 = arith.constant 0 : i32
      %lt3A_1279 = arith.cmpi slt, %rem3A_1275, %lt3A_1278 : i32
      %lt3A_1280 = arith.constant 0 : i32
      %lt3A_1281 = arith.cmpi slt, %select_n3A_1274, %lt3A_1280 : i32
      %ne3A_1282 = arith.xori %lt3A_1279, %lt3A_1281 : i1
      %and3A_1283 = arith.andi %ne3A_1282, %ne3A_1277 : i1
      %add3A_1284 = arith.addi %rem3A_1275, %select_n3A_1274 : i32
      %select_n3A_1285 = arith.select %and3A_1283, %add3A_1284, %rem3A_1275 : i32
      %mul3A_1286 = arith.constant 256 : i32
      %mul3A_1287 = arith.muli %select_n3A_1285, %mul3A_1286 : i32
      %dma_wait3A_1288 = arith.constant 0 : i32
      %dma_wait3A_1289 = arith.constant 1 : i32
      %dma_wait3A_1290 = arith.constant 0 : i32
      %dma_wait3A_1291 = arith.constant 0 : i32
      %dma_wait3A_1292 = arith.constant 0 : i32
      %dma_wait3A_1293 = tpu.memref_slice %arg5[%dma_wait3A_1289, %dma_wait3A_1290, %dma_wait3A_1291, %dma_wait3A_1292] : memref<2x3x8x256xi32, #tpu.memory_space<vmem>> -> memref<1x1x8x256xi32, #tpu.memory_space<vmem>>
      %dma_wait3A_1294 = tpu.memref_squeeze %dma_wait3A_1293 : memref<1x1x8x256xi32, #tpu.memory_space<vmem>> -> memref<8x256xi32, #tpu.memory_space<vmem>>
      %dma_wait3A_1295 = tpu.memref_slice %arg2[%dma_wait3A_1288, %mul3A_1269, %mul3A_1287] : memref<3x200x16384xi32, #tpu.memory_space<hbm>> -> memref<1x8x256xi32, #tpu.memory_space<hbm>>
      %dma_wait3A_1296 = tpu.memref_squeeze %dma_wait3A_1295 : memref<1x8x256xi32, #tpu.memory_space<hbm>> -> memref<8x256xi32, #tpu.memory_space<hbm>>
      %dma_wait3A_1297 = arith.constant 0 : i32
      %dma_wait3A_1298 = arith.constant 0 : i32
      %dma_wait3A_1299 = tpu.memref_slice %arg5[%dma_wait3A_1289, %dma_wait3A_1290, %dma_wait3A_1297, %dma_wait3A_1298] : memref<2x3x8x256xi32, #tpu.memory_space<vmem>> -> memref<1x1x8x256xi32, #tpu.memory_space<vmem>>
      %dma_wait3A_1300 = tpu.memref_squeeze %dma_wait3A_1299 : memref<1x1x8x256xi32, #tpu.memory_space<vmem>> -> memref<8x256xi32, #tpu.memory_space<vmem>>
      %dma_wait3A_1301 = tpu.memref_slice %arg2[%dma_wait3A_1288, %mul3A_1269, %mul3A_1287] : memref<3x200x16384xi32, #tpu.memory_space<hbm>> -> memref<1x8x256xi32, #tpu.memory_space<hbm>>
      %dma_wait3A_1302 = tpu.memref_squeeze %dma_wait3A_1301 : memref<1x8x256xi32, #tpu.memory_space<hbm>> -> memref<8x256xi32, #tpu.memory_space<hbm>>
      tpu.wait_dma2 semaphore(%arg9 : memref<!tpu.dma_semaphore, #tpu.memory_space<semaphore_mem>>) src(%dma_wait3A_1302 : memref<8x256xi32, #tpu.memory_space<hbm>>) dst(%dma_wait3A_1300 : memref<8x256xi32, #tpu.memory_space<vmem>>)
      %dma_wait3A_1303 = arith.constant 1 : i32
      %dma_wait3A_1304 = arith.constant 1 : i32
      %dma_wait3A_1305 = arith.constant 1 : i32
      %dma_wait3A_1306 = arith.constant 0 : i32
      %dma_wait3A_1307 = arith.constant 0 : i32
      %dma_wait3A_1308 = tpu.memref_slice %arg5[%dma_wait3A_1304, %dma_wait3A_1305, %dma_wait3A_1306, %dma_wait3A_1307] : memref<2x3x8x256xi32, #tpu.memory_space<vmem>> -> memref<1x1x8x256xi32, #tpu.memory_space<vmem>>
      %dma_wait3A_1309 = tpu.memref_squeeze %dma_wait3A_1308 : memref<1x1x8x256xi32, #tpu.memory_space<vmem>> -> memref<8x256xi32, #tpu.memory_space<vmem>>
      %dma_wait3A_1310 = tpu.memref_slice %arg2[%dma_wait3A_1303, %mul3A_1269, %mul3A_1287] : memref<3x200x16384xi32, #tpu.memory_space<hbm>> -> memref<1x8x256xi32, #tpu.memory_space<hbm>>
      %dma_wait3A_1311 = tpu.memref_squeeze %dma_wait3A_1310 : memref<1x8x256xi32, #tpu.memory_space<hbm>> -> memref<8x256xi32, #tpu.memory_space<hbm>>
      %dma_wait3A_1312 = arith.constant 0 : i32
      %dma_wait3A_1313 = arith.constant 0 : i32
      %dma_wait3A_1314 = tpu.memref_slice %arg5[%dma_wait3A_1304, %dma_wait3A_1305, %dma_wait3A_1312, %dma_wait3A_1313] : memref<2x3x8x256xi32, #tpu.memory_space<vmem>> -> memref<1x1x8x256xi32, #tpu.memory_space<vmem>>
      %dma_wait3A_1315 = tpu.memref_squeeze %dma_wait3A_1314 : memref<1x1x8x256xi32, #tpu.memory_space<vmem>> -> memref<8x256xi32, #tpu.memory_space<vmem>>
      %dma_wait3A_1316 = tpu.memref_slice %arg2[%dma_wait3A_1303, %mul3A_1269, %mul3A_1287] : memref<3x200x16384xi32, #tpu.memory_space<hbm>> -> memref<1x8x256xi32, #tpu.memory_space<hbm>>
      %dma_wait3A_1317 = tpu.memref_squeeze %dma_wait3A_1316 : memref<1x8x256xi32, #tpu.memory_space<hbm>> -> memref<8x256xi32, #tpu.memory_space<hbm>>
      tpu.wait_dma2 semaphore(%arg9 : memref<!tpu.dma_semaphore, #tpu.memory_space<semaphore_mem>>) src(%dma_wait3A_1317 : memref<8x256xi32, #tpu.memory_space<hbm>>) dst(%dma_wait3A_1315 : memref<8x256xi32, #tpu.memory_space<vmem>>)
      %dma_wait3A_1318 = arith.constant 2 : i32
      %dma_wait3A_1319 = arith.constant 1 : i32
      %dma_wait3A_1320 = arith.constant 2 : i32
      %dma_wait3A_1321 = arith.constant 0 : i32
      %dma_wait3A_1322 = arith.constant 0 : i32
      %dma_wait3A_1323 = tpu.memref_slice %arg5[%dma_wait3A_1319, %dma_wait3A_1320, %dma_wait3A_1321, %dma_wait3A_1322] : memref<2x3x8x256xi32, #tpu.memory_space<vmem>> -> memref<1x1x8x256xi32, #tpu.memory_space<vmem>>
      %dma_wait3A_1324 = tpu.memref_squeeze %dma_wait3A_1323 : memref<1x1x8x256xi32, #tpu.memory_space<vmem>> -> memref<8x256xi32, #tpu.memory_space<vmem>>
      %dma_wait3A_1325 = tpu.memref_slice %arg2[%dma_wait3A_1318, %mul3A_1269, %mul3A_1287] : memref<3x200x16384xi32, #tpu.memory_space<hbm>> -> memref<1x8x256xi32, #tpu.memory_space<hbm>>
      %dma_wait3A_1326 = tpu.memref_squeeze %dma_wait3A_1325 : memref<1x8x256xi32, #tpu.memory_space<hbm>> -> memref<8x256xi32, #tpu.memory_space<hbm>>
      %dma_wait3A_1327 = arith.constant 0 : i32
      %dma_wait3A_1328 = arith.constant 0 : i32
      %dma_wait3A_1329 = tpu.memref_slice %arg5[%dma_wait3A_1319, %dma_wait3A_1320, %dma_wait3A_1327, %dma_wait3A_1328] : memref<2x3x8x256xi32, #tpu.memory_space<vmem>> -> memref<1x1x8x256xi32, #tpu.memory_space<vmem>>
      %dma_wait3A_1330 = tpu.memref_squeeze %dma_wait3A_1329 : memref<1x1x8x256xi32, #tpu.memory_space<vmem>> -> memref<8x256xi32, #tpu.memory_space<vmem>>
      %dma_wait3A_1331 = tpu.memref_slice %arg2[%dma_wait3A_1318, %mul3A_1269, %mul3A_1287] : memref<3x200x16384xi32, #tpu.memory_space<hbm>> -> memref<1x8x256xi32, #tpu.memory_space<hbm>>
      %dma_wait3A_1332 = tpu.memref_squeeze %dma_wait3A_1331 : memref<1x8x256xi32, #tpu.memory_space<hbm>> -> memref<8x256xi32, #tpu.memory_space<hbm>>
      tpu.wait_dma2 semaphore(%arg9 : memref<!tpu.dma_semaphore, #tpu.memory_space<semaphore_mem>>) src(%dma_wait3A_1332 : memref<8x256xi32, #tpu.memory_space<hbm>>) dst(%dma_wait3A_1330 : memref<8x256xi32, #tpu.memory_space<vmem>>)
      %scan3A_1333 = arith.constant 0 : i32
      %scan3A_1334 = arith.constant 0 : i32
      %scan3A_1335 = arith.constant 128 : i32
      %scan3A_1336 = arith.addi %scan3A_1334, %scan3A_1335 : i32
      %scan3A_1337 = arith.constant 1 : i32
      scf.for %scan3A_1653 = %scan3A_1334 to %scan3A_1336 step %scan3A_1337  : i32 {
        %shift_right_arithmetic3A = arith.constant 4 : i32
        %shift_right_arithmetic3A_1654 = arith.shrsi %scan3A_1653, %shift_right_arithmetic3A : i32
        %and3A_1655 = arith.constant 15 : i32
        %and3A_1656 = arith.andi %scan3A_1653, %and3A_1655 : i32
        %mul3A_1657 = arith.constant 16 : i32
        %mul3A_1658 = arith.muli %and3A_1656, %mul3A_1657 : i32
        %get3A = arith.constant 1 : i32
        %get3A_1659 = arith.constant 0 : i32
        %get3A_1660 = arith.index_cast %get3A : i32 to index
        %get3A_1661 = arith.index_cast %get3A_1659 : i32 to index
        %get3A_1662 = arith.index_cast %shift_right_arithmetic3A_1654 : i32 to index
        %get3A_1663 = arith.index_cast %mul3A_1658 : i32 to index
        %get3A_1664 = tpu.vector_load %arg5[%get3A_1660, %get3A_1661, %get3A_1662, %get3A_1663] {strides = array<i32>} : memref<2x3x8x256xi32, #tpu.memory_space<vmem>>, vector<16xi32>,
        %get3A_1665 = arith.constant 1 : i32
        %get3A_1666 = arith.constant 1 : i32
        %get3A_1667 = arith.index_cast %get3A_1665 : i32 to index
        %get3A_1668 = arith.index_cast %get3A_1666 : i32 to index
        %get3A_1669 = arith.index_cast %shift_right_arithmetic3A_1654 : i32 to index
        %get3A_1670 = arith.index_cast %mul3A_1658 : i32 to index
        %get3A_1671 = tpu.vector_load %arg5[%get3A_1667, %get3A_1668, %get3A_1669, %get3A_1670] {strides = array<i32>} : memref<2x3x8x256xi32, #tpu.memory_space<vmem>>, vector<16xi32>,
        %get3A_1672 = arith.constant 1 : i32
        %get3A_1673 = arith.constant 2 : i32
        %get3A_1674 = arith.index_cast %get3A_1672 : i32 to index
        %get3A_1675 = arith.index_cast %get3A_1673 : i32 to index
        %get3A_1676 = arith.index_cast %shift_right_arithmetic3A_1654 : i32 to index
        %get3A_1677 = arith.index_cast %mul3A_1658 : i32 to index
        %get3A_1678 = tpu.vector_load %arg5[%get3A_1674, %get3A_1675, %get3A_1676, %get3A_1677] {strides = array<i32>} : memref<2x3x8x256xi32, #tpu.memory_space<vmem>>, vector<16xi32>,
        %jit3A_1679 = arith.constant 0 : i32
        %jit3A_1680 = arith.constant 5 : i32
        %max3A = vector.broadcast %jit3A_1679 : i32 to vector<16xi32>
        %max3A_1681 = arith.maxsi %max3A, %get3A_1664 : vector<16xi32>
        %min3A = vector.broadcast %jit3A_1680 : i32 to vector<16xi32>
        %min3A_1682 = arith.minsi %min3A, %max3A_1681 : vector<16xi32>
        %jit3A_1683 = arith.constant 0 : i32
        %jit3A_1684 = arith.constant 1 : i32
        %max3A_1685 = vector.broadcast %jit3A_1683 : i32 to vector<16xi32>
        %max3A_1686 = arith.maxsi %max3A_1685, %get3A_1671 : vector<16xi32>
        %min3A_1687 = vector.broadcast %jit3A_1684 : i32 to vector<16xi32>
        %min3A_1688 = arith.minsi %min3A_1687, %max3A_1686 : vector<16xi32>
        %jit3A_1689 = arith.constant 0 : i32
        %jit3A_1690 = arith.constant 3 : i32
        %max3A_1691 = vector.broadcast %jit3A_1689 : i32 to vector<16xi32>
        %max3A_1692 = arith.maxsi %max3A_1691, %get3A_1678 : vector<16xi32>
        %min3A_1693 = vector.broadcast %jit3A_1690 : i32 to vector<16xi32>
        %min3A_1694 = arith.minsi %min3A_1693, %max3A_1692 : vector<16xi32>
        %mul3A_1695 = arith.constant 18 : i32
        %mul3A_1696 = vector.broadcast %mul3A_1695 : i32 to vector<16xi32>
        %mul3A_1697 = arith.muli %min3A_1682, %mul3A_1696 : vector<16xi32>
        %mul3A_1698 = arith.constant 108 : i32
        %mul3A_1699 = vector.broadcast %mul3A_1698 : i32 to vector<16xi32>
        %mul3A_1700 = arith.muli %min3A_1688, %mul3A_1699 : vector<16xi32>
        %add3A_1701 = arith.addi %mul3A_1697, %mul3A_1700 : vector<16xi32>
        %mul3A_1702 = arith.constant 216 : i32
        %mul3A_1703 = vector.broadcast %mul3A_1702 : i32 to vector<16xi32>
        %mul3A_1704 = arith.muli %min3A_1694, %mul3A_1703 : vector<16xi32>
        %add3A_1705 = arith.addi %add3A_1701, %mul3A_1704 : vector<16xi32>
        %add3A_1706 = arith.constant 0 : i32
        %add3A_1707 = vector.broadcast %add3A_1706 : i32 to vector<16xi32>
        %add3A_1708 = arith.addi %add3A_1705, %add3A_1707 : vector<16xi32>
        %gather3A = tpu.vector_load_idx %arg7[%add3A_1708] : memref<864xf32, #tpu.memory_space<vmem>>[vector<16xi32>], vector<16xf32>,
        %add3A_1709 = arith.constant 1 : i32
        %add3A_1710 = vector.broadcast %add3A_1709 : i32 to vector<16xi32>
        %add3A_1711 = arith.addi %add3A_1705, %add3A_1710 : vector<16xi32>
        %gather3A_1712 = tpu.vector_load_idx %arg7[%add3A_1711] : memref<864xf32, #tpu.memory_space<vmem>>[vector<16xi32>], vector<16xf32>,
        %add3A_1713 = arith.constant 2 : i32
        %add3A_1714 = vector.broadcast %add3A_1713 : i32 to vector<16xi32>
        %add3A_1715 = arith.addi %add3A_1705, %add3A_1714 : vector<16xi32>
        %gather3A_1716 = tpu.vector_load_idx %arg7[%add3A_1715] : memref<864xf32, #tpu.memory_space<vmem>>[vector<16xi32>], vector<16xf32>,
        %add3A_1717 = arith.constant 3 : i32
        %add3A_1718 = vector.broadcast %add3A_1717 : i32 to vector<16xi32>
        %add3A_1719 = arith.addi %add3A_1705, %add3A_1718 : vector<16xi32>
        %gather3A_1720 = tpu.vector_load_idx %arg7[%add3A_1719] : memref<864xf32, #tpu.memory_space<vmem>>[vector<16xi32>], vector<16xf32>,
        %add3A_1721 = arith.constant 4 : i32
        %add3A_1722 = vector.broadcast %add3A_1721 : i32 to vector<16xi32>
        %add3A_1723 = arith.addi %add3A_1705, %add3A_1722 : vector<16xi32>
        %gather3A_1724 = tpu.vector_load_idx %arg7[%add3A_1723] : memref<864xf32, #tpu.memory_space<vmem>>[vector<16xi32>], vector<16xf32>,
        %add3A_1725 = arith.constant 5 : i32
        %add3A_1726 = vector.broadcast %add3A_1725 : i32 to vector<16xi32>
        %add3A_1727 = arith.addi %add3A_1705, %add3A_1726 : vector<16xi32>
        %gather3A_1728 = tpu.vector_load_idx %arg7[%add3A_1727] : memref<864xf32, #tpu.memory_space<vmem>>[vector<16xi32>], vector<16xf32>,
        %add3A_1729 = arith.constant 6 : i32
        %add3A_1730 = vector.broadcast %add3A_1729 : i32 to vector<16xi32>
        %add3A_1731 = arith.addi %add3A_1705, %add3A_1730 : vector<16xi32>
        %gather3A_1732 = tpu.vector_load_idx %arg7[%add3A_1731] : memref<864xf32, #tpu.memory_space<vmem>>[vector<16xi32>], vector<16xf32>,
        %add3A_1733 = arith.constant 7 : i32
        %add3A_1734 = vector.broadcast %add3A_1733 : i32 to vector<16xi32>
        %add3A_1735 = arith.addi %add3A_1705, %add3A_1734 : vector<16xi32>
        %gather3A_1736 = tpu.vector_load_idx %arg7[%add3A_1735] : memref<864xf32, #tpu.memory_space<vmem>>[vector<16xi32>], vector<16xf32>,
        %add3A_1737 = arith.constant 8 : i32
        %add3A_1738 = vector.broadcast %add3A_1737 : i32 to vector<16xi32>
        %add3A_1739 = arith.addi %add3A_1705, %add3A_1738 : vector<16xi32>
        %gather3A_1740 = tpu.vector_load_idx %arg7[%add3A_1739] : memref<864xf32, #tpu.memory_space<vmem>>[vector<16xi32>], vector<16xf32>,
        %add3A_1741 = arith.constant 9 : i32
        %add3A_1742 = vector.broadcast %add3A_1741 : i32 to vector<16xi32>
        %add3A_1743 = arith.addi %add3A_1705, %add3A_1742 : vector<16xi32>
        %gather3A_1744 = tpu.vector_load_idx %arg7[%add3A_1743] : memref<864xf32, #tpu.memory_space<vmem>>[vector<16xi32>], vector<16xf32>,
        %add3A_1745 = arith.constant 10 : i32
        %add3A_1746 = vector.broadcast %add3A_1745 : i32 to vector<16xi32>
        %add3A_1747 = arith.addi %add3A_1705, %add3A_1746 : vector<16xi32>
        %gather3A_1748 = tpu.vector_load_idx %arg7[%add3A_1747] : memref<864xf32, #tpu.memory_space<vmem>>[vector<16xi32>], vector<16xf32>,
        %add3A_1749 = arith.constant 11 : i32
        %add3A_1750 = vector.broadcast %add3A_1749 : i32 to vector<16xi32>
        %add3A_1751 = arith.addi %add3A_1705, %add3A_1750 : vector<16xi32>
        %gather3A_1752 = tpu.vector_load_idx %arg7[%add3A_1751] : memref<864xf32, #tpu.memory_space<vmem>>[vector<16xi32>], vector<16xf32>,
        %add3A_1753 = arith.constant 12 : i32
        %add3A_1754 = vector.broadcast %add3A_1753 : i32 to vector<16xi32>
        %add3A_1755 = arith.addi %add3A_1705, %add3A_1754 : vector<16xi32>
        %gather3A_1756 = tpu.vector_load_idx %arg7[%add3A_1755] : memref<864xf32, #tpu.memory_space<vmem>>[vector<16xi32>], vector<16xf32>,
        %add3A_1757 = arith.constant 13 : i32
        %add3A_1758 = vector.broadcast %add3A_1757 : i32 to vector<16xi32>
        %add3A_1759 = arith.addi %add3A_1705, %add3A_1758 : vector<16xi32>
        %gather3A_1760 = tpu.vector_load_idx %arg7[%add3A_1759] : memref<864xf32, #tpu.memory_space<vmem>>[vector<16xi32>], vector<16xf32>,
        %add3A_1761 = arith.constant 14 : i32
        %add3A_1762 = vector.broadcast %add3A_1761 : i32 to vector<16xi32>
        %add3A_1763 = arith.addi %add3A_1705, %add3A_1762 : vector<16xi32>
        %gather3A_1764 = tpu.vector_load_idx %arg7[%add3A_1763] : memref<864xf32, #tpu.memory_space<vmem>>[vector<16xi32>], vector<16xf32>,
        %add3A_1765 = arith.constant 15 : i32
        %add3A_1766 = vector.broadcast %add3A_1765 : i32 to vector<16xi32>
        %add3A_1767 = arith.addi %add3A_1705, %add3A_1766 : vector<16xi32>
        %gather3A_1768 = tpu.vector_load_idx %arg7[%add3A_1767] : memref<864xf32, #tpu.memory_space<vmem>>[vector<16xi32>], vector<16xf32>,
        %add3A_1769 = arith.constant 16 : i32
        %add3A_1770 = vector.broadcast %add3A_1769 : i32 to vector<16xi32>
        %add3A_1771 = arith.addi %add3A_1705, %add3A_1770 : vector<16xi32>
        %gather3A_1772 = tpu.vector_load_idx %arg7[%add3A_1771] : memref<864xf32, #tpu.memory_space<vmem>>[vector<16xi32>], vector<16xf32>,
        %add3A_1773 = arith.constant 17 : i32
        %add3A_1774 = vector.broadcast %add3A_1773 : i32 to vector<16xi32>
        %add3A_1775 = arith.addi %add3A_1705, %add3A_1774 : vector<16xi32>
        %gather3A_1776 = tpu.vector_load_idx %arg7[%add3A_1775] : memref<864xf32, #tpu.memory_space<vmem>>[vector<16xi32>], vector<16xf32>,
        %swap3A = arith.constant 1 : i32
        %swap3A_1777 = arith.constant 0 : i32
        %swap3A_1778 = arith.index_cast %swap3A : i32 to index
        %swap3A_1779 = arith.index_cast %swap3A_1777 : i32 to index
        %swap3A_1780 = arith.index_cast %shift_right_arithmetic3A_1654 : i32 to index
        %swap3A_1781 = arith.index_cast %mul3A_1658 : i32 to index
        %swap3A_1782 = tpu.vector_load %arg6[%swap3A_1778, %swap3A_1779, %swap3A_1780, %swap3A_1781] {strides = array<i32>} : memref<2x18x8x256xf32, #tpu.memory_space<vmem>>, vector<16xf32>,
        tpu.vector_store %arg6[%swap3A_1778, %swap3A_1779, %swap3A_1780, %swap3A_1781], %gather3A {strides = array<i32>} : memref<2x18x8x256xf32, #tpu.memory_space<vmem>>, vector<16xf32>,
        %swap3A_1783 = arith.constant 1 : i32
        %swap3A_1784 = arith.constant 1 : i32
        %swap3A_1785 = arith.index_cast %swap3A_1783 : i32 to index
        %swap3A_1786 = arith.index_cast %swap3A_1784 : i32 to index
        %swap3A_1787 = arith.index_cast %shift_right_arithmetic3A_1654 : i32 to index
        %swap3A_1788 = arith.index_cast %mul3A_1658 : i32 to index
        %swap3A_1789 = tpu.vector_load %arg6[%swap3A_1785, %swap3A_1786, %swap3A_1787, %swap3A_1788] {strides = array<i32>} : memref<2x18x8x256xf32, #tpu.memory_space<vmem>>, vector<16xf32>,
        tpu.vector_store %arg6[%swap3A_1785, %swap3A_1786, %swap3A_1787, %swap3A_1788], %gather3A_1712 {strides = array<i32>} : memref<2x18x8x256xf32, #tpu.memory_space<vmem>>, vector<16xf32>,
        %swap3A_1790 = arith.constant 1 : i32
        %swap3A_1791 = arith.constant 2 : i32
        %swap3A_1792 = arith.index_cast %swap3A_1790 : i32 to index
        %swap3A_1793 = arith.index_cast %swap3A_1791 : i32 to index
        %swap3A_1794 = arith.index_cast %shift_right_arithmetic3A_1654 : i32 to index
        %swap3A_1795 = arith.index_cast %mul3A_1658 : i32 to index
        %swap3A_1796 = tpu.vector_load %arg6[%swap3A_1792, %swap3A_1793, %swap3A_1794, %swap3A_1795] {strides = array<i32>} : memref<2x18x8x256xf32, #tpu.memory_space<vmem>>, vector<16xf32>,
        tpu.vector_store %arg6[%swap3A_1792, %swap3A_1793, %swap3A_1794, %swap3A_1795], %gather3A_1716 {strides = array<i32>} : memref<2x18x8x256xf32, #tpu.memory_space<vmem>>, vector<16xf32>,
        %swap3A_1797 = arith.constant 1 : i32
        %swap3A_1798 = arith.constant 3 : i32
        %swap3A_1799 = arith.index_cast %swap3A_1797 : i32 to index
        %swap3A_1800 = arith.index_cast %swap3A_1798 : i32 to index
        %swap3A_1801 = arith.index_cast %shift_right_arithmetic3A_1654 : i32 to index
        %swap3A_1802 = arith.index_cast %mul3A_1658 : i32 to index
        %swap3A_1803 = tpu.vector_load %arg6[%swap3A_1799, %swap3A_1800, %swap3A_1801, %swap3A_1802] {strides = array<i32>} : memref<2x18x8x256xf32, #tpu.memory_space<vmem>>, vector<16xf32>,
        tpu.vector_store %arg6[%swap3A_1799, %swap3A_1800, %swap3A_1801, %swap3A_1802], %gather3A_1720 {strides = array<i32>} : memref<2x18x8x256xf32, #tpu.memory_space<vmem>>, vector<16xf32>,
        %swap3A_1804 = arith.constant 1 : i32
        %swap3A_1805 = arith.constant 4 : i32
        %swap3A_1806 = arith.index_cast %swap3A_1804 : i32 to index
        %swap3A_1807 = arith.index_cast %swap3A_1805 : i32 to index
        %swap3A_1808 = arith.index_cast %shift_right_arithmetic3A_1654 : i32 to index
        %swap3A_1809 = arith.index_cast %mul3A_1658 : i32 to index
        %swap3A_1810 = tpu.vector_load %arg6[%swap3A_1806, %swap3A_1807, %swap3A_1808, %swap3A_1809] {strides = array<i32>} : memref<2x18x8x256xf32, #tpu.memory_space<vmem>>, vector<16xf32>,
        tpu.vector_store %arg6[%swap3A_1806, %swap3A_1807, %swap3A_1808, %swap3A_1809], %gather3A_1724 {strides = array<i32>} : memref<2x18x8x256xf32, #tpu.memory_space<vmem>>, vector<16xf32>,
        %swap3A_1811 = arith.constant 1 : i32
        %swap3A_1812 = arith.constant 5 : i32
        %swap3A_1813 = arith.index_cast %swap3A_1811 : i32 to index
        %swap3A_1814 = arith.index_cast %swap3A_1812 : i32 to index
        %swap3A_1815 = arith.index_cast %shift_right_arithmetic3A_1654 : i32 to index
        %swap3A_1816 = arith.index_cast %mul3A_1658 : i32 to index
        %swap3A_1817 = tpu.vector_load %arg6[%swap3A_1813, %swap3A_1814, %swap3A_1815, %swap3A_1816] {strides = array<i32>} : memref<2x18x8x256xf32, #tpu.memory_space<vmem>>, vector<16xf32>,
        tpu.vector_store %arg6[%swap3A_1813, %swap3A_1814, %swap3A_1815, %swap3A_1816], %gather3A_1728 {strides = array<i32>} : memref<2x18x8x256xf32, #tpu.memory_space<vmem>>, vector<16xf32>,
        %swap3A_1818 = arith.constant 1 : i32
        %swap3A_1819 = arith.constant 6 : i32
        %swap3A_1820 = arith.index_cast %swap3A_1818 : i32 to index
        %swap3A_1821 = arith.index_cast %swap3A_1819 : i32 to index
        %swap3A_1822 = arith.index_cast %shift_right_arithmetic3A_1654 : i32 to index
        %swap3A_1823 = arith.index_cast %mul3A_1658 : i32 to index
        %swap3A_1824 = tpu.vector_load %arg6[%swap3A_1820, %swap3A_1821, %swap3A_1822, %swap3A_1823] {strides = array<i32>} : memref<2x18x8x256xf32, #tpu.memory_space<vmem>>, vector<16xf32>,
        tpu.vector_store %arg6[%swap3A_1820, %swap3A_1821, %swap3A_1822, %swap3A_1823], %gather3A_1732 {strides = array<i32>} : memref<2x18x8x256xf32, #tpu.memory_space<vmem>>, vector<16xf32>,
        %swap3A_1825 = arith.constant 1 : i32
        %swap3A_1826 = arith.constant 7 : i32
        %swap3A_1827 = arith.index_cast %swap3A_1825 : i32 to index
        %swap3A_1828 = arith.index_cast %swap3A_1826 : i32 to index
        %swap3A_1829 = arith.index_cast %shift_right_arithmetic3A_1654 : i32 to index
        %swap3A_1830 = arith.index_cast %mul3A_1658 : i32 to index
        %swap3A_1831 = tpu.vector_load %arg6[%swap3A_1827, %swap3A_1828, %swap3A_1829, %swap3A_1830] {strides = array<i32>} : memref<2x18x8x256xf32, #tpu.memory_space<vmem>>, vector<16xf32>,
        tpu.vector_store %arg6[%swap3A_1827, %swap3A_1828, %swap3A_1829, %swap3A_1830], %gather3A_1736 {strides = array<i32>} : memref<2x18x8x256xf32, #tpu.memory_space<vmem>>, vector<16xf32>,
        %swap3A_1832 = arith.constant 1 : i32
        %swap3A_1833 = arith.constant 8 : i32
        %swap3A_1834 = arith.index_cast %swap3A_1832 : i32 to index
        %swap3A_1835 = arith.index_cast %swap3A_1833 : i32 to index
        %swap3A_1836 = arith.index_cast %shift_right_arithmetic3A_1654 : i32 to index
        %swap3A_1837 = arith.index_cast %mul3A_1658 : i32 to index
        %swap3A_1838 = tpu.vector_load %arg6[%swap3A_1834, %swap3A_1835, %swap3A_1836, %swap3A_1837] {strides = array<i32>} : memref<2x18x8x256xf32, #tpu.memory_space<vmem>>, vector<16xf32>,
        tpu.vector_store %arg6[%swap3A_1834, %swap3A_1835, %swap3A_1836, %swap3A_1837], %gather3A_1740 {strides = array<i32>} : memref<2x18x8x256xf32, #tpu.memory_space<vmem>>, vector<16xf32>,
        %swap3A_1839 = arith.constant 1 : i32
        %swap3A_1840 = arith.constant 9 : i32
        %swap3A_1841 = arith.index_cast %swap3A_1839 : i32 to index
        %swap3A_1842 = arith.index_cast %swap3A_1840 : i32 to index
        %swap3A_1843 = arith.index_cast %shift_right_arithmetic3A_1654 : i32 to index
        %swap3A_1844 = arith.index_cast %mul3A_1658 : i32 to index
        %swap3A_1845 = tpu.vector_load %arg6[%swap3A_1841, %swap3A_1842, %swap3A_1843, %swap3A_1844] {strides = array<i32>} : memref<2x18x8x256xf32, #tpu.memory_space<vmem>>, vector<16xf32>,
        tpu.vector_store %arg6[%swap3A_1841, %swap3A_1842, %swap3A_1843, %swap3A_1844], %gather3A_1744 {strides = array<i32>} : memref<2x18x8x256xf32, #tpu.memory_space<vmem>>, vector<16xf32>,
        %swap3A_1846 = arith.constant 1 : i32
        %swap3A_1847 = arith.constant 10 : i32
        %swap3A_1848 = arith.index_cast %swap3A_1846 : i32 to index
        %swap3A_1849 = arith.index_cast %swap3A_1847 : i32 to index
        %swap3A_1850 = arith.index_cast %shift_right_arithmetic3A_1654 : i32 to index
        %swap3A_1851 = arith.index_cast %mul3A_1658 : i32 to index
        %swap3A_1852 = tpu.vector_load %arg6[%swap3A_1848, %swap3A_1849, %swap3A_1850, %swap3A_1851] {strides = array<i32>} : memref<2x18x8x256xf32, #tpu.memory_space<vmem>>, vector<16xf32>,
        tpu.vector_store %arg6[%swap3A_1848, %swap3A_1849, %swap3A_1850, %swap3A_1851], %gather3A_1748 {strides = array<i32>} : memref<2x18x8x256xf32, #tpu.memory_space<vmem>>, vector<16xf32>,
        %swap3A_1853 = arith.constant 1 : i32
        %swap3A_1854 = arith.constant 11 : i32
        %swap3A_1855 = arith.index_cast %swap3A_1853 : i32 to index
        %swap3A_1856 = arith.index_cast %swap3A_1854 : i32 to index
        %swap3A_1857 = arith.index_cast %shift_right_arithmetic3A_1654 : i32 to index
        %swap3A_1858 = arith.index_cast %mul3A_1658 : i32 to index
        %swap3A_1859 = tpu.vector_load %arg6[%swap3A_1855, %swap3A_1856, %swap3A_1857, %swap3A_1858] {strides = array<i32>} : memref<2x18x8x256xf32, #tpu.memory_space<vmem>>, vector<16xf32>,
        tpu.vector_store %arg6[%swap3A_1855, %swap3A_1856, %swap3A_1857, %swap3A_1858], %gather3A_1752 {strides = array<i32>} : memref<2x18x8x256xf32, #tpu.memory_space<vmem>>, vector<16xf32>,
        %swap3A_1860 = arith.constant 1 : i32
        %swap3A_1861 = arith.constant 12 : i32
        %swap3A_1862 = arith.index_cast %swap3A_1860 : i32 to index
        %swap3A_1863 = arith.index_cast %swap3A_1861 : i32 to index
        %swap3A_1864 = arith.index_cast %shift_right_arithmetic3A_1654 : i32 to index
        %swap3A_1865 = arith.index_cast %mul3A_1658 : i32 to index
        %swap3A_1866 = tpu.vector_load %arg6[%swap3A_1862, %swap3A_1863, %swap3A_1864, %swap3A_1865] {strides = array<i32>} : memref<2x18x8x256xf32, #tpu.memory_space<vmem>>, vector<16xf32>,
        tpu.vector_store %arg6[%swap3A_1862, %swap3A_1863, %swap3A_1864, %swap3A_1865], %gather3A_1756 {strides = array<i32>} : memref<2x18x8x256xf32, #tpu.memory_space<vmem>>, vector<16xf32>,
        %swap3A_1867 = arith.constant 1 : i32
        %swap3A_1868 = arith.constant 13 : i32
        %swap3A_1869 = arith.index_cast %swap3A_1867 : i32 to index
        %swap3A_1870 = arith.index_cast %swap3A_1868 : i32 to index
        %swap3A_1871 = arith.index_cast %shift_right_arithmetic3A_1654 : i32 to index
        %swap3A_1872 = arith.index_cast %mul3A_1658 : i32 to index
        %swap3A_1873 = tpu.vector_load %arg6[%swap3A_1869, %swap3A_1870, %swap3A_1871, %swap3A_1872] {strides = array<i32>} : memref<2x18x8x256xf32, #tpu.memory_space<vmem>>, vector<16xf32>,
        tpu.vector_store %arg6[%swap3A_1869, %swap3A_1870, %swap3A_1871, %swap3A_1872], %gather3A_1760 {strides = array<i32>} : memref<2x18x8x256xf32, #tpu.memory_space<vmem>>, vector<16xf32>,
        %swap3A_1874 = arith.constant 1 : i32
        %swap3A_1875 = arith.constant 14 : i32
        %swap3A_1876 = arith.index_cast %swap3A_1874 : i32 to index
        %swap3A_1877 = arith.index_cast %swap3A_1875 : i32 to index
        %swap3A_1878 = arith.index_cast %shift_right_arithmetic3A_1654 : i32 to index
        %swap3A_1879 = arith.index_cast %mul3A_1658 : i32 to index
        %swap3A_1880 = tpu.vector_load %arg6[%swap3A_1876, %swap3A_1877, %swap3A_1878, %swap3A_1879] {strides = array<i32>} : memref<2x18x8x256xf32, #tpu.memory_space<vmem>>, vector<16xf32>,
        tpu.vector_store %arg6[%swap3A_1876, %swap3A_1877, %swap3A_1878, %swap3A_1879], %gather3A_1764 {strides = array<i32>} : memref<2x18x8x256xf32, #tpu.memory_space<vmem>>, vector<16xf32>,
        %swap3A_1881 = arith.constant 1 : i32
        %swap3A_1882 = arith.constant 15 : i32
        %swap3A_1883 = arith.index_cast %swap3A_1881 : i32 to index
        %swap3A_1884 = arith.index_cast %swap3A_1882 : i32 to index
        %swap3A_1885 = arith.index_cast %shift_right_arithmetic3A_1654 : i32 to index
        %swap3A_1886 = arith.index_cast %mul3A_1658 : i32 to index
        %swap3A_1887 = tpu.vector_load %arg6[%swap3A_1883, %swap3A_1884, %swap3A_1885, %swap3A_1886] {strides = array<i32>} : memref<2x18x8x256xf32, #tpu.memory_space<vmem>>, vector<16xf32>,
        tpu.vector_store %arg6[%swap3A_1883, %swap3A_1884, %swap3A_1885, %swap3A_1886], %gather3A_1768 {strides = array<i32>} : memref<2x18x8x256xf32, #tpu.memory_space<vmem>>, vector<16xf32>,
        %swap3A_1888 = arith.constant 1 : i32
        %swap3A_1889 = arith.constant 16 : i32
        %swap3A_1890 = arith.index_cast %swap3A_1888 : i32 to index
        %swap3A_1891 = arith.index_cast %swap3A_1889 : i32 to index
        %swap3A_1892 = arith.index_cast %shift_right_arithmetic3A_1654 : i32 to index
        %swap3A_1893 = arith.index_cast %mul3A_1658 : i32 to index
        %swap3A_1894 = tpu.vector_load %arg6[%swap3A_1890, %swap3A_1891, %swap3A_1892, %swap3A_1893] {strides = array<i32>} : memref<2x18x8x256xf32, #tpu.memory_space<vmem>>, vector<16xf32>,
        tpu.vector_store %arg6[%swap3A_1890, %swap3A_1891, %swap3A_1892, %swap3A_1893], %gather3A_1772 {strides = array<i32>} : memref<2x18x8x256xf32, #tpu.memory_space<vmem>>, vector<16xf32>,
        %swap3A_1895 = arith.constant 1 : i32
        %swap3A_1896 = arith.constant 17 : i32
        %swap3A_1897 = arith.index_cast %swap3A_1895 : i32 to index
        %swap3A_1898 = arith.index_cast %swap3A_1896 : i32 to index
        %swap3A_1899 = arith.index_cast %shift_right_arithmetic3A_1654 : i32 to index
        %swap3A_1900 = arith.index_cast %mul3A_1658 : i32 to index
        %swap3A_1901 = tpu.vector_load %arg6[%swap3A_1897, %swap3A_1898, %swap3A_1899, %swap3A_1900] {strides = array<i32>} : memref<2x18x8x256xf32, #tpu.memory_space<vmem>>, vector<16xf32>,
        tpu.vector_store %arg6[%swap3A_1897, %swap3A_1898, %swap3A_1899, %swap3A_1900], %gather3A_1776 {strides = array<i32>} : memref<2x18x8x256xf32, #tpu.memory_space<vmem>>, vector<16xf32>,
      }
      %scan3A_1338 = arith.constant 128 : i32
      %jit3A_1339 = arith.constant 64 : i32
      %div3A_1340 = arith.divsi %add3A_1233, %jit3A_1339 : i32
      %sign3A_1341 = arith.constant 0 : i32
      %sign3A_1342 = arith.cmpi sgt, %add3A_1233, %sign3A_1341 : i32
      %sign3A_1343 = arith.extui %sign3A_1342 : i1 to i32
      %sign3A_1344 = arith.constant 0 : i32
      %sign3A_1345 = arith.cmpi slt, %add3A_1233, %sign3A_1344 : i32
      %sign3A_1346 = arith.extui %sign3A_1345 : i1 to i32
      %sign3A_1347 = arith.subi %sign3A_1343, %sign3A_1346 : i32
      %sign3A_1348 = arith.constant 0 : i32
      %sign3A_1349 = arith.cmpi sgt, %jit3A_1339, %sign3A_1348 : i32
      %sign3A_1350 = arith.extui %sign3A_1349 : i1 to i32
      %sign3A_1351 = arith.constant 0 : i32
      %sign3A_1352 = arith.cmpi slt, %jit3A_1339, %sign3A_1351 : i32
      %sign3A_1353 = arith.extui %sign3A_1352 : i1 to i32
      %sign3A_1354 = arith.subi %sign3A_1350, %sign3A_1353 : i32
      %ne3A_1355 = arith.cmpi ne, %sign3A_1347, %sign3A_1354 : i32
      %rem3A_1356 = arith.remsi %add3A_1233, %jit3A_1339 : i32
      %ne3A_1357 = arith.constant 0 : i32
      %ne3A_1358 = arith.cmpi ne, %rem3A_1356, %ne3A_1357 : i32
      %and3A_1359 = arith.andi %ne3A_1355, %ne3A_1358 : i1
      %sub3A_1360 = arith.constant 1 : i32
      %sub3A_1361 = arith.subi %div3A_1340, %sub3A_1360 : i32
      %select_n3A_1362 = arith.select %and3A_1359, %sub3A_1361, %div3A_1340 : i32
      %mul3A_1363 = arith.constant 8 : i32
      %mul3A_1364 = arith.muli %select_n3A_1362, %mul3A_1363 : i32
      %jit3A_1365 = arith.constant 64 : i32
      %eq3A_1366 = arith.constant 0 : i32
      %eq3A_1367 = arith.cmpi eq, %jit3A_1365, %eq3A_1366 : i32
      %jit3A_1368 = arith.constant 1 : i32
      %select_n3A_1369 = arith.select %eq3A_1367, %jit3A_1368, %jit3A_1365 : i32
      %rem3A_1370 = arith.remsi %add3A_1233, %select_n3A_1369 : i32
      %ne3A_1371 = arith.constant 0 : i32
      %ne3A_1372 = arith.cmpi ne, %rem3A_1370, %ne3A_1371 : i32
      %lt3A_1373 = arith.constant 0 : i32
      %lt3A_1374 = arith.cmpi slt, %rem3A_1370, %lt3A_1373 : i32
      %lt3A_1375 = arith.constant 0 : i32
      %lt3A_1376 = arith.cmpi slt, %select_n3A_1369, %lt3A_1375 : i32
      %ne3A_1377 = arith.xori %lt3A_1374, %lt3A_1376 : i1
      %and3A_1378 = arith.andi %ne3A_1377, %ne3A_1372 : i1
      %add3A_1379 = arith.addi %rem3A_1370, %select_n3A_1369 : i32
      %select_n3A_1380 = arith.select %and3A_1378, %add3A_1379, %rem3A_1370 : i32
      %mul3A_1381 = arith.constant 256 : i32
      %mul3A_1382 = arith.muli %select_n3A_1380, %mul3A_1381 : i32
      %dma_start3A_1383 = arith.constant 1 : i32
      %dma_start3A_1384 = arith.constant 0 : i32
      %dma_start3A_1385 = arith.constant 0 : i32
      %dma_start3A_1386 = arith.constant 0 : i32
      %dma_start3A_1387 = arith.constant 0 : i32
      %dma_start3A_1388 = tpu.memref_slice %arg6[%dma_start3A_1383, %dma_start3A_1384, %dma_start3A_1386, %dma_start3A_1387] : memref<2x18x8x256xf32, #tpu.memory_space<vmem>> -> memref<1x1x8x256xf32, #tpu.memory_space<vmem>>
      %dma_start3A_1389 = tpu.memref_squeeze %dma_start3A_1388 : memref<1x1x8x256xf32, #tpu.memory_space<vmem>> -> memref<8x256xf32, #tpu.memory_space<vmem>>
      %dma_start3A_1390 = tpu.memref_slice %arg4[%dma_start3A_1385, %mul3A_1364, %mul3A_1382] : memref<18x200x16384xf32, #tpu.memory_space<hbm>> -> memref<1x8x256xf32, #tpu.memory_space<hbm>>
      %dma_start3A_1391 = tpu.memref_squeeze %dma_start3A_1390 : memref<1x8x256xf32, #tpu.memory_space<hbm>> -> memref<8x256xf32, #tpu.memory_space<hbm>>
      %dma_start3A_1392 = tpu.memref_slice %arg4[%dma_start3A_1385, %mul3A_1364, %mul3A_1382] : memref<18x200x16384xf32, #tpu.memory_space<hbm>> -> memref<1x8x256xf32, #tpu.memory_space<hbm>>
      %dma_start3A_1393 = tpu.memref_squeeze %dma_start3A_1392 : memref<1x8x256xf32, #tpu.memory_space<hbm>> -> memref<8x256xf32, #tpu.memory_space<hbm>>
      %dma_start3A_1394 = arith.constant 0 : i32
      %dma_start3A_1395 = arith.constant 0 : i32
      %dma_start3A_1396 = tpu.memref_slice %arg6[%dma_start3A_1383, %dma_start3A_1384, %dma_start3A_1394, %dma_start3A_1395] : memref<2x18x8x256xf32, #tpu.memory_space<vmem>> -> memref<1x1x8x256xf32, #tpu.memory_space<vmem>>
      %dma_start3A_1397 = tpu.memref_squeeze %dma_start3A_1396 : memref<1x1x8x256xf32, #tpu.memory_space<vmem>> -> memref<8x256xf32, #tpu.memory_space<vmem>>
      tpu.enqueue_dma source(%dma_start3A_1397 : memref<8x256xf32, #tpu.memory_space<vmem>>) target(%dma_start3A_1393 : memref<8x256xf32, #tpu.memory_space<hbm>>) target_semaphore(%arg11 : memref<!tpu.dma_semaphore, #tpu.memory_space<semaphore_mem>>)
      %dma_start3A_1398 = arith.constant 1 : i32
      %dma_start3A_1399 = arith.constant 1 : i32
      %dma_start3A_1400 = arith.constant 1 : i32
      %dma_start3A_1401 = arith.constant 0 : i32
      %dma_start3A_1402 = arith.constant 0 : i32
      %dma_start3A_1403 = tpu.memref_slice %arg6[%dma_start3A_1398, %dma_start3A_1399, %dma_start3A_1401, %dma_start3A_1402] : memref<2x18x8x256xf32, #tpu.memory_space<vmem>> -> memref<1x1x8x256xf32, #tpu.memory_space<vmem>>
      %dma_start3A_1404 = tpu.memref_squeeze %dma_start3A_1403 : memref<1x1x8x256xf32, #tpu.memory_space<vmem>> -> memref<8x256xf32, #tpu.memory_space<vmem>>
      %dma_start3A_1405 = tpu.memref_slice %arg4[%dma_start3A_1400, %mul3A_1364, %mul3A_1382] : memref<18x200x16384xf32, #tpu.memory_space<hbm>> -> memref<1x8x256xf32, #tpu.memory_space<hbm>>
      %dma_start3A_1406 = tpu.memref_squeeze %dma_start3A_1405 : memref<1x8x256xf32, #tpu.memory_space<hbm>> -> memref<8x256xf32, #tpu.memory_space<hbm>>
      %dma_start3A_1407 = tpu.memref_slice %arg4[%dma_start3A_1400, %mul3A_1364, %mul3A_1382] : memref<18x200x16384xf32, #tpu.memory_space<hbm>> -> memref<1x8x256xf32, #tpu.memory_space<hbm>>
      %dma_start3A_1408 = tpu.memref_squeeze %dma_start3A_1407 : memref<1x8x256xf32, #tpu.memory_space<hbm>> -> memref<8x256xf32, #tpu.memory_space<hbm>>
      %dma_start3A_1409 = arith.constant 0 : i32
      %dma_start3A_1410 = arith.constant 0 : i32
      %dma_start3A_1411 = tpu.memref_slice %arg6[%dma_start3A_1398, %dma_start3A_1399, %dma_start3A_1409, %dma_start3A_1410] : memref<2x18x8x256xf32, #tpu.memory_space<vmem>> -> memref<1x1x8x256xf32, #tpu.memory_space<vmem>>
      %dma_start3A_1412 = tpu.memref_squeeze %dma_start3A_1411 : memref<1x1x8x256xf32, #tpu.memory_space<vmem>> -> memref<8x256xf32, #tpu.memory_space<vmem>>
      tpu.enqueue_dma source(%dma_start3A_1412 : memref<8x256xf32, #tpu.memory_space<vmem>>) target(%dma_start3A_1408 : memref<8x256xf32, #tpu.memory_space<hbm>>) target_semaphore(%arg11 : memref<!tpu.dma_semaphore, #tpu.memory_space<semaphore_mem>>)
      %dma_start3A_1413 = arith.constant 1 : i32
      %dma_start3A_1414 = arith.constant 2 : i32
      %dma_start3A_1415 = arith.constant 2 : i32
      %dma_start3A_1416 = arith.constant 0 : i32
      %dma_start3A_1417 = arith.constant 0 : i32
      %dma_start3A_1418 = tpu.memref_slice %arg6[%dma_start3A_1413, %dma_start3A_1414, %dma_start3A_1416, %dma_start3A_1417] : memref<2x18x8x256xf32, #tpu.memory_space<vmem>> -> memref<1x1x8x256xf32, #tpu.memory_space<vmem>>
      %dma_start3A_1419 = tpu.memref_squeeze %dma_start3A_1418 : memref<1x1x8x256xf32, #tpu.memory_space<vmem>> -> memref<8x256xf32, #tpu.memory_space<vmem>>
      %dma_start3A_1420 = tpu.memref_slice %arg4[%dma_start3A_1415, %mul3A_1364, %mul3A_1382] : memref<18x200x16384xf32, #tpu.memory_space<hbm>> -> memref<1x8x256xf32, #tpu.memory_space<hbm>>
      %dma_start3A_1421 = tpu.memref_squeeze %dma_start3A_1420 : memref<1x8x256xf32, #tpu.memory_space<hbm>> -> memref<8x256xf32, #tpu.memory_space<hbm>>
      %dma_start3A_1422 = tpu.memref_slice %arg4[%dma_start3A_1415, %mul3A_1364, %mul3A_1382] : memref<18x200x16384xf32, #tpu.memory_space<hbm>> -> memref<1x8x256xf32, #tpu.memory_space<hbm>>
      %dma_start3A_1423 = tpu.memref_squeeze %dma_start3A_1422 : memref<1x8x256xf32, #tpu.memory_space<hbm>> -> memref<8x256xf32, #tpu.memory_space<hbm>>
      %dma_start3A_1424 = arith.constant 0 : i32
      %dma_start3A_1425 = arith.constant 0 : i32
      %dma_start3A_1426 = tpu.memref_slice %arg6[%dma_start3A_1413, %dma_start3A_1414, %dma_start3A_1424, %dma_start3A_1425] : memref<2x18x8x256xf32, #tpu.memory_space<vmem>> -> memref<1x1x8x256xf32, #tpu.memory_space<vmem>>
      %dma_start3A_1427 = tpu.memref_squeeze %dma_start3A_1426 : memref<1x1x8x256xf32, #tpu.memory_space<vmem>> -> memref<8x256xf32, #tpu.memory_space<vmem>>
      tpu.enqueue_dma source(%dma_start3A_1427 : memref<8x256xf32, #tpu.memory_space<vmem>>) target(%dma_start3A_1423 : memref<8x256xf32, #tpu.memory_space<hbm>>) target_semaphore(%arg11 : memref<!tpu.dma_semaphore, #tpu.memory_space<semaphore_mem>>)
      %dma_start3A_1428 = arith.constant 1 : i32
      %dma_start3A_1429 = arith.constant 3 : i32
      %dma_start3A_1430 = arith.constant 3 : i32
      %dma_start3A_1431 = arith.constant 0 : i32
      %dma_start3A_1432 = arith.constant 0 : i32
      %dma_start3A_1433 = tpu.memref_slice %arg6[%dma_start3A_1428, %dma_start3A_1429, %dma_start3A_1431, %dma_start3A_1432] : memref<2x18x8x256xf32, #tpu.memory_space<vmem>> -> memref<1x1x8x256xf32, #tpu.memory_space<vmem>>
      %dma_start3A_1434 = tpu.memref_squeeze %dma_start3A_1433 : memref<1x1x8x256xf32, #tpu.memory_space<vmem>> -> memref<8x256xf32, #tpu.memory_space<vmem>>
      %dma_start3A_1435 = tpu.memref_slice %arg4[%dma_start3A_1430, %mul3A_1364, %mul3A_1382] : memref<18x200x16384xf32, #tpu.memory_space<hbm>> -> memref<1x8x256xf32, #tpu.memory_space<hbm>>
      %dma_start3A_1436 = tpu.memref_squeeze %dma_start3A_1435 : memref<1x8x256xf32, #tpu.memory_space<hbm>> -> memref<8x256xf32, #tpu.memory_space<hbm>>
      %dma_start3A_1437 = tpu.memref_slice %arg4[%dma_start3A_1430, %mul3A_1364, %mul3A_1382] : memref<18x200x16384xf32, #tpu.memory_space<hbm>> -> memref<1x8x256xf32, #tpu.memory_space<hbm>>
      %dma_start3A_1438 = tpu.memref_squeeze %dma_start3A_1437 : memref<1x8x256xf32, #tpu.memory_space<hbm>> -> memref<8x256xf32, #tpu.memory_space<hbm>>
      %dma_start3A_1439 = arith.constant 0 : i32
      %dma_start3A_1440 = arith.constant 0 : i32
      %dma_start3A_1441 = tpu.memref_slice %arg6[%dma_start3A_1428, %dma_start3A_1429, %dma_start3A_1439, %dma_start3A_1440] : memref<2x18x8x256xf32, #tpu.memory_space<vmem>> -> memref<1x1x8x256xf32, #tpu.memory_space<vmem>>
      %dma_start3A_1442 = tpu.memref_squeeze %dma_start3A_1441 : memref<1x1x8x256xf32, #tpu.memory_space<vmem>> -> memref<8x256xf32, #tpu.memory_space<vmem>>
      tpu.enqueue_dma source(%dma_start3A_1442 : memref<8x256xf32, #tpu.memory_space<vmem>>) target(%dma_start3A_1438 : memref<8x256xf32, #tpu.memory_space<hbm>>) target_semaphore(%arg11 : memref<!tpu.dma_semaphore, #tpu.memory_space<semaphore_mem>>)
      %dma_start3A_1443 = arith.constant 1 : i32
      %dma_start3A_1444 = arith.constant 4 : i32
      %dma_start3A_1445 = arith.constant 4 : i32
      %dma_start3A_1446 = arith.constant 0 : i32
      %dma_start3A_1447 = arith.constant 0 : i32
      %dma_start3A_1448 = tpu.memref_slice %arg6[%dma_start3A_1443, %dma_start3A_1444, %dma_start3A_1446, %dma_start3A_1447] : memref<2x18x8x256xf32, #tpu.memory_space<vmem>> -> memref<1x1x8x256xf32, #tpu.memory_space<vmem>>
      %dma_start3A_1449 = tpu.memref_squeeze %dma_start3A_1448 : memref<1x1x8x256xf32, #tpu.memory_space<vmem>> -> memref<8x256xf32, #tpu.memory_space<vmem>>
      %dma_start3A_1450 = tpu.memref_slice %arg4[%dma_start3A_1445, %mul3A_1364, %mul3A_1382] : memref<18x200x16384xf32, #tpu.memory_space<hbm>> -> memref<1x8x256xf32, #tpu.memory_space<hbm>>
      %dma_start3A_1451 = tpu.memref_squeeze %dma_start3A_1450 : memref<1x8x256xf32, #tpu.memory_space<hbm>> -> memref<8x256xf32, #tpu.memory_space<hbm>>
      %dma_start3A_1452 = tpu.memref_slice %arg4[%dma_start3A_1445, %mul3A_1364, %mul3A_1382] : memref<18x200x16384xf32, #tpu.memory_space<hbm>> -> memref<1x8x256xf32, #tpu.memory_space<hbm>>
      %dma_start3A_1453 = tpu.memref_squeeze %dma_start3A_1452 : memref<1x8x256xf32, #tpu.memory_space<hbm>> -> memref<8x256xf32, #tpu.memory_space<hbm>>
      %dma_start3A_1454 = arith.constant 0 : i32
      %dma_start3A_1455 = arith.constant 0 : i32
      %dma_start3A_1456 = tpu.memref_slice %arg6[%dma_start3A_1443, %dma_start3A_1444, %dma_start3A_1454, %dma_start3A_1455] : memref<2x18x8x256xf32, #tpu.memory_space<vmem>> -> memref<1x1x8x256xf32, #tpu.memory_space<vmem>>
      %dma_start3A_1457 = tpu.memref_squeeze %dma_start3A_1456 : memref<1x1x8x256xf32, #tpu.memory_space<vmem>> -> memref<8x256xf32, #tpu.memory_space<vmem>>
      tpu.enqueue_dma source(%dma_start3A_1457 : memref<8x256xf32, #tpu.memory_space<vmem>>) target(%dma_start3A_1453 : memref<8x256xf32, #tpu.memory_space<hbm>>) target_semaphore(%arg11 : memref<!tpu.dma_semaphore, #tpu.memory_space<semaphore_mem>>)
      %dma_start3A_1458 = arith.constant 1 : i32
      %dma_start3A_1459 = arith.constant 5 : i32
      %dma_start3A_1460 = arith.constant 5 : i32
      %dma_start3A_1461 = arith.constant 0 : i32
      %dma_start3A_1462 = arith.constant 0 : i32
      %dma_start3A_1463 = tpu.memref_slice %arg6[%dma_start3A_1458, %dma_start3A_1459, %dma_start3A_1461, %dma_start3A_1462] : memref<2x18x8x256xf32, #tpu.memory_space<vmem>> -> memref<1x1x8x256xf32, #tpu.memory_space<vmem>>
      %dma_start3A_1464 = tpu.memref_squeeze %dma_start3A_1463 : memref<1x1x8x256xf32, #tpu.memory_space<vmem>> -> memref<8x256xf32, #tpu.memory_space<vmem>>
      %dma_start3A_1465 = tpu.memref_slice %arg4[%dma_start3A_1460, %mul3A_1364, %mul3A_1382] : memref<18x200x16384xf32, #tpu.memory_space<hbm>> -> memref<1x8x256xf32, #tpu.memory_space<hbm>>
      %dma_start3A_1466 = tpu.memref_squeeze %dma_start3A_1465 : memref<1x8x256xf32, #tpu.memory_space<hbm>> -> memref<8x256xf32, #tpu.memory_space<hbm>>
      %dma_start3A_1467 = tpu.memref_slice %arg4[%dma_start3A_1460, %mul3A_1364, %mul3A_1382] : memref<18x200x16384xf32, #tpu.memory_space<hbm>> -> memref<1x8x256xf32, #tpu.memory_space<hbm>>
      %dma_start3A_1468 = tpu.memref_squeeze %dma_start3A_1467 : memref<1x8x256xf32, #tpu.memory_space<hbm>> -> memref<8x256xf32, #tpu.memory_space<hbm>>
      %dma_start3A_1469 = arith.constant 0 : i32
      %dma_start3A_1470 = arith.constant 0 : i32
      %dma_start3A_1471 = tpu.memref_slice %arg6[%dma_start3A_1458, %dma_start3A_1459, %dma_start3A_1469, %dma_start3A_1470] : memref<2x18x8x256xf32, #tpu.memory_space<vmem>> -> memref<1x1x8x256xf32, #tpu.memory_space<vmem>>
      %dma_start3A_1472 = tpu.memref_squeeze %dma_start3A_1471 : memref<1x1x8x256xf32, #tpu.memory_space<vmem>> -> memref<8x256xf32, #tpu.memory_space<vmem>>
      tpu.enqueue_dma source(%dma_start3A_1472 : memref<8x256xf32, #tpu.memory_space<vmem>>) target(%dma_start3A_1468 : memref<8x256xf32, #tpu.memory_space<hbm>>) target_semaphore(%arg11 : memref<!tpu.dma_semaphore, #tpu.memory_space<semaphore_mem>>)
      %dma_start3A_1473 = arith.constant 1 : i32
      %dma_start3A_1474 = arith.constant 6 : i32
      %dma_start3A_1475 = arith.constant 6 : i32
      %dma_start3A_1476 = arith.constant 0 : i32
      %dma_start3A_1477 = arith.constant 0 : i32
      %dma_start3A_1478 = tpu.memref_slice %arg6[%dma_start3A_1473, %dma_start3A_1474, %dma_start3A_1476, %dma_start3A_1477] : memref<2x18x8x256xf32, #tpu.memory_space<vmem>> -> memref<1x1x8x256xf32, #tpu.memory_space<vmem>>
      %dma_start3A_1479 = tpu.memref_squeeze %dma_start3A_1478 : memref<1x1x8x256xf32, #tpu.memory_space<vmem>> -> memref<8x256xf32, #tpu.memory_space<vmem>>
      %dma_start3A_1480 = tpu.memref_slice %arg4[%dma_start3A_1475, %mul3A_1364, %mul3A_1382] : memref<18x200x16384xf32, #tpu.memory_space<hbm>> -> memref<1x8x256xf32, #tpu.memory_space<hbm>>
      %dma_start3A_1481 = tpu.memref_squeeze %dma_start3A_1480 : memref<1x8x256xf32, #tpu.memory_space<hbm>> -> memref<8x256xf32, #tpu.memory_space<hbm>>
      %dma_start3A_1482 = tpu.memref_slice %arg4[%dma_start3A_1475, %mul3A_1364, %mul3A_1382] : memref<18x200x16384xf32, #tpu.memory_space<hbm>> -> memref<1x8x256xf32, #tpu.memory_space<hbm>>
      %dma_start3A_1483 = tpu.memref_squeeze %dma_start3A_1482 : memref<1x8x256xf32, #tpu.memory_space<hbm>> -> memref<8x256xf32, #tpu.memory_space<hbm>>
      %dma_start3A_1484 = arith.constant 0 : i32
      %dma_start3A_1485 = arith.constant 0 : i32
      %dma_start3A_1486 = tpu.memref_slice %arg6[%dma_start3A_1473, %dma_start3A_1474, %dma_start3A_1484, %dma_start3A_1485] : memref<2x18x8x256xf32, #tpu.memory_space<vmem>> -> memref<1x1x8x256xf32, #tpu.memory_space<vmem>>
      %dma_start3A_1487 = tpu.memref_squeeze %dma_start3A_1486 : memref<1x1x8x256xf32, #tpu.memory_space<vmem>> -> memref<8x256xf32, #tpu.memory_space<vmem>>
      tpu.enqueue_dma source(%dma_start3A_1487 : memref<8x256xf32, #tpu.memory_space<vmem>>) target(%dma_start3A_1483 : memref<8x256xf32, #tpu.memory_space<hbm>>) target_semaphore(%arg11 : memref<!tpu.dma_semaphore, #tpu.memory_space<semaphore_mem>>)
      %dma_start3A_1488 = arith.constant 1 : i32
      %dma_start3A_1489 = arith.constant 7 : i32
      %dma_start3A_1490 = arith.constant 7 : i32
      %dma_start3A_1491 = arith.constant 0 : i32
      %dma_start3A_1492 = arith.constant 0 : i32
      %dma_start3A_1493 = tpu.memref_slice %arg6[%dma_start3A_1488, %dma_start3A_1489, %dma_start3A_1491, %dma_start3A_1492] : memref<2x18x8x256xf32, #tpu.memory_space<vmem>> -> memref<1x1x8x256xf32, #tpu.memory_space<vmem>>
      %dma_start3A_1494 = tpu.memref_squeeze %dma_start3A_1493 : memref<1x1x8x256xf32, #tpu.memory_space<vmem>> -> memref<8x256xf32, #tpu.memory_space<vmem>>
      %dma_start3A_1495 = tpu.memref_slice %arg4[%dma_start3A_1490, %mul3A_1364, %mul3A_1382] : memref<18x200x16384xf32, #tpu.memory_space<hbm>> -> memref<1x8x256xf32, #tpu.memory_space<hbm>>
      %dma_start3A_1496 = tpu.memref_squeeze %dma_start3A_1495 : memref<1x8x256xf32, #tpu.memory_space<hbm>> -> memref<8x256xf32, #tpu.memory_space<hbm>>
      %dma_start3A_1497 = tpu.memref_slice %arg4[%dma_start3A_1490, %mul3A_1364, %mul3A_1382] : memref<18x200x16384xf32, #tpu.memory_space<hbm>> -> memref<1x8x256xf32, #tpu.memory_space<hbm>>
      %dma_start3A_1498 = tpu.memref_squeeze %dma_start3A_1497 : memref<1x8x256xf32, #tpu.memory_space<hbm>> -> memref<8x256xf32, #tpu.memory_space<hbm>>
      %dma_start3A_1499 = arith.constant 0 : i32
      %dma_start3A_1500 = arith.constant 0 : i32
      %dma_start3A_1501 = tpu.memref_slice %arg6[%dma_start3A_1488, %dma_start3A_1489, %dma_start3A_1499, %dma_start3A_1500] : memref<2x18x8x256xf32, #tpu.memory_space<vmem>> -> memref<1x1x8x256xf32, #tpu.memory_space<vmem>>
      %dma_start3A_1502 = tpu.memref_squeeze %dma_start3A_1501 : memref<1x1x8x256xf32, #tpu.memory_space<vmem>> -> memref<8x256xf32, #tpu.memory_space<vmem>>
      tpu.enqueue_dma source(%dma_start3A_1502 : memref<8x256xf32, #tpu.memory_space<vmem>>) target(%dma_start3A_1498 : memref<8x256xf32, #tpu.memory_space<hbm>>) target_semaphore(%arg11 : memref<!tpu.dma_semaphore, #tpu.memory_space<semaphore_mem>>)
      %dma_start3A_1503 = arith.constant 1 : i32
      %dma_start3A_1504 = arith.constant 8 : i32
      %dma_start3A_1505 = arith.constant 8 : i32
      %dma_start3A_1506 = arith.constant 0 : i32
      %dma_start3A_1507 = arith.constant 0 : i32
      %dma_start3A_1508 = tpu.memref_slice %arg6[%dma_start3A_1503, %dma_start3A_1504, %dma_start3A_1506, %dma_start3A_1507] : memref<2x18x8x256xf32, #tpu.memory_space<vmem>> -> memref<1x1x8x256xf32, #tpu.memory_space<vmem>>
      %dma_start3A_1509 = tpu.memref_squeeze %dma_start3A_1508 : memref<1x1x8x256xf32, #tpu.memory_space<vmem>> -> memref<8x256xf32, #tpu.memory_space<vmem>>
      %dma_start3A_1510 = tpu.memref_slice %arg4[%dma_start3A_1505, %mul3A_1364, %mul3A_1382] : memref<18x200x16384xf32, #tpu.memory_space<hbm>> -> memref<1x8x256xf32, #tpu.memory_space<hbm>>
      %dma_start3A_1511 = tpu.memref_squeeze %dma_start3A_1510 : memref<1x8x256xf32, #tpu.memory_space<hbm>> -> memref<8x256xf32, #tpu.memory_space<hbm>>
      %dma_start3A_1512 = tpu.memref_slice %arg4[%dma_start3A_1505, %mul3A_1364, %mul3A_1382] : memref<18x200x16384xf32, #tpu.memory_space<hbm>> -> memref<1x8x256xf32, #tpu.memory_space<hbm>>
      %dma_start3A_1513 = tpu.memref_squeeze %dma_start3A_1512 : memref<1x8x256xf32, #tpu.memory_space<hbm>> -> memref<8x256xf32, #tpu.memory_space<hbm>>
      %dma_start3A_1514 = arith.constant 0 : i32
      %dma_start3A_1515 = arith.constant 0 : i32
      %dma_start3A_1516 = tpu.memref_slice %arg6[%dma_start3A_1503, %dma_start3A_1504, %dma_start3A_1514, %dma_start3A_1515] : memref<2x18x8x256xf32, #tpu.memory_space<vmem>> -> memref<1x1x8x256xf32, #tpu.memory_space<vmem>>
      %dma_start3A_1517 = tpu.memref_squeeze %dma_start3A_1516 : memref<1x1x8x256xf32, #tpu.memory_space<vmem>> -> memref<8x256xf32, #tpu.memory_space<vmem>>
      tpu.enqueue_dma source(%dma_start3A_1517 : memref<8x256xf32, #tpu.memory_space<vmem>>) target(%dma_start3A_1513 : memref<8x256xf32, #tpu.memory_space<hbm>>) target_semaphore(%arg11 : memref<!tpu.dma_semaphore, #tpu.memory_space<semaphore_mem>>)
      %dma_start3A_1518 = arith.constant 1 : i32
      %dma_start3A_1519 = arith.constant 9 : i32
      %dma_start3A_1520 = arith.constant 9 : i32
      %dma_start3A_1521 = arith.constant 0 : i32
      %dma_start3A_1522 = arith.constant 0 : i32
      %dma_start3A_1523 = tpu.memref_slice %arg6[%dma_start3A_1518, %dma_start3A_1519, %dma_start3A_1521, %dma_start3A_1522] : memref<2x18x8x256xf32, #tpu.memory_space<vmem>> -> memref<1x1x8x256xf32, #tpu.memory_space<vmem>>
      %dma_start3A_1524 = tpu.memref_squeeze %dma_start3A_1523 : memref<1x1x8x256xf32, #tpu.memory_space<vmem>> -> memref<8x256xf32, #tpu.memory_space<vmem>>
      %dma_start3A_1525 = tpu.memref_slice %arg4[%dma_start3A_1520, %mul3A_1364, %mul3A_1382] : memref<18x200x16384xf32, #tpu.memory_space<hbm>> -> memref<1x8x256xf32, #tpu.memory_space<hbm>>
      %dma_start3A_1526 = tpu.memref_squeeze %dma_start3A_1525 : memref<1x8x256xf32, #tpu.memory_space<hbm>> -> memref<8x256xf32, #tpu.memory_space<hbm>>
      %dma_start3A_1527 = tpu.memref_slice %arg4[%dma_start3A_1520, %mul3A_1364, %mul3A_1382] : memref<18x200x16384xf32, #tpu.memory_space<hbm>> -> memref<1x8x256xf32, #tpu.memory_space<hbm>>
      %dma_start3A_1528 = tpu.memref_squeeze %dma_start3A_1527 : memref<1x8x256xf32, #tpu.memory_space<hbm>> -> memref<8x256xf32, #tpu.memory_space<hbm>>
      %dma_start3A_1529 = arith.constant 0 : i32
      %dma_start3A_1530 = arith.constant 0 : i32
      %dma_start3A_1531 = tpu.memref_slice %arg6[%dma_start3A_1518, %dma_start3A_1519, %dma_start3A_1529, %dma_start3A_1530] : memref<2x18x8x256xf32, #tpu.memory_space<vmem>> -> memref<1x1x8x256xf32, #tpu.memory_space<vmem>>
      %dma_start3A_1532 = tpu.memref_squeeze %dma_start3A_1531 : memref<1x1x8x256xf32, #tpu.memory_space<vmem>> -> memref<8x256xf32, #tpu.memory_space<vmem>>
      tpu.enqueue_dma source(%dma_start3A_1532 : memref<8x256xf32, #tpu.memory_space<vmem>>) target(%dma_start3A_1528 : memref<8x256xf32, #tpu.memory_space<hbm>>) target_semaphore(%arg11 : memref<!tpu.dma_semaphore, #tpu.memory_space<semaphore_mem>>)
      %dma_start3A_1533 = arith.constant 1 : i32
      %dma_start3A_1534 = arith.constant 10 : i32
      %dma_start3A_1535 = arith.constant 10 : i32
      %dma_start3A_1536 = arith.constant 0 : i32
      %dma_start3A_1537 = arith.constant 0 : i32
      %dma_start3A_1538 = tpu.memref_slice %arg6[%dma_start3A_1533, %dma_start3A_1534, %dma_start3A_1536, %dma_start3A_1537] : memref<2x18x8x256xf32, #tpu.memory_space<vmem>> -> memref<1x1x8x256xf32, #tpu.memory_space<vmem>>
      %dma_start3A_1539 = tpu.memref_squeeze %dma_start3A_1538 : memref<1x1x8x256xf32, #tpu.memory_space<vmem>> -> memref<8x256xf32, #tpu.memory_space<vmem>>
      %dma_start3A_1540 = tpu.memref_slice %arg4[%dma_start3A_1535, %mul3A_1364, %mul3A_1382] : memref<18x200x16384xf32, #tpu.memory_space<hbm>> -> memref<1x8x256xf32, #tpu.memory_space<hbm>>
      %dma_start3A_1541 = tpu.memref_squeeze %dma_start3A_1540 : memref<1x8x256xf32, #tpu.memory_space<hbm>> -> memref<8x256xf32, #tpu.memory_space<hbm>>
      %dma_start3A_1542 = tpu.memref_slice %arg4[%dma_start3A_1535, %mul3A_1364, %mul3A_1382] : memref<18x200x16384xf32, #tpu.memory_space<hbm>> -> memref<1x8x256xf32, #tpu.memory_space<hbm>>
      %dma_start3A_1543 = tpu.memref_squeeze %dma_start3A_1542 : memref<1x8x256xf32, #tpu.memory_space<hbm>> -> memref<8x256xf32, #tpu.memory_space<hbm>>
      %dma_start3A_1544 = arith.constant 0 : i32
      %dma_start3A_1545 = arith.constant 0 : i32
      %dma_start3A_1546 = tpu.memref_slice %arg6[%dma_start3A_1533, %dma_start3A_1534, %dma_start3A_1544, %dma_start3A_1545] : memref<2x18x8x256xf32, #tpu.memory_space<vmem>> -> memref<1x1x8x256xf32, #tpu.memory_space<vmem>>
      %dma_start3A_1547 = tpu.memref_squeeze %dma_start3A_1546 : memref<1x1x8x256xf32, #tpu.memory_space<vmem>> -> memref<8x256xf32, #tpu.memory_space<vmem>>
      tpu.enqueue_dma source(%dma_start3A_1547 : memref<8x256xf32, #tpu.memory_space<vmem>>) target(%dma_start3A_1543 : memref<8x256xf32, #tpu.memory_space<hbm>>) target_semaphore(%arg11 : memref<!tpu.dma_semaphore, #tpu.memory_space<semaphore_mem>>)
      %dma_start3A_1548 = arith.constant 1 : i32
      %dma_start3A_1549 = arith.constant 11 : i32
      %dma_start3A_1550 = arith.constant 11 : i32
      %dma_start3A_1551 = arith.constant 0 : i32
      %dma_start3A_1552 = arith.constant 0 : i32
      %dma_start3A_1553 = tpu.memref_slice %arg6[%dma_start3A_1548, %dma_start3A_1549, %dma_start3A_1551, %dma_start3A_1552] : memref<2x18x8x256xf32, #tpu.memory_space<vmem>> -> memref<1x1x8x256xf32, #tpu.memory_space<vmem>>
      %dma_start3A_1554 = tpu.memref_squeeze %dma_start3A_1553 : memref<1x1x8x256xf32, #tpu.memory_space<vmem>> -> memref<8x256xf32, #tpu.memory_space<vmem>>
      %dma_start3A_1555 = tpu.memref_slice %arg4[%dma_start3A_1550, %mul3A_1364, %mul3A_1382] : memref<18x200x16384xf32, #tpu.memory_space<hbm>> -> memref<1x8x256xf32, #tpu.memory_space<hbm>>
      %dma_start3A_1556 = tpu.memref_squeeze %dma_start3A_1555 : memref<1x8x256xf32, #tpu.memory_space<hbm>> -> memref<8x256xf32, #tpu.memory_space<hbm>>
      %dma_start3A_1557 = tpu.memref_slice %arg4[%dma_start3A_1550, %mul3A_1364, %mul3A_1382] : memref<18x200x16384xf32, #tpu.memory_space<hbm>> -> memref<1x8x256xf32, #tpu.memory_space<hbm>>
      %dma_start3A_1558 = tpu.memref_squeeze %dma_start3A_1557 : memref<1x8x256xf32, #tpu.memory_space<hbm>> -> memref<8x256xf32, #tpu.memory_space<hbm>>
      %dma_start3A_1559 = arith.constant 0 : i32
      %dma_start3A_1560 = arith.constant 0 : i32
      %dma_start3A_1561 = tpu.memref_slice %arg6[%dma_start3A_1548, %dma_start3A_1549, %dma_start3A_1559, %dma_start3A_1560] : memref<2x18x8x256xf32, #tpu.memory_space<vmem>> -> memref<1x1x8x256xf32, #tpu.memory_space<vmem>>
      %dma_start3A_1562 = tpu.memref_squeeze %dma_start3A_1561 : memref<1x1x8x256xf32, #tpu.memory_space<vmem>> -> memref<8x256xf32, #tpu.memory_space<vmem>>
      tpu.enqueue_dma source(%dma_start3A_1562 : memref<8x256xf32, #tpu.memory_space<vmem>>) target(%dma_start3A_1558 : memref<8x256xf32, #tpu.memory_space<hbm>>) target_semaphore(%arg11 : memref<!tpu.dma_semaphore, #tpu.memory_space<semaphore_mem>>)
      %dma_start3A_1563 = arith.constant 1 : i32
      %dma_start3A_1564 = arith.constant 12 : i32
      %dma_start3A_1565 = arith.constant 12 : i32
      %dma_start3A_1566 = arith.constant 0 : i32
      %dma_start3A_1567 = arith.constant 0 : i32
      %dma_start3A_1568 = tpu.memref_slice %arg6[%dma_start3A_1563, %dma_start3A_1564, %dma_start3A_1566, %dma_start3A_1567] : memref<2x18x8x256xf32, #tpu.memory_space<vmem>> -> memref<1x1x8x256xf32, #tpu.memory_space<vmem>>
      %dma_start3A_1569 = tpu.memref_squeeze %dma_start3A_1568 : memref<1x1x8x256xf32, #tpu.memory_space<vmem>> -> memref<8x256xf32, #tpu.memory_space<vmem>>
      %dma_start3A_1570 = tpu.memref_slice %arg4[%dma_start3A_1565, %mul3A_1364, %mul3A_1382] : memref<18x200x16384xf32, #tpu.memory_space<hbm>> -> memref<1x8x256xf32, #tpu.memory_space<hbm>>
      %dma_start3A_1571 = tpu.memref_squeeze %dma_start3A_1570 : memref<1x8x256xf32, #tpu.memory_space<hbm>> -> memref<8x256xf32, #tpu.memory_space<hbm>>
      %dma_start3A_1572 = tpu.memref_slice %arg4[%dma_start3A_1565, %mul3A_1364, %mul3A_1382] : memref<18x200x16384xf32, #tpu.memory_space<hbm>> -> memref<1x8x256xf32, #tpu.memory_space<hbm>>
      %dma_start3A_1573 = tpu.memref_squeeze %dma_start3A_1572 : memref<1x8x256xf32, #tpu.memory_space<hbm>> -> memref<8x256xf32, #tpu.memory_space<hbm>>
      %dma_start3A_1574 = arith.constant 0 : i32
      %dma_start3A_1575 = arith.constant 0 : i32
      %dma_start3A_1576 = tpu.memref_slice %arg6[%dma_start3A_1563, %dma_start3A_1564, %dma_start3A_1574, %dma_start3A_1575] : memref<2x18x8x256xf32, #tpu.memory_space<vmem>> -> memref<1x1x8x256xf32, #tpu.memory_space<vmem>>
      %dma_start3A_1577 = tpu.memref_squeeze %dma_start3A_1576 : memref<1x1x8x256xf32, #tpu.memory_space<vmem>> -> memref<8x256xf32, #tpu.memory_space<vmem>>
      tpu.enqueue_dma source(%dma_start3A_1577 : memref<8x256xf32, #tpu.memory_space<vmem>>) target(%dma_start3A_1573 : memref<8x256xf32, #tpu.memory_space<hbm>>) target_semaphore(%arg11 : memref<!tpu.dma_semaphore, #tpu.memory_space<semaphore_mem>>)
      %dma_start3A_1578 = arith.constant 1 : i32
      %dma_start3A_1579 = arith.constant 13 : i32
      %dma_start3A_1580 = arith.constant 13 : i32
      %dma_start3A_1581 = arith.constant 0 : i32
      %dma_start3A_1582 = arith.constant 0 : i32
      %dma_start3A_1583 = tpu.memref_slice %arg6[%dma_start3A_1578, %dma_start3A_1579, %dma_start3A_1581, %dma_start3A_1582] : memref<2x18x8x256xf32, #tpu.memory_space<vmem>> -> memref<1x1x8x256xf32, #tpu.memory_space<vmem>>
      %dma_start3A_1584 = tpu.memref_squeeze %dma_start3A_1583 : memref<1x1x8x256xf32, #tpu.memory_space<vmem>> -> memref<8x256xf32, #tpu.memory_space<vmem>>
      %dma_start3A_1585 = tpu.memref_slice %arg4[%dma_start3A_1580, %mul3A_1364, %mul3A_1382] : memref<18x200x16384xf32, #tpu.memory_space<hbm>> -> memref<1x8x256xf32, #tpu.memory_space<hbm>>
      %dma_start3A_1586 = tpu.memref_squeeze %dma_start3A_1585 : memref<1x8x256xf32, #tpu.memory_space<hbm>> -> memref<8x256xf32, #tpu.memory_space<hbm>>
      %dma_start3A_1587 = tpu.memref_slice %arg4[%dma_start3A_1580, %mul3A_1364, %mul3A_1382] : memref<18x200x16384xf32, #tpu.memory_space<hbm>> -> memref<1x8x256xf32, #tpu.memory_space<hbm>>
      %dma_start3A_1588 = tpu.memref_squeeze %dma_start3A_1587 : memref<1x8x256xf32, #tpu.memory_space<hbm>> -> memref<8x256xf32, #tpu.memory_space<hbm>>
      %dma_start3A_1589 = arith.constant 0 : i32
      %dma_start3A_1590 = arith.constant 0 : i32
      %dma_start3A_1591 = tpu.memref_slice %arg6[%dma_start3A_1578, %dma_start3A_1579, %dma_start3A_1589, %dma_start3A_1590] : memref<2x18x8x256xf32, #tpu.memory_space<vmem>> -> memref<1x1x8x256xf32, #tpu.memory_space<vmem>>
      %dma_start3A_1592 = tpu.memref_squeeze %dma_start3A_1591 : memref<1x1x8x256xf32, #tpu.memory_space<vmem>> -> memref<8x256xf32, #tpu.memory_space<vmem>>
      tpu.enqueue_dma source(%dma_start3A_1592 : memref<8x256xf32, #tpu.memory_space<vmem>>) target(%dma_start3A_1588 : memref<8x256xf32, #tpu.memory_space<hbm>>) target_semaphore(%arg11 : memref<!tpu.dma_semaphore, #tpu.memory_space<semaphore_mem>>)
      %dma_start3A_1593 = arith.constant 1 : i32
      %dma_start3A_1594 = arith.constant 14 : i32
      %dma_start3A_1595 = arith.constant 14 : i32
      %dma_start3A_1596 = arith.constant 0 : i32
      %dma_start3A_1597 = arith.constant 0 : i32
      %dma_start3A_1598 = tpu.memref_slice %arg6[%dma_start3A_1593, %dma_start3A_1594, %dma_start3A_1596, %dma_start3A_1597] : memref<2x18x8x256xf32, #tpu.memory_space<vmem>> -> memref<1x1x8x256xf32, #tpu.memory_space<vmem>>
      %dma_start3A_1599 = tpu.memref_squeeze %dma_start3A_1598 : memref<1x1x8x256xf32, #tpu.memory_space<vmem>> -> memref<8x256xf32, #tpu.memory_space<vmem>>
      %dma_start3A_1600 = tpu.memref_slice %arg4[%dma_start3A_1595, %mul3A_1364, %mul3A_1382] : memref<18x200x16384xf32, #tpu.memory_space<hbm>> -> memref<1x8x256xf32, #tpu.memory_space<hbm>>
      %dma_start3A_1601 = tpu.memref_squeeze %dma_start3A_1600 : memref<1x8x256xf32, #tpu.memory_space<hbm>> -> memref<8x256xf32, #tpu.memory_space<hbm>>
      %dma_start3A_1602 = tpu.memref_slice %arg4[%dma_start3A_1595, %mul3A_1364, %mul3A_1382] : memref<18x200x16384xf32, #tpu.memory_space<hbm>> -> memref<1x8x256xf32, #tpu.memory_space<hbm>>
      %dma_start3A_1603 = tpu.memref_squeeze %dma_start3A_1602 : memref<1x8x256xf32, #tpu.memory_space<hbm>> -> memref<8x256xf32, #tpu.memory_space<hbm>>
      %dma_start3A_1604 = arith.constant 0 : i32
      %dma_start3A_1605 = arith.constant 0 : i32
      %dma_start3A_1606 = tpu.memref_slice %arg6[%dma_start3A_1593, %dma_start3A_1594, %dma_start3A_1604, %dma_start3A_1605] : memref<2x18x8x256xf32, #tpu.memory_space<vmem>> -> memref<1x1x8x256xf32, #tpu.memory_space<vmem>>
      %dma_start3A_1607 = tpu.memref_squeeze %dma_start3A_1606 : memref<1x1x8x256xf32, #tpu.memory_space<vmem>> -> memref<8x256xf32, #tpu.memory_space<vmem>>
      tpu.enqueue_dma source(%dma_start3A_1607 : memref<8x256xf32, #tpu.memory_space<vmem>>) target(%dma_start3A_1603 : memref<8x256xf32, #tpu.memory_space<hbm>>) target_semaphore(%arg11 : memref<!tpu.dma_semaphore, #tpu.memory_space<semaphore_mem>>)
      %dma_start3A_1608 = arith.constant 1 : i32
      %dma_start3A_1609 = arith.constant 15 : i32
      %dma_start3A_1610 = arith.constant 15 : i32
      %dma_start3A_1611 = arith.constant 0 : i32
      %dma_start3A_1612 = arith.constant 0 : i32
      %dma_start3A_1613 = tpu.memref_slice %arg6[%dma_start3A_1608, %dma_start3A_1609, %dma_start3A_1611, %dma_start3A_1612] : memref<2x18x8x256xf32, #tpu.memory_space<vmem>> -> memref<1x1x8x256xf32, #tpu.memory_space<vmem>>
      %dma_start3A_1614 = tpu.memref_squeeze %dma_start3A_1613 : memref<1x1x8x256xf32, #tpu.memory_space<vmem>> -> memref<8x256xf32, #tpu.memory_space<vmem>>
      %dma_start3A_1615 = tpu.memref_slice %arg4[%dma_start3A_1610, %mul3A_1364, %mul3A_1382] : memref<18x200x16384xf32, #tpu.memory_space<hbm>> -> memref<1x8x256xf32, #tpu.memory_space<hbm>>
      %dma_start3A_1616 = tpu.memref_squeeze %dma_start3A_1615 : memref<1x8x256xf32, #tpu.memory_space<hbm>> -> memref<8x256xf32, #tpu.memory_space<hbm>>
      %dma_start3A_1617 = tpu.memref_slice %arg4[%dma_start3A_1610, %mul3A_1364, %mul3A_1382] : memref<18x200x16384xf32, #tpu.memory_space<hbm>> -> memref<1x8x256xf32, #tpu.memory_space<hbm>>
      %dma_start3A_1618 = tpu.memref_squeeze %dma_start3A_1617 : memref<1x8x256xf32, #tpu.memory_space<hbm>> -> memref<8x256xf32, #tpu.memory_space<hbm>>
      %dma_start3A_1619 = arith.constant 0 : i32
      %dma_start3A_1620 = arith.constant 0 : i32
      %dma_start3A_1621 = tpu.memref_slice %arg6[%dma_start3A_1608, %dma_start3A_1609, %dma_start3A_1619, %dma_start3A_1620] : memref<2x18x8x256xf32, #tpu.memory_space<vmem>> -> memref<1x1x8x256xf32, #tpu.memory_space<vmem>>
      %dma_start3A_1622 = tpu.memref_squeeze %dma_start3A_1621 : memref<1x1x8x256xf32, #tpu.memory_space<vmem>> -> memref<8x256xf32, #tpu.memory_space<vmem>>
      tpu.enqueue_dma source(%dma_start3A_1622 : memref<8x256xf32, #tpu.memory_space<vmem>>) target(%dma_start3A_1618 : memref<8x256xf32, #tpu.memory_space<hbm>>) target_semaphore(%arg11 : memref<!tpu.dma_semaphore, #tpu.memory_space<semaphore_mem>>)
      %dma_start3A_1623 = arith.constant 1 : i32
      %dma_start3A_1624 = arith.constant 16 : i32
      %dma_start3A_1625 = arith.constant 16 : i32
      %dma_start3A_1626 = arith.constant 0 : i32
      %dma_start3A_1627 = arith.constant 0 : i32
      %dma_start3A_1628 = tpu.memref_slice %arg6[%dma_start3A_1623, %dma_start3A_1624, %dma_start3A_1626, %dma_start3A_1627] : memref<2x18x8x256xf32, #tpu.memory_space<vmem>> -> memref<1x1x8x256xf32, #tpu.memory_space<vmem>>
      %dma_start3A_1629 = tpu.memref_squeeze %dma_start3A_1628 : memref<1x1x8x256xf32, #tpu.memory_space<vmem>> -> memref<8x256xf32, #tpu.memory_space<vmem>>
      %dma_start3A_1630 = tpu.memref_slice %arg4[%dma_start3A_1625, %mul3A_1364, %mul3A_1382] : memref<18x200x16384xf32, #tpu.memory_space<hbm>> -> memref<1x8x256xf32, #tpu.memory_space<hbm>>
      %dma_start3A_1631 = tpu.memref_squeeze %dma_start3A_1630 : memref<1x8x256xf32, #tpu.memory_space<hbm>> -> memref<8x256xf32, #tpu.memory_space<hbm>>
      %dma_start3A_1632 = tpu.memref_slice %arg4[%dma_start3A_1625, %mul3A_1364, %mul3A_1382] : memref<18x200x16384xf32, #tpu.memory_space<hbm>> -> memref<1x8x256xf32, #tpu.memory_space<hbm>>
      %dma_start3A_1633 = tpu.memref_squeeze %dma_start3A_1632 : memref<1x8x256xf32, #tpu.memory_space<hbm>> -> memref<8x256xf32, #tpu.memory_space<hbm>>
      %dma_start3A_1634 = arith.constant 0 : i32
      %dma_start3A_1635 = arith.constant 0 : i32
      %dma_start3A_1636 = tpu.memref_slice %arg6[%dma_start3A_1623, %dma_start3A_1624, %dma_start3A_1634, %dma_start3A_1635] : memref<2x18x8x256xf32, #tpu.memory_space<vmem>> -> memref<1x1x8x256xf32, #tpu.memory_space<vmem>>
      %dma_start3A_1637 = tpu.memref_squeeze %dma_start3A_1636 : memref<1x1x8x256xf32, #tpu.memory_space<vmem>> -> memref<8x256xf32, #tpu.memory_space<vmem>>
      tpu.enqueue_dma source(%dma_start3A_1637 : memref<8x256xf32, #tpu.memory_space<vmem>>) target(%dma_start3A_1633 : memref<8x256xf32, #tpu.memory_space<hbm>>) target_semaphore(%arg11 : memref<!tpu.dma_semaphore, #tpu.memory_space<semaphore_mem>>)
      %dma_start3A_1638 = arith.constant 1 : i32
      %dma_start3A_1639 = arith.constant 17 : i32
      %dma_start3A_1640 = arith.constant 17 : i32
      %dma_start3A_1641 = arith.constant 0 : i32
      %dma_start3A_1642 = arith.constant 0 : i32
      %dma_start3A_1643 = tpu.memref_slice %arg6[%dma_start3A_1638, %dma_start3A_1639, %dma_start3A_1641, %dma_start3A_1642] : memref<2x18x8x256xf32, #tpu.memory_space<vmem>> -> memref<1x1x8x256xf32, #tpu.memory_space<vmem>>
      %dma_start3A_1644 = tpu.memref_squeeze %dma_start3A_1643 : memref<1x1x8x256xf32, #tpu.memory_space<vmem>> -> memref<8x256xf32, #tpu.memory_space<vmem>>
      %dma_start3A_1645 = tpu.memref_slice %arg4[%dma_start3A_1640, %mul3A_1364, %mul3A_1382] : memref<18x200x16384xf32, #tpu.memory_space<hbm>> -> memref<1x8x256xf32, #tpu.memory_space<hbm>>
      %dma_start3A_1646 = tpu.memref_squeeze %dma_start3A_1645 : memref<1x8x256xf32, #tpu.memory_space<hbm>> -> memref<8x256xf32, #tpu.memory_space<hbm>>
      %dma_start3A_1647 = tpu.memref_slice %arg4[%dma_start3A_1640, %mul3A_1364, %mul3A_1382] : memref<18x200x16384xf32, #tpu.memory_space<hbm>> -> memref<1x8x256xf32, #tpu.memory_space<hbm>>
      %dma_start3A_1648 = tpu.memref_squeeze %dma_start3A_1647 : memref<1x8x256xf32, #tpu.memory_space<hbm>> -> memref<8x256xf32, #tpu.memory_space<hbm>>
      %dma_start3A_1649 = arith.constant 0 : i32
      %dma_start3A_1650 = arith.constant 0 : i32
      %dma_start3A_1651 = tpu.memref_slice %arg6[%dma_start3A_1638, %dma_start3A_1639, %dma_start3A_1649, %dma_start3A_1650] : memref<2x18x8x256xf32, #tpu.memory_space<vmem>> -> memref<1x1x8x256xf32, #tpu.memory_space<vmem>>
      %dma_start3A_1652 = tpu.memref_squeeze %dma_start3A_1651 : memref<1x1x8x256xf32, #tpu.memory_space<vmem>> -> memref<8x256xf32, #tpu.memory_space<vmem>>
      tpu.enqueue_dma source(%dma_start3A_1652 : memref<8x256xf32, #tpu.memory_space<vmem>>) target(%dma_start3A_1648 : memref<8x256xf32, #tpu.memory_space<hbm>>) target_semaphore(%arg11 : memref<!tpu.dma_semaphore, #tpu.memory_space<semaphore_mem>>)
    }
    %scan3A_85 = arith.constant 25 : i32
    %add3A_86 = arith.constant 50 : i32
    %add3A_87 = arith.addi %mul3A_2, %add3A_86 : i32
    %sub3A_88 = arith.constant 2 : i32
    %sub3A_89 = arith.subi %add3A_87, %sub3A_88 : i32
    %jit3A_90 = arith.constant 64 : i32
    %div3A_91 = arith.divsi %sub3A_89, %jit3A_90 : i32
    %sign3A_92 = arith.constant 0 : i32
    %sign3A_93 = arith.cmpi sgt, %sub3A_89, %sign3A_92 : i32
    %sign3A_94 = arith.extui %sign3A_93 : i1 to i32
    %sign3A_95 = arith.constant 0 : i32
    %sign3A_96 = arith.cmpi slt, %sub3A_89, %sign3A_95 : i32
    %sign3A_97 = arith.extui %sign3A_96 : i1 to i32
    %sign3A_98 = arith.subi %sign3A_94, %sign3A_97 : i32
    %sign3A_99 = arith.constant 0 : i32
    %sign3A_100 = arith.cmpi sgt, %jit3A_90, %sign3A_99 : i32
    %sign3A_101 = arith.extui %sign3A_100 : i1 to i32
    %sign3A_102 = arith.constant 0 : i32
    %sign3A_103 = arith.cmpi slt, %jit3A_90, %sign3A_102 : i32
    %sign3A_104 = arith.extui %sign3A_103 : i1 to i32
    %sign3A_105 = arith.subi %sign3A_101, %sign3A_104 : i32
    %ne3A_106 = arith.cmpi ne, %sign3A_98, %sign3A_105 : i32
    %rem3A_107 = arith.remsi %sub3A_89, %jit3A_90 : i32
    %ne3A_108 = arith.constant 0 : i32
    %ne3A_109 = arith.cmpi ne, %rem3A_107, %ne3A_108 : i32
    %and3A_110 = arith.andi %ne3A_106, %ne3A_109 : i1
    %sub3A_111 = arith.constant 1 : i32
    %sub3A_112 = arith.subi %div3A_91, %sub3A_111 : i32
    %select_n3A_113 = arith.select %and3A_110, %sub3A_112, %div3A_91 : i32
    %mul3A_114 = arith.constant 8 : i32
    %mul3A_115 = arith.muli %select_n3A_113, %mul3A_114 : i32
    %jit3A_116 = arith.constant 64 : i32
    %eq3A_117 = arith.constant 0 : i32
    %eq3A_118 = arith.cmpi eq, %jit3A_116, %eq3A_117 : i32
    %jit3A_119 = arith.constant 1 : i32
    %select_n3A_120 = arith.select %eq3A_118, %jit3A_119, %jit3A_116 : i32
    %rem3A_121 = arith.remsi %sub3A_89, %select_n3A_120 : i32
    %ne3A_122 = arith.constant 0 : i32
    %ne3A_123 = arith.cmpi ne, %rem3A_121, %ne3A_122 : i32
    %lt3A_124 = arith.constant 0 : i32
    %lt3A_125 = arith.cmpi slt, %rem3A_121, %lt3A_124 : i32
    %lt3A_126 = arith.constant 0 : i32
    %lt3A_127 = arith.cmpi slt, %select_n3A_120, %lt3A_126 : i32
    %ne3A_128 = arith.xori %lt3A_125, %lt3A_127 : i1
    %and3A_129 = arith.andi %ne3A_128, %ne3A_123 : i1
    %add3A_130 = arith.addi %rem3A_121, %select_n3A_120 : i32
    %select_n3A_131 = arith.select %and3A_129, %add3A_130, %rem3A_121 : i32
    %mul3A_132 = arith.constant 256 : i32
    %mul3A_133 = arith.muli %select_n3A_131, %mul3A_132 : i32
    %dma_wait3A = arith.constant 0 : i32
    %dma_wait3A_134 = arith.constant 0 : i32
    %dma_wait3A_135 = arith.constant 0 : i32
    %dma_wait3A_136 = arith.constant 0 : i32
    %dma_wait3A_137 = arith.constant 0 : i32
    %dma_wait3A_138 = tpu.memref_slice %arg6[%dma_wait3A, %dma_wait3A_134, %dma_wait3A_136, %dma_wait3A_137] : memref<2x18x8x256xf32, #tpu.memory_space<vmem>> -> memref<1x1x8x256xf32, #tpu.memory_space<vmem>>
    %dma_wait3A_139 = tpu.memref_squeeze %dma_wait3A_138 : memref<1x1x8x256xf32, #tpu.memory_space<vmem>> -> memref<8x256xf32, #tpu.memory_space<vmem>>
    %dma_wait3A_140 = tpu.memref_slice %arg4[%dma_wait3A_135, %mul3A_115, %mul3A_133] : memref<18x200x16384xf32, #tpu.memory_space<hbm>> -> memref<1x8x256xf32, #tpu.memory_space<hbm>>
    %dma_wait3A_141 = tpu.memref_squeeze %dma_wait3A_140 : memref<1x8x256xf32, #tpu.memory_space<hbm>> -> memref<8x256xf32, #tpu.memory_space<hbm>>
    %dma_wait3A_142 = tpu.memref_slice %arg4[%dma_wait3A_135, %mul3A_115, %mul3A_133] : memref<18x200x16384xf32, #tpu.memory_space<hbm>> -> memref<1x8x256xf32, #tpu.memory_space<hbm>>
    %dma_wait3A_143 = tpu.memref_squeeze %dma_wait3A_142 : memref<1x8x256xf32, #tpu.memory_space<hbm>> -> memref<8x256xf32, #tpu.memory_space<hbm>>
    %dma_wait3A_144 = arith.constant 0 : i32
    %dma_wait3A_145 = arith.constant 0 : i32
    %dma_wait3A_146 = tpu.memref_slice %arg6[%dma_wait3A, %dma_wait3A_134, %dma_wait3A_144, %dma_wait3A_145] : memref<2x18x8x256xf32, #tpu.memory_space<vmem>> -> memref<1x1x8x256xf32, #tpu.memory_space<vmem>>
    %dma_wait3A_147 = tpu.memref_squeeze %dma_wait3A_146 : memref<1x1x8x256xf32, #tpu.memory_space<vmem>> -> memref<8x256xf32, #tpu.memory_space<vmem>>
    tpu.wait_dma2 semaphore(%arg10 : memref<!tpu.dma_semaphore, #tpu.memory_space<semaphore_mem>>) src(%dma_wait3A_147 : memref<8x256xf32, #tpu.memory_space<vmem>>) dst(%dma_wait3A_143 : memref<8x256xf32, #tpu.memory_space<hbm>>)
    %dma_wait3A_148 = arith.constant 0 : i32
    %dma_wait3A_149 = arith.constant 1 : i32
    %dma_wait3A_150 = arith.constant 1 : i32
    %dma_wait3A_151 = arith.constant 0 : i32
    %dma_wait3A_152 = arith.constant 0 : i32
    %dma_wait3A_153 = tpu.memref_slice %arg6[%dma_wait3A_148, %dma_wait3A_149, %dma_wait3A_151, %dma_wait3A_152] : memref<2x18x8x256xf32, #tpu.memory_space<vmem>> -> memref<1x1x8x256xf32, #tpu.memory_space<vmem>>
    %dma_wait3A_154 = tpu.memref_squeeze %dma_wait3A_153 : memref<1x1x8x256xf32, #tpu.memory_space<vmem>> -> memref<8x256xf32, #tpu.memory_space<vmem>>
    %dma_wait3A_155 = tpu.memref_slice %arg4[%dma_wait3A_150, %mul3A_115, %mul3A_133] : memref<18x200x16384xf32, #tpu.memory_space<hbm>> -> memref<1x8x256xf32, #tpu.memory_space<hbm>>
    %dma_wait3A_156 = tpu.memref_squeeze %dma_wait3A_155 : memref<1x8x256xf32, #tpu.memory_space<hbm>> -> memref<8x256xf32, #tpu.memory_space<hbm>>
    %dma_wait3A_157 = tpu.memref_slice %arg4[%dma_wait3A_150, %mul3A_115, %mul3A_133] : memref<18x200x16384xf32, #tpu.memory_space<hbm>> -> memref<1x8x256xf32, #tpu.memory_space<hbm>>
    %dma_wait3A_158 = tpu.memref_squeeze %dma_wait3A_157 : memref<1x8x256xf32, #tpu.memory_space<hbm>> -> memref<8x256xf32, #tpu.memory_space<hbm>>
    %dma_wait3A_159 = arith.constant 0 : i32
    %dma_wait3A_160 = arith.constant 0 : i32
    %dma_wait3A_161 = tpu.memref_slice %arg6[%dma_wait3A_148, %dma_wait3A_149, %dma_wait3A_159, %dma_wait3A_160] : memref<2x18x8x256xf32, #tpu.memory_space<vmem>> -> memref<1x1x8x256xf32, #tpu.memory_space<vmem>>
    %dma_wait3A_162 = tpu.memref_squeeze %dma_wait3A_161 : memref<1x1x8x256xf32, #tpu.memory_space<vmem>> -> memref<8x256xf32, #tpu.memory_space<vmem>>
    tpu.wait_dma2 semaphore(%arg10 : memref<!tpu.dma_semaphore, #tpu.memory_space<semaphore_mem>>) src(%dma_wait3A_162 : memref<8x256xf32, #tpu.memory_space<vmem>>) dst(%dma_wait3A_158 : memref<8x256xf32, #tpu.memory_space<hbm>>)
    %dma_wait3A_163 = arith.constant 0 : i32
    %dma_wait3A_164 = arith.constant 2 : i32
    %dma_wait3A_165 = arith.constant 2 : i32
    %dma_wait3A_166 = arith.constant 0 : i32
    %dma_wait3A_167 = arith.constant 0 : i32
    %dma_wait3A_168 = tpu.memref_slice %arg6[%dma_wait3A_163, %dma_wait3A_164, %dma_wait3A_166, %dma_wait3A_167] : memref<2x18x8x256xf32, #tpu.memory_space<vmem>> -> memref<1x1x8x256xf32, #tpu.memory_space<vmem>>
    %dma_wait3A_169 = tpu.memref_squeeze %dma_wait3A_168 : memref<1x1x8x256xf32, #tpu.memory_space<vmem>> -> memref<8x256xf32, #tpu.memory_space<vmem>>
    %dma_wait3A_170 = tpu.memref_slice %arg4[%dma_wait3A_165, %mul3A_115, %mul3A_133] : memref<18x200x16384xf32, #tpu.memory_space<hbm>> -> memref<1x8x256xf32, #tpu.memory_space<hbm>>
    %dma_wait3A_171 = tpu.memref_squeeze %dma_wait3A_170 : memref<1x8x256xf32, #tpu.memory_space<hbm>> -> memref<8x256xf32, #tpu.memory_space<hbm>>
    %dma_wait3A_172 = tpu.memref_slice %arg4[%dma_wait3A_165, %mul3A_115, %mul3A_133] : memref<18x200x16384xf32, #tpu.memory_space<hbm>> -> memref<1x8x256xf32, #tpu.memory_space<hbm>>
    %dma_wait3A_173 = tpu.memref_squeeze %dma_wait3A_172 : memref<1x8x256xf32, #tpu.memory_space<hbm>> -> memref<8x256xf32, #tpu.memory_space<hbm>>
    %dma_wait3A_174 = arith.constant 0 : i32
    %dma_wait3A_175 = arith.constant 0 : i32
    %dma_wait3A_176 = tpu.memref_slice %arg6[%dma_wait3A_163, %dma_wait3A_164, %dma_wait3A_174, %dma_wait3A_175] : memref<2x18x8x256xf32, #tpu.memory_space<vmem>> -> memref<1x1x8x256xf32, #tpu.memory_space<vmem>>
    %dma_wait3A_177 = tpu.memref_squeeze %dma_wait3A_176 : memref<1x1x8x256xf32, #tpu.memory_space<vmem>> -> memref<8x256xf32, #tpu.memory_space<vmem>>
    tpu.wait_dma2 semaphore(%arg10 : memref<!tpu.dma_semaphore, #tpu.memory_space<semaphore_mem>>) src(%dma_wait3A_177 : memref<8x256xf32, #tpu.memory_space<vmem>>) dst(%dma_wait3A_173 : memref<8x256xf32, #tpu.memory_space<hbm>>)
    %dma_wait3A_178 = arith.constant 0 : i32
    %dma_wait3A_179 = arith.constant 3 : i32
    %dma_wait3A_180 = arith.constant 3 : i32
    %dma_wait3A_181 = arith.constant 0 : i32
    %dma_wait3A_182 = arith.constant 0 : i32
    %dma_wait3A_183 = tpu.memref_slice %arg6[%dma_wait3A_178, %dma_wait3A_179, %dma_wait3A_181, %dma_wait3A_182] : memref<2x18x8x256xf32, #tpu.memory_space<vmem>> -> memref<1x1x8x256xf32, #tpu.memory_space<vmem>>
    %dma_wait3A_184 = tpu.memref_squeeze %dma_wait3A_183 : memref<1x1x8x256xf32, #tpu.memory_space<vmem>> -> memref<8x256xf32, #tpu.memory_space<vmem>>
    %dma_wait3A_185 = tpu.memref_slice %arg4[%dma_wait3A_180, %mul3A_115, %mul3A_133] : memref<18x200x16384xf32, #tpu.memory_space<hbm>> -> memref<1x8x256xf32, #tpu.memory_space<hbm>>
    %dma_wait3A_186 = tpu.memref_squeeze %dma_wait3A_185 : memref<1x8x256xf32, #tpu.memory_space<hbm>> -> memref<8x256xf32, #tpu.memory_space<hbm>>
    %dma_wait3A_187 = tpu.memref_slice %arg4[%dma_wait3A_180, %mul3A_115, %mul3A_133] : memref<18x200x16384xf32, #tpu.memory_space<hbm>> -> memref<1x8x256xf32, #tpu.memory_space<hbm>>
    %dma_wait3A_188 = tpu.memref_squeeze %dma_wait3A_187 : memref<1x8x256xf32, #tpu.memory_space<hbm>> -> memref<8x256xf32, #tpu.memory_space<hbm>>
    %dma_wait3A_189 = arith.constant 0 : i32
    %dma_wait3A_190 = arith.constant 0 : i32
    %dma_wait3A_191 = tpu.memref_slice %arg6[%dma_wait3A_178, %dma_wait3A_179, %dma_wait3A_189, %dma_wait3A_190] : memref<2x18x8x256xf32, #tpu.memory_space<vmem>> -> memref<1x1x8x256xf32, #tpu.memory_space<vmem>>
    %dma_wait3A_192 = tpu.memref_squeeze %dma_wait3A_191 : memref<1x1x8x256xf32, #tpu.memory_space<vmem>> -> memref<8x256xf32, #tpu.memory_space<vmem>>
    tpu.wait_dma2 semaphore(%arg10 : memref<!tpu.dma_semaphore, #tpu.memory_space<semaphore_mem>>) src(%dma_wait3A_192 : memref<8x256xf32, #tpu.memory_space<vmem>>) dst(%dma_wait3A_188 : memref<8x256xf32, #tpu.memory_space<hbm>>)
    %dma_wait3A_193 = arith.constant 0 : i32
    %dma_wait3A_194 = arith.constant 4 : i32
    %dma_wait3A_195 = arith.constant 4 : i32
    %dma_wait3A_196 = arith.constant 0 : i32
    %dma_wait3A_197 = arith.constant 0 : i32
    %dma_wait3A_198 = tpu.memref_slice %arg6[%dma_wait3A_193, %dma_wait3A_194, %dma_wait3A_196, %dma_wait3A_197] : memref<2x18x8x256xf32, #tpu.memory_space<vmem>> -> memref<1x1x8x256xf32, #tpu.memory_space<vmem>>
    %dma_wait3A_199 = tpu.memref_squeeze %dma_wait3A_198 : memref<1x1x8x256xf32, #tpu.memory_space<vmem>> -> memref<8x256xf32, #tpu.memory_space<vmem>>
    %dma_wait3A_200 = tpu.memref_slice %arg4[%dma_wait3A_195, %mul3A_115, %mul3A_133] : memref<18x200x16384xf32, #tpu.memory_space<hbm>> -> memref<1x8x256xf32, #tpu.memory_space<hbm>>
    %dma_wait3A_201 = tpu.memref_squeeze %dma_wait3A_200 : memref<1x8x256xf32, #tpu.memory_space<hbm>> -> memref<8x256xf32, #tpu.memory_space<hbm>>
    %dma_wait3A_202 = tpu.memref_slice %arg4[%dma_wait3A_195, %mul3A_115, %mul3A_133] : memref<18x200x16384xf32, #tpu.memory_space<hbm>> -> memref<1x8x256xf32, #tpu.memory_space<hbm>>
    %dma_wait3A_203 = tpu.memref_squeeze %dma_wait3A_202 : memref<1x8x256xf32, #tpu.memory_space<hbm>> -> memref<8x256xf32, #tpu.memory_space<hbm>>
    %dma_wait3A_204 = arith.constant 0 : i32
    %dma_wait3A_205 = arith.constant 0 : i32
    %dma_wait3A_206 = tpu.memref_slice %arg6[%dma_wait3A_193, %dma_wait3A_194, %dma_wait3A_204, %dma_wait3A_205] : memref<2x18x8x256xf32, #tpu.memory_space<vmem>> -> memref<1x1x8x256xf32, #tpu.memory_space<vmem>>
    %dma_wait3A_207 = tpu.memref_squeeze %dma_wait3A_206 : memref<1x1x8x256xf32, #tpu.memory_space<vmem>> -> memref<8x256xf32, #tpu.memory_space<vmem>>
    tpu.wait_dma2 semaphore(%arg10 : memref<!tpu.dma_semaphore, #tpu.memory_space<semaphore_mem>>) src(%dma_wait3A_207 : memref<8x256xf32, #tpu.memory_space<vmem>>) dst(%dma_wait3A_203 : memref<8x256xf32, #tpu.memory_space<hbm>>)
    %dma_wait3A_208 = arith.constant 0 : i32
    %dma_wait3A_209 = arith.constant 5 : i32
    %dma_wait3A_210 = arith.constant 5 : i32
    %dma_wait3A_211 = arith.constant 0 : i32
    %dma_wait3A_212 = arith.constant 0 : i32
    %dma_wait3A_213 = tpu.memref_slice %arg6[%dma_wait3A_208, %dma_wait3A_209, %dma_wait3A_211, %dma_wait3A_212] : memref<2x18x8x256xf32, #tpu.memory_space<vmem>> -> memref<1x1x8x256xf32, #tpu.memory_space<vmem>>
    %dma_wait3A_214 = tpu.memref_squeeze %dma_wait3A_213 : memref<1x1x8x256xf32, #tpu.memory_space<vmem>> -> memref<8x256xf32, #tpu.memory_space<vmem>>
    %dma_wait3A_215 = tpu.memref_slice %arg4[%dma_wait3A_210, %mul3A_115, %mul3A_133] : memref<18x200x16384xf32, #tpu.memory_space<hbm>> -> memref<1x8x256xf32, #tpu.memory_space<hbm>>
    %dma_wait3A_216 = tpu.memref_squeeze %dma_wait3A_215 : memref<1x8x256xf32, #tpu.memory_space<hbm>> -> memref<8x256xf32, #tpu.memory_space<hbm>>
    %dma_wait3A_217 = tpu.memref_slice %arg4[%dma_wait3A_210, %mul3A_115, %mul3A_133] : memref<18x200x16384xf32, #tpu.memory_space<hbm>> -> memref<1x8x256xf32, #tpu.memory_space<hbm>>
    %dma_wait3A_218 = tpu.memref_squeeze %dma_wait3A_217 : memref<1x8x256xf32, #tpu.memory_space<hbm>> -> memref<8x256xf32, #tpu.memory_space<hbm>>
    %dma_wait3A_219 = arith.constant 0 : i32
    %dma_wait3A_220 = arith.constant 0 : i32
    %dma_wait3A_221 = tpu.memref_slice %arg6[%dma_wait3A_208, %dma_wait3A_209, %dma_wait3A_219, %dma_wait3A_220] : memref<2x18x8x256xf32, #tpu.memory_space<vmem>> -> memref<1x1x8x256xf32, #tpu.memory_space<vmem>>
    %dma_wait3A_222 = tpu.memref_squeeze %dma_wait3A_221 : memref<1x1x8x256xf32, #tpu.memory_space<vmem>> -> memref<8x256xf32, #tpu.memory_space<vmem>>
    tpu.wait_dma2 semaphore(%arg10 : memref<!tpu.dma_semaphore, #tpu.memory_space<semaphore_mem>>) src(%dma_wait3A_222 : memref<8x256xf32, #tpu.memory_space<vmem>>) dst(%dma_wait3A_218 : memref<8x256xf32, #tpu.memory_space<hbm>>)
    %dma_wait3A_223 = arith.constant 0 : i32
    %dma_wait3A_224 = arith.constant 6 : i32
    %dma_wait3A_225 = arith.constant 6 : i32
    %dma_wait3A_226 = arith.constant 0 : i32
    %dma_wait3A_227 = arith.constant 0 : i32
    %dma_wait3A_228 = tpu.memref_slice %arg6[%dma_wait3A_223, %dma_wait3A_224, %dma_wait3A_226, %dma_wait3A_227] : memref<2x18x8x256xf32, #tpu.memory_space<vmem>> -> memref<1x1x8x256xf32, #tpu.memory_space<vmem>>
    %dma_wait3A_229 = tpu.memref_squeeze %dma_wait3A_228 : memref<1x1x8x256xf32, #tpu.memory_space<vmem>> -> memref<8x256xf32, #tpu.memory_space<vmem>>
    %dma_wait3A_230 = tpu.memref_slice %arg4[%dma_wait3A_225, %mul3A_115, %mul3A_133] : memref<18x200x16384xf32, #tpu.memory_space<hbm>> -> memref<1x8x256xf32, #tpu.memory_space<hbm>>
    %dma_wait3A_231 = tpu.memref_squeeze %dma_wait3A_230 : memref<1x8x256xf32, #tpu.memory_space<hbm>> -> memref<8x256xf32, #tpu.memory_space<hbm>>
    %dma_wait3A_232 = tpu.memref_slice %arg4[%dma_wait3A_225, %mul3A_115, %mul3A_133] : memref<18x200x16384xf32, #tpu.memory_space<hbm>> -> memref<1x8x256xf32, #tpu.memory_space<hbm>>
    %dma_wait3A_233 = tpu.memref_squeeze %dma_wait3A_232 : memref<1x8x256xf32, #tpu.memory_space<hbm>> -> memref<8x256xf32, #tpu.memory_space<hbm>>
    %dma_wait3A_234 = arith.constant 0 : i32
    %dma_wait3A_235 = arith.constant 0 : i32
    %dma_wait3A_236 = tpu.memref_slice %arg6[%dma_wait3A_223, %dma_wait3A_224, %dma_wait3A_234, %dma_wait3A_235] : memref<2x18x8x256xf32, #tpu.memory_space<vmem>> -> memref<1x1x8x256xf32, #tpu.memory_space<vmem>>
    %dma_wait3A_237 = tpu.memref_squeeze %dma_wait3A_236 : memref<1x1x8x256xf32, #tpu.memory_space<vmem>> -> memref<8x256xf32, #tpu.memory_space<vmem>>
    tpu.wait_dma2 semaphore(%arg10 : memref<!tpu.dma_semaphore, #tpu.memory_space<semaphore_mem>>) src(%dma_wait3A_237 : memref<8x256xf32, #tpu.memory_space<vmem>>) dst(%dma_wait3A_233 : memref<8x256xf32, #tpu.memory_space<hbm>>)
    %dma_wait3A_238 = arith.constant 0 : i32
    %dma_wait3A_239 = arith.constant 7 : i32
    %dma_wait3A_240 = arith.constant 7 : i32
    %dma_wait3A_241 = arith.constant 0 : i32
    %dma_wait3A_242 = arith.constant 0 : i32
    %dma_wait3A_243 = tpu.memref_slice %arg6[%dma_wait3A_238, %dma_wait3A_239, %dma_wait3A_241, %dma_wait3A_242] : memref<2x18x8x256xf32, #tpu.memory_space<vmem>> -> memref<1x1x8x256xf32, #tpu.memory_space<vmem>>
    %dma_wait3A_244 = tpu.memref_squeeze %dma_wait3A_243 : memref<1x1x8x256xf32, #tpu.memory_space<vmem>> -> memref<8x256xf32, #tpu.memory_space<vmem>>
    %dma_wait3A_245 = tpu.memref_slice %arg4[%dma_wait3A_240, %mul3A_115, %mul3A_133] : memref<18x200x16384xf32, #tpu.memory_space<hbm>> -> memref<1x8x256xf32, #tpu.memory_space<hbm>>
    %dma_wait3A_246 = tpu.memref_squeeze %dma_wait3A_245 : memref<1x8x256xf32, #tpu.memory_space<hbm>> -> memref<8x256xf32, #tpu.memory_space<hbm>>
    %dma_wait3A_247 = tpu.memref_slice %arg4[%dma_wait3A_240, %mul3A_115, %mul3A_133] : memref<18x200x16384xf32, #tpu.memory_space<hbm>> -> memref<1x8x256xf32, #tpu.memory_space<hbm>>
    %dma_wait3A_248 = tpu.memref_squeeze %dma_wait3A_247 : memref<1x8x256xf32, #tpu.memory_space<hbm>> -> memref<8x256xf32, #tpu.memory_space<hbm>>
    %dma_wait3A_249 = arith.constant 0 : i32
    %dma_wait3A_250 = arith.constant 0 : i32
    %dma_wait3A_251 = tpu.memref_slice %arg6[%dma_wait3A_238, %dma_wait3A_239, %dma_wait3A_249, %dma_wait3A_250] : memref<2x18x8x256xf32, #tpu.memory_space<vmem>> -> memref<1x1x8x256xf32, #tpu.memory_space<vmem>>
    %dma_wait3A_252 = tpu.memref_squeeze %dma_wait3A_251 : memref<1x1x8x256xf32, #tpu.memory_space<vmem>> -> memref<8x256xf32, #tpu.memory_space<vmem>>
    tpu.wait_dma2 semaphore(%arg10 : memref<!tpu.dma_semaphore, #tpu.memory_space<semaphore_mem>>) src(%dma_wait3A_252 : memref<8x256xf32, #tpu.memory_space<vmem>>) dst(%dma_wait3A_248 : memref<8x256xf32, #tpu.memory_space<hbm>>)
    %dma_wait3A_253 = arith.constant 0 : i32
    %dma_wait3A_254 = arith.constant 8 : i32
    %dma_wait3A_255 = arith.constant 8 : i32
    %dma_wait3A_256 = arith.constant 0 : i32
    %dma_wait3A_257 = arith.constant 0 : i32
    %dma_wait3A_258 = tpu.memref_slice %arg6[%dma_wait3A_253, %dma_wait3A_254, %dma_wait3A_256, %dma_wait3A_257] : memref<2x18x8x256xf32, #tpu.memory_space<vmem>> -> memref<1x1x8x256xf32, #tpu.memory_space<vmem>>
    %dma_wait3A_259 = tpu.memref_squeeze %dma_wait3A_258 : memref<1x1x8x256xf32, #tpu.memory_space<vmem>> -> memref<8x256xf32, #tpu.memory_space<vmem>>
    %dma_wait3A_260 = tpu.memref_slice %arg4[%dma_wait3A_255, %mul3A_115, %mul3A_133] : memref<18x200x16384xf32, #tpu.memory_space<hbm>> -> memref<1x8x256xf32, #tpu.memory_space<hbm>>
    %dma_wait3A_261 = tpu.memref_squeeze %dma_wait3A_260 : memref<1x8x256xf32, #tpu.memory_space<hbm>> -> memref<8x256xf32, #tpu.memory_space<hbm>>
    %dma_wait3A_262 = tpu.memref_slice %arg4[%dma_wait3A_255, %mul3A_115, %mul3A_133] : memref<18x200x16384xf32, #tpu.memory_space<hbm>> -> memref<1x8x256xf32, #tpu.memory_space<hbm>>
    %dma_wait3A_263 = tpu.memref_squeeze %dma_wait3A_262 : memref<1x8x256xf32, #tpu.memory_space<hbm>> -> memref<8x256xf32, #tpu.memory_space<hbm>>
    %dma_wait3A_264 = arith.constant 0 : i32
    %dma_wait3A_265 = arith.constant 0 : i32
    %dma_wait3A_266 = tpu.memref_slice %arg6[%dma_wait3A_253, %dma_wait3A_254, %dma_wait3A_264, %dma_wait3A_265] : memref<2x18x8x256xf32, #tpu.memory_space<vmem>> -> memref<1x1x8x256xf32, #tpu.memory_space<vmem>>
    %dma_wait3A_267 = tpu.memref_squeeze %dma_wait3A_266 : memref<1x1x8x256xf32, #tpu.memory_space<vmem>> -> memref<8x256xf32, #tpu.memory_space<vmem>>
    tpu.wait_dma2 semaphore(%arg10 : memref<!tpu.dma_semaphore, #tpu.memory_space<semaphore_mem>>) src(%dma_wait3A_267 : memref<8x256xf32, #tpu.memory_space<vmem>>) dst(%dma_wait3A_263 : memref<8x256xf32, #tpu.memory_space<hbm>>)
    %dma_wait3A_268 = arith.constant 0 : i32
    %dma_wait3A_269 = arith.constant 9 : i32
    %dma_wait3A_270 = arith.constant 9 : i32
    %dma_wait3A_271 = arith.constant 0 : i32
    %dma_wait3A_272 = arith.constant 0 : i32
    %dma_wait3A_273 = tpu.memref_slice %arg6[%dma_wait3A_268, %dma_wait3A_269, %dma_wait3A_271, %dma_wait3A_272] : memref<2x18x8x256xf32, #tpu.memory_space<vmem>> -> memref<1x1x8x256xf32, #tpu.memory_space<vmem>>
    %dma_wait3A_274 = tpu.memref_squeeze %dma_wait3A_273 : memref<1x1x8x256xf32, #tpu.memory_space<vmem>> -> memref<8x256xf32, #tpu.memory_space<vmem>>
    %dma_wait3A_275 = tpu.memref_slice %arg4[%dma_wait3A_270, %mul3A_115, %mul3A_133] : memref<18x200x16384xf32, #tpu.memory_space<hbm>> -> memref<1x8x256xf32, #tpu.memory_space<hbm>>
    %dma_wait3A_276 = tpu.memref_squeeze %dma_wait3A_275 : memref<1x8x256xf32, #tpu.memory_space<hbm>> -> memref<8x256xf32, #tpu.memory_space<hbm>>
    %dma_wait3A_277 = tpu.memref_slice %arg4[%dma_wait3A_270, %mul3A_115, %mul3A_133] : memref<18x200x16384xf32, #tpu.memory_space<hbm>> -> memref<1x8x256xf32, #tpu.memory_space<hbm>>
    %dma_wait3A_278 = tpu.memref_squeeze %dma_wait3A_277 : memref<1x8x256xf32, #tpu.memory_space<hbm>> -> memref<8x256xf32, #tpu.memory_space<hbm>>
    %dma_wait3A_279 = arith.constant 0 : i32
    %dma_wait3A_280 = arith.constant 0 : i32
    %dma_wait3A_281 = tpu.memref_slice %arg6[%dma_wait3A_268, %dma_wait3A_269, %dma_wait3A_279, %dma_wait3A_280] : memref<2x18x8x256xf32, #tpu.memory_space<vmem>> -> memref<1x1x8x256xf32, #tpu.memory_space<vmem>>
    %dma_wait3A_282 = tpu.memref_squeeze %dma_wait3A_281 : memref<1x1x8x256xf32, #tpu.memory_space<vmem>> -> memref<8x256xf32, #tpu.memory_space<vmem>>
    tpu.wait_dma2 semaphore(%arg10 : memref<!tpu.dma_semaphore, #tpu.memory_space<semaphore_mem>>) src(%dma_wait3A_282 : memref<8x256xf32, #tpu.memory_space<vmem>>) dst(%dma_wait3A_278 : memref<8x256xf32, #tpu.memory_space<hbm>>)
    %dma_wait3A_283 = arith.constant 0 : i32
    %dma_wait3A_284 = arith.constant 10 : i32
    %dma_wait3A_285 = arith.constant 10 : i32
    %dma_wait3A_286 = arith.constant 0 : i32
    %dma_wait3A_287 = arith.constant 0 : i32
    %dma_wait3A_288 = tpu.memref_slice %arg6[%dma_wait3A_283, %dma_wait3A_284, %dma_wait3A_286, %dma_wait3A_287] : memref<2x18x8x256xf32, #tpu.memory_space<vmem>> -> memref<1x1x8x256xf32, #tpu.memory_space<vmem>>
    %dma_wait3A_289 = tpu.memref_squeeze %dma_wait3A_288 : memref<1x1x8x256xf32, #tpu.memory_space<vmem>> -> memref<8x256xf32, #tpu.memory_space<vmem>>
    %dma_wait3A_290 = tpu.memref_slice %arg4[%dma_wait3A_285, %mul3A_115, %mul3A_133] : memref<18x200x16384xf32, #tpu.memory_space<hbm>> -> memref<1x8x256xf32, #tpu.memory_space<hbm>>
    %dma_wait3A_291 = tpu.memref_squeeze %dma_wait3A_290 : memref<1x8x256xf32, #tpu.memory_space<hbm>> -> memref<8x256xf32, #tpu.memory_space<hbm>>
    %dma_wait3A_292 = tpu.memref_slice %arg4[%dma_wait3A_285, %mul3A_115, %mul3A_133] : memref<18x200x16384xf32, #tpu.memory_space<hbm>> -> memref<1x8x256xf32, #tpu.memory_space<hbm>>
    %dma_wait3A_293 = tpu.memref_squeeze %dma_wait3A_292 : memref<1x8x256xf32, #tpu.memory_space<hbm>> -> memref<8x256xf32, #tpu.memory_space<hbm>>
    %dma_wait3A_294 = arith.constant 0 : i32
    %dma_wait3A_295 = arith.constant 0 : i32
    %dma_wait3A_296 = tpu.memref_slice %arg6[%dma_wait3A_283, %dma_wait3A_284, %dma_wait3A_294, %dma_wait3A_295] : memref<2x18x8x256xf32, #tpu.memory_space<vmem>> -> memref<1x1x8x256xf32, #tpu.memory_space<vmem>>
    %dma_wait3A_297 = tpu.memref_squeeze %dma_wait3A_296 : memref<1x1x8x256xf32, #tpu.memory_space<vmem>> -> memref<8x256xf32, #tpu.memory_space<vmem>>
    tpu.wait_dma2 semaphore(%arg10 : memref<!tpu.dma_semaphore, #tpu.memory_space<semaphore_mem>>) src(%dma_wait3A_297 : memref<8x256xf32, #tpu.memory_space<vmem>>) dst(%dma_wait3A_293 : memref<8x256xf32, #tpu.memory_space<hbm>>)
    %dma_wait3A_298 = arith.constant 0 : i32
    %dma_wait3A_299 = arith.constant 11 : i32
    %dma_wait3A_300 = arith.constant 11 : i32
    %dma_wait3A_301 = arith.constant 0 : i32
    %dma_wait3A_302 = arith.constant 0 : i32
    %dma_wait3A_303 = tpu.memref_slice %arg6[%dma_wait3A_298, %dma_wait3A_299, %dma_wait3A_301, %dma_wait3A_302] : memref<2x18x8x256xf32, #tpu.memory_space<vmem>> -> memref<1x1x8x256xf32, #tpu.memory_space<vmem>>
    %dma_wait3A_304 = tpu.memref_squeeze %dma_wait3A_303 : memref<1x1x8x256xf32, #tpu.memory_space<vmem>> -> memref<8x256xf32, #tpu.memory_space<vmem>>
    %dma_wait3A_305 = tpu.memref_slice %arg4[%dma_wait3A_300, %mul3A_115, %mul3A_133] : memref<18x200x16384xf32, #tpu.memory_space<hbm>> -> memref<1x8x256xf32, #tpu.memory_space<hbm>>
    %dma_wait3A_306 = tpu.memref_squeeze %dma_wait3A_305 : memref<1x8x256xf32, #tpu.memory_space<hbm>> -> memref<8x256xf32, #tpu.memory_space<hbm>>
    %dma_wait3A_307 = tpu.memref_slice %arg4[%dma_wait3A_300, %mul3A_115, %mul3A_133] : memref<18x200x16384xf32, #tpu.memory_space<hbm>> -> memref<1x8x256xf32, #tpu.memory_space<hbm>>
    %dma_wait3A_308 = tpu.memref_squeeze %dma_wait3A_307 : memref<1x8x256xf32, #tpu.memory_space<hbm>> -> memref<8x256xf32, #tpu.memory_space<hbm>>
    %dma_wait3A_309 = arith.constant 0 : i32
    %dma_wait3A_310 = arith.constant 0 : i32
    %dma_wait3A_311 = tpu.memref_slice %arg6[%dma_wait3A_298, %dma_wait3A_299, %dma_wait3A_309, %dma_wait3A_310] : memref<2x18x8x256xf32, #tpu.memory_space<vmem>> -> memref<1x1x8x256xf32, #tpu.memory_space<vmem>>
    %dma_wait3A_312 = tpu.memref_squeeze %dma_wait3A_311 : memref<1x1x8x256xf32, #tpu.memory_space<vmem>> -> memref<8x256xf32, #tpu.memory_space<vmem>>
    tpu.wait_dma2 semaphore(%arg10 : memref<!tpu.dma_semaphore, #tpu.memory_space<semaphore_mem>>) src(%dma_wait3A_312 : memref<8x256xf32, #tpu.memory_space<vmem>>) dst(%dma_wait3A_308 : memref<8x256xf32, #tpu.memory_space<hbm>>)
    %dma_wait3A_313 = arith.constant 0 : i32
    %dma_wait3A_314 = arith.constant 12 : i32
    %dma_wait3A_315 = arith.constant 12 : i32
    %dma_wait3A_316 = arith.constant 0 : i32
    %dma_wait3A_317 = arith.constant 0 : i32
    %dma_wait3A_318 = tpu.memref_slice %arg6[%dma_wait3A_313, %dma_wait3A_314, %dma_wait3A_316, %dma_wait3A_317] : memref<2x18x8x256xf32, #tpu.memory_space<vmem>> -> memref<1x1x8x256xf32, #tpu.memory_space<vmem>>
    %dma_wait3A_319 = tpu.memref_squeeze %dma_wait3A_318 : memref<1x1x8x256xf32, #tpu.memory_space<vmem>> -> memref<8x256xf32, #tpu.memory_space<vmem>>
    %dma_wait3A_320 = tpu.memref_slice %arg4[%dma_wait3A_315, %mul3A_115, %mul3A_133] : memref<18x200x16384xf32, #tpu.memory_space<hbm>> -> memref<1x8x256xf32, #tpu.memory_space<hbm>>
    %dma_wait3A_321 = tpu.memref_squeeze %dma_wait3A_320 : memref<1x8x256xf32, #tpu.memory_space<hbm>> -> memref<8x256xf32, #tpu.memory_space<hbm>>
    %dma_wait3A_322 = tpu.memref_slice %arg4[%dma_wait3A_315, %mul3A_115, %mul3A_133] : memref<18x200x16384xf32, #tpu.memory_space<hbm>> -> memref<1x8x256xf32, #tpu.memory_space<hbm>>
    %dma_wait3A_323 = tpu.memref_squeeze %dma_wait3A_322 : memref<1x8x256xf32, #tpu.memory_space<hbm>> -> memref<8x256xf32, #tpu.memory_space<hbm>>
    %dma_wait3A_324 = arith.constant 0 : i32
    %dma_wait3A_325 = arith.constant 0 : i32
    %dma_wait3A_326 = tpu.memref_slice %arg6[%dma_wait3A_313, %dma_wait3A_314, %dma_wait3A_324, %dma_wait3A_325] : memref<2x18x8x256xf32, #tpu.memory_space<vmem>> -> memref<1x1x8x256xf32, #tpu.memory_space<vmem>>
    %dma_wait3A_327 = tpu.memref_squeeze %dma_wait3A_326 : memref<1x1x8x256xf32, #tpu.memory_space<vmem>> -> memref<8x256xf32, #tpu.memory_space<vmem>>
    tpu.wait_dma2 semaphore(%arg10 : memref<!tpu.dma_semaphore, #tpu.memory_space<semaphore_mem>>) src(%dma_wait3A_327 : memref<8x256xf32, #tpu.memory_space<vmem>>) dst(%dma_wait3A_323 : memref<8x256xf32, #tpu.memory_space<hbm>>)
    %dma_wait3A_328 = arith.constant 0 : i32
    %dma_wait3A_329 = arith.constant 13 : i32
    %dma_wait3A_330 = arith.constant 13 : i32
    %dma_wait3A_331 = arith.constant 0 : i32
    %dma_wait3A_332 = arith.constant 0 : i32
    %dma_wait3A_333 = tpu.memref_slice %arg6[%dma_wait3A_328, %dma_wait3A_329, %dma_wait3A_331, %dma_wait3A_332] : memref<2x18x8x256xf32, #tpu.memory_space<vmem>> -> memref<1x1x8x256xf32, #tpu.memory_space<vmem>>
    %dma_wait3A_334 = tpu.memref_squeeze %dma_wait3A_333 : memref<1x1x8x256xf32, #tpu.memory_space<vmem>> -> memref<8x256xf32, #tpu.memory_space<vmem>>
    %dma_wait3A_335 = tpu.memref_slice %arg4[%dma_wait3A_330, %mul3A_115, %mul3A_133] : memref<18x200x16384xf32, #tpu.memory_space<hbm>> -> memref<1x8x256xf32, #tpu.memory_space<hbm>>
    %dma_wait3A_336 = tpu.memref_squeeze %dma_wait3A_335 : memref<1x8x256xf32, #tpu.memory_space<hbm>> -> memref<8x256xf32, #tpu.memory_space<hbm>>
    %dma_wait3A_337 = tpu.memref_slice %arg4[%dma_wait3A_330, %mul3A_115, %mul3A_133] : memref<18x200x16384xf32, #tpu.memory_space<hbm>> -> memref<1x8x256xf32, #tpu.memory_space<hbm>>
    %dma_wait3A_338 = tpu.memref_squeeze %dma_wait3A_337 : memref<1x8x256xf32, #tpu.memory_space<hbm>> -> memref<8x256xf32, #tpu.memory_space<hbm>>
    %dma_wait3A_339 = arith.constant 0 : i32
    %dma_wait3A_340 = arith.constant 0 : i32
    %dma_wait3A_341 = tpu.memref_slice %arg6[%dma_wait3A_328, %dma_wait3A_329, %dma_wait3A_339, %dma_wait3A_340] : memref<2x18x8x256xf32, #tpu.memory_space<vmem>> -> memref<1x1x8x256xf32, #tpu.memory_space<vmem>>
    %dma_wait3A_342 = tpu.memref_squeeze %dma_wait3A_341 : memref<1x1x8x256xf32, #tpu.memory_space<vmem>> -> memref<8x256xf32, #tpu.memory_space<vmem>>
    tpu.wait_dma2 semaphore(%arg10 : memref<!tpu.dma_semaphore, #tpu.memory_space<semaphore_mem>>) src(%dma_wait3A_342 : memref<8x256xf32, #tpu.memory_space<vmem>>) dst(%dma_wait3A_338 : memref<8x256xf32, #tpu.memory_space<hbm>>)
    %dma_wait3A_343 = arith.constant 0 : i32
    %dma_wait3A_344 = arith.constant 14 : i32
    %dma_wait3A_345 = arith.constant 14 : i32
    %dma_wait3A_346 = arith.constant 0 : i32
    %dma_wait3A_347 = arith.constant 0 : i32
    %dma_wait3A_348 = tpu.memref_slice %arg6[%dma_wait3A_343, %dma_wait3A_344, %dma_wait3A_346, %dma_wait3A_347] : memref<2x18x8x256xf32, #tpu.memory_space<vmem>> -> memref<1x1x8x256xf32, #tpu.memory_space<vmem>>
    %dma_wait3A_349 = tpu.memref_squeeze %dma_wait3A_348 : memref<1x1x8x256xf32, #tpu.memory_space<vmem>> -> memref<8x256xf32, #tpu.memory_space<vmem>>
    %dma_wait3A_350 = tpu.memref_slice %arg4[%dma_wait3A_345, %mul3A_115, %mul3A_133] : memref<18x200x16384xf32, #tpu.memory_space<hbm>> -> memref<1x8x256xf32, #tpu.memory_space<hbm>>
    %dma_wait3A_351 = tpu.memref_squeeze %dma_wait3A_350 : memref<1x8x256xf32, #tpu.memory_space<hbm>> -> memref<8x256xf32, #tpu.memory_space<hbm>>
    %dma_wait3A_352 = tpu.memref_slice %arg4[%dma_wait3A_345, %mul3A_115, %mul3A_133] : memref<18x200x16384xf32, #tpu.memory_space<hbm>> -> memref<1x8x256xf32, #tpu.memory_space<hbm>>
    %dma_wait3A_353 = tpu.memref_squeeze %dma_wait3A_352 : memref<1x8x256xf32, #tpu.memory_space<hbm>> -> memref<8x256xf32, #tpu.memory_space<hbm>>
    %dma_wait3A_354 = arith.constant 0 : i32
    %dma_wait3A_355 = arith.constant 0 : i32
    %dma_wait3A_356 = tpu.memref_slice %arg6[%dma_wait3A_343, %dma_wait3A_344, %dma_wait3A_354, %dma_wait3A_355] : memref<2x18x8x256xf32, #tpu.memory_space<vmem>> -> memref<1x1x8x256xf32, #tpu.memory_space<vmem>>
    %dma_wait3A_357 = tpu.memref_squeeze %dma_wait3A_356 : memref<1x1x8x256xf32, #tpu.memory_space<vmem>> -> memref<8x256xf32, #tpu.memory_space<vmem>>
    tpu.wait_dma2 semaphore(%arg10 : memref<!tpu.dma_semaphore, #tpu.memory_space<semaphore_mem>>) src(%dma_wait3A_357 : memref<8x256xf32, #tpu.memory_space<vmem>>) dst(%dma_wait3A_353 : memref<8x256xf32, #tpu.memory_space<hbm>>)
    %dma_wait3A_358 = arith.constant 0 : i32
    %dma_wait3A_359 = arith.constant 15 : i32
    %dma_wait3A_360 = arith.constant 15 : i32
    %dma_wait3A_361 = arith.constant 0 : i32
    %dma_wait3A_362 = arith.constant 0 : i32
    %dma_wait3A_363 = tpu.memref_slice %arg6[%dma_wait3A_358, %dma_wait3A_359, %dma_wait3A_361, %dma_wait3A_362] : memref<2x18x8x256xf32, #tpu.memory_space<vmem>> -> memref<1x1x8x256xf32, #tpu.memory_space<vmem>>
    %dma_wait3A_364 = tpu.memref_squeeze %dma_wait3A_363 : memref<1x1x8x256xf32, #tpu.memory_space<vmem>> -> memref<8x256xf32, #tpu.memory_space<vmem>>
    %dma_wait3A_365 = tpu.memref_slice %arg4[%dma_wait3A_360, %mul3A_115, %mul3A_133] : memref<18x200x16384xf32, #tpu.memory_space<hbm>> -> memref<1x8x256xf32, #tpu.memory_space<hbm>>
    %dma_wait3A_366 = tpu.memref_squeeze %dma_wait3A_365 : memref<1x8x256xf32, #tpu.memory_space<hbm>> -> memref<8x256xf32, #tpu.memory_space<hbm>>
    %dma_wait3A_367 = tpu.memref_slice %arg4[%dma_wait3A_360, %mul3A_115, %mul3A_133] : memref<18x200x16384xf32, #tpu.memory_space<hbm>> -> memref<1x8x256xf32, #tpu.memory_space<hbm>>
    %dma_wait3A_368 = tpu.memref_squeeze %dma_wait3A_367 : memref<1x8x256xf32, #tpu.memory_space<hbm>> -> memref<8x256xf32, #tpu.memory_space<hbm>>
    %dma_wait3A_369 = arith.constant 0 : i32
    %dma_wait3A_370 = arith.constant 0 : i32
    %dma_wait3A_371 = tpu.memref_slice %arg6[%dma_wait3A_358, %dma_wait3A_359, %dma_wait3A_369, %dma_wait3A_370] : memref<2x18x8x256xf32, #tpu.memory_space<vmem>> -> memref<1x1x8x256xf32, #tpu.memory_space<vmem>>
    %dma_wait3A_372 = tpu.memref_squeeze %dma_wait3A_371 : memref<1x1x8x256xf32, #tpu.memory_space<vmem>> -> memref<8x256xf32, #tpu.memory_space<vmem>>
    tpu.wait_dma2 semaphore(%arg10 : memref<!tpu.dma_semaphore, #tpu.memory_space<semaphore_mem>>) src(%dma_wait3A_372 : memref<8x256xf32, #tpu.memory_space<vmem>>) dst(%dma_wait3A_368 : memref<8x256xf32, #tpu.memory_space<hbm>>)
    %dma_wait3A_373 = arith.constant 0 : i32
    %dma_wait3A_374 = arith.constant 16 : i32
    %dma_wait3A_375 = arith.constant 16 : i32
    %dma_wait3A_376 = arith.constant 0 : i32
    %dma_wait3A_377 = arith.constant 0 : i32
    %dma_wait3A_378 = tpu.memref_slice %arg6[%dma_wait3A_373, %dma_wait3A_374, %dma_wait3A_376, %dma_wait3A_377] : memref<2x18x8x256xf32, #tpu.memory_space<vmem>> -> memref<1x1x8x256xf32, #tpu.memory_space<vmem>>
    %dma_wait3A_379 = tpu.memref_squeeze %dma_wait3A_378 : memref<1x1x8x256xf32, #tpu.memory_space<vmem>> -> memref<8x256xf32, #tpu.memory_space<vmem>>
    %dma_wait3A_380 = tpu.memref_slice %arg4[%dma_wait3A_375, %mul3A_115, %mul3A_133] : memref<18x200x16384xf32, #tpu.memory_space<hbm>> -> memref<1x8x256xf32, #tpu.memory_space<hbm>>
    %dma_wait3A_381 = tpu.memref_squeeze %dma_wait3A_380 : memref<1x8x256xf32, #tpu.memory_space<hbm>> -> memref<8x256xf32, #tpu.memory_space<hbm>>
    %dma_wait3A_382 = tpu.memref_slice %arg4[%dma_wait3A_375, %mul3A_115, %mul3A_133] : memref<18x200x16384xf32, #tpu.memory_space<hbm>> -> memref<1x8x256xf32, #tpu.memory_space<hbm>>
    %dma_wait3A_383 = tpu.memref_squeeze %dma_wait3A_382 : memref<1x8x256xf32, #tpu.memory_space<hbm>> -> memref<8x256xf32, #tpu.memory_space<hbm>>
    %dma_wait3A_384 = arith.constant 0 : i32
    %dma_wait3A_385 = arith.constant 0 : i32
    %dma_wait3A_386 = tpu.memref_slice %arg6[%dma_wait3A_373, %dma_wait3A_374, %dma_wait3A_384, %dma_wait3A_385] : memref<2x18x8x256xf32, #tpu.memory_space<vmem>> -> memref<1x1x8x256xf32, #tpu.memory_space<vmem>>
    %dma_wait3A_387 = tpu.memref_squeeze %dma_wait3A_386 : memref<1x1x8x256xf32, #tpu.memory_space<vmem>> -> memref<8x256xf32, #tpu.memory_space<vmem>>
    tpu.wait_dma2 semaphore(%arg10 : memref<!tpu.dma_semaphore, #tpu.memory_space<semaphore_mem>>) src(%dma_wait3A_387 : memref<8x256xf32, #tpu.memory_space<vmem>>) dst(%dma_wait3A_383 : memref<8x256xf32, #tpu.memory_space<hbm>>)
    %dma_wait3A_388 = arith.constant 0 : i32
    %dma_wait3A_389 = arith.constant 17 : i32
    %dma_wait3A_390 = arith.constant 17 : i32
    %dma_wait3A_391 = arith.constant 0 : i32
    %dma_wait3A_392 = arith.constant 0 : i32
    %dma_wait3A_393 = tpu.memref_slice %arg6[%dma_wait3A_388, %dma_wait3A_389, %dma_wait3A_391, %dma_wait3A_392] : memref<2x18x8x256xf32, #tpu.memory_space<vmem>> -> memref<1x1x8x256xf32, #tpu.memory_space<vmem>>
    %dma_wait3A_394 = tpu.memref_squeeze %dma_wait3A_393 : memref<1x1x8x256xf32, #tpu.memory_space<vmem>> -> memref<8x256xf32, #tpu.memory_space<vmem>>
    %dma_wait3A_395 = tpu.memref_slice %arg4[%dma_wait3A_390, %mul3A_115, %mul3A_133] : memref<18x200x16384xf32, #tpu.memory_space<hbm>> -> memref<1x8x256xf32, #tpu.memory_space<hbm>>
    %dma_wait3A_396 = tpu.memref_squeeze %dma_wait3A_395 : memref<1x8x256xf32, #tpu.memory_space<hbm>> -> memref<8x256xf32, #tpu.memory_space<hbm>>
    %dma_wait3A_397 = tpu.memref_slice %arg4[%dma_wait3A_390, %mul3A_115, %mul3A_133] : memref<18x200x16384xf32, #tpu.memory_space<hbm>> -> memref<1x8x256xf32, #tpu.memory_space<hbm>>
    %dma_wait3A_398 = tpu.memref_squeeze %dma_wait3A_397 : memref<1x8x256xf32, #tpu.memory_space<hbm>> -> memref<8x256xf32, #tpu.memory_space<hbm>>
    %dma_wait3A_399 = arith.constant 0 : i32
    %dma_wait3A_400 = arith.constant 0 : i32
    %dma_wait3A_401 = tpu.memref_slice %arg6[%dma_wait3A_388, %dma_wait3A_389, %dma_wait3A_399, %dma_wait3A_400] : memref<2x18x8x256xf32, #tpu.memory_space<vmem>> -> memref<1x1x8x256xf32, #tpu.memory_space<vmem>>
    %dma_wait3A_402 = tpu.memref_squeeze %dma_wait3A_401 : memref<1x1x8x256xf32, #tpu.memory_space<vmem>> -> memref<8x256xf32, #tpu.memory_space<vmem>>
    tpu.wait_dma2 semaphore(%arg10 : memref<!tpu.dma_semaphore, #tpu.memory_space<semaphore_mem>>) src(%dma_wait3A_402 : memref<8x256xf32, #tpu.memory_space<vmem>>) dst(%dma_wait3A_398 : memref<8x256xf32, #tpu.memory_space<hbm>>)
    %add3A_403 = arith.constant 50 : i32
    %add3A_404 = arith.addi %mul3A_2, %add3A_403 : i32
    %sub3A_405 = arith.constant 1 : i32
    %sub3A_406 = arith.subi %add3A_404, %sub3A_405 : i32
    %jit3A_407 = arith.constant 64 : i32
    %div3A_408 = arith.divsi %sub3A_406, %jit3A_407 : i32
    %sign3A_409 = arith.constant 0 : i32
    %sign3A_410 = arith.cmpi sgt, %sub3A_406, %sign3A_409 : i32
    %sign3A_411 = arith.extui %sign3A_410 : i1 to i32
    %sign3A_412 = arith.constant 0 : i32
    %sign3A_413 = arith.cmpi slt, %sub3A_406, %sign3A_412 : i32
    %sign3A_414 = arith.extui %sign3A_413 : i1 to i32
    %sign3A_415 = arith.subi %sign3A_411, %sign3A_414 : i32
    %sign3A_416 = arith.constant 0 : i32
    %sign3A_417 = arith.cmpi sgt, %jit3A_407, %sign3A_416 : i32
    %sign3A_418 = arith.extui %sign3A_417 : i1 to i32
    %sign3A_419 = arith.constant 0 : i32
    %sign3A_420 = arith.cmpi slt, %jit3A_407, %sign3A_419 : i32
    %sign3A_421 = arith.extui %sign3A_420 : i1 to i32
    %sign3A_422 = arith.subi %sign3A_418, %sign3A_421 : i32
    %ne3A_423 = arith.cmpi ne, %sign3A_415, %sign3A_422 : i32
    %rem3A_424 = arith.remsi %sub3A_406, %jit3A_407 : i32
    %ne3A_425 = arith.constant 0 : i32
    %ne3A_426 = arith.cmpi ne, %rem3A_424, %ne3A_425 : i32
    %and3A_427 = arith.andi %ne3A_423, %ne3A_426 : i1
    %sub3A_428 = arith.constant 1 : i32
    %sub3A_429 = arith.subi %div3A_408, %sub3A_428 : i32
    %select_n3A_430 = arith.select %and3A_427, %sub3A_429, %div3A_408 : i32
    %mul3A_431 = arith.constant 8 : i32
    %mul3A_432 = arith.muli %select_n3A_430, %mul3A_431 : i32
    %jit3A_433 = arith.constant 64 : i32
    %eq3A_434 = arith.constant 0 : i32
    %eq3A_435 = arith.cmpi eq, %jit3A_433, %eq3A_434 : i32
    %jit3A_436 = arith.constant 1 : i32
    %select_n3A_437 = arith.select %eq3A_435, %jit3A_436, %jit3A_433 : i32
    %rem3A_438 = arith.remsi %sub3A_406, %select_n3A_437 : i32
    %ne3A_439 = arith.constant 0 : i32
    %ne3A_440 = arith.cmpi ne, %rem3A_438, %ne3A_439 : i32
    %lt3A_441 = arith.constant 0 : i32
    %lt3A_442 = arith.cmpi slt, %rem3A_438, %lt3A_441 : i32
    %lt3A_443 = arith.constant 0 : i32
    %lt3A_444 = arith.cmpi slt, %select_n3A_437, %lt3A_443 : i32
    %ne3A_445 = arith.xori %lt3A_442, %lt3A_444 : i1
    %and3A_446 = arith.andi %ne3A_445, %ne3A_440 : i1
    %add3A_447 = arith.addi %rem3A_438, %select_n3A_437 : i32
    %select_n3A_448 = arith.select %and3A_446, %add3A_447, %rem3A_438 : i32
    %mul3A_449 = arith.constant 256 : i32
    %mul3A_450 = arith.muli %select_n3A_448, %mul3A_449 : i32
    %dma_wait3A_451 = arith.constant 1 : i32
    %dma_wait3A_452 = arith.constant 0 : i32
    %dma_wait3A_453 = arith.constant 0 : i32
    %dma_wait3A_454 = arith.constant 0 : i32
    %dma_wait3A_455 = arith.constant 0 : i32
    %dma_wait3A_456 = tpu.memref_slice %arg6[%dma_wait3A_451, %dma_wait3A_452, %dma_wait3A_454, %dma_wait3A_455] : memref<2x18x8x256xf32, #tpu.memory_space<vmem>> -> memref<1x1x8x256xf32, #tpu.memory_space<vmem>>
    %dma_wait3A_457 = tpu.memref_squeeze %dma_wait3A_456 : memref<1x1x8x256xf32, #tpu.memory_space<vmem>> -> memref<8x256xf32, #tpu.memory_space<vmem>>
    %dma_wait3A_458 = tpu.memref_slice %arg4[%dma_wait3A_453, %mul3A_432, %mul3A_450] : memref<18x200x16384xf32, #tpu.memory_space<hbm>> -> memref<1x8x256xf32, #tpu.memory_space<hbm>>
    %dma_wait3A_459 = tpu.memref_squeeze %dma_wait3A_458 : memref<1x8x256xf32, #tpu.memory_space<hbm>> -> memref<8x256xf32, #tpu.memory_space<hbm>>
    %dma_wait3A_460 = tpu.memref_slice %arg4[%dma_wait3A_453, %mul3A_432, %mul3A_450] : memref<18x200x16384xf32, #tpu.memory_space<hbm>> -> memref<1x8x256xf32, #tpu.memory_space<hbm>>
    %dma_wait3A_461 = tpu.memref_squeeze %dma_wait3A_460 : memref<1x8x256xf32, #tpu.memory_space<hbm>> -> memref<8x256xf32, #tpu.memory_space<hbm>>
    %dma_wait3A_462 = arith.constant 0 : i32
    %dma_wait3A_463 = arith.constant 0 : i32
    %dma_wait3A_464 = tpu.memref_slice %arg6[%dma_wait3A_451, %dma_wait3A_452, %dma_wait3A_462, %dma_wait3A_463] : memref<2x18x8x256xf32, #tpu.memory_space<vmem>> -> memref<1x1x8x256xf32, #tpu.memory_space<vmem>>
    %dma_wait3A_465 = tpu.memref_squeeze %dma_wait3A_464 : memref<1x1x8x256xf32, #tpu.memory_space<vmem>> -> memref<8x256xf32, #tpu.memory_space<vmem>>
    tpu.wait_dma2 semaphore(%arg11 : memref<!tpu.dma_semaphore, #tpu.memory_space<semaphore_mem>>) src(%dma_wait3A_465 : memref<8x256xf32, #tpu.memory_space<vmem>>) dst(%dma_wait3A_461 : memref<8x256xf32, #tpu.memory_space<hbm>>)
    %dma_wait3A_466 = arith.constant 1 : i32
    %dma_wait3A_467 = arith.constant 1 : i32
    %dma_wait3A_468 = arith.constant 1 : i32
    %dma_wait3A_469 = arith.constant 0 : i32
    %dma_wait3A_470 = arith.constant 0 : i32
    %dma_wait3A_471 = tpu.memref_slice %arg6[%dma_wait3A_466, %dma_wait3A_467, %dma_wait3A_469, %dma_wait3A_470] : memref<2x18x8x256xf32, #tpu.memory_space<vmem>> -> memref<1x1x8x256xf32, #tpu.memory_space<vmem>>
    %dma_wait3A_472 = tpu.memref_squeeze %dma_wait3A_471 : memref<1x1x8x256xf32, #tpu.memory_space<vmem>> -> memref<8x256xf32, #tpu.memory_space<vmem>>
    %dma_wait3A_473 = tpu.memref_slice %arg4[%dma_wait3A_468, %mul3A_432, %mul3A_450] : memref<18x200x16384xf32, #tpu.memory_space<hbm>> -> memref<1x8x256xf32, #tpu.memory_space<hbm>>
    %dma_wait3A_474 = tpu.memref_squeeze %dma_wait3A_473 : memref<1x8x256xf32, #tpu.memory_space<hbm>> -> memref<8x256xf32, #tpu.memory_space<hbm>>
    %dma_wait3A_475 = tpu.memref_slice %arg4[%dma_wait3A_468, %mul3A_432, %mul3A_450] : memref<18x200x16384xf32, #tpu.memory_space<hbm>> -> memref<1x8x256xf32, #tpu.memory_space<hbm>>
    %dma_wait3A_476 = tpu.memref_squeeze %dma_wait3A_475 : memref<1x8x256xf32, #tpu.memory_space<hbm>> -> memref<8x256xf32, #tpu.memory_space<hbm>>
    %dma_wait3A_477 = arith.constant 0 : i32
    %dma_wait3A_478 = arith.constant 0 : i32
    %dma_wait3A_479 = tpu.memref_slice %arg6[%dma_wait3A_466, %dma_wait3A_467, %dma_wait3A_477, %dma_wait3A_478] : memref<2x18x8x256xf32, #tpu.memory_space<vmem>> -> memref<1x1x8x256xf32, #tpu.memory_space<vmem>>
    %dma_wait3A_480 = tpu.memref_squeeze %dma_wait3A_479 : memref<1x1x8x256xf32, #tpu.memory_space<vmem>> -> memref<8x256xf32, #tpu.memory_space<vmem>>
    tpu.wait_dma2 semaphore(%arg11 : memref<!tpu.dma_semaphore, #tpu.memory_space<semaphore_mem>>) src(%dma_wait3A_480 : memref<8x256xf32, #tpu.memory_space<vmem>>) dst(%dma_wait3A_476 : memref<8x256xf32, #tpu.memory_space<hbm>>)
    %dma_wait3A_481 = arith.constant 1 : i32
    %dma_wait3A_482 = arith.constant 2 : i32
    %dma_wait3A_483 = arith.constant 2 : i32
    %dma_wait3A_484 = arith.constant 0 : i32
    %dma_wait3A_485 = arith.constant 0 : i32
    %dma_wait3A_486 = tpu.memref_slice %arg6[%dma_wait3A_481, %dma_wait3A_482, %dma_wait3A_484, %dma_wait3A_485] : memref<2x18x8x256xf32, #tpu.memory_space<vmem>> -> memref<1x1x8x256xf32, #tpu.memory_space<vmem>>
    %dma_wait3A_487 = tpu.memref_squeeze %dma_wait3A_486 : memref<1x1x8x256xf32, #tpu.memory_space<vmem>> -> memref<8x256xf32, #tpu.memory_space<vmem>>
    %dma_wait3A_488 = tpu.memref_slice %arg4[%dma_wait3A_483, %mul3A_432, %mul3A_450] : memref<18x200x16384xf32, #tpu.memory_space<hbm>> -> memref<1x8x256xf32, #tpu.memory_space<hbm>>
    %dma_wait3A_489 = tpu.memref_squeeze %dma_wait3A_488 : memref<1x8x256xf32, #tpu.memory_space<hbm>> -> memref<8x256xf32, #tpu.memory_space<hbm>>
    %dma_wait3A_490 = tpu.memref_slice %arg4[%dma_wait3A_483, %mul3A_432, %mul3A_450] : memref<18x200x16384xf32, #tpu.memory_space<hbm>> -> memref<1x8x256xf32, #tpu.memory_space<hbm>>
    %dma_wait3A_491 = tpu.memref_squeeze %dma_wait3A_490 : memref<1x8x256xf32, #tpu.memory_space<hbm>> -> memref<8x256xf32, #tpu.memory_space<hbm>>
    %dma_wait3A_492 = arith.constant 0 : i32
    %dma_wait3A_493 = arith.constant 0 : i32
    %dma_wait3A_494 = tpu.memref_slice %arg6[%dma_wait3A_481, %dma_wait3A_482, %dma_wait3A_492, %dma_wait3A_493] : memref<2x18x8x256xf32, #tpu.memory_space<vmem>> -> memref<1x1x8x256xf32, #tpu.memory_space<vmem>>
    %dma_wait3A_495 = tpu.memref_squeeze %dma_wait3A_494 : memref<1x1x8x256xf32, #tpu.memory_space<vmem>> -> memref<8x256xf32, #tpu.memory_space<vmem>>
    tpu.wait_dma2 semaphore(%arg11 : memref<!tpu.dma_semaphore, #tpu.memory_space<semaphore_mem>>) src(%dma_wait3A_495 : memref<8x256xf32, #tpu.memory_space<vmem>>) dst(%dma_wait3A_491 : memref<8x256xf32, #tpu.memory_space<hbm>>)
    %dma_wait3A_496 = arith.constant 1 : i32
    %dma_wait3A_497 = arith.constant 3 : i32
    %dma_wait3A_498 = arith.constant 3 : i32
    %dma_wait3A_499 = arith.constant 0 : i32
    %dma_wait3A_500 = arith.constant 0 : i32
    %dma_wait3A_501 = tpu.memref_slice %arg6[%dma_wait3A_496, %dma_wait3A_497, %dma_wait3A_499, %dma_wait3A_500] : memref<2x18x8x256xf32, #tpu.memory_space<vmem>> -> memref<1x1x8x256xf32, #tpu.memory_space<vmem>>
    %dma_wait3A_502 = tpu.memref_squeeze %dma_wait3A_501 : memref<1x1x8x256xf32, #tpu.memory_space<vmem>> -> memref<8x256xf32, #tpu.memory_space<vmem>>
    %dma_wait3A_503 = tpu.memref_slice %arg4[%dma_wait3A_498, %mul3A_432, %mul3A_450] : memref<18x200x16384xf32, #tpu.memory_space<hbm>> -> memref<1x8x256xf32, #tpu.memory_space<hbm>>
    %dma_wait3A_504 = tpu.memref_squeeze %dma_wait3A_503 : memref<1x8x256xf32, #tpu.memory_space<hbm>> -> memref<8x256xf32, #tpu.memory_space<hbm>>
    %dma_wait3A_505 = tpu.memref_slice %arg4[%dma_wait3A_498, %mul3A_432, %mul3A_450] : memref<18x200x16384xf32, #tpu.memory_space<hbm>> -> memref<1x8x256xf32, #tpu.memory_space<hbm>>
    %dma_wait3A_506 = tpu.memref_squeeze %dma_wait3A_505 : memref<1x8x256xf32, #tpu.memory_space<hbm>> -> memref<8x256xf32, #tpu.memory_space<hbm>>
    %dma_wait3A_507 = arith.constant 0 : i32
    %dma_wait3A_508 = arith.constant 0 : i32
    %dma_wait3A_509 = tpu.memref_slice %arg6[%dma_wait3A_496, %dma_wait3A_497, %dma_wait3A_507, %dma_wait3A_508] : memref<2x18x8x256xf32, #tpu.memory_space<vmem>> -> memref<1x1x8x256xf32, #tpu.memory_space<vmem>>
    %dma_wait3A_510 = tpu.memref_squeeze %dma_wait3A_509 : memref<1x1x8x256xf32, #tpu.memory_space<vmem>> -> memref<8x256xf32, #tpu.memory_space<vmem>>
    tpu.wait_dma2 semaphore(%arg11 : memref<!tpu.dma_semaphore, #tpu.memory_space<semaphore_mem>>) src(%dma_wait3A_510 : memref<8x256xf32, #tpu.memory_space<vmem>>) dst(%dma_wait3A_506 : memref<8x256xf32, #tpu.memory_space<hbm>>)
    %dma_wait3A_511 = arith.constant 1 : i32
    %dma_wait3A_512 = arith.constant 4 : i32
    %dma_wait3A_513 = arith.constant 4 : i32
    %dma_wait3A_514 = arith.constant 0 : i32
    %dma_wait3A_515 = arith.constant 0 : i32
    %dma_wait3A_516 = tpu.memref_slice %arg6[%dma_wait3A_511, %dma_wait3A_512, %dma_wait3A_514, %dma_wait3A_515] : memref<2x18x8x256xf32, #tpu.memory_space<vmem>> -> memref<1x1x8x256xf32, #tpu.memory_space<vmem>>
    %dma_wait3A_517 = tpu.memref_squeeze %dma_wait3A_516 : memref<1x1x8x256xf32, #tpu.memory_space<vmem>> -> memref<8x256xf32, #tpu.memory_space<vmem>>
    %dma_wait3A_518 = tpu.memref_slice %arg4[%dma_wait3A_513, %mul3A_432, %mul3A_450] : memref<18x200x16384xf32, #tpu.memory_space<hbm>> -> memref<1x8x256xf32, #tpu.memory_space<hbm>>
    %dma_wait3A_519 = tpu.memref_squeeze %dma_wait3A_518 : memref<1x8x256xf32, #tpu.memory_space<hbm>> -> memref<8x256xf32, #tpu.memory_space<hbm>>
    %dma_wait3A_520 = tpu.memref_slice %arg4[%dma_wait3A_513, %mul3A_432, %mul3A_450] : memref<18x200x16384xf32, #tpu.memory_space<hbm>> -> memref<1x8x256xf32, #tpu.memory_space<hbm>>
    %dma_wait3A_521 = tpu.memref_squeeze %dma_wait3A_520 : memref<1x8x256xf32, #tpu.memory_space<hbm>> -> memref<8x256xf32, #tpu.memory_space<hbm>>
    %dma_wait3A_522 = arith.constant 0 : i32
    %dma_wait3A_523 = arith.constant 0 : i32
    %dma_wait3A_524 = tpu.memref_slice %arg6[%dma_wait3A_511, %dma_wait3A_512, %dma_wait3A_522, %dma_wait3A_523] : memref<2x18x8x256xf32, #tpu.memory_space<vmem>> -> memref<1x1x8x256xf32, #tpu.memory_space<vmem>>
    %dma_wait3A_525 = tpu.memref_squeeze %dma_wait3A_524 : memref<1x1x8x256xf32, #tpu.memory_space<vmem>> -> memref<8x256xf32, #tpu.memory_space<vmem>>
    tpu.wait_dma2 semaphore(%arg11 : memref<!tpu.dma_semaphore, #tpu.memory_space<semaphore_mem>>) src(%dma_wait3A_525 : memref<8x256xf32, #tpu.memory_space<vmem>>) dst(%dma_wait3A_521 : memref<8x256xf32, #tpu.memory_space<hbm>>)
    %dma_wait3A_526 = arith.constant 1 : i32
    %dma_wait3A_527 = arith.constant 5 : i32
    %dma_wait3A_528 = arith.constant 5 : i32
    %dma_wait3A_529 = arith.constant 0 : i32
    %dma_wait3A_530 = arith.constant 0 : i32
    %dma_wait3A_531 = tpu.memref_slice %arg6[%dma_wait3A_526, %dma_wait3A_527, %dma_wait3A_529, %dma_wait3A_530] : memref<2x18x8x256xf32, #tpu.memory_space<vmem>> -> memref<1x1x8x256xf32, #tpu.memory_space<vmem>>
    %dma_wait3A_532 = tpu.memref_squeeze %dma_wait3A_531 : memref<1x1x8x256xf32, #tpu.memory_space<vmem>> -> memref<8x256xf32, #tpu.memory_space<vmem>>
    %dma_wait3A_533 = tpu.memref_slice %arg4[%dma_wait3A_528, %mul3A_432, %mul3A_450] : memref<18x200x16384xf32, #tpu.memory_space<hbm>> -> memref<1x8x256xf32, #tpu.memory_space<hbm>>
    %dma_wait3A_534 = tpu.memref_squeeze %dma_wait3A_533 : memref<1x8x256xf32, #tpu.memory_space<hbm>> -> memref<8x256xf32, #tpu.memory_space<hbm>>
    %dma_wait3A_535 = tpu.memref_slice %arg4[%dma_wait3A_528, %mul3A_432, %mul3A_450] : memref<18x200x16384xf32, #tpu.memory_space<hbm>> -> memref<1x8x256xf32, #tpu.memory_space<hbm>>
    %dma_wait3A_536 = tpu.memref_squeeze %dma_wait3A_535 : memref<1x8x256xf32, #tpu.memory_space<hbm>> -> memref<8x256xf32, #tpu.memory_space<hbm>>
    %dma_wait3A_537 = arith.constant 0 : i32
    %dma_wait3A_538 = arith.constant 0 : i32
    %dma_wait3A_539 = tpu.memref_slice %arg6[%dma_wait3A_526, %dma_wait3A_527, %dma_wait3A_537, %dma_wait3A_538] : memref<2x18x8x256xf32, #tpu.memory_space<vmem>> -> memref<1x1x8x256xf32, #tpu.memory_space<vmem>>
    %dma_wait3A_540 = tpu.memref_squeeze %dma_wait3A_539 : memref<1x1x8x256xf32, #tpu.memory_space<vmem>> -> memref<8x256xf32, #tpu.memory_space<vmem>>
    tpu.wait_dma2 semaphore(%arg11 : memref<!tpu.dma_semaphore, #tpu.memory_space<semaphore_mem>>) src(%dma_wait3A_540 : memref<8x256xf32, #tpu.memory_space<vmem>>) dst(%dma_wait3A_536 : memref<8x256xf32, #tpu.memory_space<hbm>>)
    %dma_wait3A_541 = arith.constant 1 : i32
    %dma_wait3A_542 = arith.constant 6 : i32
    %dma_wait3A_543 = arith.constant 6 : i32
    %dma_wait3A_544 = arith.constant 0 : i32
    %dma_wait3A_545 = arith.constant 0 : i32
    %dma_wait3A_546 = tpu.memref_slice %arg6[%dma_wait3A_541, %dma_wait3A_542, %dma_wait3A_544, %dma_wait3A_545] : memref<2x18x8x256xf32, #tpu.memory_space<vmem>> -> memref<1x1x8x256xf32, #tpu.memory_space<vmem>>
    %dma_wait3A_547 = tpu.memref_squeeze %dma_wait3A_546 : memref<1x1x8x256xf32, #tpu.memory_space<vmem>> -> memref<8x256xf32, #tpu.memory_space<vmem>>
    %dma_wait3A_548 = tpu.memref_slice %arg4[%dma_wait3A_543, %mul3A_432, %mul3A_450] : memref<18x200x16384xf32, #tpu.memory_space<hbm>> -> memref<1x8x256xf32, #tpu.memory_space<hbm>>
    %dma_wait3A_549 = tpu.memref_squeeze %dma_wait3A_548 : memref<1x8x256xf32, #tpu.memory_space<hbm>> -> memref<8x256xf32, #tpu.memory_space<hbm>>
    %dma_wait3A_550 = tpu.memref_slice %arg4[%dma_wait3A_543, %mul3A_432, %mul3A_450] : memref<18x200x16384xf32, #tpu.memory_space<hbm>> -> memref<1x8x256xf32, #tpu.memory_space<hbm>>
    %dma_wait3A_551 = tpu.memref_squeeze %dma_wait3A_550 : memref<1x8x256xf32, #tpu.memory_space<hbm>> -> memref<8x256xf32, #tpu.memory_space<hbm>>
    %dma_wait3A_552 = arith.constant 0 : i32
    %dma_wait3A_553 = arith.constant 0 : i32
    %dma_wait3A_554 = tpu.memref_slice %arg6[%dma_wait3A_541, %dma_wait3A_542, %dma_wait3A_552, %dma_wait3A_553] : memref<2x18x8x256xf32, #tpu.memory_space<vmem>> -> memref<1x1x8x256xf32, #tpu.memory_space<vmem>>
    %dma_wait3A_555 = tpu.memref_squeeze %dma_wait3A_554 : memref<1x1x8x256xf32, #tpu.memory_space<vmem>> -> memref<8x256xf32, #tpu.memory_space<vmem>>
    tpu.wait_dma2 semaphore(%arg11 : memref<!tpu.dma_semaphore, #tpu.memory_space<semaphore_mem>>) src(%dma_wait3A_555 : memref<8x256xf32, #tpu.memory_space<vmem>>) dst(%dma_wait3A_551 : memref<8x256xf32, #tpu.memory_space<hbm>>)
    %dma_wait3A_556 = arith.constant 1 : i32
    %dma_wait3A_557 = arith.constant 7 : i32
    %dma_wait3A_558 = arith.constant 7 : i32
    %dma_wait3A_559 = arith.constant 0 : i32
    %dma_wait3A_560 = arith.constant 0 : i32
    %dma_wait3A_561 = tpu.memref_slice %arg6[%dma_wait3A_556, %dma_wait3A_557, %dma_wait3A_559, %dma_wait3A_560] : memref<2x18x8x256xf32, #tpu.memory_space<vmem>> -> memref<1x1x8x256xf32, #tpu.memory_space<vmem>>
    %dma_wait3A_562 = tpu.memref_squeeze %dma_wait3A_561 : memref<1x1x8x256xf32, #tpu.memory_space<vmem>> -> memref<8x256xf32, #tpu.memory_space<vmem>>
    %dma_wait3A_563 = tpu.memref_slice %arg4[%dma_wait3A_558, %mul3A_432, %mul3A_450] : memref<18x200x16384xf32, #tpu.memory_space<hbm>> -> memref<1x8x256xf32, #tpu.memory_space<hbm>>
    %dma_wait3A_564 = tpu.memref_squeeze %dma_wait3A_563 : memref<1x8x256xf32, #tpu.memory_space<hbm>> -> memref<8x256xf32, #tpu.memory_space<hbm>>
    %dma_wait3A_565 = tpu.memref_slice %arg4[%dma_wait3A_558, %mul3A_432, %mul3A_450] : memref<18x200x16384xf32, #tpu.memory_space<hbm>> -> memref<1x8x256xf32, #tpu.memory_space<hbm>>
    %dma_wait3A_566 = tpu.memref_squeeze %dma_wait3A_565 : memref<1x8x256xf32, #tpu.memory_space<hbm>> -> memref<8x256xf32, #tpu.memory_space<hbm>>
    %dma_wait3A_567 = arith.constant 0 : i32
    %dma_wait3A_568 = arith.constant 0 : i32
    %dma_wait3A_569 = tpu.memref_slice %arg6[%dma_wait3A_556, %dma_wait3A_557, %dma_wait3A_567, %dma_wait3A_568] : memref<2x18x8x256xf32, #tpu.memory_space<vmem>> -> memref<1x1x8x256xf32, #tpu.memory_space<vmem>>
    %dma_wait3A_570 = tpu.memref_squeeze %dma_wait3A_569 : memref<1x1x8x256xf32, #tpu.memory_space<vmem>> -> memref<8x256xf32, #tpu.memory_space<vmem>>
    tpu.wait_dma2 semaphore(%arg11 : memref<!tpu.dma_semaphore, #tpu.memory_space<semaphore_mem>>) src(%dma_wait3A_570 : memref<8x256xf32, #tpu.memory_space<vmem>>) dst(%dma_wait3A_566 : memref<8x256xf32, #tpu.memory_space<hbm>>)
    %dma_wait3A_571 = arith.constant 1 : i32
    %dma_wait3A_572 = arith.constant 8 : i32
    %dma_wait3A_573 = arith.constant 8 : i32
    %dma_wait3A_574 = arith.constant 0 : i32
    %dma_wait3A_575 = arith.constant 0 : i32
    %dma_wait3A_576 = tpu.memref_slice %arg6[%dma_wait3A_571, %dma_wait3A_572, %dma_wait3A_574, %dma_wait3A_575] : memref<2x18x8x256xf32, #tpu.memory_space<vmem>> -> memref<1x1x8x256xf32, #tpu.memory_space<vmem>>
    %dma_wait3A_577 = tpu.memref_squeeze %dma_wait3A_576 : memref<1x1x8x256xf32, #tpu.memory_space<vmem>> -> memref<8x256xf32, #tpu.memory_space<vmem>>
    %dma_wait3A_578 = tpu.memref_slice %arg4[%dma_wait3A_573, %mul3A_432, %mul3A_450] : memref<18x200x16384xf32, #tpu.memory_space<hbm>> -> memref<1x8x256xf32, #tpu.memory_space<hbm>>
    %dma_wait3A_579 = tpu.memref_squeeze %dma_wait3A_578 : memref<1x8x256xf32, #tpu.memory_space<hbm>> -> memref<8x256xf32, #tpu.memory_space<hbm>>
    %dma_wait3A_580 = tpu.memref_slice %arg4[%dma_wait3A_573, %mul3A_432, %mul3A_450] : memref<18x200x16384xf32, #tpu.memory_space<hbm>> -> memref<1x8x256xf32, #tpu.memory_space<hbm>>
    %dma_wait3A_581 = tpu.memref_squeeze %dma_wait3A_580 : memref<1x8x256xf32, #tpu.memory_space<hbm>> -> memref<8x256xf32, #tpu.memory_space<hbm>>
    %dma_wait3A_582 = arith.constant 0 : i32
    %dma_wait3A_583 = arith.constant 0 : i32
    %dma_wait3A_584 = tpu.memref_slice %arg6[%dma_wait3A_571, %dma_wait3A_572, %dma_wait3A_582, %dma_wait3A_583] : memref<2x18x8x256xf32, #tpu.memory_space<vmem>> -> memref<1x1x8x256xf32, #tpu.memory_space<vmem>>
    %dma_wait3A_585 = tpu.memref_squeeze %dma_wait3A_584 : memref<1x1x8x256xf32, #tpu.memory_space<vmem>> -> memref<8x256xf32, #tpu.memory_space<vmem>>
    tpu.wait_dma2 semaphore(%arg11 : memref<!tpu.dma_semaphore, #tpu.memory_space<semaphore_mem>>) src(%dma_wait3A_585 : memref<8x256xf32, #tpu.memory_space<vmem>>) dst(%dma_wait3A_581 : memref<8x256xf32, #tpu.memory_space<hbm>>)
    %dma_wait3A_586 = arith.constant 1 : i32
    %dma_wait3A_587 = arith.constant 9 : i32
    %dma_wait3A_588 = arith.constant 9 : i32
    %dma_wait3A_589 = arith.constant 0 : i32
    %dma_wait3A_590 = arith.constant 0 : i32
    %dma_wait3A_591 = tpu.memref_slice %arg6[%dma_wait3A_586, %dma_wait3A_587, %dma_wait3A_589, %dma_wait3A_590] : memref<2x18x8x256xf32, #tpu.memory_space<vmem>> -> memref<1x1x8x256xf32, #tpu.memory_space<vmem>>
    %dma_wait3A_592 = tpu.memref_squeeze %dma_wait3A_591 : memref<1x1x8x256xf32, #tpu.memory_space<vmem>> -> memref<8x256xf32, #tpu.memory_space<vmem>>
    %dma_wait3A_593 = tpu.memref_slice %arg4[%dma_wait3A_588, %mul3A_432, %mul3A_450] : memref<18x200x16384xf32, #tpu.memory_space<hbm>> -> memref<1x8x256xf32, #tpu.memory_space<hbm>>
    %dma_wait3A_594 = tpu.memref_squeeze %dma_wait3A_593 : memref<1x8x256xf32, #tpu.memory_space<hbm>> -> memref<8x256xf32, #tpu.memory_space<hbm>>
    %dma_wait3A_595 = tpu.memref_slice %arg4[%dma_wait3A_588, %mul3A_432, %mul3A_450] : memref<18x200x16384xf32, #tpu.memory_space<hbm>> -> memref<1x8x256xf32, #tpu.memory_space<hbm>>
    %dma_wait3A_596 = tpu.memref_squeeze %dma_wait3A_595 : memref<1x8x256xf32, #tpu.memory_space<hbm>> -> memref<8x256xf32, #tpu.memory_space<hbm>>
    %dma_wait3A_597 = arith.constant 0 : i32
    %dma_wait3A_598 = arith.constant 0 : i32
    %dma_wait3A_599 = tpu.memref_slice %arg6[%dma_wait3A_586, %dma_wait3A_587, %dma_wait3A_597, %dma_wait3A_598] : memref<2x18x8x256xf32, #tpu.memory_space<vmem>> -> memref<1x1x8x256xf32, #tpu.memory_space<vmem>>
    %dma_wait3A_600 = tpu.memref_squeeze %dma_wait3A_599 : memref<1x1x8x256xf32, #tpu.memory_space<vmem>> -> memref<8x256xf32, #tpu.memory_space<vmem>>
    tpu.wait_dma2 semaphore(%arg11 : memref<!tpu.dma_semaphore, #tpu.memory_space<semaphore_mem>>) src(%dma_wait3A_600 : memref<8x256xf32, #tpu.memory_space<vmem>>) dst(%dma_wait3A_596 : memref<8x256xf32, #tpu.memory_space<hbm>>)
    %dma_wait3A_601 = arith.constant 1 : i32
    %dma_wait3A_602 = arith.constant 10 : i32
    %dma_wait3A_603 = arith.constant 10 : i32
    %dma_wait3A_604 = arith.constant 0 : i32
    %dma_wait3A_605 = arith.constant 0 : i32
    %dma_wait3A_606 = tpu.memref_slice %arg6[%dma_wait3A_601, %dma_wait3A_602, %dma_wait3A_604, %dma_wait3A_605] : memref<2x18x8x256xf32, #tpu.memory_space<vmem>> -> memref<1x1x8x256xf32, #tpu.memory_space<vmem>>
    %dma_wait3A_607 = tpu.memref_squeeze %dma_wait3A_606 : memref<1x1x8x256xf32, #tpu.memory_space<vmem>> -> memref<8x256xf32, #tpu.memory_space<vmem>>
    %dma_wait3A_608 = tpu.memref_slice %arg4[%dma_wait3A_603, %mul3A_432, %mul3A_450] : memref<18x200x16384xf32, #tpu.memory_space<hbm>> -> memref<1x8x256xf32, #tpu.memory_space<hbm>>
    %dma_wait3A_609 = tpu.memref_squeeze %dma_wait3A_608 : memref<1x8x256xf32, #tpu.memory_space<hbm>> -> memref<8x256xf32, #tpu.memory_space<hbm>>
    %dma_wait3A_610 = tpu.memref_slice %arg4[%dma_wait3A_603, %mul3A_432, %mul3A_450] : memref<18x200x16384xf32, #tpu.memory_space<hbm>> -> memref<1x8x256xf32, #tpu.memory_space<hbm>>
    %dma_wait3A_611 = tpu.memref_squeeze %dma_wait3A_610 : memref<1x8x256xf32, #tpu.memory_space<hbm>> -> memref<8x256xf32, #tpu.memory_space<hbm>>
    %dma_wait3A_612 = arith.constant 0 : i32
    %dma_wait3A_613 = arith.constant 0 : i32
    %dma_wait3A_614 = tpu.memref_slice %arg6[%dma_wait3A_601, %dma_wait3A_602, %dma_wait3A_612, %dma_wait3A_613] : memref<2x18x8x256xf32, #tpu.memory_space<vmem>> -> memref<1x1x8x256xf32, #tpu.memory_space<vmem>>
    %dma_wait3A_615 = tpu.memref_squeeze %dma_wait3A_614 : memref<1x1x8x256xf32, #tpu.memory_space<vmem>> -> memref<8x256xf32, #tpu.memory_space<vmem>>
    tpu.wait_dma2 semaphore(%arg11 : memref<!tpu.dma_semaphore, #tpu.memory_space<semaphore_mem>>) src(%dma_wait3A_615 : memref<8x256xf32, #tpu.memory_space<vmem>>) dst(%dma_wait3A_611 : memref<8x256xf32, #tpu.memory_space<hbm>>)
    %dma_wait3A_616 = arith.constant 1 : i32
    %dma_wait3A_617 = arith.constant 11 : i32
    %dma_wait3A_618 = arith.constant 11 : i32
    %dma_wait3A_619 = arith.constant 0 : i32
    %dma_wait3A_620 = arith.constant 0 : i32
    %dma_wait3A_621 = tpu.memref_slice %arg6[%dma_wait3A_616, %dma_wait3A_617, %dma_wait3A_619, %dma_wait3A_620] : memref<2x18x8x256xf32, #tpu.memory_space<vmem>> -> memref<1x1x8x256xf32, #tpu.memory_space<vmem>>
    %dma_wait3A_622 = tpu.memref_squeeze %dma_wait3A_621 : memref<1x1x8x256xf32, #tpu.memory_space<vmem>> -> memref<8x256xf32, #tpu.memory_space<vmem>>
    %dma_wait3A_623 = tpu.memref_slice %arg4[%dma_wait3A_618, %mul3A_432, %mul3A_450] : memref<18x200x16384xf32, #tpu.memory_space<hbm>> -> memref<1x8x256xf32, #tpu.memory_space<hbm>>
    %dma_wait3A_624 = tpu.memref_squeeze %dma_wait3A_623 : memref<1x8x256xf32, #tpu.memory_space<hbm>> -> memref<8x256xf32, #tpu.memory_space<hbm>>
    %dma_wait3A_625 = tpu.memref_slice %arg4[%dma_wait3A_618, %mul3A_432, %mul3A_450] : memref<18x200x16384xf32, #tpu.memory_space<hbm>> -> memref<1x8x256xf32, #tpu.memory_space<hbm>>
    %dma_wait3A_626 = tpu.memref_squeeze %dma_wait3A_625 : memref<1x8x256xf32, #tpu.memory_space<hbm>> -> memref<8x256xf32, #tpu.memory_space<hbm>>
    %dma_wait3A_627 = arith.constant 0 : i32
    %dma_wait3A_628 = arith.constant 0 : i32
    %dma_wait3A_629 = tpu.memref_slice %arg6[%dma_wait3A_616, %dma_wait3A_617, %dma_wait3A_627, %dma_wait3A_628] : memref<2x18x8x256xf32, #tpu.memory_space<vmem>> -> memref<1x1x8x256xf32, #tpu.memory_space<vmem>>
    %dma_wait3A_630 = tpu.memref_squeeze %dma_wait3A_629 : memref<1x1x8x256xf32, #tpu.memory_space<vmem>> -> memref<8x256xf32, #tpu.memory_space<vmem>>
    tpu.wait_dma2 semaphore(%arg11 : memref<!tpu.dma_semaphore, #tpu.memory_space<semaphore_mem>>) src(%dma_wait3A_630 : memref<8x256xf32, #tpu.memory_space<vmem>>) dst(%dma_wait3A_626 : memref<8x256xf32, #tpu.memory_space<hbm>>)
    %dma_wait3A_631 = arith.constant 1 : i32
    %dma_wait3A_632 = arith.constant 12 : i32
    %dma_wait3A_633 = arith.constant 12 : i32
    %dma_wait3A_634 = arith.constant 0 : i32
    %dma_wait3A_635 = arith.constant 0 : i32
    %dma_wait3A_636 = tpu.memref_slice %arg6[%dma_wait3A_631, %dma_wait3A_632, %dma_wait3A_634, %dma_wait3A_635] : memref<2x18x8x256xf32, #tpu.memory_space<vmem>> -> memref<1x1x8x256xf32, #tpu.memory_space<vmem>>
    %dma_wait3A_637 = tpu.memref_squeeze %dma_wait3A_636 : memref<1x1x8x256xf32, #tpu.memory_space<vmem>> -> memref<8x256xf32, #tpu.memory_space<vmem>>
    %dma_wait3A_638 = tpu.memref_slice %arg4[%dma_wait3A_633, %mul3A_432, %mul3A_450] : memref<18x200x16384xf32, #tpu.memory_space<hbm>> -> memref<1x8x256xf32, #tpu.memory_space<hbm>>
    %dma_wait3A_639 = tpu.memref_squeeze %dma_wait3A_638 : memref<1x8x256xf32, #tpu.memory_space<hbm>> -> memref<8x256xf32, #tpu.memory_space<hbm>>
    %dma_wait3A_640 = tpu.memref_slice %arg4[%dma_wait3A_633, %mul3A_432, %mul3A_450] : memref<18x200x16384xf32, #tpu.memory_space<hbm>> -> memref<1x8x256xf32, #tpu.memory_space<hbm>>
    %dma_wait3A_641 = tpu.memref_squeeze %dma_wait3A_640 : memref<1x8x256xf32, #tpu.memory_space<hbm>> -> memref<8x256xf32, #tpu.memory_space<hbm>>
    %dma_wait3A_642 = arith.constant 0 : i32
    %dma_wait3A_643 = arith.constant 0 : i32
    %dma_wait3A_644 = tpu.memref_slice %arg6[%dma_wait3A_631, %dma_wait3A_632, %dma_wait3A_642, %dma_wait3A_643] : memref<2x18x8x256xf32, #tpu.memory_space<vmem>> -> memref<1x1x8x256xf32, #tpu.memory_space<vmem>>
    %dma_wait3A_645 = tpu.memref_squeeze %dma_wait3A_644 : memref<1x1x8x256xf32, #tpu.memory_space<vmem>> -> memref<8x256xf32, #tpu.memory_space<vmem>>
    tpu.wait_dma2 semaphore(%arg11 : memref<!tpu.dma_semaphore, #tpu.memory_space<semaphore_mem>>) src(%dma_wait3A_645 : memref<8x256xf32, #tpu.memory_space<vmem>>) dst(%dma_wait3A_641 : memref<8x256xf32, #tpu.memory_space<hbm>>)
    %dma_wait3A_646 = arith.constant 1 : i32
    %dma_wait3A_647 = arith.constant 13 : i32
    %dma_wait3A_648 = arith.constant 13 : i32
    %dma_wait3A_649 = arith.constant 0 : i32
    %dma_wait3A_650 = arith.constant 0 : i32
    %dma_wait3A_651 = tpu.memref_slice %arg6[%dma_wait3A_646, %dma_wait3A_647, %dma_wait3A_649, %dma_wait3A_650] : memref<2x18x8x256xf32, #tpu.memory_space<vmem>> -> memref<1x1x8x256xf32, #tpu.memory_space<vmem>>
    %dma_wait3A_652 = tpu.memref_squeeze %dma_wait3A_651 : memref<1x1x8x256xf32, #tpu.memory_space<vmem>> -> memref<8x256xf32, #tpu.memory_space<vmem>>
    %dma_wait3A_653 = tpu.memref_slice %arg4[%dma_wait3A_648, %mul3A_432, %mul3A_450] : memref<18x200x16384xf32, #tpu.memory_space<hbm>> -> memref<1x8x256xf32, #tpu.memory_space<hbm>>
    %dma_wait3A_654 = tpu.memref_squeeze %dma_wait3A_653 : memref<1x8x256xf32, #tpu.memory_space<hbm>> -> memref<8x256xf32, #tpu.memory_space<hbm>>
    %dma_wait3A_655 = tpu.memref_slice %arg4[%dma_wait3A_648, %mul3A_432, %mul3A_450] : memref<18x200x16384xf32, #tpu.memory_space<hbm>> -> memref<1x8x256xf32, #tpu.memory_space<hbm>>
    %dma_wait3A_656 = tpu.memref_squeeze %dma_wait3A_655 : memref<1x8x256xf32, #tpu.memory_space<hbm>> -> memref<8x256xf32, #tpu.memory_space<hbm>>
    %dma_wait3A_657 = arith.constant 0 : i32
    %dma_wait3A_658 = arith.constant 0 : i32
    %dma_wait3A_659 = tpu.memref_slice %arg6[%dma_wait3A_646, %dma_wait3A_647, %dma_wait3A_657, %dma_wait3A_658] : memref<2x18x8x256xf32, #tpu.memory_space<vmem>> -> memref<1x1x8x256xf32, #tpu.memory_space<vmem>>
    %dma_wait3A_660 = tpu.memref_squeeze %dma_wait3A_659 : memref<1x1x8x256xf32, #tpu.memory_space<vmem>> -> memref<8x256xf32, #tpu.memory_space<vmem>>
    tpu.wait_dma2 semaphore(%arg11 : memref<!tpu.dma_semaphore, #tpu.memory_space<semaphore_mem>>) src(%dma_wait3A_660 : memref<8x256xf32, #tpu.memory_space<vmem>>) dst(%dma_wait3A_656 : memref<8x256xf32, #tpu.memory_space<hbm>>)
    %dma_wait3A_661 = arith.constant 1 : i32
    %dma_wait3A_662 = arith.constant 14 : i32
    %dma_wait3A_663 = arith.constant 14 : i32
    %dma_wait3A_664 = arith.constant 0 : i32
    %dma_wait3A_665 = arith.constant 0 : i32
    %dma_wait3A_666 = tpu.memref_slice %arg6[%dma_wait3A_661, %dma_wait3A_662, %dma_wait3A_664, %dma_wait3A_665] : memref<2x18x8x256xf32, #tpu.memory_space<vmem>> -> memref<1x1x8x256xf32, #tpu.memory_space<vmem>>
    %dma_wait3A_667 = tpu.memref_squeeze %dma_wait3A_666 : memref<1x1x8x256xf32, #tpu.memory_space<vmem>> -> memref<8x256xf32, #tpu.memory_space<vmem>>
    %dma_wait3A_668 = tpu.memref_slice %arg4[%dma_wait3A_663, %mul3A_432, %mul3A_450] : memref<18x200x16384xf32, #tpu.memory_space<hbm>> -> memref<1x8x256xf32, #tpu.memory_space<hbm>>
    %dma_wait3A_669 = tpu.memref_squeeze %dma_wait3A_668 : memref<1x8x256xf32, #tpu.memory_space<hbm>> -> memref<8x256xf32, #tpu.memory_space<hbm>>
    %dma_wait3A_670 = tpu.memref_slice %arg4[%dma_wait3A_663, %mul3A_432, %mul3A_450] : memref<18x200x16384xf32, #tpu.memory_space<hbm>> -> memref<1x8x256xf32, #tpu.memory_space<hbm>>
    %dma_wait3A_671 = tpu.memref_squeeze %dma_wait3A_670 : memref<1x8x256xf32, #tpu.memory_space<hbm>> -> memref<8x256xf32, #tpu.memory_space<hbm>>
    %dma_wait3A_672 = arith.constant 0 : i32
    %dma_wait3A_673 = arith.constant 0 : i32
    %dma_wait3A_674 = tpu.memref_slice %arg6[%dma_wait3A_661, %dma_wait3A_662, %dma_wait3A_672, %dma_wait3A_673] : memref<2x18x8x256xf32, #tpu.memory_space<vmem>> -> memref<1x1x8x256xf32, #tpu.memory_space<vmem>>
    %dma_wait3A_675 = tpu.memref_squeeze %dma_wait3A_674 : memref<1x1x8x256xf32, #tpu.memory_space<vmem>> -> memref<8x256xf32, #tpu.memory_space<vmem>>
    tpu.wait_dma2 semaphore(%arg11 : memref<!tpu.dma_semaphore, #tpu.memory_space<semaphore_mem>>) src(%dma_wait3A_675 : memref<8x256xf32, #tpu.memory_space<vmem>>) dst(%dma_wait3A_671 : memref<8x256xf32, #tpu.memory_space<hbm>>)
    %dma_wait3A_676 = arith.constant 1 : i32
    %dma_wait3A_677 = arith.constant 15 : i32
    %dma_wait3A_678 = arith.constant 15 : i32
    %dma_wait3A_679 = arith.constant 0 : i32
    %dma_wait3A_680 = arith.constant 0 : i32
    %dma_wait3A_681 = tpu.memref_slice %arg6[%dma_wait3A_676, %dma_wait3A_677, %dma_wait3A_679, %dma_wait3A_680] : memref<2x18x8x256xf32, #tpu.memory_space<vmem>> -> memref<1x1x8x256xf32, #tpu.memory_space<vmem>>
    %dma_wait3A_682 = tpu.memref_squeeze %dma_wait3A_681 : memref<1x1x8x256xf32, #tpu.memory_space<vmem>> -> memref<8x256xf32, #tpu.memory_space<vmem>>
    %dma_wait3A_683 = tpu.memref_slice %arg4[%dma_wait3A_678, %mul3A_432, %mul3A_450] : memref<18x200x16384xf32, #tpu.memory_space<hbm>> -> memref<1x8x256xf32, #tpu.memory_space<hbm>>
    %dma_wait3A_684 = tpu.memref_squeeze %dma_wait3A_683 : memref<1x8x256xf32, #tpu.memory_space<hbm>> -> memref<8x256xf32, #tpu.memory_space<hbm>>
    %dma_wait3A_685 = tpu.memref_slice %arg4[%dma_wait3A_678, %mul3A_432, %mul3A_450] : memref<18x200x16384xf32, #tpu.memory_space<hbm>> -> memref<1x8x256xf32, #tpu.memory_space<hbm>>
    %dma_wait3A_686 = tpu.memref_squeeze %dma_wait3A_685 : memref<1x8x256xf32, #tpu.memory_space<hbm>> -> memref<8x256xf32, #tpu.memory_space<hbm>>
    %dma_wait3A_687 = arith.constant 0 : i32
    %dma_wait3A_688 = arith.constant 0 : i32
    %dma_wait3A_689 = tpu.memref_slice %arg6[%dma_wait3A_676, %dma_wait3A_677, %dma_wait3A_687, %dma_wait3A_688] : memref<2x18x8x256xf32, #tpu.memory_space<vmem>> -> memref<1x1x8x256xf32, #tpu.memory_space<vmem>>
    %dma_wait3A_690 = tpu.memref_squeeze %dma_wait3A_689 : memref<1x1x8x256xf32, #tpu.memory_space<vmem>> -> memref<8x256xf32, #tpu.memory_space<vmem>>
    tpu.wait_dma2 semaphore(%arg11 : memref<!tpu.dma_semaphore, #tpu.memory_space<semaphore_mem>>) src(%dma_wait3A_690 : memref<8x256xf32, #tpu.memory_space<vmem>>) dst(%dma_wait3A_686 : memref<8x256xf32, #tpu.memory_space<hbm>>)
    %dma_wait3A_691 = arith.constant 1 : i32
    %dma_wait3A_692 = arith.constant 16 : i32
    %dma_wait3A_693 = arith.constant 16 : i32
    %dma_wait3A_694 = arith.constant 0 : i32
    %dma_wait3A_695 = arith.constant 0 : i32
    %dma_wait3A_696 = tpu.memref_slice %arg6[%dma_wait3A_691, %dma_wait3A_692, %dma_wait3A_694, %dma_wait3A_695] : memref<2x18x8x256xf32, #tpu.memory_space<vmem>> -> memref<1x1x8x256xf32, #tpu.memory_space<vmem>>
    %dma_wait3A_697 = tpu.memref_squeeze %dma_wait3A_696 : memref<1x1x8x256xf32, #tpu.memory_space<vmem>> -> memref<8x256xf32, #tpu.memory_space<vmem>>
    %dma_wait3A_698 = tpu.memref_slice %arg4[%dma_wait3A_693, %mul3A_432, %mul3A_450] : memref<18x200x16384xf32, #tpu.memory_space<hbm>> -> memref<1x8x256xf32, #tpu.memory_space<hbm>>
    %dma_wait3A_699 = tpu.memref_squeeze %dma_wait3A_698 : memref<1x8x256xf32, #tpu.memory_space<hbm>> -> memref<8x256xf32, #tpu.memory_space<hbm>>
    %dma_wait3A_700 = tpu.memref_slice %arg4[%dma_wait3A_693, %mul3A_432, %mul3A_450] : memref<18x200x16384xf32, #tpu.memory_space<hbm>> -> memref<1x8x256xf32, #tpu.memory_space<hbm>>
    %dma_wait3A_701 = tpu.memref_squeeze %dma_wait3A_700 : memref<1x8x256xf32, #tpu.memory_space<hbm>> -> memref<8x256xf32, #tpu.memory_space<hbm>>
    %dma_wait3A_702 = arith.constant 0 : i32
    %dma_wait3A_703 = arith.constant 0 : i32
    %dma_wait3A_704 = tpu.memref_slice %arg6[%dma_wait3A_691, %dma_wait3A_692, %dma_wait3A_702, %dma_wait3A_703] : memref<2x18x8x256xf32, #tpu.memory_space<vmem>> -> memref<1x1x8x256xf32, #tpu.memory_space<vmem>>
    %dma_wait3A_705 = tpu.memref_squeeze %dma_wait3A_704 : memref<1x1x8x256xf32, #tpu.memory_space<vmem>> -> memref<8x256xf32, #tpu.memory_space<vmem>>
    tpu.wait_dma2 semaphore(%arg11 : memref<!tpu.dma_semaphore, #tpu.memory_space<semaphore_mem>>) src(%dma_wait3A_705 : memref<8x256xf32, #tpu.memory_space<vmem>>) dst(%dma_wait3A_701 : memref<8x256xf32, #tpu.memory_space<hbm>>)
    %dma_wait3A_706 = arith.constant 1 : i32
    %dma_wait3A_707 = arith.constant 17 : i32
    %dma_wait3A_708 = arith.constant 17 : i32
    %dma_wait3A_709 = arith.constant 0 : i32
    %dma_wait3A_710 = arith.constant 0 : i32
    %dma_wait3A_711 = tpu.memref_slice %arg6[%dma_wait3A_706, %dma_wait3A_707, %dma_wait3A_709, %dma_wait3A_710] : memref<2x18x8x256xf32, #tpu.memory_space<vmem>> -> memref<1x1x8x256xf32, #tpu.memory_space<vmem>>
    %dma_wait3A_712 = tpu.memref_squeeze %dma_wait3A_711 : memref<1x1x8x256xf32, #tpu.memory_space<vmem>> -> memref<8x256xf32, #tpu.memory_space<vmem>>
    %dma_wait3A_713 = tpu.memref_slice %arg4[%dma_wait3A_708, %mul3A_432, %mul3A_450] : memref<18x200x16384xf32, #tpu.memory_space<hbm>> -> memref<1x8x256xf32, #tpu.memory_space<hbm>>
    %dma_wait3A_714 = tpu.memref_squeeze %dma_wait3A_713 : memref<1x8x256xf32, #tpu.memory_space<hbm>> -> memref<8x256xf32, #tpu.memory_space<hbm>>
    %dma_wait3A_715 = tpu.memref_slice %arg4[%dma_wait3A_708, %mul3A_432, %mul3A_450] : memref<18x200x16384xf32, #tpu.memory_space<hbm>> -> memref<1x8x256xf32, #tpu.memory_space<hbm>>
    %dma_wait3A_716 = tpu.memref_squeeze %dma_wait3A_715 : memref<1x8x256xf32, #tpu.memory_space<hbm>> -> memref<8x256xf32, #tpu.memory_space<hbm>>
    %dma_wait3A_717 = arith.constant 0 : i32
    %dma_wait3A_718 = arith.constant 0 : i32
    %dma_wait3A_719 = tpu.memref_slice %arg6[%dma_wait3A_706, %dma_wait3A_707, %dma_wait3A_717, %dma_wait3A_718] : memref<2x18x8x256xf32, #tpu.memory_space<vmem>> -> memref<1x1x8x256xf32, #tpu.memory_space<vmem>>
    %dma_wait3A_720 = tpu.memref_squeeze %dma_wait3A_719 : memref<1x1x8x256xf32, #tpu.memory_space<vmem>> -> memref<8x256xf32, #tpu.memory_space<vmem>>
    tpu.wait_dma2 semaphore(%arg11 : memref<!tpu.dma_semaphore, #tpu.memory_space<semaphore_mem>>) src(%dma_wait3A_720 : memref<8x256xf32, #tpu.memory_space<vmem>>) dst(%dma_wait3A_716 : memref<8x256xf32, #tpu.memory_space<hbm>>)
    return
  }
}

</mosaic_0001>

<sc_bundles>
// kernel: kernel.3.cloned.1.call-start
scs
__scs_entry_jumppad:
0x0: {  	(pc) =	sbr.rel $0x88, $3  }
0x1: {  	(tag) =	ssettag $0x0;
	lr =	simm.s32 $0x1  }
0x2: {  	[smem:$0x3F9D] =	sst lr;
	_ =	strace $0xD0000000  }
0x3: {  	_ = 	snop  }
0x4: {  	_ = 	snop  }
0x5: {  	_ = 	snop  }
0x6: {  	_ = 	snop  }
0x7: {  	_ = 	snop  }
__scs_overlays_trampoline_lowered:
0x8: {  	[smem:$0x3FAC] =	sst s0  }
0x9: {  	[smem:$0x3FAD] =	sst s1  }
0xa: {  	[smem:$0x3FAE] =	sst s2  }
0xb: {  	[smem:$0x3FAF] =	sst s3  }
0xc: {  	[smem:$0x3FB0] =	sst s4  }
0xd: {  	[smem:$0x3FB1] =	sst s5  }
0xe: {  	[smem:$0x3FB2] =	sst s6  }
0xf: {  	[smem:$0x3FB3] =	sst s7  }
0x10: {  	[smem:$0x3FB4] =	sst s8  }
0x11: {  	[smem:$0x3FB5] =	sst s9;
	s0 =	simm.s32 @!p0 $0x0  }
0x12: {  	s1 =	sld [smem:$0x3F9B];
	s0 =	simm.s32 @p0 $0x1  }
0x13: {  	[smem:$0x3FB6] =	sst s0;
	s0 =	simm.s32 @!p1 $0x0  }
0x14: {  	s2 =	sld [smem:$0x3F9A];
	s0 =	simm.s32 @p1 $0x1  }
0x15: {  	[smem:$0x3FB7] =	sst s0;
	s0 =	simm.s32 @!p2 $0x0  }
0x16: {  	s3 =	sld [smem:$0x3FDB];
	s0 =	simm.s32 @p2 $0x1  }
0x17: {  	s4 =	simm.s32 $0x1BF5;
	[smem:$0x3FB9] =	sst s0  }
0x18: {  	s0 =	sld [smem:$0x3F9C];
	_ =	swait.ge [sflag:s4], $0x0  }
0x19: {  	s7 =	sld [smem:$0x3F9D]  }
0x1a: {  	s8 =	sadd.s32 $0xFFFFE003, lr  }
0x1b: {  	s9 =	sadd.s32 $0xFFFFFEF7, lr;
	s5 =	simm.s32 $0xFFFFFFFF;
	p2 =	slt.u32 s8, $0xFFFFF086  }
0x1c: {  	p1 =	slt.u32 s9, $0xF7A;
	s5 =	simm.s32 @!p2 $0x0  }
0x1d: {  	s5 =	simm.s32 @p1 $0x1;
	p0 =	seq.s32 s7, s2  }
0x1e: {  	s7 =	smul.u32 @!p0 $0xF7A, s2;
	p2 =	seq.s32 @!p0 s5, $0x0  }
0x1f: {  	s9 =	smul.u32 $0xF7A, s1;
	s8 =	simm.s32 @!p0 $0x1BF5;
	p2 =	por !p2, p0  }
0x20: {  	[sflag:s8] =	ssyncset.s32 @!p0 $0xFFFFF086;
	s6 =	sadd.s32 @!p0 s3, s7;
	s7 =	simm.s32 @!p0 $0x108  }
0x21: {  	s3 =	sadd.s32 s3, s9;
	s6 =	sadd.s32 @!p0 $0x88, s6;
	s7 =	simm.s32 @p2 $0x1082  }
0x22: {  	[simem:s7], [sflag:s8] =	dma.local @!p0 [hbm:s6], $0xF7A  }
0x23: {  	s9 =	sor.u32 $0xD0000000, s2;
	s6 =	simm.s32 $0x108;
	_ =	swait.ge @!p0 [sflag:s8], $0x0  }
0x24: {  	s3 =	sadd.s32 $0x88, s3;
	s6 =	simm.s32 @!p1 $0x1082;
	[sflag:s4] =	ssyncset.s32 $0xFFFFF086  }
0x25: {  	[simem:s6], [sflag:s4] =	dma.local [hbm:s3], $0xF7A  }
0x26: {  	[smem:$0x3F9D] =	sst s1;
	(tag) =	ssettag s2;
	_ =	strace s9  }
0x27: {  	s1 =	sld [smem:$0x3FAD]  }
0x28: {  	s2 =	sld [smem:$0x3FAE]  }
0x29: {  	s4 =	sld [smem:$0x3FB0]  }
0x2a: {  	p0 =	seq.s32 s5, $0x0;
	s5 =	sld [smem:$0x3FB1]  }
0x2b: {  	s6 =	sld [smem:$0x3FB2]  }
0x2c: {  	s7 =	sld [smem:$0x3FB3]  }
0x2d: {  	s3 =	simm.s32 $0x108;
	s8 =	sld [smem:$0x3FB4]  }
0x2e: {  	s3 =	simm.s32 @!p0 $0x1082;
	s9 =	sld [smem:$0x3FB5]  }
0x2f: {  	lr =	sadd.s32 s0, s3;
	s0 =	sld [smem:$0x3FAC]  }
0x30: {  	s3 =	sld [smem:$0x3FAF]  }
0x31: {  	[smem:$0x3FB8] =	sst s10  }
0x32: {  	s10 =	sld [smem:$0x3FB6];
	_ =	sdelay $0x3  }
0x33: {  	p0 =	seq.s32 s10, $0x1;
	s10 =	sld [smem:$0x3FB8];
	_ =	sdelay $0x3  }
0x34: {  	[smem:$0x3FB8] =	sst s10  }
0x35: {  	s10 =	sld [smem:$0x3FB7];
	_ =	sdelay $0x3  }
0x36: {  	p1 =	seq.s32 s10, $0x1;
	s10 =	sld [smem:$0x3FB8];
	_ =	sdelay $0x3  }
0x37: {  	[smem:$0x3FB8] =	sst s10  }
0x38: {  	s10 =	sld [smem:$0x3FB9]  }
0x39: {  	_ = 	snop;
	(pc) =	sbr.ind lr, $3  }
0x3a: {  	_ = 	snop  }
0x3b: {  	_ = 	snop  }
0x3c: {  	p2 =	seq.s32 s10, $0x1;
	s10 =	sld [smem:$0x3FB8]  }
0x3d: {  	_ =	shalt  }
0x3e: {  	_ =	shalt  }
0x3f: {  	_ =	shalt  }
0x40: {  	_ =	shalt  }
0x41: {  	_ =	shalt  }
0x42: {  	_ =	shalt  }
0x43: {  	_ =	shalt  }
0x44: {  	_ =	shalt  }
0x45: {  	_ =	shalt  }
0x46: {  	_ =	shalt  }
0x47: {  	_ =	shalt  }
0x48: {  	_ =	shalt  }
0x49: {  	_ =	shalt  }
0x4a: {  	_ =	shalt  }
0x4b: {  	_ =	shalt  }
0x4c: {  	_ =	shalt  }
0x4d: {  	_ =	shalt  }
0x4e: {  	_ =	shalt  }
0x4f: {  	_ =	shalt  }
0x50: {  	_ =	shalt  }
0x51: {  	_ =	shalt  }
0x52: {  	_ =	shalt  }
0x53: {  	_ =	shalt  }
0x54: {  	_ =	shalt  }
0x55: {  	_ =	shalt  }
0x56: {  	_ =	shalt  }
0x57: {  	_ =	shalt  }
0x58: {  	_ =	shalt  }
0x59: {  	_ =	shalt  }
0x5a: {  	_ =	shalt  }
0x5b: {  	_ =	shalt  }
0x5c: {  	_ =	shalt  }
0x5d: {  	_ =	shalt  }
0x5e: {  	_ =	shalt  }
0x5f: {  	_ =	shalt  }
0x60: {  	_ =	shalt  }
0x61: {  	_ =	shalt  }
0x62: {  	_ =	shalt  }
0x63: {  	_ =	shalt  }
0x64: {  	_ =	shalt  }
0x65: {  	_ =	shalt  }
0x66: {  	_ =	shalt  }
0x67: {  	_ =	shalt  }
0x68: {  	_ =	shalt  }
0x69: {  	_ =	shalt  }
0x6a: {  	_ =	shalt  }
0x6b: {  	_ =	shalt  }
0x6c: {  	_ =	shalt  }
0x6d: {  	_ =	shalt  }
0x6e: {  	_ =	shalt  }
0x6f: {  	_ =	shalt  }
0x70: {  	_ =	shalt  }
0x71: {  	_ =	shalt  }
0x72: {  	_ =	shalt  }
0x73: {  	_ =	shalt  }
0x74: {  	_ =	shalt  }
0x75: {  	_ =	shalt  }
0x76: {  	_ =	shalt  }
0x77: {  	_ =	shalt  }
0x78: {  	_ =	shalt  }
0x79: {  	_ =	shalt  }
0x7a: {  	_ =	shalt  }
0x7b: {  	_ =	shalt  }
0x7c: {  	_ =	shalt  }
0x7d: {  	_ =	shalt  }
0x7e: {  	_ =	shalt  }
0x7f: {  	_ =	shalt  }
0x80: {  	_ =	shalt  }
0x81: {  	_ =	shalt  }
0x82: {  	_ =	shalt  }
0x83: {  	_ =	shalt  }
0x84: {  	_ =	shalt  }
0x85: {  	_ =	shalt  }
0x86: {  	_ =	shalt  }
0x87: {  	_ =	shalt  }
.Lfunc_end0:
.L_simem_size_0:
called_computation_lowered:
.L_overlay_start_0:
0x88: {  	s2 =	sld [smem:$0x3FD9]  }
0x89: {  	s3 =	sld [smem:$0x3FFE];
	_ =	sdelay $0x1  }
0x8a: {  	s1 =	srdreg.scid  }
0x8b: {  	s0 =	sand.u32 $0x1, s1  }
0x8c: {  	s17 =	sshll.u32 s0, $0xA;
	s2 =	sadd.s32 s3, s2  }
0x8d: {  	s2 =	sadd.s32 s2, s17  }
0x8e: {  	[smem:$0x3FC4] =	sst s2  }
0x8f: {  	_ = 	snop  }
0x90: {  	s2 =	sld [smem:$0x3FC9]  }
0x91: {  	s18 =	sld [smem:$0x3FD0];
	(tm) =	ssettm $0x1  }
0x92: {  	s4 =	sld [smem:$0x3FFB];
	_ =	sdelay $0x3  }
0x93: {  	_ =	strace s4  }
0x94: {  	s4 =	sld [smem:$0x3FFC];
	_ =	sdelay $0x3  }
0x95: {  	_ =	strace s4  }
0x96: {  	s4 =	sld [smem:$0x3FFD];
	_ =	sdelay $0x3  }
0x97: {  	_ =	strace s4  }
0x98: {  	_ =	strace $0x8FFFFFFF  }
0x99: {  	s19 =	sld [smem:$0x3FDB];
	_ =	sdelay $0x1  }
0x9a: {  	s5 =	simm.s32 $_scs_section_size  }
0x9b: {  	s6 =	simm.s32 $_size__tile_overlayer_lowered;
	s7 =	simm.s32 $_tile_overlayer_lowered  }
0x9c: {  	s22 =	simm.s32 $0x1BFF;
	s21 =	sshll.u32 s7, $0x1;
	s4 =	sadd.s32 s5, s19  }
0x9d: {  	s8 =	simm.s32 $0x0;
	s20 =	sshll.u32 s6, $0x1;
	s6 =	sadd.s32 s21, s4  }
0x9e: {  	[timem:s8], [sflag:s22] =	dma.local [hbm:s6], s20  }
0x9f: {  	_ =	swait.ge [sflag:s22], s20  }
0xa0: {  	s5 =	ssub.s32 $0x0, s20;
	[sflag:s22] =	ssyncset.done $0x0  }
0xa1: {  	[sflag:s22] =	ssyncadd.s32 s5;
	_ =	sdelay $0x1  }
0xa2: {  	s23 =	simm.s32 $0x1B8B  }
0xa3: {  	_ =	swait.ge [sflag:s23], $0x1  }
0xa4: {  	[sflag:s23] =	ssyncset.done $0x0  }
0xa5: {  	s25 =	simm.s32 $0x1B8E;
	s24 =	sld [smem:$0x3FFE];
	[sflag:s23] =	ssyncadd.s32 $0xFFFFFFFF  }
0xa6: {  	s26 =	simm.s32 $execute0_lowered;
	[smem:$0x3FD2] =	sst s25  }
0xa7: {  	s6 =	sshll.u32 s26, $0x1;
	_ =	strace $0x80000046;
	[dreg:$0x1] =	wrdreg $0xFFFFFFFF  }
0xa8: {  	s28 =	simm.s32 $_size_execute0_lowered;
	s4 =	sadd.s32 s4, s6;
	[dreg:$0x0] =	wrdreg $0x0  }
0xa9: {  	s6 =	sshll.u32 s28, $0x1;
	[dreg:$0x2] =	wrdreg s4  }
0xaa: {  	[dreg:$0x3] =	wrdreg s6  }
0xab: {  	[dreg:$0x4] =	wrdreg $0xC0  }
0xac: {  	_ =	task [dreg:s8], $0x5FFFF  }
0xad: {  	[dreg:$0x1] =	wrdreg $0xFFFFFFFF  }
0xae: {  	[dreg:$0x0] =	wrdreg $0x60  }
0xaf: {  	[dreg:$0x2] =	wrdreg s2  }
0xb0: {  	[dreg:$0x3] =	wrdreg s24  }
0xb1: {  	[dreg:$0x4] =	wrdreg s18  }
0xb2: {  	[dreg:$0x5] =	wrdreg $0x9  }
0xb3: {  	_ =	task.clear_ibuf [dreg:s8], $0x6FFFF;
	_ =	strace $0x90000046  }
0xb4: {  	s29 =	simm.s32 $0x9;
	_ =	strace $0x80000048  }
0xb5: {  	_ =	swait.ge [sflag:s29], $0x1  }
0xb6: {  	[sflag:s29] =	ssyncadd.s32 $0xFFFFFFFF  }
0xb7: {  	_ =	strace $0x90000048  }
0xb8: {  	_ =	sfence  }
0xb9: {  	s30 =	sld [smem:$0x0];
	_ =	sdelay $0x2  }
0xba: {  	s31 =	sshll.u32 s1, $0xD;
	s1 =	sshrl.u32 s1, $0x2  }
0xbb: {  	s3 =	sand.u32 $0x4000, s31;
	s1 =	sadd.s32 s1, s30  }
0xbc: {  	s0 =	sor.u32 s3, s0;
	s1 =	sshll.u32 s1, $0x11  }
0xbd: {  	s0 =	sor.u32 s1, s0  }
0xbe: {  	s0 =	sadd.s32 $0x8F2B, s0  }
0xbf: {  	[sflag:s0] =	ssyncadd.remote.s32 $0x1  }
0xc0: {  	_ =	sfence.sel $0xFFFF  }
0xc1: {  	[dreg:$0x0] =	wrdreg $0xFFFFFFFF;
	(pc) =	sbr.abs _section_cstart, $3  }
0xc2: {  	[dreg:$0x1] =	wrdreg $0xFFFFFFFF  }
0xc3: {  	_ =	task.clear_ibuf [dreg:s8], $0x2FFFF;
	_ =	strace $0x9FFFFFFF  }
0xc4: {  	(tm) =	ssettm $0x7FFFFFFF  }
0xc5: {  	_ =	shalt  }
tec
execute0_lowered:
.L_overlay_start_1:
0x0: {  	(tag) =	ssettag $0x1  }
0x1: {  	s1 =	rddreg [dreg:$0x0]  }
0x2: {  	s0 =	rddreg [dreg:$0x1];
	s2 =	srdreg.scid  }
0x3: {  	s4 =	stileid.u32;
	s3 =	rddreg [dreg:$0x2]  }
0x4: {  	s11 =	simm.s32 $0x15000;
	s18 =	simm.s32 $0x1;
	s9 =	simm.s32 $0x2  }
0x5: {  	s23 =	simm.s32 $0x11000;
	s28 =	simm.s32 $0x13000;
	s29 =	simm.s32 $0x13800  }
0x6: {  	s30 =	simm.s32 $0x14000;
	s31 =	simm.s32 $0x14800;
	s2 =	sand.u32 $0x1, s2  }
0x7: {  	s5 =	sshll.u32 s4, $0x1;
	s4 =	simm.s32 $0x0;
	s0 =	sadd.s32 $0x400, s0  }
0x8: {  	s5 =	sor.u32 s2, s5;
	[smem:$0x7FF] =	sst s4;
	s2 =	ssub.s32 $0x2, s2  }
0x9: {  	s6 =	smul.u32 $0x19000, s5;
	_ =	strace $0x80000047;
	s24 =	sshrl.u32 s2, $0x1  }
0xa: {  	[dreg:$0x4] =	wrdreg s0;
	s0 =	ssub.s32 s2, s24;
	s24 =	simm.s32 $0x11800  }
0xb: {  	s7 =	sshrl.u32 s6, $0x3;
	s6 =	smul.u32 $0x32, s5;
	s0 =	smax.u32 s0, $0x1  }
0xc: {  	s25 =	sadd.s32 s1, s7;
	[dreg:$0x8] =	wrdreg s0;
	s0 =	simm.s32 $0x4  }
0xd: {  	s7 =	simm.s32 $0x0;
	s26 =	sadd.s32 $0x64000, s25;
	[dreg:$0x5] =	wrdreg s25  }
0xe: {  	s2 =	sadd.s32 $0xC8000, s25;
	s25 =	simm.s32 $0x12000;
	[dreg:$0x6] =	wrdreg s26  }
0xf: {  	v0 =	vimm.s32 $0x0;
	[dreg:$0x7] =	wrdreg s2;
	s26 =	simm.s32 $0x12800;
	s2 =	simm.s32 $0x3  }
.LBB2_1:
0x10: {  	[dreg:$0x9] =	wrdreg s7  }
0x11: {  	s5 =	rddreg [dreg:$0x4];
	s16 =	simm.s32 $0x5  }
0x12: {  	[tilespmem:s11], [sflag:$0x5] =	stream.linear.gather [hbm4b:s5+s4], $0x380, $0x38;
	[tilespmem:$0x15380] =	vst v63  }
0x13: {  	_ =	swait.ge [sflag:s16], $0x380  }
0x14: {  	[sflag:s16] =	ssyncset.done $0x0  }
0x15: {  	s17 =	rddreg [dreg:$0x5];
	[sflag:s16] =	ssyncadd.s32 $0xFFFFFC80  }
0x16: {  	[tilespmem:s4], [sflag:$0x1] =	stream.linear.gather [hbm4b:s17+s4], $0x800, $0x38;
	[tilespmem:$0x15380] =	vst v63  }
0x17: {  	s20 =	simm.s32 $0x800;
	s19 =	rddreg [dreg:$0x6]  }
0x18: {  	[tilespmem:s20], [sflag:$0x1] =	stream.linear.gather [hbm4b:s19+s4], $0x800, $0x38;
	[tilespmem:$0x15380] =	vst v63  }
0x19: {  	s22 =	simm.s32 $0x1000;
	s13 =	simm.s32 $0x0;
	s21 =	rddreg [dreg:$0x7]  }
0x1a: {  	[tilespmem:s22], [sflag:$0x1] =	stream.linear.gather [hbm4b:s21+s4], $0x800, $0x38;
	[tilespmem:$0x15380] =	vst v63  }
.LBB2_2:
0x1b: {  	s5 =	sshll.u32 s13, $0x1  }
0x1c: {  	s5 =	sadd.s32 s6, s5  }
0x1d: {  	s10 =	sshll.u32 s5, $0x8;
	s7 =	sshll.u32 s5, $0xB  }
0x1e: {  	s8 =	simm.s32 $0x1800;
	s14 =	sor.u32 $0x100, s10;
	s12 =	sshrl.u32 s7, $0x3  }
0x1f: {  	s15 =	simm.s32 $0x2000;
	s16 =	sadd.s32 s1, s14;
	s5 =	sadd.s32 $0x64100, s12  }
0x20: {  	[tilespmem:s8], [sflag:$0x2] =	stream.linear.gather [hbm4b:s16+s4], $0x800, $0x38;
	[tilespmem:$0x15380] =	vst v63  }
0x21: {  	p0 =	seq.s32 s13, $0x0;
	s17 =	sadd.s32 s1, s5;
	s8 =	sadd.s32 $0xC8100, s12  }
0x22: {  	[tilespmem:s15], [sflag:$0x2] =	stream.linear.gather [hbm4b:s17+s4], $0x800, $0x38;
	[tilespmem:$0x15380] =	vst v63  }
0x23: {  	s16 =	simm.s32 $0x2800;
	s19 =	sadd.s32 s1, s8;
	s15 =	simm.s32 @!p0 $0x3  }
0x24: {  	[tilespmem:s16], [sflag:$0x2] =	stream.linear.gather [hbm4b:s19+s4], $0x800, $0x38;
	[tilespmem:$0x15380] =	vst v63  }
0x25: {  	_ =	swait.ge @!p0 [sflag:s15], $0x800  }
0x26: {  	[sflag:s15] =	ssyncset.done @!p0 $0x0  }
0x27: {  	[sflag:s15] =	ssyncadd.s32 @!p0 $0xFFFFF800  }
0x28: {  	_ =	swait.ge @!p0 [sflag:s15], $0x800  }
0x29: {  	[sflag:s15] =	ssyncset.done @!p0 $0x0  }
0x2a: {  	[sflag:s15] =	ssyncadd.s32 @!p0 $0xFFFFF800  }
0x2b: {  	_ =	swait.ge @!p0 [sflag:s15], $0x800  }
0x2c: {  	[sflag:s15] =	ssyncset.done @!p0 $0x0  }
0x2d: {  	[sflag:s15] =	ssyncadd.s32 @!p0 $0xFFFFF800  }
0x2e: {  	_ =	swait.ge @!p0 [sflag:s15], $0x800  }
0x2f: {  	[sflag:s15] =	ssyncset.done @!p0 $0x0  }
0x30: {  	[sflag:s15] =	ssyncadd.s32 @!p0 $0xFFFFF800  }
0x31: {  	_ =	swait.ge @!p0 [sflag:s15], $0x800  }
0x32: {  	[sflag:s15] =	ssyncset.done @!p0 $0x0  }
0x33: {  	[sflag:s15] =	ssyncadd.s32 @!p0 $0xFFFFF800  }
0x34: {  	_ =	swait.ge @!p0 [sflag:s15], $0x800  }
0x35: {  	[sflag:s15] =	ssyncset.done @!p0 $0x0  }
0x36: {  	[sflag:s15] =	ssyncadd.s32 @!p0 $0xFFFFF800  }
0x37: {  	_ =	swait.ge @!p0 [sflag:s15], $0x800  }
0x38: {  	[sflag:s15] =	ssyncset.done @!p0 $0x0  }
0x39: {  	[sflag:s15] =	ssyncadd.s32 @!p0 $0xFFFFF800  }
0x3a: {  	_ =	swait.ge @!p0 [sflag:s15], $0x800  }
0x3b: {  	[sflag:s15] =	ssyncset.done @!p0 $0x0  }
0x3c: {  	[sflag:s15] =	ssyncadd.s32 @!p0 $0xFFFFF800  }
0x3d: {  	_ =	swait.ge @!p0 [sflag:s15], $0x800  }
0x3e: {  	[sflag:s15] =	ssyncset.done @!p0 $0x0  }
0x3f: {  	[sflag:s15] =	ssyncadd.s32 @!p0 $0xFFFFF800  }
0x40: {  	_ =	swait.ge @!p0 [sflag:s15], $0x800  }
0x41: {  	[sflag:s15] =	ssyncset.done @!p0 $0x0  }
0x42: {  	[sflag:s15] =	ssyncadd.s32 @!p0 $0xFFFFF800  }
0x43: {  	_ =	swait.ge @!p0 [sflag:s15], $0x800  }
0x44: {  	[sflag:s15] =	ssyncset.done @!p0 $0x0  }
0x45: {  	[sflag:s15] =	ssyncadd.s32 @!p0 $0xFFFFF800  }
0x46: {  	_ =	swait.ge @!p0 [sflag:s15], $0x800  }
0x47: {  	[sflag:s15] =	ssyncset.done @!p0 $0x0  }
0x48: {  	[sflag:s15] =	ssyncadd.s32 @!p0 $0xFFFFF800  }
0x49: {  	_ =	swait.ge @!p0 [sflag:s15], $0x800  }
0x4a: {  	[sflag:s15] =	ssyncset.done @!p0 $0x0  }
0x4b: {  	[sflag:s15] =	ssyncadd.s32 @!p0 $0xFFFFF800  }
0x4c: {  	_ =	swait.ge @!p0 [sflag:s15], $0x800  }
0x4d: {  	[sflag:s15] =	ssyncset.done @!p0 $0x0  }
0x4e: {  	[sflag:s15] =	ssyncadd.s32 @!p0 $0xFFFFF800  }
0x4f: {  	_ =	swait.ge @!p0 [sflag:s15], $0x800  }
0x50: {  	[sflag:s15] =	ssyncset.done @!p0 $0x0  }
0x51: {  	[sflag:s15] =	ssyncadd.s32 @!p0 $0xFFFFF800  }
0x52: {  	_ =	swait.ge @!p0 [sflag:s15], $0x800  }
0x53: {  	[sflag:s15] =	ssyncset.done @!p0 $0x0  }
0x54: {  	[sflag:s15] =	ssyncadd.s32 @!p0 $0xFFFFF800  }
0x55: {  	_ =	swait.ge @!p0 [sflag:s15], $0x800  }
0x56: {  	[sflag:s15] =	ssyncset.done @!p0 $0x0  }
0x57: {  	[sflag:s15] =	ssyncadd.s32 @!p0 $0xFFFFF800  }
0x58: {  	_ =	swait.ge @!p0 [sflag:s15], $0x800  }
0x59: {  	[sflag:s15] =	ssyncset.done @!p0 $0x0  }
0x5a: {  	[sflag:s15] =	ssyncadd.s32 @!p0 $0xFFFFF800  }
0x5b: {  	_ =	swait.ge [sflag:s18], $0x800  }
0x5c: {  	[sflag:s18] =	ssyncset.done $0x0  }
0x5d: {  	[sflag:s18] =	ssyncadd.s32 $0xFFFFF800  }
0x5e: {  	_ =	swait.ge [sflag:s18], $0x800  }
0x5f: {  	[sflag:s18] =	ssyncset.done $0x0  }
0x60: {  	s20 =	simm.s32 $0x0;
	[sflag:s18] =	ssyncadd.s32 $0xFFFFF800  }
0x61: {  	s21 =	sand.u32 $0x400, s20;
	s17 =	sand.u32 $0x380, s20;
	_ =	swait.ge [sflag:s18], $0x800  }
0x62: {  	s16 =	sor.u32 s17, s21;
	s15 =	sand.u32 $0x70, s20;
	[sflag:s18] =	ssyncset.done $0x0  }
0x63: {  	s15 =	sor.u32 s15, s16;
	[sflag:s18] =	ssyncadd.s32 $0xFFFFF800  }
0x64: {  	v1 =	vld [tilespmem:s15+$0x0]  }
0x65: {  	v2 =	vld [tilespmem:s15+$0x1000];
	_ =	sdelay $0x1  }
0x66: {  	v3 =	vld [tilespmem:s15+$0x800];
	_ =	sdelay $0x1  }
0x67: {  	vm0 =	vgt.s32 v1, $0x0  }
0x68: {  	vm12 =	vgt.s32 v2, $0x0;
	v1 =	vnsel vm0, $0x0, v1  }
0x69: {  	v2 =	vnsel vm12, $0x0, v2;
	v1 =	vmin.u32 v1, $0x5  }
0x6a: {  	vm13 =	vgt.s32 v3, $0x0;
	v2 =	vmin.u32 v2, $0x3;
	v1 =	vmul.u32 $0x12, v1  }
0x6b: {  	v3 =	vsel vm13, $0x6C, v0;
	v2 =	vmul.u32 $0xD8, v2  }
0x6c: {  	v1 =	vadd.s32 v3, v1  }
0x6d: {  	v2 =	vadd.s32 v2, v1  }
0x6e: {  	v3 =	vor.u32 $0x1, v2  }
0x6f: {  	v4 =	vadd.s32 $0x2, v2  }
0x70: {  	v5 =	vadd.s32 $0x3, v2  }
0x71: {  	v6 =	vadd.s32 $0x4, v2  }
0x72: {  	v7 =	vadd.s32 $0x5, v2;
	v1 =	vld.idx.msk [tilespmem:v2+s11+$0x0], $0xffff  }
0x73: {  	v8 =	vadd.s32 $0x11, v2;
	v9 =	vld.idx.msk [tilespmem:v3+s11+$0x0], $0xffff  }
0x74: {  	v3 =	vadd.s32 $0x6, v2;
	v10 =	vld.idx.msk [tilespmem:v4+s11+$0x0], $0xffff  }
0x75: {  	v4 =	vadd.s32 $0x7, v2;
	v11 =	vld.idx.msk [tilespmem:v5+s11+$0x0], $0xffff  }
0x76: {  	v5 =	vadd.s32 $0x8, v2;
	v12 =	vld.idx.msk [tilespmem:v6+s11+$0x0], $0xffff  }
0x77: {  	v6 =	vadd.s32 $0x9, v2;
	v13 =	vld.idx.msk [tilespmem:v7+s11+$0x0], $0xffff  }
0x78: {  	v7 =	vadd.s32 $0xA, v2;
	v21 =	vld.idx.msk [tilespmem:v8+s11+$0x0], $0xffff  }
0x79: {  	v19 =	vadd.s32 $0xE, v2;
	v14 =	vld.idx.msk [tilespmem:v3+s11+$0x0], $0xffff  }
0x7a: {  	v8 =	vadd.s32 $0x10, v2;
	v15 =	vld.idx.msk [tilespmem:v4+s11+$0x0], $0xffff  }
0x7b: {  	v4 =	vadd.s32 $0xB, v2;
	v16 =	vld.idx.msk [tilespmem:v5+s11+$0x0], $0xffff  }
0x7c: {  	v5 =	vadd.s32 $0xC, v2;
	v17 =	vld.idx.msk [tilespmem:v6+s11+$0x0], $0xffff  }
0x7d: {  	v18 =	vadd.s32 $0xD, v2;
	v3 =	vld.idx.msk [tilespmem:v7+s11+$0x0], $0xffff  }
0x7e: {  	v20 =	vadd.s32 $0xF, v2;
	v2 =	vld.idx.msk [tilespmem:v19+s11+$0x0], $0xffff  }
0x7f: {  	v8 =	vld.idx.msk [tilespmem:v8+s11+$0x0], $0xffff  }
0x80: {  	v6 =	vld.idx.msk [tilespmem:v4+s11+$0x0], $0xffff  }
0x81: {  	s22 =	simm.s32 $0x8;
	s17 =	simm.s32 $0x80;
	v7 =	vld.idx.msk [tilespmem:v5+s11+$0x0], $0xffff  }
0x82: {  	s19 =	simm.s32 $0x10;
	s20 =	sand.u32 $0x400, s17;
	s16 =	sand.u32 $0x380, s22;
	v4 =	vld.idx.msk [tilespmem:v18+s11+$0x0], $0xffff  }
0x83: {  	s21 =	sand.u32 $0x70, s19;
	s16 =	sor.u32 s16, s20;
	v5 =	vld.idx.msk [tilespmem:v20+s11+$0x0], $0xffff;
	[tilespmem:s15+$0xB800] =	vst v21  }
0x84: {  	s16 =	sor.u32 s21, s16;
	[tilespmem:s15+$0x3800] =	vst v9  }
0x85: {  	v62 =	vld [tilespmem:s16+$0x0];
	[tilespmem:s15+$0x4000] =	vst v10  }
0x86: {  	v63 =	vld [tilespmem:s16+$0x1000];
	[tilespmem:s15+$0x4800] =	vst v11  }
0x87: {  	[tilespmem:s15+$0x5000] =	vst v12  }
0x88: {  	v9 =	vld [tilespmem:s16+$0x800];
	[tilespmem:s15+$0x5800] =	vst v13  }
0x89: {  	[tilespmem:s15+$0x6000] =	vst v14  }
0x8a: {  	[tilespmem:s15+$0x6800] =	vst v15;
	vm14 =	vgt.s32 v62, $0x0  }
0x8b: {  	[tilespmem:s15+$0x7000] =	vst v16;
	v10 =	vnsel vm14, $0x0, v62;
	vm15 =	vgt.s32 v63, $0x0  }
0x8c: {  	s20 =	simm.s32 $0x10;
	[tilespmem:s15+$0x7800] =	vst v17;
	v10 =	vmin.u32 v10, $0x5;
	v11 =	vnsel vm15, $0x0, v63  }
.LBB2_3:
0x8d: {  	p0 =	sne.s32 s20, $0x3F8;
	vm0 =	vgt.s32 v9, $0x0;
	v9 =	vmin.u32 v11, $0x3;
	v10 =	vmul.u32 $0x12, v10;
	[tilespmem:s15+$0x8000] =	vst v3  }
0x8e: {  	v3 =	vsel vm0, $0x6C, v0;
	v9 =	vmul.u32 $0xD8, v9;
	[tilespmem:s15+$0x8800] =	vst v6  }
0x8f: {  	v3 =	vadd.s32 v3, v10;
	[tilespmem:s15+$0x9000] =	vst v7  }
0x90: {  	v7 =	vadd.s32 v9, v3;
	[tilespmem:s15+$0x9800] =	vst v4  }
0x91: {  	v3 =	vor.u32 $0x1, v7;
	[tilespmem:s15+$0xA000] =	vst v2  }
0x92: {  	v2 =	vadd.s32 $0x2, v7;
	[tilespmem:s15+$0xA800] =	vst v5  }
0x93: {  	v4 =	vadd.s32 $0x3, v7;
	[tilespmem:s15+$0xB000] =	vst v8  }
0x94: {  	v5 =	vadd.s32 $0x4, v7;
	[tilespmem:s15+$0x3000] =	vst v1;
	s15 =	smov.u32 s16  }
0x95: {  	v6 =	vadd.s32 $0x5, v7;
	v1 =	vld.idx.msk [tilespmem:v7+s11+$0x0], $0xffff  }
0x96: {  	v9 =	vld.idx.msk [tilespmem:v3+s11+$0x0], $0xffff;
	v3 =	vadd.s32 $0x6, v7  }
0x97: {  	v10 =	vld.idx.msk [tilespmem:v2+s11+$0x0], $0xffff;
	v2 =	vadd.s32 $0x7, v7  }
0x98: {  	v11 =	vld.idx.msk [tilespmem:v4+s11+$0x0], $0xffff;
	v4 =	vadd.s32 $0x8, v7  }
0x99: {  	v12 =	vld.idx.msk [tilespmem:v5+s11+$0x0], $0xffff;
	v5 =	vadd.s32 $0x9, v7  }
0x9a: {  	v13 =	vld.idx.msk [tilespmem:v6+s11+$0x0], $0xffff;
	v6 =	vadd.s32 $0xA, v7  }
0x9b: {  	v8 =	vadd.s32 $0x11, v7;
	v14 =	vld.idx.msk [tilespmem:v3+s11+$0x0], $0xffff  }
0x9c: {  	v15 =	vld.idx.msk [tilespmem:v2+s11+$0x0], $0xffff;
	v2 =	vadd.s32 $0xB, v7  }
0x9d: {  	v16 =	vld.idx.msk [tilespmem:v4+s11+$0x0], $0xffff;
	v4 =	vadd.s32 $0xC, v7  }
0x9e: {  	v17 =	vld.idx.msk [tilespmem:v5+s11+$0x0], $0xffff;
	v5 =	vadd.s32 $0xD, v7  }
0x9f: {  	v18 =	vadd.s32 $0xE, v7;
	v3 =	vld.idx.msk [tilespmem:v6+s11+$0x0], $0xffff  }
0xa0: {  	v19 =	vadd.s32 $0xF, v7;
	v20 =	vld.idx.msk [tilespmem:v8+s11+$0x0], $0xffff  }
0xa1: {  	v8 =	vadd.s32 $0x10, v7;
	v6 =	vld.idx.msk [tilespmem:v2+s11+$0x0], $0xffff  }
0xa2: {  	v7 =	vld.idx.msk [tilespmem:v4+s11+$0x0], $0xffff  }
0xa3: {  	v4 =	vld.idx.msk [tilespmem:v5+s11+$0x0], $0xffff  }
0xa4: {  	s17 =	sadd.s32 $0x80, s17;
	v2 =	vld.idx.msk [tilespmem:v18+s11+$0x0], $0xffff  }
0xa5: {  	s21 =	sand.u32 $0x380, s20;
	s19 =	sadd.s32 $0x10, s19;
	s16 =	sand.u32 $0x400, s17;
	v5 =	vld.idx.msk [tilespmem:v19+s11+$0x0], $0xffff  }
0xa6: {  	s22 =	sand.u32 $0x70, s19;
	s16 =	sor.u32 s21, s16;
	v8 =	vld.idx.msk [tilespmem:v8+s11+$0x0], $0xffff;
	[tilespmem:s15+$0xB800] =	vst v20  }
0xa7: {  	s16 =	sor.u32 s22, s16;
	[tilespmem:s15+$0x3800] =	vst v9  }
0xa8: {  	v18 =	vld [tilespmem:s16+$0x0];
	[tilespmem:s15+$0x4000] =	vst v10  }
0xa9: {  	v19 =	vld [tilespmem:s16+$0x1000];
	[tilespmem:s15+$0x4800] =	vst v11  }
0xaa: {  	[tilespmem:s15+$0x5000] =	vst v12  }
.Ltmp0:
0xab: {  	v9 =	vld [tilespmem:s16+$0x800];
	[tilespmem:s15+$0x5800] =	vst v13;
	(pc) =	sbr.rel @p0 .LBB2_3-.Ltmp0, $4  }
0xac: {  	[tilespmem:s15+$0x6000] =	vst v14  }
0xad: {  	vm0 =	vgt.s32 v18, $0x0;
	[tilespmem:s15+$0x6800] =	vst v15  }
0xae: {  	v10 =	vnsel vm0, $0x0, v18;
	vm0 =	vgt.s32 v19, $0x0;
	[tilespmem:s15+$0x7000] =	vst v16  }
0xaf: {  	s20 =	sadd.s32 $0x8, s20;
	v10 =	vmin.u32 v10, $0x5;
	v11 =	vnsel vm0, $0x0, v19;
	[tilespmem:s15+$0x7800] =	vst v17  }
0xb0: {  	vm0 =	vgt.s32 v9, $0x0;
	v9 =	vmin.u32 v11, $0x3;
	v10 =	vmul.u32 $0x12, v10;
	[tilespmem:s15+$0x8000] =	vst v3  }
0xb1: {  	[tilespmem:s15+$0x8800] =	vst v6;
	v3 =	vsel vm0, $0x6C, v0;
	v9 =	vmul.u32 $0xD8, v9  }
0xb2: {  	[tilespmem:s15+$0x9000] =	vst v7;
	v3 =	vadd.s32 v3, v10  }
0xb3: {  	[tilespmem:s15+$0x9800] =	vst v4;
	v3 =	vadd.s32 v9, v3  }
0xb4: {  	[tilespmem:s15+$0xA000] =	vst v2;
	v4 =	vor.u32 $0x1, v3  }
0xb5: {  	[tilespmem:s15+$0xA800] =	vst v5;
	v2 =	vadd.s32 $0x2, v3  }
0xb6: {  	[tilespmem:s15+$0xB000] =	vst v8;
	v5 =	vadd.s32 $0x3, v3  }
0xb7: {  	[tilespmem:s15+$0x3000] =	vst v1;
	v6 =	vadd.s32 $0x4, v3  }
0xb8: {  	v7 =	vadd.s32 $0x5, v3;
	v1 =	vld.idx.msk [tilespmem:v3+s11+$0x0], $0xffff  }
0xb9: {  	v8 =	vadd.s32 $0x6, v3;
	v4 =	vld.idx.msk [tilespmem:v4+s11+$0x0], $0xffff  }
0xba: {  	v9 =	vadd.s32 $0x7, v3;
	v2 =	vld.idx.msk [tilespmem:v2+s11+$0x0], $0xffff  }
0xbb: {  	v10 =	vadd.s32 $0x8, v3;
	v5 =	vld.idx.msk [tilespmem:v5+s11+$0x0], $0xffff  }
0xbc: {  	v11 =	vadd.s32 $0x9, v3;
	v6 =	vld.idx.msk [tilespmem:v6+s11+$0x0], $0xffff  }
0xbd: {  	v12 =	vadd.s32 $0xA, v3;
	v7 =	vld.idx.msk [tilespmem:v7+s11+$0x0], $0xffff  }
0xbe: {  	v13 =	vadd.s32 $0x11, v3;
	v8 =	vld.idx.msk [tilespmem:v8+s11+$0x0], $0xffff  }
0xbf: {  	v14 =	vadd.s32 $0xB, v3;
	v9 =	vld.idx.msk [tilespmem:v9+s11+$0x0], $0xffff  }
0xc0: {  	v15 =	vadd.s32 $0xC, v3;
	v10 =	vld.idx.msk [tilespmem:v10+s11+$0x0], $0xffff  }
0xc1: {  	v16 =	vadd.s32 $0xD, v3;
	v11 =	vld.idx.msk [tilespmem:v11+s11+$0x0], $0xffff  }
0xc2: {  	v17 =	vadd.s32 $0xE, v3;
	v12 =	vld.idx.msk [tilespmem:v12+s11+$0x0], $0xffff  }
0xc3: {  	v18 =	vadd.s32 $0xF, v3;
	v13 =	vld.idx.msk [tilespmem:v13+s11+$0x0], $0xffff  }
0xc4: {  	v3 =	vadd.s32 $0x10, v3;
	v14 =	vld.idx.msk [tilespmem:v14+s11+$0x0], $0xffff  }
0xc5: {  	v15 =	vld.idx.msk [tilespmem:v15+s11+$0x0], $0xffff  }
0xc6: {  	v16 =	vld.idx.msk [tilespmem:v16+s11+$0x0], $0xffff  }
0xc7: {  	v17 =	vld.idx.msk [tilespmem:v17+s11+$0x0], $0xffff  }
0xc8: {  	v18 =	vld.idx.msk [tilespmem:v18+s11+$0x0], $0xffff  }
0xc9: {  	v3 =	vld.idx.msk [tilespmem:v3+s11+$0x0], $0xffff;
	[tilespmem:s16+$0x3000] =	vst v1  }
0xca: {  	[tilespmem:s16+$0xB800] =	vst v13  }
0xcb: {  	[tilespmem:s16+$0x3800] =	vst v4  }
0xcc: {  	[tilespmem:s16+$0x4000] =	vst v2  }
0xcd: {  	[tilespmem:s16+$0x4800] =	vst v5  }
0xce: {  	[tilespmem:s16+$0x5000] =	vst v6  }
0xcf: {  	[tilespmem:s16+$0x5800] =	vst v7  }
0xd0: {  	[tilespmem:s16+$0x6000] =	vst v8  }
0xd1: {  	[tilespmem:s16+$0x6800] =	vst v9  }
0xd2: {  	[tilespmem:s16+$0x7000] =	vst v10  }
0xd3: {  	[tilespmem:s16+$0x7800] =	vst v11  }
0xd4: {  	[tilespmem:s16+$0x8000] =	vst v12  }
0xd5: {  	[tilespmem:s16+$0x8800] =	vst v14  }
0xd6: {  	[tilespmem:s16+$0x9000] =	vst v15  }
0xd7: {  	[tilespmem:s16+$0x9800] =	vst v16  }
0xd8: {  	[tilespmem:s16+$0xA000] =	vst v17  }
0xd9: {  	[tilespmem:s16+$0xA800] =	vst v18  }
0xda: {  	s10 =	sadd.s32 s3, s10;
	s21 =	simm.s32 $0x3000;
	[tilespmem:s16+$0xB000] =	vst v3  }
0xdb: {  	[hbm4b:s10+s4] =	stream.linear.scatter [tilespmem:s21], [sflag:$0x3], $0x800, $0x38;
	[tilespmem:$0x15380] =	vst v63  }
0xdc: {  	s10 =	sadd.s32 s3, s12  }
0xdd: {  	s22 =	simm.s32 $0x3800;
	s12 =	sadd.s32 $0x64000, s10  }
0xde: {  	[hbm4b:s12+s4] =	stream.linear.scatter [tilespmem:s22], [sflag:$0x3], $0x800, $0x38;
	[tilespmem:$0x15380] =	vst v63  }
0xdf: {  	s17 =	simm.s32 $0x4000;
	s16 =	sadd.s32 $0xC8000, s10  }
0xe0: {  	[hbm4b:s16+s4] =	stream.linear.scatter [tilespmem:s17], [sflag:$0x3], $0x800, $0x38;
	[tilespmem:$0x15380] =	vst v63  }
0xe1: {  	s20 =	simm.s32 $0x4800;
	s19 =	sadd.s32 $0x12C000, s10  }
0xe2: {  	[hbm4b:s19+s4] =	stream.linear.scatter [tilespmem:s20], [sflag:$0x3], $0x800, $0x38;
	[tilespmem:$0x15380] =	vst v63  }
0xe3: {  	s21 =	sadd.s32 $0x190000, s10;
	s22 =	simm.s32 $0x5000  }
0xe4: {  	[hbm4b:s21+s4] =	stream.linear.scatter [tilespmem:s22], [sflag:$0x3], $0x800, $0x38;
	[tilespmem:$0x15380] =	vst v63  }
0xe5: {  	s16 =	sadd.s32 $0x1F4000, s10;
	s17 =	simm.s32 $0x5800  }
0xe6: {  	[hbm4b:s16+s4] =	stream.linear.scatter [tilespmem:s17], [sflag:$0x3], $0x800, $0x38;
	[tilespmem:$0x15380] =	vst v63  }
0xe7: {  	s19 =	sadd.s32 $0x258000, s10;
	s20 =	simm.s32 $0x6000  }
0xe8: {  	[hbm4b:s19+s4] =	stream.linear.scatter [tilespmem:s20], [sflag:$0x3], $0x800, $0x38;
	[tilespmem:$0x15380] =	vst v63  }
0xe9: {  	s21 =	sadd.s32 $0x2BC000, s10;
	s22 =	simm.s32 $0x6800  }
0xea: {  	[hbm4b:s21+s4] =	stream.linear.scatter [tilespmem:s22], [sflag:$0x3], $0x800, $0x38;
	[tilespmem:$0x15380] =	vst v63  }
0xeb: {  	s16 =	sadd.s32 $0x320000, s10;
	s17 =	simm.s32 $0x7000  }
0xec: {  	[hbm4b:s16+s4] =	stream.linear.scatter [tilespmem:s17], [sflag:$0x3], $0x800, $0x38;
	[tilespmem:$0x15380] =	vst v63  }
0xed: {  	s19 =	sadd.s32 $0x384000, s10;
	s20 =	simm.s32 $0x7800  }
0xee: {  	[hbm4b:s19+s4] =	stream.linear.scatter [tilespmem:s20], [sflag:$0x3], $0x800, $0x38;
	[tilespmem:$0x15380] =	vst v63  }
0xef: {  	s21 =	sadd.s32 $0x3E8000, s10;
	s22 =	simm.s32 $0x8000  }
0xf0: {  	[hbm4b:s21+s4] =	stream.linear.scatter [tilespmem:s22], [sflag:$0x3], $0x800, $0x38;
	[tilespmem:$0x15380] =	vst v63  }
0xf1: {  	s16 =	sadd.s32 $0x44C000, s10;
	s17 =	simm.s32 $0x8800  }
0xf2: {  	[hbm4b:s16+s4] =	stream.linear.scatter [tilespmem:s17], [sflag:$0x3], $0x800, $0x38;
	[tilespmem:$0x15380] =	vst v63  }
0xf3: {  	s19 =	sadd.s32 $0x4B0000, s10;
	s20 =	simm.s32 $0x9000  }
0xf4: {  	[hbm4b:s19+s4] =	stream.linear.scatter [tilespmem:s20], [sflag:$0x3], $0x800, $0x38;
	[tilespmem:$0x15380] =	vst v63  }
0xf5: {  	s21 =	sadd.s32 $0x514000, s10;
	s22 =	simm.s32 $0x9800  }
0xf6: {  	[hbm4b:s21+s4] =	stream.linear.scatter [tilespmem:s22], [sflag:$0x3], $0x800, $0x38;
	[tilespmem:$0x15380] =	vst v63  }
0xf7: {  	s16 =	sadd.s32 $0x578000, s10;
	s17 =	simm.s32 $0xA000  }
0xf8: {  	[hbm4b:s16+s4] =	stream.linear.scatter [tilespmem:s17], [sflag:$0x3], $0x800, $0x38;
	[tilespmem:$0x15380] =	vst v63  }
0xf9: {  	p0 =	seq.s32 s13, $0x18;
	s19 =	sadd.s32 $0x5DC000, s10;
	s20 =	simm.s32 $0xA800  }
0xfa: {  	[hbm4b:s19+s4] =	stream.linear.scatter [tilespmem:s20], [sflag:$0x3], $0x800, $0x38;
	[tilespmem:$0x15380] =	vst v63  }
0xfb: {  	s7 =	sshrl.u32 @!p0 s7, $0x3;
	s21 =	sadd.s32 $0x640000, s10;
	s22 =	simm.s32 $0xB000  }
0xfc: {  	[hbm4b:s21+s4] =	stream.linear.scatter [tilespmem:s22], [sflag:$0x3], $0x800, $0x38;
	[tilespmem:$0x15380] =	vst v63  }
0xfd: {  	s7 =	sadd.s32 @!p0 s1, s7;
	s16 =	sadd.s32 $0x6A4000, s10;
	s17 =	simm.s32 $0xB800  }
0xfe: {  	[hbm4b:s16+s4] =	stream.linear.scatter [tilespmem:s17], [sflag:$0x3], $0x800, $0x38;
	[tilespmem:$0x15380] =	vst v63  }
0xff: {  	s15 =	simm.s32 @!p0 $0x0;
	s12 =	sadd.s32 @!p0 $0x200, s7  }
0x100: {  	[tilespmem:s15], [sflag:$0x1] =	stream.linear.gather @!p0 [hbm4b:s12+s15], $0x800, $0x38;
	[tilespmem:$0x15380] =	vst v63  }
0x101: {  	s16 =	simm.s32 @!p0 $0x800;
	s12 =	sadd.s32 @!p0 $0x64200, s7  }
0x102: {  	[tilespmem:s16], [sflag:$0x1] =	stream.linear.gather @!p0 [hbm4b:s12+s15], $0x800, $0x38;
	[tilespmem:$0x15380] =	vst v63  }
0x103: {  	p1 =	seq.s32 @!p0 s13, $0x0;
	s7 =	sadd.s32 @!p0 $0xC8200, s7;
	s12 =	simm.s32 @!p0 $0x1000  }
0x104: {  	[tilespmem:s12], [sflag:$0x1] =	stream.linear.gather @!p0 [hbm4b:s7+s15], $0x800, $0x38;
	[tilespmem:$0x15380] =	vst v63  }
0x105: {  	p0 =	por p0, !p1  }
0x106: {  	_ =	swait.ge @p0 [sflag:s0], $0x800  }
0x107: {  	[sflag:s0] =	ssyncset.done @p0 $0x0  }
0x108: {  	[sflag:s0] =	ssyncadd.s32 @p0 $0xFFFFF800  }
0x109: {  	_ =	swait.ge @p0 [sflag:s0], $0x800  }
0x10a: {  	[sflag:s0] =	ssyncset.done @p0 $0x0  }
0x10b: {  	[sflag:s0] =	ssyncadd.s32 @p0 $0xFFFFF800  }
0x10c: {  	_ =	swait.ge @p0 [sflag:s0], $0x800  }
0x10d: {  	[sflag:s0] =	ssyncset.done @p0 $0x0  }
0x10e: {  	[sflag:s0] =	ssyncadd.s32 @p0 $0xFFFFF800  }
0x10f: {  	_ =	swait.ge @p0 [sflag:s0], $0x800  }
0x110: {  	[sflag:s0] =	ssyncset.done @p0 $0x0  }
0x111: {  	[sflag:s0] =	ssyncadd.s32 @p0 $0xFFFFF800  }
0x112: {  	_ =	swait.ge @p0 [sflag:s0], $0x800  }
0x113: {  	[sflag:s0] =	ssyncset.done @p0 $0x0  }
0x114: {  	[sflag:s0] =	ssyncadd.s32 @p0 $0xFFFFF800  }
0x115: {  	_ =	swait.ge @p0 [sflag:s0], $0x800  }
0x116: {  	[sflag:s0] =	ssyncset.done @p0 $0x0  }
0x117: {  	[sflag:s0] =	ssyncadd.s32 @p0 $0xFFFFF800  }
0x118: {  	_ =	swait.ge @p0 [sflag:s0], $0x800  }
0x119: {  	[sflag:s0] =	ssyncset.done @p0 $0x0  }
0x11a: {  	[sflag:s0] =	ssyncadd.s32 @p0 $0xFFFFF800  }
0x11b: {  	_ =	swait.ge @p0 [sflag:s0], $0x800  }
0x11c: {  	[sflag:s0] =	ssyncset.done @p0 $0x0  }
0x11d: {  	[sflag:s0] =	ssyncadd.s32 @p0 $0xFFFFF800  }
0x11e: {  	_ =	swait.ge @p0 [sflag:s0], $0x800  }
0x11f: {  	[sflag:s0] =	ssyncset.done @p0 $0x0  }
0x120: {  	[sflag:s0] =	ssyncadd.s32 @p0 $0xFFFFF800  }
0x121: {  	_ =	swait.ge @p0 [sflag:s0], $0x800  }
0x122: {  	[sflag:s0] =	ssyncset.done @p0 $0x0  }
0x123: {  	[sflag:s0] =	ssyncadd.s32 @p0 $0xFFFFF800  }
0x124: {  	_ =	swait.ge @p0 [sflag:s0], $0x800  }
0x125: {  	[sflag:s0] =	ssyncset.done @p0 $0x0  }
0x126: {  	[sflag:s0] =	ssyncadd.s32 @p0 $0xFFFFF800  }
0x127: {  	_ =	swait.ge @p0 [sflag:s0], $0x800  }
0x128: {  	[sflag:s0] =	ssyncset.done @p0 $0x0  }
0x129: {  	[sflag:s0] =	ssyncadd.s32 @p0 $0xFFFFF800  }
0x12a: {  	_ =	swait.ge @p0 [sflag:s0], $0x800  }
0x12b: {  	[sflag:s0] =	ssyncset.done @p0 $0x0  }
0x12c: {  	[sflag:s0] =	ssyncadd.s32 @p0 $0xFFFFF800  }
0x12d: {  	_ =	swait.ge @p0 [sflag:s0], $0x800  }
0x12e: {  	[sflag:s0] =	ssyncset.done @p0 $0x0  }
0x12f: {  	[sflag:s0] =	ssyncadd.s32 @p0 $0xFFFFF800  }
0x130: {  	_ =	swait.ge @p0 [sflag:s0], $0x800  }
0x131: {  	[sflag:s0] =	ssyncset.done @p0 $0x0  }
0x132: {  	[sflag:s0] =	ssyncadd.s32 @p0 $0xFFFFF800  }
0x133: {  	_ =	swait.ge @p0 [sflag:s0], $0x800  }
0x134: {  	[sflag:s0] =	ssyncset.done @p0 $0x0  }
0x135: {  	[sflag:s0] =	ssyncadd.s32 @p0 $0xFFFFF800  }
0x136: {  	_ =	swait.ge @p0 [sflag:s0], $0x800  }
0x137: {  	[sflag:s0] =	ssyncset.done @p0 $0x0  }
0x138: {  	[sflag:s0] =	ssyncadd.s32 @p0 $0xFFFFF800  }
0x139: {  	_ =	swait.ge @p0 [sflag:s0], $0x800  }
0x13a: {  	[sflag:s0] =	ssyncset.done @p0 $0x0  }
0x13b: {  	[sflag:s0] =	ssyncadd.s32 @p0 $0xFFFFF800  }
0x13c: {  	_ =	swait.ge [sflag:s9], $0x800  }
0x13d: {  	[sflag:s9] =	ssyncset.done $0x0  }
0x13e: {  	[sflag:s9] =	ssyncadd.s32 $0xFFFFF800  }
0x13f: {  	_ =	swait.ge [sflag:s9], $0x800  }
0x140: {  	[sflag:s9] =	ssyncset.done $0x0  }
0x141: {  	s19 =	simm.s32 $0x0;
	[sflag:s9] =	ssyncadd.s32 $0xFFFFF800  }
0x142: {  	s20 =	sand.u32 $0x400, s19;
	s21 =	sand.u32 $0x380, s19;
	_ =	swait.ge [sflag:s9], $0x800  }
0x143: {  	s7 =	sand.u32 $0x70, s19;
	s12 =	sor.u32 s21, s20;
	[sflag:s9] =	ssyncset.done $0x0  }
0x144: {  	s7 =	sor.u32 s7, s12;
	[sflag:s9] =	ssyncadd.s32 $0xFFFFF800  }
0x145: {  	v1 =	vld [tilespmem:s7+$0x1800]  }
0x146: {  	v2 =	vld [tilespmem:s7+$0x2800];
	_ =	sdelay $0x1  }
0x147: {  	v3 =	vld [tilespmem:s7+$0x2000];
	_ =	sdelay $0x1  }
0x148: {  	vm11 =	vgt.s32 v1, $0x0  }
0x149: {  	vm12 =	vgt.s32 v2, $0x0;
	v1 =	vnsel vm11, $0x0, v1  }
0x14a: {  	v2 =	vnsel vm12, $0x0, v2;
	v1 =	vmin.u32 v1, $0x5  }
0x14b: {  	vm13 =	vgt.s32 v3, $0x0;
	v2 =	vmin.u32 v2, $0x3;
	v1 =	vmul.u32 $0x12, v1  }
0x14c: {  	v3 =	vsel vm13, $0x6C, v0;
	v2 =	vmul.u32 $0xD8, v2  }
0x14d: {  	v1 =	vadd.s32 v3, v1  }
0x14e: {  	v2 =	vadd.s32 v2, v1  }
0x14f: {  	v3 =	vor.u32 $0x1, v2  }
0x150: {  	v4 =	vadd.s32 $0x2, v2  }
0x151: {  	v5 =	vadd.s32 $0x3, v2  }
0x152: {  	v6 =	vadd.s32 $0x4, v2  }
0x153: {  	v7 =	vadd.s32 $0x5, v2;
	v1 =	vld.idx.msk [tilespmem:v2+s11+$0x0], $0xffff  }
0x154: {  	v8 =	vadd.s32 $0x11, v2;
	v9 =	vld.idx.msk [tilespmem:v3+s11+$0x0], $0xffff  }
0x155: {  	v3 =	vadd.s32 $0x6, v2;
	v10 =	vld.idx.msk [tilespmem:v4+s11+$0x0], $0xffff  }
0x156: {  	v4 =	vadd.s32 $0x7, v2;
	v11 =	vld.idx.msk [tilespmem:v5+s11+$0x0], $0xffff  }
0x157: {  	v5 =	vadd.s32 $0x8, v2;
	v55 =	vld.idx.msk [tilespmem:v6+s11+$0x0], $0xffff  }
0x158: {  	v6 =	vadd.s32 $0x9, v2;
	v56 =	vld.idx.msk [tilespmem:v7+s11+$0x0], $0xffff  }
0x159: {  	v7 =	vadd.s32 $0xA, v2;
	v21 =	vld.idx.msk [tilespmem:v8+s11+$0x0], $0xffff  }
0x15a: {  	v19 =	vadd.s32 $0xE, v2;
	v57 =	vld.idx.msk [tilespmem:v3+s11+$0x0], $0xffff  }
0x15b: {  	v8 =	vadd.s32 $0x10, v2;
	v58 =	vld.idx.msk [tilespmem:v4+s11+$0x0], $0xffff  }
0x15c: {  	v4 =	vadd.s32 $0xB, v2;
	v59 =	vld.idx.msk [tilespmem:v5+s11+$0x0], $0xffff  }
0x15d: {  	v5 =	vadd.s32 $0xC, v2;
	v60 =	vld.idx.msk [tilespmem:v6+s11+$0x0], $0xffff  }
0x15e: {  	v61 =	vadd.s32 $0xD, v2;
	v3 =	vld.idx.msk [tilespmem:v7+s11+$0x0], $0xffff  }
0x15f: {  	v20 =	vadd.s32 $0xF, v2;
	v2 =	vld.idx.msk [tilespmem:v19+s11+$0x0], $0xffff  }
0x160: {  	v8 =	vld.idx.msk [tilespmem:v8+s11+$0x0], $0xffff  }
0x161: {  	v6 =	vld.idx.msk [tilespmem:v4+s11+$0x0], $0xffff  }
0x162: {  	s22 =	simm.s32 $0x8;
	s15 =	simm.s32 $0x80;
	v7 =	vld.idx.msk [tilespmem:v5+s11+$0x0], $0xffff  }
0x163: {  	s16 =	simm.s32 $0x10;
	s17 =	sand.u32 $0x400, s15;
	s12 =	sand.u32 $0x380, s22;
	v4 =	vld.idx.msk [tilespmem:v61+s11+$0x0], $0xffff  }
0x164: {  	s19 =	sand.u32 $0x70, s16;
	s12 =	sor.u32 s12, s17;
	v5 =	vld.idx.msk [tilespmem:v20+s11+$0x0], $0xffff;
	[tilespmem:s7+$0x14800] =	vst v21  }
0x165: {  	s12 =	sor.u32 s19, s12;
	[tilespmem:s7+$0xC800] =	vst v9  }
0x166: {  	v62 =	vld [tilespmem:s12+$0x1800];
	[tilespmem:s7+$0xD000] =	vst v10  }
0x167: {  	v63 =	vld [tilespmem:s12+$0x2800];
	[tilespmem:s7+$0xD800] =	vst v11  }
0x168: {  	[tilespmem:s7+$0xE000] =	vst v55  }
0x169: {  	v9 =	vld [tilespmem:s12+$0x2000];
	[tilespmem:s7+$0xE800] =	vst v56  }
0x16a: {  	[tilespmem:s7+$0xF000] =	vst v57  }
0x16b: {  	[tilespmem:s7+$0xF800] =	vst v58;
	vm14 =	vgt.s32 v62, $0x0  }
0x16c: {  	[tilespmem:s7+$0x10000] =	vst v59;
	v10 =	vnsel vm14, $0x0, v62;
	vm15 =	vgt.s32 v63, $0x0  }
0x16d: {  	s17 =	simm.s32 $0x10;
	[tilespmem:s7+$0x10800] =	vst v60;
	v10 =	vmin.u32 v10, $0x5;
	v11 =	vnsel vm15, $0x0, v63  }
.LBB2_5:
0x16e: {  	p0 =	sne.s32 s17, $0x3F8;
	vm0 =	vgt.s32 v9, $0x0;
	v9 =	vmin.u32 v11, $0x3;
	v10 =	vmul.u32 $0x12, v10;
	[tilespmem:s7+$0x11000] =	vst v3  }
0x16f: {  	v3 =	vsel vm0, $0x6C, v0;
	v9 =	vmul.u32 $0xD8, v9;
	[tilespmem:s7+$0x11800] =	vst v6  }
0x170: {  	v3 =	vadd.s32 v3, v10;
	[tilespmem:s7+$0x12000] =	vst v7  }
0x171: {  	v7 =	vadd.s32 v9, v3;
	[tilespmem:s7+$0x12800] =	vst v4  }
0x172: {  	v3 =	vor.u32 $0x1, v7;
	[tilespmem:s7+$0x13000] =	vst v2  }
0x173: {  	v2 =	vadd.s32 $0x2, v7;
	[tilespmem:s7+$0x13800] =	vst v5  }
0x174: {  	v4 =	vadd.s32 $0x3, v7;
	[tilespmem:s7+$0x14000] =	vst v8  }
0x175: {  	v5 =	vadd.s32 $0x4, v7;
	[tilespmem:s7+$0xC000] =	vst v1;
	s7 =	smov.u32 s12  }
0x176: {  	v6 =	vadd.s32 $0x5, v7;
	v1 =	vld.idx.msk [tilespmem:v7+s11+$0x0], $0xffff  }
0x177: {  	v9 =	vld.idx.msk [tilespmem:v3+s11+$0x0], $0xffff;
	v3 =	vadd.s32 $0x6, v7  }
0x178: {  	v10 =	vld.idx.msk [tilespmem:v2+s11+$0x0], $0xffff;
	v2 =	vadd.s32 $0x7, v7  }
0x179: {  	v11 =	vld.idx.msk [tilespmem:v4+s11+$0x0], $0xffff;
	v4 =	vadd.s32 $0x8, v7  }
0x17a: {  	v12 =	vld.idx.msk [tilespmem:v5+s11+$0x0], $0xffff;
	v5 =	vadd.s32 $0x9, v7  }
0x17b: {  	v13 =	vld.idx.msk [tilespmem:v6+s11+$0x0], $0xffff;
	v6 =	vadd.s32 $0xA, v7  }
0x17c: {  	v8 =	vadd.s32 $0x11, v7;
	v14 =	vld.idx.msk [tilespmem:v3+s11+$0x0], $0xffff  }
0x17d: {  	v15 =	vld.idx.msk [tilespmem:v2+s11+$0x0], $0xffff;
	v2 =	vadd.s32 $0xB, v7  }
0x17e: {  	v16 =	vld.idx.msk [tilespmem:v4+s11+$0x0], $0xffff;
	v4 =	vadd.s32 $0xC, v7  }
0x17f: {  	v17 =	vld.idx.msk [tilespmem:v5+s11+$0x0], $0xffff;
	v5 =	vadd.s32 $0xD, v7  }
0x180: {  	v18 =	vadd.s32 $0xE, v7;
	v3 =	vld.idx.msk [tilespmem:v6+s11+$0x0], $0xffff  }
0x181: {  	v19 =	vadd.s32 $0xF, v7;
	v20 =	vld.idx.msk [tilespmem:v8+s11+$0x0], $0xffff  }
0x182: {  	v8 =	vadd.s32 $0x10, v7;
	v6 =	vld.idx.msk [tilespmem:v2+s11+$0x0], $0xffff  }
0x183: {  	v7 =	vld.idx.msk [tilespmem:v4+s11+$0x0], $0xffff  }
0x184: {  	v4 =	vld.idx.msk [tilespmem:v5+s11+$0x0], $0xffff  }
0x185: {  	s15 =	sadd.s32 $0x80, s15;
	v2 =	vld.idx.msk [tilespmem:v18+s11+$0x0], $0xffff  }
0x186: {  	s19 =	sand.u32 $0x380, s17;
	s16 =	sadd.s32 $0x10, s16;
	s12 =	sand.u32 $0x400, s15;
	v5 =	vld.idx.msk [tilespmem:v19+s11+$0x0], $0xffff  }
0x187: {  	s20 =	sand.u32 $0x70, s16;
	s12 =	sor.u32 s19, s12;
	v8 =	vld.idx.msk [tilespmem:v8+s11+$0x0], $0xffff;
	[tilespmem:s7+$0x14800] =	vst v20  }
0x188: {  	s12 =	sor.u32 s20, s12;
	[tilespmem:s7+$0xC800] =	vst v9  }
0x189: {  	v18 =	vld [tilespmem:s12+$0x1800];
	[tilespmem:s7+$0xD000] =	vst v10  }
0x18a: {  	v19 =	vld [tilespmem:s12+$0x2800];
	[tilespmem:s7+$0xD800] =	vst v11  }
0x18b: {  	[tilespmem:s7+$0xE000] =	vst v12  }
.Ltmp1:
0x18c: {  	v9 =	vld [tilespmem:s12+$0x2000];
	[tilespmem:s7+$0xE800] =	vst v13;
	(pc) =	sbr.rel @p0 .LBB2_5-.Ltmp1, $4  }
0x18d: {  	[tilespmem:s7+$0xF000] =	vst v14  }
0x18e: {  	vm0 =	vgt.s32 v18, $0x0;
	[tilespmem:s7+$0xF800] =	vst v15  }
0x18f: {  	v10 =	vnsel vm0, $0x0, v18;
	vm0 =	vgt.s32 v19, $0x0;
	[tilespmem:s7+$0x10000] =	vst v16  }
0x190: {  	s17 =	sadd.s32 $0x8, s17;
	v10 =	vmin.u32 v10, $0x5;
	v11 =	vnsel vm0, $0x0, v19;
	[tilespmem:s7+$0x10800] =	vst v17  }
0x191: {  	vm0 =	vgt.s32 v9, $0x0;
	v57 =	vmin.u32 v11, $0x3;
	v10 =	vmul.u32 $0x12, v10;
	[tilespmem:s7+$0x11000] =	vst v3  }
0x192: {  	[tilespmem:s7+$0x11800] =	vst v6;
	v3 =	vsel vm0, $0x6C, v0;
	v9 =	vmul.u32 $0xD8, v57  }
0x193: {  	[tilespmem:s7+$0x12000] =	vst v7;
	v3 =	vadd.s32 v3, v10  }
0x194: {  	[tilespmem:s7+$0x12800] =	vst v4;
	v3 =	vadd.s32 v9, v3  }
0x195: {  	[tilespmem:s7+$0x13000] =	vst v2;
	v58 =	vor.u32 $0x1, v3  }
0x196: {  	[tilespmem:s7+$0x13800] =	vst v5;
	v2 =	vadd.s32 $0x2, v3  }
0x197: {  	[tilespmem:s7+$0x14000] =	vst v8;
	v59 =	vadd.s32 $0x3, v3  }
0x198: {  	[tilespmem:s7+$0xC000] =	vst v1;
	v1 =	vadd.s32 $0x4, v3  }
0x199: {  	v60 =	vadd.s32 $0x5, v3;
	v6 =	vld.idx.msk [tilespmem:v3+s11+$0x0], $0xffff  }
0x19a: {  	v61 =	vadd.s32 $0x6, v3;
	v4 =	vld.idx.msk [tilespmem:v58+s11+$0x0], $0xffff  }
0x19b: {  	v9 =	vadd.s32 $0x7, v3;
	v2 =	vld.idx.msk [tilespmem:v2+s11+$0x0], $0xffff  }
0x19c: {  	v62 =	vadd.s32 $0x8, v3;
	v5 =	vld.idx.msk [tilespmem:v59+s11+$0x0], $0xffff  }
0x19d: {  	v63 =	vadd.s32 $0x9, v3;
	v1 =	vld.idx.msk [tilespmem:v1+s11+$0x0], $0xffff  }
0x19e: {  	v12 =	vadd.s32 $0xA, v3;
	v7 =	vld.idx.msk [tilespmem:v60+s11+$0x0], $0xffff  }
0x19f: {  	v13 =	vadd.s32 $0x11, v3;
	v8 =	vld.idx.msk [tilespmem:v61+s11+$0x0], $0xffff  }
0x1a0: {  	v14 =	vadd.s32 $0xB, v3;
	v9 =	vld.idx.msk [tilespmem:v9+s11+$0x0], $0xffff  }
0x1a1: {  	v15 =	vadd.s32 $0xC, v3;
	v10 =	vld.idx.msk [tilespmem:v62+s11+$0x0], $0xffff  }
0x1a2: {  	v16 =	vadd.s32 $0xD, v3;
	v11 =	vld.idx.msk [tilespmem:v63+s11+$0x0], $0xffff  }
0x1a3: {  	v17 =	vadd.s32 $0xE, v3;
	v12 =	vld.idx.msk [tilespmem:v12+s11+$0x0], $0xffff  }
0x1a4: {  	v18 =	vadd.s32 $0xF, v3;
	v13 =	vld.idx.msk [tilespmem:v13+s11+$0x0], $0xffff  }
0x1a5: {  	v3 =	vadd.s32 $0x10, v3;
	v14 =	vld.idx.msk [tilespmem:v14+s11+$0x0], $0xffff  }
0x1a6: {  	v15 =	vld.idx.msk [tilespmem:v15+s11+$0x0], $0xffff  }
0x1a7: {  	v16 =	vld.idx.msk [tilespmem:v16+s11+$0x0], $0xffff  }
0x1a8: {  	v17 =	vld.idx.msk [tilespmem:v17+s11+$0x0], $0xffff  }
0x1a9: {  	v18 =	vld.idx.msk [tilespmem:v18+s11+$0x0], $0xffff  }
0x1aa: {  	v3 =	vld.idx.msk [tilespmem:v3+s11+$0x0], $0xffff;
	[tilespmem:s12+$0xC000] =	vst v6  }
0x1ab: {  	[tilespmem:s12+$0x14800] =	vst v13  }
0x1ac: {  	[tilespmem:s12+$0xC800] =	vst v4  }
0x1ad: {  	[tilespmem:s12+$0xD000] =	vst v2  }
0x1ae: {  	[tilespmem:s12+$0xD800] =	vst v5  }
0x1af: {  	[tilespmem:s12+$0xE000] =	vst v1  }
0x1b0: {  	[tilespmem:s12+$0xE800] =	vst v7  }
0x1b1: {  	[tilespmem:s12+$0xF000] =	vst v8  }
0x1b2: {  	[tilespmem:s12+$0xF800] =	vst v9  }
0x1b3: {  	[tilespmem:s12+$0x10000] =	vst v10  }
0x1b4: {  	[tilespmem:s12+$0x10800] =	vst v11  }
0x1b5: {  	[tilespmem:s12+$0x11000] =	vst v12  }
0x1b6: {  	[tilespmem:s12+$0x11800] =	vst v14  }
0x1b7: {  	[tilespmem:s12+$0x12000] =	vst v15  }
0x1b8: {  	[tilespmem:s12+$0x12800] =	vst v16  }
0x1b9: {  	[tilespmem:s12+$0x13000] =	vst v17  }
0x1ba: {  	[tilespmem:s12+$0x13800] =	vst v18  }
0x1bb: {  	s15 =	sadd.s32 s3, s14;
	s16 =	simm.s32 $0xC000;
	[tilespmem:s12+$0x14000] =	vst v3  }
0x1bc: {  	[hbm4b:s15+s4] =	stream.linear.scatter [tilespmem:s16], [sflag:$0x4], $0x800, $0x38;
	[tilespmem:$0x15380] =	vst v63  }
0x1bd: {  	s5 =	sadd.s32 s3, s5;
	s17 =	simm.s32 $0xC800  }
0x1be: {  	[hbm4b:s5+s4] =	stream.linear.scatter [tilespmem:s17], [sflag:$0x4], $0x800, $0x38;
	[tilespmem:$0x15380] =	vst v63  }
0x1bf: {  	s19 =	sadd.s32 s3, s8;
	s20 =	simm.s32 $0xD000  }
0x1c0: {  	[hbm4b:s19+s4] =	stream.linear.scatter [tilespmem:s20], [sflag:$0x4], $0x800, $0x38;
	[tilespmem:$0x15380] =	vst v63  }
0x1c1: {  	s21 =	sadd.s32 $0x12C100, s10;
	s22 =	simm.s32 $0xD800  }
0x1c2: {  	[hbm4b:s21+s4] =	stream.linear.scatter [tilespmem:s22], [sflag:$0x4], $0x800, $0x38;
	[tilespmem:$0x15380] =	vst v63  }
0x1c3: {  	s8 =	sadd.s32 $0x190100, s10;
	s12 =	simm.s32 $0xE000  }
0x1c4: {  	[hbm4b:s8+s4] =	stream.linear.scatter [tilespmem:s12], [sflag:$0x4], $0x800, $0x38;
	[tilespmem:$0x15380] =	vst v63  }
0x1c5: {  	s14 =	sadd.s32 $0x1F4100, s10;
	s15 =	simm.s32 $0xE800  }
0x1c6: {  	[hbm4b:s14+s4] =	stream.linear.scatter [tilespmem:s15], [sflag:$0x4], $0x800, $0x38;
	[tilespmem:$0x15380] =	vst v63  }
0x1c7: {  	s16 =	sadd.s32 $0x258100, s10;
	s17 =	simm.s32 $0xF000  }
0x1c8: {  	[hbm4b:s16+s4] =	stream.linear.scatter [tilespmem:s17], [sflag:$0x4], $0x800, $0x38;
	[tilespmem:$0x15380] =	vst v63  }
0x1c9: {  	s19 =	sadd.s32 $0x2BC100, s10;
	s20 =	simm.s32 $0xF800  }
0x1ca: {  	[hbm4b:s19+s4] =	stream.linear.scatter [tilespmem:s20], [sflag:$0x4], $0x800, $0x38;
	[tilespmem:$0x15380] =	vst v63  }
0x1cb: {  	s21 =	sadd.s32 $0x320100, s10;
	s22 =	simm.s32 $0x10000  }
0x1cc: {  	[hbm4b:s21+s4] =	stream.linear.scatter [tilespmem:s22], [sflag:$0x4], $0x800, $0x38;
	[tilespmem:$0x15380] =	vst v63  }
0x1cd: {  	s8 =	sadd.s32 $0x384100, s10;
	s12 =	simm.s32 $0x10800  }
0x1ce: {  	[hbm4b:s8+s4] =	stream.linear.scatter [tilespmem:s12], [sflag:$0x4], $0x800, $0x38;
	[tilespmem:$0x15380] =	vst v63  }
0x1cf: {  	s14 =	sadd.s32 $0x3E8100, s10  }
0x1d0: {  	[hbm4b:s14+s4] =	stream.linear.scatter [tilespmem:s23], [sflag:$0x4], $0x800, $0x38;
	[tilespmem:$0x15380] =	vst v63  }
0x1d1: {  	s15 =	sadd.s32 $0x44C100, s10  }
0x1d2: {  	[hbm4b:s15+s4] =	stream.linear.scatter [tilespmem:s24], [sflag:$0x4], $0x800, $0x38;
	[tilespmem:$0x15380] =	vst v63  }
0x1d3: {  	s16 =	sadd.s32 $0x4B0100, s10  }
0x1d4: {  	[hbm4b:s16+s4] =	stream.linear.scatter [tilespmem:s25], [sflag:$0x4], $0x800, $0x38;
	[tilespmem:$0x15380] =	vst v63  }
0x1d5: {  	s17 =	sadd.s32 $0x514100, s10  }
0x1d6: {  	[hbm4b:s17+s4] =	stream.linear.scatter [tilespmem:s26], [sflag:$0x4], $0x800, $0x38;
	[tilespmem:$0x15380] =	vst v63  }
0x1d7: {  	s13 =	sadd.s32 $0x1, s13;
	s19 =	sadd.s32 $0x578100, s10  }
0x1d8: {  	[hbm4b:s19+s4] =	stream.linear.scatter [tilespmem:s28], [sflag:$0x4], $0x800, $0x38;
	[tilespmem:$0x15380] =	vst v63  }
0x1d9: {  	p0 =	sne.s32 s13, $0x19;
	s20 =	sadd.s32 $0x5DC100, s10  }
0x1da: {  	[hbm4b:s20+s4] =	stream.linear.scatter [tilespmem:s29], [sflag:$0x4], $0x800, $0x38;
	[tilespmem:$0x15380] =	vst v63  }
.Ltmp2:
0x1db: {  	_ = 	snop;
	(pc) =	sbr.rel @p0 .LBB2_2-.Ltmp2, $4  }
0x1dc: {  	s21 =	sadd.s32 $0x640100, s10  }
0x1dd: {  	[hbm4b:s21+s4] =	stream.linear.scatter [tilespmem:s30], [sflag:$0x4], $0x800, $0x38;
	[tilespmem:$0x15380] =	vst v63  }
0x1de: {  	s22 =	sadd.s32 $0x6A4100, s10  }
0x1df: {  	[hbm4b:s22+s4] =	stream.linear.scatter [tilespmem:s31], [sflag:$0x4], $0x800, $0x38;
	[tilespmem:$0x15380] =	vst v63  }
0x1e0: {  	_ =	swait.ge [sflag:s2], $0x800  }
0x1e1: {  	[sflag:s2] =	ssyncset.done $0x0  }
0x1e2: {  	[sflag:s2] =	ssyncadd.s32 $0xFFFFF800  }
0x1e3: {  	_ =	swait.ge [sflag:s2], $0x800  }
0x1e4: {  	[sflag:s2] =	ssyncset.done $0x0  }
0x1e5: {  	[sflag:s2] =	ssyncadd.s32 $0xFFFFF800  }
0x1e6: {  	_ =	swait.ge [sflag:s2], $0x800  }
0x1e7: {  	[sflag:s2] =	ssyncset.done $0x0  }
0x1e8: {  	[sflag:s2] =	ssyncadd.s32 $0xFFFFF800  }
0x1e9: {  	_ =	swait.ge [sflag:s2], $0x800  }
0x1ea: {  	[sflag:s2] =	ssyncset.done $0x0  }
0x1eb: {  	[sflag:s2] =	ssyncadd.s32 $0xFFFFF800  }
0x1ec: {  	_ =	swait.ge [sflag:s2], $0x800  }
0x1ed: {  	[sflag:s2] =	ssyncset.done $0x0  }
0x1ee: {  	[sflag:s2] =	ssyncadd.s32 $0xFFFFF800  }
0x1ef: {  	_ =	swait.ge [sflag:s2], $0x800  }
0x1f0: {  	[sflag:s2] =	ssyncset.done $0x0  }
0x1f1: {  	[sflag:s2] =	ssyncadd.s32 $0xFFFFF800  }
0x1f2: {  	_ =	swait.ge [sflag:s2], $0x800  }
0x1f3: {  	[sflag:s2] =	ssyncset.done $0x0  }
0x1f4: {  	[sflag:s2] =	ssyncadd.s32 $0xFFFFF800  }
0x1f5: {  	_ =	swait.ge [sflag:s2], $0x800  }
0x1f6: {  	[sflag:s2] =	ssyncset.done $0x0  }
0x1f7: {  	[sflag:s2] =	ssyncadd.s32 $0xFFFFF800  }
0x1f8: {  	_ =	swait.ge [sflag:s2], $0x800  }
0x1f9: {  	[sflag:s2] =	ssyncset.done $0x0  }
0x1fa: {  	[sflag:s2] =	ssyncadd.s32 $0xFFFFF800  }
0x1fb: {  	_ =	swait.ge [sflag:s2], $0x800  }
0x1fc: {  	[sflag:s2] =	ssyncset.done $0x0  }
0x1fd: {  	[sflag:s2] =	ssyncadd.s32 $0xFFFFF800  }
0x1fe: {  	_ =	swait.ge [sflag:s2], $0x800  }
0x1ff: {  	[sflag:s2] =	ssyncset.done $0x0  }
0x200: {  	[sflag:s2] =	ssyncadd.s32 $0xFFFFF800  }
0x201: {  	_ =	swait.ge [sflag:s2], $0x800  }
0x202: {  	[sflag:s2] =	ssyncset.done $0x0  }
0x203: {  	[sflag:s2] =	ssyncadd.s32 $0xFFFFF800  }
0x204: {  	_ =	swait.ge [sflag:s2], $0x800  }
0x205: {  	[sflag:s2] =	ssyncset.done $0x0  }
0x206: {  	[sflag:s2] =	ssyncadd.s32 $0xFFFFF800  }
0x207: {  	_ =	swait.ge [sflag:s2], $0x800  }
0x208: {  	[sflag:s2] =	ssyncset.done $0x0  }
0x209: {  	[sflag:s2] =	ssyncadd.s32 $0xFFFFF800  }
0x20a: {  	_ =	swait.ge [sflag:s2], $0x800  }
0x20b: {  	[sflag:s2] =	ssyncset.done $0x0  }
0x20c: {  	[sflag:s2] =	ssyncadd.s32 $0xFFFFF800  }
0x20d: {  	_ =	swait.ge [sflag:s2], $0x800  }
0x20e: {  	[sflag:s2] =	ssyncset.done $0x0  }
0x20f: {  	[sflag:s2] =	ssyncadd.s32 $0xFFFFF800  }
0x210: {  	_ =	swait.ge [sflag:s2], $0x800  }
0x211: {  	[sflag:s2] =	ssyncset.done $0x0  }
0x212: {  	[sflag:s2] =	ssyncadd.s32 $0xFFFFF800  }
0x213: {  	_ =	swait.ge [sflag:s2], $0x800  }
0x214: {  	[sflag:s2] =	ssyncset.done $0x0  }
0x215: {  	[sflag:s2] =	ssyncadd.s32 $0xFFFFF800  }
0x216: {  	_ =	swait.ge [sflag:s0], $0x800  }
0x217: {  	[sflag:s0] =	ssyncset.done $0x0  }
0x218: {  	[sflag:s0] =	ssyncadd.s32 $0xFFFFF800  }
0x219: {  	_ =	swait.ge [sflag:s0], $0x800  }
0x21a: {  	[sflag:s0] =	ssyncset.done $0x0  }
0x21b: {  	[sflag:s0] =	ssyncadd.s32 $0xFFFFF800  }
0x21c: {  	_ =	swait.ge [sflag:s0], $0x800  }
0x21d: {  	[sflag:s0] =	ssyncset.done $0x0  }
0x21e: {  	[sflag:s0] =	ssyncadd.s32 $0xFFFFF800  }
0x21f: {  	_ =	swait.ge [sflag:s0], $0x800  }
0x220: {  	[sflag:s0] =	ssyncset.done $0x0  }
0x221: {  	[sflag:s0] =	ssyncadd.s32 $0xFFFFF800  }
0x222: {  	_ =	swait.ge [sflag:s0], $0x800  }
0x223: {  	[sflag:s0] =	ssyncset.done $0x0  }
0x224: {  	[sflag:s0] =	ssyncadd.s32 $0xFFFFF800  }
0x225: {  	_ =	swait.ge [sflag:s0], $0x800  }
0x226: {  	[sflag:s0] =	ssyncset.done $0x0  }
0x227: {  	[sflag:s0] =	ssyncadd.s32 $0xFFFFF800  }
0x228: {  	_ =	swait.ge [sflag:s0], $0x800  }
0x229: {  	[sflag:s0] =	ssyncset.done $0x0  }
0x22a: {  	[sflag:s0] =	ssyncadd.s32 $0xFFFFF800  }
0x22b: {  	_ =	swait.ge [sflag:s0], $0x800  }
0x22c: {  	[sflag:s0] =	ssyncset.done $0x0  }
0x22d: {  	[sflag:s0] =	ssyncadd.s32 $0xFFFFF800  }
0x22e: {  	_ =	swait.ge [sflag:s0], $0x800  }
0x22f: {  	[sflag:s0] =	ssyncset.done $0x0  }
0x230: {  	[sflag:s0] =	ssyncadd.s32 $0xFFFFF800  }
0x231: {  	_ =	swait.ge [sflag:s0], $0x800  }
0x232: {  	[sflag:s0] =	ssyncset.done $0x0  }
0x233: {  	[sflag:s0] =	ssyncadd.s32 $0xFFFFF800  }
0x234: {  	_ =	swait.ge [sflag:s0], $0x800  }
0x235: {  	[sflag:s0] =	ssyncset.done $0x0  }
0x236: {  	[sflag:s0] =	ssyncadd.s32 $0xFFFFF800  }
0x237: {  	_ =	swait.ge [sflag:s0], $0x800  }
0x238: {  	[sflag:s0] =	ssyncset.done $0x0  }
0x239: {  	[sflag:s0] =	ssyncadd.s32 $0xFFFFF800  }
0x23a: {  	_ =	swait.ge [sflag:s0], $0x800  }
0x23b: {  	[sflag:s0] =	ssyncset.done $0x0  }
0x23c: {  	[sflag:s0] =	ssyncadd.s32 $0xFFFFF800  }
0x23d: {  	_ =	swait.ge [sflag:s0], $0x800  }
0x23e: {  	[sflag:s0] =	ssyncset.done $0x0  }
0x23f: {  	[sflag:s0] =	ssyncadd.s32 $0xFFFFF800  }
0x240: {  	_ =	swait.ge [sflag:s0], $0x800  }
0x241: {  	[sflag:s0] =	ssyncset.done $0x0  }
0x242: {  	[sflag:s0] =	ssyncadd.s32 $0xFFFFF800  }
0x243: {  	_ =	swait.ge [sflag:s0], $0x800  }
0x244: {  	[sflag:s0] =	ssyncset.done $0x0  }
0x245: {  	[sflag:s0] =	ssyncadd.s32 $0xFFFFF800  }
0x246: {  	_ =	swait.ge [sflag:s0], $0x800  }
0x247: {  	[sflag:s0] =	ssyncset.done $0x0  }
0x248: {  	[sflag:s0] =	ssyncadd.s32 $0xFFFFF800  }
0x249: {  	_ =	swait.ge [sflag:s0], $0x800  }
0x24a: {  	s7 =	rddreg [dreg:$0x9]  }
0x24b: {  	s5 =	rddreg [dreg:$0x8];
	s7 =	sadd.s32 $0x1, s7  }
0x24c: {  	p0 =	sne.s32 s7, s5  }
.Ltmp3:
0x24d: {  	_ = 	snop;
	(pc) =	sbr.rel @p0 .LBB2_1-.Ltmp3, $3  }
0x24e: {  	_ =	sdelay $0x1  }
0x24f: {  	[sflag:s0] =	ssyncset.done $0x0  }
0x250: {  	[sflag:s0] =	ssyncadd.s32 $0xFFFFF800  }
0x251: {  	_ =	sfence.sel $0x180000  }
0x252: {  	[bflag:$0x0] =	sbarrier.arrive $0xFFFF  }
0x253: {  	_ =	strace $0x90000047  }
0x254: {  	s0 =	stileid.u32;
	[bflag:$0x2] =	sbarrier.arrive $0xFFFF  }
0x255: {  	p0 =	sne.s32 s0, $0x0;
	s0 =	rddreg [dreg:$0x3]  }
0x256: {  	s0 =	sadd.s32 @!p0 $0x100000, s0  }
0x257: {  	[sflag:s0] =	ssyncadd.tile.s32 @!p0 $0x1;
	_ =	shalt  }
.Lfunc_end2:
_tile_overlayer_lowered:
.L_overlay_start_2:
0x258: {  	(tag) =	ssettag $0x2  }
0x259: {  	s0 =	rddreg [dreg:$0x0];
	s2 =	stileid.u32  }
0x25a: {  	s1 =	rddreg [dreg:$0x1];
	p0 =	sne.s32 s2, $0x0  }
0x25b: {  	s3 =	rddreg [dreg:$0x2];
	[bflag:$0x3] =	sbarrier.arrive $0xFFFF;
	s2 =	simm.s32 @!p0 $0x1C05  }
0x25c: {  	[timem:s3], [sflag:s2] =	dma.local @!p0 [hbm:s0], s1  }
0x25d: {  	s0 =	simm.s32 @!p0 $0x5  }
0x25e: {  	_ =	swait.ge @!p0 [sflag:s0], s1  }
0x25f: {  	s1 =	ssub.s32 @!p0 $0x0, s1;
	[sflag:s0] =	ssyncset.done @!p0 $0x0  }
0x260: {  	[sflag:s0] =	ssyncadd.s32 @!p0 s1  }
0x261: {  	[bflag:$0x3] =	sbarrier.arrive $0xFFFF  }
0x262: {  	_ =	shalt  }

</sc_bundles>
